<compile_context>
chip_gen: v7x
topology: tpu7x:2x2x1
jax: 0.10.2.dev20260603
libtpu: 0.0.44.dev20260713+nightly
codegen_flags: <defaults>
</compile_context>

<pallas_src>
import functools

import jax
import jax.numpy as jnp
from jax import lax
from jax.experimental import pallas as pl
from jax.experimental.pallas import tpu as pltpu
from jax.experimental.pallas import tpu_sc as plsc

_N = 262144
_R = 1024
_SUM_H = 112
_SUM_W = 109
_E = 1024
_P_COLS = 384
_NW = 32

_LEVELS = (
    (64, 0, 0, 0, 0, 128, 256),
    (32, 63, 64, 64, 64, 192, 320),
    (16, 94, 96, 96, 96, 224, 352),
)


def _sc_gather_body(ht_hbm, wt_hbm, roi_hbm, uh_hbm, uw_hbm,
                    idx_v, hrows, wrows, sem_h, sem_w):
    bpw = _R // _NW
    wid = lax.axis_index("s") * 2 + lax.axis_index("c")
    base = wid * bpw
    pltpu.sync_copy(roi_hbm.at[pl.ds(base, bpw)], idx_v)

    copies = []
    for g in range(bpw // 16):
        vec = idx_v[pl.ds(g * 16, 16)]
        for j in range(16):
            i = g * 16 + j
            r = vec[j]
            copies.append(pltpu.async_copy(
                ht_hbm.at[pl.ds(r, 1)], hrows.at[pl.ds(i, 1)], sem_h))
            copies.append(pltpu.async_copy(
                wt_hbm.at[pl.ds(r, 1)], wrows.at[pl.ds(i, 1)], sem_w))
    for cp in copies:
        cp.wait()
    pltpu.sync_copy(hrows, uh_hbm.at[pl.ds(base, bpw)])
    pltpu.sync_copy(wrows, uw_hbm.at[pl.ds(base, bpw)])


def _sc_gather(ht, wt, roi):
    bpw = _R // _NW
    mesh = plsc.VectorSubcoreMesh(core_axis_name="c", subcore_axis_name="s")
    k = functools.partial(
        pl.kernel,
        mesh=mesh,
        out_type=[jax.ShapeDtypeStruct((_R, _SUM_H), jnp.float32),
                  jax.ShapeDtypeStruct((_R, _SUM_W), jnp.float32)],
        scratch_types=[pltpu.VMEM((bpw,), jnp.int32),
                       pltpu.VMEM((bpw, _SUM_H), jnp.float32),
                       pltpu.VMEM((bpw, _SUM_W), jnp.float32),
                       pltpu.SemaphoreType.DMA,
                       pltpu.SemaphoreType.DMA],
    )(_sc_gather_body)
    return k(ht, wt, roi)


def _precompute_body(uh_ref, uw_ref, p_ref):
    uh = uh_ref[...]
    uw = uw_ref[...]
    r = uh.shape[0]
    wsegs = []
    blsegs = []
    hsegs = []
    for (n, woff, hoff, _doff, _wc, _blc, _hc) in _LEVELS:
        uwl = uw[:, woff:woff + n - 1]
        m = jnp.max(uwl, axis=-1, keepdims=True)
        e = jnp.exp(uwl - m)
        w = e / jnp.sum(e, axis=-1, keepdims=True)
        tri = (lax.broadcasted_iota(jnp.int32, (n - 1, n - 1), 0)
               <= lax.broadcasted_iota(jnp.int32, (n - 1, n - 1), 1)
               ).astype(jnp.float32)
        cum = jnp.dot(w, tri, preferred_element_type=jnp.float32)
        bl = jnp.concatenate([jnp.zeros((r, 1), jnp.float32),
                              cum[:, :n - 2],
                              jnp.ones((r, 1), jnp.float32)], axis=1)
        h = jnp.exp(uh[:, hoff:hoff + n])
        wsegs.append(w)
        wsegs.append(jnp.zeros((r, {64: 1, 32: 1, 16: 17}[n]), jnp.float32))
        blsegs.append(bl)
        hsegs.append(h)
    z16 = jnp.zeros((r, 16), jnp.float32)
    p_ref[...] = jnp.concatenate(
        wsegs + blsegs + [z16] + hsegs + [z16], axis=1)


def _spline_body(x_ref, r_ref, d_ref, p_ref, out_ref, lad_ref, pa_ref):
    e_sz = x_ref.shape[2]
    xv = x_ref[0]
    rix = r_ref[0]
    r0 = r_ref[0, 0, 0]
    r1 = r_ref[0, 0, e_sz - 1]
    w0 = jnp.minimum((r0 // 8) * 8, _R - 64)
    iota_s = lax.broadcasted_iota(jnp.int32, (64, e_sz), 0)

    def win_dot(s_k, oh):
        return lax.dot_general(p_ref[pl.ds(s_k, 64), :], oh,
                               (((0,), (0,)), ((), ())),
                               preferred_element_type=jnp.float32)

    oh0 = (iota_s + w0 == rix).astype(jnp.float32)
    pa_ref[...] = win_dot(w0, oh0)
    for k in range(1, 16):
        thr = w0 + 64 * k

        @pl.when(r1 >= thr)
        def _():
            s_k = jnp.minimum(thr, _R - 64)
            ohk = ((iota_s + s_k == rix) & (rix >= thr)).astype(jnp.float32)
            pa_ref[...] = pa_ref[...] + win_dot(s_k, ohk)

    he_all = pa_ref[pl.ds(256, 112), :] * jnp.exp(d_ref[...])
    t_all = 0.5 * (he_all[:111] + he_all[1:]) * pa_ref[pl.ds(0, 111), :]
    lad = jnp.zeros((1, e_sz), jnp.float32)
    for (n, dof) in ((64, 0), (32, 64), (16, 96)):
        bl = pa_ref[pl.ds(128 + dof, n), :]
        wl = pa_ref[pl.ds(dof, n - 1), :]
        hel = he_all[dof:dof + n]
        tl = t_all[dof:dof + n - 1]
        cmpf = (xv >= bl).astype(jnp.float32)
        nxt = jnp.concatenate(
            [cmpf[1:n - 1], jnp.zeros((1, e_sz), jnp.float32)], axis=0)
        mcf = cmpf[:n - 1] - nxt

        def red(v):
            return jnp.sum(v, axis=0, keepdims=True)

        in_loc = red(mcf * bl[:n - 1])
        wq = red(mcf * wl)
        pc = red(nxt * tl)
        area = red(tl)
        hl_a = red(mcf * hel[:n - 1])
        hr_a = red(mcf * hel[1:n])
        inv_a = 1.0 / area
        h_l = hl_a * inv_a
        h_r = hr_a * inv_a
        in_cdf = pc * inv_a
        alpha = (xv - in_loc) / wq
        xv = 0.5 * (h_r - h_l) * wq * alpha * alpha + h_l * wq * alpha + in_cdf
        lad = lad + jnp.log(h_l + alpha * (h_r - h_l))
    out_ref[...] = xv.reshape(1, 1, e_sz)
    lad_ref[...] = lad.reshape(1, 1, e_sz)


def kernel(x, regions_oi, local_region_ix, delta, heights_table, widths_table):
    uh_all, uw_all = _sc_gather(heights_table, widths_table, regions_oi)
    p = pl.pallas_call(
        _precompute_body,
        out_shape=jax.ShapeDtypeStruct((_R, _P_COLS), jnp.float32),
    )(uh_all, uw_all)
    c = _N // _E
    x3 = x.reshape(c, 1, _E)
    r3 = local_region_ix.reshape(c, 1, _E)
    dt = delta.T
    out, lad = pl.pallas_call(
        _spline_body,
        grid=(c,),
        in_specs=[pl.BlockSpec((1, 1, _E), lambda i: (i, 0, 0)),
                  pl.BlockSpec((1, 1, _E), lambda i: (i, 0, 0)),
                  pl.BlockSpec((_SUM_H, _E), lambda i: (0, i)),
                  pl.BlockSpec((_R, _P_COLS), lambda i: (0, 0))],
        out_specs=[pl.BlockSpec((1, 1, _E), lambda i: (i, 0, 0)),
                   pl.BlockSpec((1, 1, _E), lambda i: (i, 0, 0))],
        out_shape=[jax.ShapeDtypeStruct((c, 1, _E), jnp.float32),
                   jax.ShapeDtypeStruct((c, 1, _E), jnp.float32)],
        scratch_shapes=[pltpu.VMEM((_P_COLS, _E), jnp.float32)],
    )(x3, r3, dt, p)
    return out.reshape(_N), lad.reshape(_N)

# --- scband reference (transcript-rebuilt; emitter-appended) ---
"""Pipeline reference for scband-differential-quadratic-spline-stack-59760174956779 (READ-ONLY COPY).

The authoritative reference and input builder live on the scoring server;
editing this copy changes nothing except your own understanding.
"""

import jax, jax.numpy as jnp
import numpy as np

NBINS = [64, 32, 16]
N_REGIONS = 100000
SUM_H = sum(NBINS)                 # 112
SUM_W = sum(n - 1 for n in NBINS)  # 109
N = 262144
R = 1024


def setup_inputs(seed: int = 0) -> dict:
    key = jax.random.key(seed)
    k1, k2, k3, k4, k5, k6 = jax.random.split(key, 6)
    x = jax.random.uniform(k1, (N,), dtype=jnp.float32)
    regions_oi = jax.random.randint(k2, (R,), 0, N_REGIONS, dtype=jnp.int32)
    local_region_ix = jnp.sort(jax.random.randint(k3, (N,), 0, R, dtype=jnp.int32))
    delta = jax.random.normal(k4, (N, SUM_H), dtype=jnp.float32)
    # learned parameters (EmbeddingTensor weights); init small to mimic trained state
    heights_table = jax.random.normal(k5, (N_REGIONS, SUM_H), dtype=jnp.float32) * 0.05
    widths_table = jax.random.normal(k6, (N_REGIONS, SUM_W), dtype=jnp.float32) * 0.05
    return {"x": x, "regions_oi": regions_oi, "local_region_ix": local_region_ix,
            "delta": delta, "heights_table": heights_table, "widths_table": widths_table}


def _take1(t, idx):
    return jnp.take_along_axis(t, idx[:, None], axis=-1)[:, 0]


def _quadratic_spline_fwd(inputs, widths, heights, bin_left_cdf, bin_locations):
    K = widths.shape[-1]
    bin_idx = jnp.clip(jnp.sum(inputs[:, None] >= bin_locations, axis=-1) - 1, 0, K - 1)
    in_loc = _take1(bin_locations, bin_idx)
    in_cdf = _take1(bin_left_cdf, bin_idx)
    h_l = _take1(heights, bin_idx)
    h_r = _take1(heights, bin_idx + 1)
    w = _take1(widths, bin_idx)
    alpha = (inputs - in_loc) / w
    out = 0.5 * (h_r - h_l) * w * alpha ** 2 + h_l * w * alpha + in_cdf
    logabsdet = jnp.log(h_l + alpha * (h_r - h_l))
    return out, logabsdet


def reference(x, regions_oi, local_region_ix, delta, heights_table, widths_table):
    # sparse embedding lookups: gather region rows for the minibatch
    uh_all = jnp.take(heights_table, regions_oi, axis=0)   # [R, SUM_H]
    uw_all = jnp.take(widths_table, regions_oi, axis=0)    # [R, SUM_W]
    outputs = x
    logabsdet = jnp.zeros_like(x)
    h_off = 0
    w_off = 0
    d_off = 0
    for n in NBINS:
        uh = uh_all[:, h_off:h_off + n]
        uw = uw_all[:, w_off:w_off + n - 1]
        dh = delta[:, d_off:d_off + n]
        h_off += n; w_off += n - 1; d_off += n
        # region-level widths / bin locations
        widths = jax.nn.softmax(uw, axis=-1)               # [R, n-1]
        bl = jnp.cumsum(widths, axis=-1)
        bl = bl.at[:, -1].set(1.0)
        bl = jnp.pad(bl, ((0, 0), (1, 0)))                 # [R, n]
        # element-level gathers (index_select on dim 0)
        widths_e = jnp.take(widths, local_region_ix, axis=0)
        bl_e = jnp.take(bl, local_region_ix, axis=0)
        uh_e = jnp.take(uh, local_region_ix, axis=0) + dh  # [N, n]
        he = jnp.exp(uh_e)
        area = jnp.sum(0.5 * (he[:, :-1] + he[:, 1:]) * widths_e, axis=-1, keepdims=True)
        heights = he / area                                # [N, n]
        cdf = jnp.cumsum(0.5 * (heights[:, :-1] + heights[:, 1:]) * widths_e, axis=-1)
        cdf = cdf.at[:, -1].set(1.0)
        cdf = jnp.pad(cdf, ((0, 0), (1, 0)))               # [N, n]
        outputs, lad = _quadratic_spline_fwd(outputs, widths_e, heights, cdf, bl_e)
        logabsdet = logabsdet + lad
    return outputs, logabsdet

if __name__ == "__main__":
    import jax
    _d = setup_inputs()
    print(jax.jit(kernel)(*tuple(_d.values())))

</pallas_src>

<mosaic_0001>
#map = affine_map<(d0, d1) -> (0, 0)>
#map1 = affine_map<(d0, d1) -> (0)>
module attributes {stable_mosaic.version = 14 : i64} {
  func.func @_sc_gather_body(%arg0: i32, %arg1: i32, %arg2: memref<100000x112xf32, #tpu.memory_space<hbm>>, %arg3: memref<100000x109xf32, #tpu.memory_space<hbm>>, %arg4: memref<1024xi32, #tpu.memory_space<hbm>>, %arg5: memref<1024x112xf32, #tpu.memory_space<hbm>>, %arg6: memref<1024x109xf32, #tpu.memory_space<hbm>>, %arg7: memref<32xi32, #tpu.memory_space<vmem>>, %arg8: memref<32x112xf32, #tpu.memory_space<vmem>>, %arg9: memref<32x109xf32, #tpu.memory_space<vmem>>, %arg10: memref<!tpu.dma_semaphore, #tpu.memory_space<semaphore_mem>>, %arg11: memref<!tpu.dma_semaphore, #tpu.memory_space<semaphore_mem>>) attributes {dimension_semantics = [#tpu.dimension_semantics<core_parallel>, #tpu.dimension_semantics<subcore_parallel>], iteration_bounds = array<i64: 2, 16>, scalar_prefetch = 0 : i64, scratch_operands = 5 : i64, tpu.core_type = #tpu.core_type<sc_vector_subcore>, window_params = [{transform_indices = #map}, {transform_indices = #map}, {transform_indices = #map1}, {transform_indices = #map}, {transform_indices = #map}]} {
    %mul3A = arith.constant 2 : i32
    %mul3A_0 = arith.muli %arg1, %mul3A : i32
    %add3A = arith.addi %mul3A_0, %arg0 : i32
    %mul3A_1 = arith.constant 32 : i32
    %mul3A_2 = arith.muli %add3A, %mul3A_1 : i32
    "tpu.region"() ({
      %run_scoped3A = tpu.sem_alloc : memref<!tpu.dma_semaphore, #tpu.memory_space<semaphore_mem>>
      %dma_start3A_1348 = tpu.memref_slice %arg4[%mul3A_2] : memref<1024xi32, #tpu.memory_space<hbm>> -> memref<32xi32, #tpu.memory_space<hbm>>
      %dma_start3A_1349 = tpu.memref_slice %arg4[%mul3A_2] : memref<1024xi32, #tpu.memory_space<hbm>> -> memref<32xi32, #tpu.memory_space<hbm>>
      tpu.enqueue_dma source(%dma_start3A_1349 : memref<32xi32, #tpu.memory_space<hbm>>) target(%arg7 : memref<32xi32, #tpu.memory_space<vmem>>) target_semaphore(%run_scoped3A : memref<!tpu.dma_semaphore, #tpu.memory_space<semaphore_mem>>)
      %dma_wait3A_1350 = tpu.memref_slice %arg4[%mul3A_2] : memref<1024xi32, #tpu.memory_space<hbm>> -> memref<32xi32, #tpu.memory_space<hbm>>
      %dma_wait3A_1351 = tpu.memref_slice %arg4[%mul3A_2] : memref<1024xi32, #tpu.memory_space<hbm>> -> memref<32xi32, #tpu.memory_space<hbm>>
      tpu.wait_dma2 semaphore(%run_scoped3A : memref<!tpu.dma_semaphore, #tpu.memory_space<semaphore_mem>>) src(%dma_wait3A_1351 : memref<32xi32, #tpu.memory_space<hbm>>) dst(%arg7 : memref<32xi32, #tpu.memory_space<vmem>>)
      tpu.yield
    }) : () -> ()
    %get3A = arith.constant 0 : index
    %get3A_3 = tpu.vector_load %arg7[%get3A] {strides = array<i32>} : memref<32xi32, #tpu.memory_space<vmem>>, vector<16xi32>,
    %get3A_4 = vector.shape_cast %get3A_3 : vector<16xi32> to vector<16xi32>
    %slice3A = vector.extract_strided_slice %get3A_4 {offsets = [0], sizes = [1], strides = [1]} : vector<16xi32> to vector<1xi32>
    %squeeze3A = vector.extract %slice3A[0] : i32 from vector<1xi32>
    %dma_start3A = arith.constant 0 : i32
    %dma_start3A_5 = arith.constant 0 : i32
    %dma_start3A_6 = tpu.memref_slice %arg8[%dma_start3A, %dma_start3A_5] : memref<32x112xf32, #tpu.memory_space<vmem>> -> memref<1x112xf32, #tpu.memory_space<vmem>>
    %dma_start3A_7 = arith.constant 0 : i32
    %dma_start3A_8 = tpu.memref_slice %arg2[%squeeze3A, %dma_start3A_7] : memref<100000x112xf32, #tpu.memory_space<hbm>> -> memref<1x112xf32, #tpu.memory_space<hbm>>
    %dma_start3A_9 = arith.constant 0 : i32
    %dma_start3A_10 = arith.constant 0 : i32
    %dma_start3A_11 = tpu.memref_slice %arg8[%dma_start3A_9, %dma_start3A_10] : memref<32x112xf32, #tpu.memory_space<vmem>> -> memref<1x112xf32, #tpu.memory_space<vmem>>
    %dma_start3A_12 = arith.constant 0 : i32
    %dma_start3A_13 = tpu.memref_slice %arg2[%squeeze3A, %dma_start3A_12] : memref<100000x112xf32, #tpu.memory_space<hbm>> -> memref<1x112xf32, #tpu.memory_space<hbm>>
    tpu.enqueue_dma source(%dma_start3A_13 : memref<1x112xf32, #tpu.memory_space<hbm>>) target(%dma_start3A_11 : memref<1x112xf32, #tpu.memory_space<vmem>>) target_semaphore(%arg10 : memref<!tpu.dma_semaphore, #tpu.memory_space<semaphore_mem>>)
    %dma_start3A_14 = arith.constant 0 : i32
    %dma_start3A_15 = arith.constant 0 : i32
    %dma_start3A_16 = tpu.memref_slice %arg9[%dma_start3A_14, %dma_start3A_15] : memref<32x109xf32, #tpu.memory_space<vmem>> -> memref<1x109xf32, #tpu.memory_space<vmem>>
    %dma_start3A_17 = arith.constant 0 : i32
    %dma_start3A_18 = tpu.memref_slice %arg3[%squeeze3A, %dma_start3A_17] : memref<100000x109xf32, #tpu.memory_space<hbm>> -> memref<1x109xf32, #tpu.memory_space<hbm>>
    %dma_start3A_19 = arith.constant 0 : i32
    %dma_start3A_20 = arith.constant 0 : i32
    %dma_start3A_21 = tpu.memref_slice %arg9[%dma_start3A_19, %dma_start3A_20] : memref<32x109xf32, #tpu.memory_space<vmem>> -> memref<1x109xf32, #tpu.memory_space<vmem>>
    %dma_start3A_22 = arith.constant 0 : i32
    %dma_start3A_23 = tpu.memref_slice %arg3[%squeeze3A, %dma_start3A_22] : memref<100000x109xf32, #tpu.memory_space<hbm>> -> memref<1x109xf32, #tpu.memory_space<hbm>>
    tpu.enqueue_dma source(%dma_start3A_23 : memref<1x109xf32, #tpu.memory_space<hbm>>) target(%dma_start3A_21 : memref<1x109xf32, #tpu.memory_space<vmem>>) target_semaphore(%arg11 : memref<!tpu.dma_semaphore, #tpu.memory_space<semaphore_mem>>)
    %slice3A_24 = vector.extract_strided_slice %get3A_4 {offsets = [1], sizes = [1], strides = [1]} : vector<16xi32> to vector<1xi32>
    %squeeze3A_25 = vector.extract %slice3A_24[0] : i32 from vector<1xi32>
    %dma_start3A_26 = arith.constant 1 : i32
    %dma_start3A_27 = arith.constant 0 : i32
    %dma_start3A_28 = tpu.memref_slice %arg8[%dma_start3A_26, %dma_start3A_27] : memref<32x112xf32, #tpu.memory_space<vmem>> -> memref<1x112xf32, #tpu.memory_space<vmem>>
    %dma_start3A_29 = arith.constant 0 : i32
    %dma_start3A_30 = tpu.memref_slice %arg2[%squeeze3A_25, %dma_start3A_29] : memref<100000x112xf32, #tpu.memory_space<hbm>> -> memref<1x112xf32, #tpu.memory_space<hbm>>
    %dma_start3A_31 = arith.constant 1 : i32
    %dma_start3A_32 = arith.constant 0 : i32
    %dma_start3A_33 = tpu.memref_slice %arg8[%dma_start3A_31, %dma_start3A_32] : memref<32x112xf32, #tpu.memory_space<vmem>> -> memref<1x112xf32, #tpu.memory_space<vmem>>
    %dma_start3A_34 = arith.constant 0 : i32
    %dma_start3A_35 = tpu.memref_slice %arg2[%squeeze3A_25, %dma_start3A_34] : memref<100000x112xf32, #tpu.memory_space<hbm>> -> memref<1x112xf32, #tpu.memory_space<hbm>>
    tpu.enqueue_dma source(%dma_start3A_35 : memref<1x112xf32, #tpu.memory_space<hbm>>) target(%dma_start3A_33 : memref<1x112xf32, #tpu.memory_space<vmem>>) target_semaphore(%arg10 : memref<!tpu.dma_semaphore, #tpu.memory_space<semaphore_mem>>)
    %dma_start3A_36 = arith.constant 1 : i32
    %dma_start3A_37 = arith.constant 0 : i32
    %dma_start3A_38 = tpu.memref_slice %arg9[%dma_start3A_36, %dma_start3A_37] : memref<32x109xf32, #tpu.memory_space<vmem>> -> memref<1x109xf32, #tpu.memory_space<vmem>>
    %dma_start3A_39 = arith.constant 0 : i32
    %dma_start3A_40 = tpu.memref_slice %arg3[%squeeze3A_25, %dma_start3A_39] : memref<100000x109xf32, #tpu.memory_space<hbm>> -> memref<1x109xf32, #tpu.memory_space<hbm>>
    %dma_start3A_41 = arith.constant 1 : i32
    %dma_start3A_42 = arith.constant 0 : i32
    %dma_start3A_43 = tpu.memref_slice %arg9[%dma_start3A_41, %dma_start3A_42] : memref<32x109xf32, #tpu.memory_space<vmem>> -> memref<1x109xf32, #tpu.memory_space<vmem>>
    %dma_start3A_44 = arith.constant 0 : i32
    %dma_start3A_45 = tpu.memref_slice %arg3[%squeeze3A_25, %dma_start3A_44] : memref<100000x109xf32, #tpu.memory_space<hbm>> -> memref<1x109xf32, #tpu.memory_space<hbm>>
    tpu.enqueue_dma source(%dma_start3A_45 : memref<1x109xf32, #tpu.memory_space<hbm>>) target(%dma_start3A_43 : memref<1x109xf32, #tpu.memory_space<vmem>>) target_semaphore(%arg11 : memref<!tpu.dma_semaphore, #tpu.memory_space<semaphore_mem>>)
    %slice3A_46 = vector.extract_strided_slice %get3A_4 {offsets = [2], sizes = [1], strides = [1]} : vector<16xi32> to vector<1xi32>
    %squeeze3A_47 = vector.extract %slice3A_46[0] : i32 from vector<1xi32>
    %dma_start3A_48 = arith.constant 2 : i32
    %dma_start3A_49 = arith.constant 0 : i32
    %dma_start3A_50 = tpu.memref_slice %arg8[%dma_start3A_48, %dma_start3A_49] : memref<32x112xf32, #tpu.memory_space<vmem>> -> memref<1x112xf32, #tpu.memory_space<vmem>>
    %dma_start3A_51 = arith.constant 0 : i32
    %dma_start3A_52 = tpu.memref_slice %arg2[%squeeze3A_47, %dma_start3A_51] : memref<100000x112xf32, #tpu.memory_space<hbm>> -> memref<1x112xf32, #tpu.memory_space<hbm>>
    %dma_start3A_53 = arith.constant 2 : i32
    %dma_start3A_54 = arith.constant 0 : i32
    %dma_start3A_55 = tpu.memref_slice %arg8[%dma_start3A_53, %dma_start3A_54] : memref<32x112xf32, #tpu.memory_space<vmem>> -> memref<1x112xf32, #tpu.memory_space<vmem>>
    %dma_start3A_56 = arith.constant 0 : i32
    %dma_start3A_57 = tpu.memref_slice %arg2[%squeeze3A_47, %dma_start3A_56] : memref<100000x112xf32, #tpu.memory_space<hbm>> -> memref<1x112xf32, #tpu.memory_space<hbm>>
    tpu.enqueue_dma source(%dma_start3A_57 : memref<1x112xf32, #tpu.memory_space<hbm>>) target(%dma_start3A_55 : memref<1x112xf32, #tpu.memory_space<vmem>>) target_semaphore(%arg10 : memref<!tpu.dma_semaphore, #tpu.memory_space<semaphore_mem>>)
    %dma_start3A_58 = arith.constant 2 : i32
    %dma_start3A_59 = arith.constant 0 : i32
    %dma_start3A_60 = tpu.memref_slice %arg9[%dma_start3A_58, %dma_start3A_59] : memref<32x109xf32, #tpu.memory_space<vmem>> -> memref<1x109xf32, #tpu.memory_space<vmem>>
    %dma_start3A_61 = arith.constant 0 : i32
    %dma_start3A_62 = tpu.memref_slice %arg3[%squeeze3A_47, %dma_start3A_61] : memref<100000x109xf32, #tpu.memory_space<hbm>> -> memref<1x109xf32, #tpu.memory_space<hbm>>
    %dma_start3A_63 = arith.constant 2 : i32
    %dma_start3A_64 = arith.constant 0 : i32
    %dma_start3A_65 = tpu.memref_slice %arg9[%dma_start3A_63, %dma_start3A_64] : memref<32x109xf32, #tpu.memory_space<vmem>> -> memref<1x109xf32, #tpu.memory_space<vmem>>
    %dma_start3A_66 = arith.constant 0 : i32
    %dma_start3A_67 = tpu.memref_slice %arg3[%squeeze3A_47, %dma_start3A_66] : memref<100000x109xf32, #tpu.memory_space<hbm>> -> memref<1x109xf32, #tpu.memory_space<hbm>>
    tpu.enqueue_dma source(%dma_start3A_67 : memref<1x109xf32, #tpu.memory_space<hbm>>) target(%dma_start3A_65 : memref<1x109xf32, #tpu.memory_space<vmem>>) target_semaphore(%arg11 : memref<!tpu.dma_semaphore, #tpu.memory_space<semaphore_mem>>)
    %slice3A_68 = vector.extract_strided_slice %get3A_4 {offsets = [3], sizes = [1], strides = [1]} : vector<16xi32> to vector<1xi32>
    %squeeze3A_69 = vector.extract %slice3A_68[0] : i32 from vector<1xi32>
    %dma_start3A_70 = arith.constant 3 : i32
    %dma_start3A_71 = arith.constant 0 : i32
    %dma_start3A_72 = tpu.memref_slice %arg8[%dma_start3A_70, %dma_start3A_71] : memref<32x112xf32, #tpu.memory_space<vmem>> -> memref<1x112xf32, #tpu.memory_space<vmem>>
    %dma_start3A_73 = arith.constant 0 : i32
    %dma_start3A_74 = tpu.memref_slice %arg2[%squeeze3A_69, %dma_start3A_73] : memref<100000x112xf32, #tpu.memory_space<hbm>> -> memref<1x112xf32, #tpu.memory_space<hbm>>
    %dma_start3A_75 = arith.constant 3 : i32
    %dma_start3A_76 = arith.constant 0 : i32
    %dma_start3A_77 = tpu.memref_slice %arg8[%dma_start3A_75, %dma_start3A_76] : memref<32x112xf32, #tpu.memory_space<vmem>> -> memref<1x112xf32, #tpu.memory_space<vmem>>
    %dma_start3A_78 = arith.constant 0 : i32
    %dma_start3A_79 = tpu.memref_slice %arg2[%squeeze3A_69, %dma_start3A_78] : memref<100000x112xf32, #tpu.memory_space<hbm>> -> memref<1x112xf32, #tpu.memory_space<hbm>>
    tpu.enqueue_dma source(%dma_start3A_79 : memref<1x112xf32, #tpu.memory_space<hbm>>) target(%dma_start3A_77 : memref<1x112xf32, #tpu.memory_space<vmem>>) target_semaphore(%arg10 : memref<!tpu.dma_semaphore, #tpu.memory_space<semaphore_mem>>)
    %dma_start3A_80 = arith.constant 3 : i32
    %dma_start3A_81 = arith.constant 0 : i32
    %dma_start3A_82 = tpu.memref_slice %arg9[%dma_start3A_80, %dma_start3A_81] : memref<32x109xf32, #tpu.memory_space<vmem>> -> memref<1x109xf32, #tpu.memory_space<vmem>>
    %dma_start3A_83 = arith.constant 0 : i32
    %dma_start3A_84 = tpu.memref_slice %arg3[%squeeze3A_69, %dma_start3A_83] : memref<100000x109xf32, #tpu.memory_space<hbm>> -> memref<1x109xf32, #tpu.memory_space<hbm>>
    %dma_start3A_85 = arith.constant 3 : i32
    %dma_start3A_86 = arith.constant 0 : i32
    %dma_start3A_87 = tpu.memref_slice %arg9[%dma_start3A_85, %dma_start3A_86] : memref<32x109xf32, #tpu.memory_space<vmem>> -> memref<1x109xf32, #tpu.memory_space<vmem>>
    %dma_start3A_88 = arith.constant 0 : i32
    %dma_start3A_89 = tpu.memref_slice %arg3[%squeeze3A_69, %dma_start3A_88] : memref<100000x109xf32, #tpu.memory_space<hbm>> -> memref<1x109xf32, #tpu.memory_space<hbm>>
    tpu.enqueue_dma source(%dma_start3A_89 : memref<1x109xf32, #tpu.memory_space<hbm>>) target(%dma_start3A_87 : memref<1x109xf32, #tpu.memory_space<vmem>>) target_semaphore(%arg11 : memref<!tpu.dma_semaphore, #tpu.memory_space<semaphore_mem>>)
    %slice3A_90 = vector.extract_strided_slice %get3A_4 {offsets = [4], sizes = [1], strides = [1]} : vector<16xi32> to vector<1xi32>
    %squeeze3A_91 = vector.extract %slice3A_90[0] : i32 from vector<1xi32>
    %dma_start3A_92 = arith.constant 4 : i32
    %dma_start3A_93 = arith.constant 0 : i32
    %dma_start3A_94 = tpu.memref_slice %arg8[%dma_start3A_92, %dma_start3A_93] : memref<32x112xf32, #tpu.memory_space<vmem>> -> memref<1x112xf32, #tpu.memory_space<vmem>>
    %dma_start3A_95 = arith.constant 0 : i32
    %dma_start3A_96 = tpu.memref_slice %arg2[%squeeze3A_91, %dma_start3A_95] : memref<100000x112xf32, #tpu.memory_space<hbm>> -> memref<1x112xf32, #tpu.memory_space<hbm>>
    %dma_start3A_97 = arith.constant 4 : i32
    %dma_start3A_98 = arith.constant 0 : i32
    %dma_start3A_99 = tpu.memref_slice %arg8[%dma_start3A_97, %dma_start3A_98] : memref<32x112xf32, #tpu.memory_space<vmem>> -> memref<1x112xf32, #tpu.memory_space<vmem>>
    %dma_start3A_100 = arith.constant 0 : i32
    %dma_start3A_101 = tpu.memref_slice %arg2[%squeeze3A_91, %dma_start3A_100] : memref<100000x112xf32, #tpu.memory_space<hbm>> -> memref<1x112xf32, #tpu.memory_space<hbm>>
    tpu.enqueue_dma source(%dma_start3A_101 : memref<1x112xf32, #tpu.memory_space<hbm>>) target(%dma_start3A_99 : memref<1x112xf32, #tpu.memory_space<vmem>>) target_semaphore(%arg10 : memref<!tpu.dma_semaphore, #tpu.memory_space<semaphore_mem>>)
    %dma_start3A_102 = arith.constant 4 : i32
    %dma_start3A_103 = arith.constant 0 : i32
    %dma_start3A_104 = tpu.memref_slice %arg9[%dma_start3A_102, %dma_start3A_103] : memref<32x109xf32, #tpu.memory_space<vmem>> -> memref<1x109xf32, #tpu.memory_space<vmem>>
    %dma_start3A_105 = arith.constant 0 : i32
    %dma_start3A_106 = tpu.memref_slice %arg3[%squeeze3A_91, %dma_start3A_105] : memref<100000x109xf32, #tpu.memory_space<hbm>> -> memref<1x109xf32, #tpu.memory_space<hbm>>
    %dma_start3A_107 = arith.constant 4 : i32
    %dma_start3A_108 = arith.constant 0 : i32
    %dma_start3A_109 = tpu.memref_slice %arg9[%dma_start3A_107, %dma_start3A_108] : memref<32x109xf32, #tpu.memory_space<vmem>> -> memref<1x109xf32, #tpu.memory_space<vmem>>
    %dma_start3A_110 = arith.constant 0 : i32
    %dma_start3A_111 = tpu.memref_slice %arg3[%squeeze3A_91, %dma_start3A_110] : memref<100000x109xf32, #tpu.memory_space<hbm>> -> memref<1x109xf32, #tpu.memory_space<hbm>>
    tpu.enqueue_dma source(%dma_start3A_111 : memref<1x109xf32, #tpu.memory_space<hbm>>) target(%dma_start3A_109 : memref<1x109xf32, #tpu.memory_space<vmem>>) target_semaphore(%arg11 : memref<!tpu.dma_semaphore, #tpu.memory_space<semaphore_mem>>)
    %slice3A_112 = vector.extract_strided_slice %get3A_4 {offsets = [5], sizes = [1], strides = [1]} : vector<16xi32> to vector<1xi32>
    %squeeze3A_113 = vector.extract %slice3A_112[0] : i32 from vector<1xi32>
    %dma_start3A_114 = arith.constant 5 : i32
    %dma_start3A_115 = arith.constant 0 : i32
    %dma_start3A_116 = tpu.memref_slice %arg8[%dma_start3A_114, %dma_start3A_115] : memref<32x112xf32, #tpu.memory_space<vmem>> -> memref<1x112xf32, #tpu.memory_space<vmem>>
    %dma_start3A_117 = arith.constant 0 : i32
    %dma_start3A_118 = tpu.memref_slice %arg2[%squeeze3A_113, %dma_start3A_117] : memref<100000x112xf32, #tpu.memory_space<hbm>> -> memref<1x112xf32, #tpu.memory_space<hbm>>
    %dma_start3A_119 = arith.constant 5 : i32
    %dma_start3A_120 = arith.constant 0 : i32
    %dma_start3A_121 = tpu.memref_slice %arg8[%dma_start3A_119, %dma_start3A_120] : memref<32x112xf32, #tpu.memory_space<vmem>> -> memref<1x112xf32, #tpu.memory_space<vmem>>
    %dma_start3A_122 = arith.constant 0 : i32
    %dma_start3A_123 = tpu.memref_slice %arg2[%squeeze3A_113, %dma_start3A_122] : memref<100000x112xf32, #tpu.memory_space<hbm>> -> memref<1x112xf32, #tpu.memory_space<hbm>>
    tpu.enqueue_dma source(%dma_start3A_123 : memref<1x112xf32, #tpu.memory_space<hbm>>) target(%dma_start3A_121 : memref<1x112xf32, #tpu.memory_space<vmem>>) target_semaphore(%arg10 : memref<!tpu.dma_semaphore, #tpu.memory_space<semaphore_mem>>)
    %dma_start3A_124 = arith.constant 5 : i32
    %dma_start3A_125 = arith.constant 0 : i32
    %dma_start3A_126 = tpu.memref_slice %arg9[%dma_start3A_124, %dma_start3A_125] : memref<32x109xf32, #tpu.memory_space<vmem>> -> memref<1x109xf32, #tpu.memory_space<vmem>>
    %dma_start3A_127 = arith.constant 0 : i32
    %dma_start3A_128 = tpu.memref_slice %arg3[%squeeze3A_113, %dma_start3A_127] : memref<100000x109xf32, #tpu.memory_space<hbm>> -> memref<1x109xf32, #tpu.memory_space<hbm>>
    %dma_start3A_129 = arith.constant 5 : i32
    %dma_start3A_130 = arith.constant 0 : i32
    %dma_start3A_131 = tpu.memref_slice %arg9[%dma_start3A_129, %dma_start3A_130] : memref<32x109xf32, #tpu.memory_space<vmem>> -> memref<1x109xf32, #tpu.memory_space<vmem>>
    %dma_start3A_132 = arith.constant 0 : i32
    %dma_start3A_133 = tpu.memref_slice %arg3[%squeeze3A_113, %dma_start3A_132] : memref<100000x109xf32, #tpu.memory_space<hbm>> -> memref<1x109xf32, #tpu.memory_space<hbm>>
    tpu.enqueue_dma source(%dma_start3A_133 : memref<1x109xf32, #tpu.memory_space<hbm>>) target(%dma_start3A_131 : memref<1x109xf32, #tpu.memory_space<vmem>>) target_semaphore(%arg11 : memref<!tpu.dma_semaphore, #tpu.memory_space<semaphore_mem>>)
    %slice3A_134 = vector.extract_strided_slice %get3A_4 {offsets = [6], sizes = [1], strides = [1]} : vector<16xi32> to vector<1xi32>
    %squeeze3A_135 = vector.extract %slice3A_134[0] : i32 from vector<1xi32>
    %dma_start3A_136 = arith.constant 6 : i32
    %dma_start3A_137 = arith.constant 0 : i32
    %dma_start3A_138 = tpu.memref_slice %arg8[%dma_start3A_136, %dma_start3A_137] : memref<32x112xf32, #tpu.memory_space<vmem>> -> memref<1x112xf32, #tpu.memory_space<vmem>>
    %dma_start3A_139 = arith.constant 0 : i32
    %dma_start3A_140 = tpu.memref_slice %arg2[%squeeze3A_135, %dma_start3A_139] : memref<100000x112xf32, #tpu.memory_space<hbm>> -> memref<1x112xf32, #tpu.memory_space<hbm>>
    %dma_start3A_141 = arith.constant 6 : i32
    %dma_start3A_142 = arith.constant 0 : i32
    %dma_start3A_143 = tpu.memref_slice %arg8[%dma_start3A_141, %dma_start3A_142] : memref<32x112xf32, #tpu.memory_space<vmem>> -> memref<1x112xf32, #tpu.memory_space<vmem>>
    %dma_start3A_144 = arith.constant 0 : i32
    %dma_start3A_145 = tpu.memref_slice %arg2[%squeeze3A_135, %dma_start3A_144] : memref<100000x112xf32, #tpu.memory_space<hbm>> -> memref<1x112xf32, #tpu.memory_space<hbm>>
    tpu.enqueue_dma source(%dma_start3A_145 : memref<1x112xf32, #tpu.memory_space<hbm>>) target(%dma_start3A_143 : memref<1x112xf32, #tpu.memory_space<vmem>>) target_semaphore(%arg10 : memref<!tpu.dma_semaphore, #tpu.memory_space<semaphore_mem>>)
    %dma_start3A_146 = arith.constant 6 : i32
    %dma_start3A_147 = arith.constant 0 : i32
    %dma_start3A_148 = tpu.memref_slice %arg9[%dma_start3A_146, %dma_start3A_147] : memref<32x109xf32, #tpu.memory_space<vmem>> -> memref<1x109xf32, #tpu.memory_space<vmem>>
    %dma_start3A_149 = arith.constant 0 : i32
    %dma_start3A_150 = tpu.memref_slice %arg3[%squeeze3A_135, %dma_start3A_149] : memref<100000x109xf32, #tpu.memory_space<hbm>> -> memref<1x109xf32, #tpu.memory_space<hbm>>
    %dma_start3A_151 = arith.constant 6 : i32
    %dma_start3A_152 = arith.constant 0 : i32
    %dma_start3A_153 = tpu.memref_slice %arg9[%dma_start3A_151, %dma_start3A_152] : memref<32x109xf32, #tpu.memory_space<vmem>> -> memref<1x109xf32, #tpu.memory_space<vmem>>
    %dma_start3A_154 = arith.constant 0 : i32
    %dma_start3A_155 = tpu.memref_slice %arg3[%squeeze3A_135, %dma_start3A_154] : memref<100000x109xf32, #tpu.memory_space<hbm>> -> memref<1x109xf32, #tpu.memory_space<hbm>>
    tpu.enqueue_dma source(%dma_start3A_155 : memref<1x109xf32, #tpu.memory_space<hbm>>) target(%dma_start3A_153 : memref<1x109xf32, #tpu.memory_space<vmem>>) target_semaphore(%arg11 : memref<!tpu.dma_semaphore, #tpu.memory_space<semaphore_mem>>)
    %slice3A_156 = vector.extract_strided_slice %get3A_4 {offsets = [7], sizes = [1], strides = [1]} : vector<16xi32> to vector<1xi32>
    %squeeze3A_157 = vector.extract %slice3A_156[0] : i32 from vector<1xi32>
    %dma_start3A_158 = arith.constant 7 : i32
    %dma_start3A_159 = arith.constant 0 : i32
    %dma_start3A_160 = tpu.memref_slice %arg8[%dma_start3A_158, %dma_start3A_159] : memref<32x112xf32, #tpu.memory_space<vmem>> -> memref<1x112xf32, #tpu.memory_space<vmem>>
    %dma_start3A_161 = arith.constant 0 : i32
    %dma_start3A_162 = tpu.memref_slice %arg2[%squeeze3A_157, %dma_start3A_161] : memref<100000x112xf32, #tpu.memory_space<hbm>> -> memref<1x112xf32, #tpu.memory_space<hbm>>
    %dma_start3A_163 = arith.constant 7 : i32
    %dma_start3A_164 = arith.constant 0 : i32
    %dma_start3A_165 = tpu.memref_slice %arg8[%dma_start3A_163, %dma_start3A_164] : memref<32x112xf32, #tpu.memory_space<vmem>> -> memref<1x112xf32, #tpu.memory_space<vmem>>
    %dma_start3A_166 = arith.constant 0 : i32
    %dma_start3A_167 = tpu.memref_slice %arg2[%squeeze3A_157, %dma_start3A_166] : memref<100000x112xf32, #tpu.memory_space<hbm>> -> memref<1x112xf32, #tpu.memory_space<hbm>>
    tpu.enqueue_dma source(%dma_start3A_167 : memref<1x112xf32, #tpu.memory_space<hbm>>) target(%dma_start3A_165 : memref<1x112xf32, #tpu.memory_space<vmem>>) target_semaphore(%arg10 : memref<!tpu.dma_semaphore, #tpu.memory_space<semaphore_mem>>)
    %dma_start3A_168 = arith.constant 7 : i32
    %dma_start3A_169 = arith.constant 0 : i32
    %dma_start3A_170 = tpu.memref_slice %arg9[%dma_start3A_168, %dma_start3A_169] : memref<32x109xf32, #tpu.memory_space<vmem>> -> memref<1x109xf32, #tpu.memory_space<vmem>>
    %dma_start3A_171 = arith.constant 0 : i32
    %dma_start3A_172 = tpu.memref_slice %arg3[%squeeze3A_157, %dma_start3A_171] : memref<100000x109xf32, #tpu.memory_space<hbm>> -> memref<1x109xf32, #tpu.memory_space<hbm>>
    %dma_start3A_173 = arith.constant 7 : i32
    %dma_start3A_174 = arith.constant 0 : i32
    %dma_start3A_175 = tpu.memref_slice %arg9[%dma_start3A_173, %dma_start3A_174] : memref<32x109xf32, #tpu.memory_space<vmem>> -> memref<1x109xf32, #tpu.memory_space<vmem>>
    %dma_start3A_176 = arith.constant 0 : i32
    %dma_start3A_177 = tpu.memref_slice %arg3[%squeeze3A_157, %dma_start3A_176] : memref<100000x109xf32, #tpu.memory_space<hbm>> -> memref<1x109xf32, #tpu.memory_space<hbm>>
    tpu.enqueue_dma source(%dma_start3A_177 : memref<1x109xf32, #tpu.memory_space<hbm>>) target(%dma_start3A_175 : memref<1x109xf32, #tpu.memory_space<vmem>>) target_semaphore(%arg11 : memref<!tpu.dma_semaphore, #tpu.memory_space<semaphore_mem>>)
    %slice3A_178 = vector.extract_strided_slice %get3A_4 {offsets = [8], sizes = [1], strides = [1]} : vector<16xi32> to vector<1xi32>
    %squeeze3A_179 = vector.extract %slice3A_178[0] : i32 from vector<1xi32>
    %dma_start3A_180 = arith.constant 8 : i32
    %dma_start3A_181 = arith.constant 0 : i32
    %dma_start3A_182 = tpu.memref_slice %arg8[%dma_start3A_180, %dma_start3A_181] : memref<32x112xf32, #tpu.memory_space<vmem>> -> memref<1x112xf32, #tpu.memory_space<vmem>>
    %dma_start3A_183 = arith.constant 0 : i32
    %dma_start3A_184 = tpu.memref_slice %arg2[%squeeze3A_179, %dma_start3A_183] : memref<100000x112xf32, #tpu.memory_space<hbm>> -> memref<1x112xf32, #tpu.memory_space<hbm>>
    %dma_start3A_185 = arith.constant 8 : i32
    %dma_start3A_186 = arith.constant 0 : i32
    %dma_start3A_187 = tpu.memref_slice %arg8[%dma_start3A_185, %dma_start3A_186] : memref<32x112xf32, #tpu.memory_space<vmem>> -> memref<1x112xf32, #tpu.memory_space<vmem>>
    %dma_start3A_188 = arith.constant 0 : i32
    %dma_start3A_189 = tpu.memref_slice %arg2[%squeeze3A_179, %dma_start3A_188] : memref<100000x112xf32, #tpu.memory_space<hbm>> -> memref<1x112xf32, #tpu.memory_space<hbm>>
    tpu.enqueue_dma source(%dma_start3A_189 : memref<1x112xf32, #tpu.memory_space<hbm>>) target(%dma_start3A_187 : memref<1x112xf32, #tpu.memory_space<vmem>>) target_semaphore(%arg10 : memref<!tpu.dma_semaphore, #tpu.memory_space<semaphore_mem>>)
    %dma_start3A_190 = arith.constant 8 : i32
    %dma_start3A_191 = arith.constant 0 : i32
    %dma_start3A_192 = tpu.memref_slice %arg9[%dma_start3A_190, %dma_start3A_191] : memref<32x109xf32, #tpu.memory_space<vmem>> -> memref<1x109xf32, #tpu.memory_space<vmem>>
    %dma_start3A_193 = arith.constant 0 : i32
    %dma_start3A_194 = tpu.memref_slice %arg3[%squeeze3A_179, %dma_start3A_193] : memref<100000x109xf32, #tpu.memory_space<hbm>> -> memref<1x109xf32, #tpu.memory_space<hbm>>
    %dma_start3A_195 = arith.constant 8 : i32
    %dma_start3A_196 = arith.constant 0 : i32
    %dma_start3A_197 = tpu.memref_slice %arg9[%dma_start3A_195, %dma_start3A_196] : memref<32x109xf32, #tpu.memory_space<vmem>> -> memref<1x109xf32, #tpu.memory_space<vmem>>
    %dma_start3A_198 = arith.constant 0 : i32
    %dma_start3A_199 = tpu.memref_slice %arg3[%squeeze3A_179, %dma_start3A_198] : memref<100000x109xf32, #tpu.memory_space<hbm>> -> memref<1x109xf32, #tpu.memory_space<hbm>>
    tpu.enqueue_dma source(%dma_start3A_199 : memref<1x109xf32, #tpu.memory_space<hbm>>) target(%dma_start3A_197 : memref<1x109xf32, #tpu.memory_space<vmem>>) target_semaphore(%arg11 : memref<!tpu.dma_semaphore, #tpu.memory_space<semaphore_mem>>)
    %slice3A_200 = vector.extract_strided_slice %get3A_4 {offsets = [9], sizes = [1], strides = [1]} : vector<16xi32> to vector<1xi32>
    %squeeze3A_201 = vector.extract %slice3A_200[0] : i32 from vector<1xi32>
    %dma_start3A_202 = arith.constant 9 : i32
    %dma_start3A_203 = arith.constant 0 : i32
    %dma_start3A_204 = tpu.memref_slice %arg8[%dma_start3A_202, %dma_start3A_203] : memref<32x112xf32, #tpu.memory_space<vmem>> -> memref<1x112xf32, #tpu.memory_space<vmem>>
    %dma_start3A_205 = arith.constant 0 : i32
    %dma_start3A_206 = tpu.memref_slice %arg2[%squeeze3A_201, %dma_start3A_205] : memref<100000x112xf32, #tpu.memory_space<hbm>> -> memref<1x112xf32, #tpu.memory_space<hbm>>
    %dma_start3A_207 = arith.constant 9 : i32
    %dma_start3A_208 = arith.constant 0 : i32
    %dma_start3A_209 = tpu.memref_slice %arg8[%dma_start3A_207, %dma_start3A_208] : memref<32x112xf32, #tpu.memory_space<vmem>> -> memref<1x112xf32, #tpu.memory_space<vmem>>
    %dma_start3A_210 = arith.constant 0 : i32
    %dma_start3A_211 = tpu.memref_slice %arg2[%squeeze3A_201, %dma_start3A_210] : memref<100000x112xf32, #tpu.memory_space<hbm>> -> memref<1x112xf32, #tpu.memory_space<hbm>>
    tpu.enqueue_dma source(%dma_start3A_211 : memref<1x112xf32, #tpu.memory_space<hbm>>) target(%dma_start3A_209 : memref<1x112xf32, #tpu.memory_space<vmem>>) target_semaphore(%arg10 : memref<!tpu.dma_semaphore, #tpu.memory_space<semaphore_mem>>)
    %dma_start3A_212 = arith.constant 9 : i32
    %dma_start3A_213 = arith.constant 0 : i32
    %dma_start3A_214 = tpu.memref_slice %arg9[%dma_start3A_212, %dma_start3A_213] : memref<32x109xf32, #tpu.memory_space<vmem>> -> memref<1x109xf32, #tpu.memory_space<vmem>>
    %dma_start3A_215 = arith.constant 0 : i32
    %dma_start3A_216 = tpu.memref_slice %arg3[%squeeze3A_201, %dma_start3A_215] : memref<100000x109xf32, #tpu.memory_space<hbm>> -> memref<1x109xf32, #tpu.memory_space<hbm>>
    %dma_start3A_217 = arith.constant 9 : i32
    %dma_start3A_218 = arith.constant 0 : i32
    %dma_start3A_219 = tpu.memref_slice %arg9[%dma_start3A_217, %dma_start3A_218] : memref<32x109xf32, #tpu.memory_space<vmem>> -> memref<1x109xf32, #tpu.memory_space<vmem>>
    %dma_start3A_220 = arith.constant 0 : i32
    %dma_start3A_221 = tpu.memref_slice %arg3[%squeeze3A_201, %dma_start3A_220] : memref<100000x109xf32, #tpu.memory_space<hbm>> -> memref<1x109xf32, #tpu.memory_space<hbm>>
    tpu.enqueue_dma source(%dma_start3A_221 : memref<1x109xf32, #tpu.memory_space<hbm>>) target(%dma_start3A_219 : memref<1x109xf32, #tpu.memory_space<vmem>>) target_semaphore(%arg11 : memref<!tpu.dma_semaphore, #tpu.memory_space<semaphore_mem>>)
    %slice3A_222 = vector.extract_strided_slice %get3A_4 {offsets = [10], sizes = [1], strides = [1]} : vector<16xi32> to vector<1xi32>
    %squeeze3A_223 = vector.extract %slice3A_222[0] : i32 from vector<1xi32>
    %dma_start3A_224 = arith.constant 10 : i32
    %dma_start3A_225 = arith.constant 0 : i32
    %dma_start3A_226 = tpu.memref_slice %arg8[%dma_start3A_224, %dma_start3A_225] : memref<32x112xf32, #tpu.memory_space<vmem>> -> memref<1x112xf32, #tpu.memory_space<vmem>>
    %dma_start3A_227 = arith.constant 0 : i32
    %dma_start3A_228 = tpu.memref_slice %arg2[%squeeze3A_223, %dma_start3A_227] : memref<100000x112xf32, #tpu.memory_space<hbm>> -> memref<1x112xf32, #tpu.memory_space<hbm>>
    %dma_start3A_229 = arith.constant 10 : i32
    %dma_start3A_230 = arith.constant 0 : i32
    %dma_start3A_231 = tpu.memref_slice %arg8[%dma_start3A_229, %dma_start3A_230] : memref<32x112xf32, #tpu.memory_space<vmem>> -> memref<1x112xf32, #tpu.memory_space<vmem>>
    %dma_start3A_232 = arith.constant 0 : i32
    %dma_start3A_233 = tpu.memref_slice %arg2[%squeeze3A_223, %dma_start3A_232] : memref<100000x112xf32, #tpu.memory_space<hbm>> -> memref<1x112xf32, #tpu.memory_space<hbm>>
    tpu.enqueue_dma source(%dma_start3A_233 : memref<1x112xf32, #tpu.memory_space<hbm>>) target(%dma_start3A_231 : memref<1x112xf32, #tpu.memory_space<vmem>>) target_semaphore(%arg10 : memref<!tpu.dma_semaphore, #tpu.memory_space<semaphore_mem>>)
    %dma_start3A_234 = arith.constant 10 : i32
    %dma_start3A_235 = arith.constant 0 : i32
    %dma_start3A_236 = tpu.memref_slice %arg9[%dma_start3A_234, %dma_start3A_235] : memref<32x109xf32, #tpu.memory_space<vmem>> -> memref<1x109xf32, #tpu.memory_space<vmem>>
    %dma_start3A_237 = arith.constant 0 : i32
    %dma_start3A_238 = tpu.memref_slice %arg3[%squeeze3A_223, %dma_start3A_237] : memref<100000x109xf32, #tpu.memory_space<hbm>> -> memref<1x109xf32, #tpu.memory_space<hbm>>
    %dma_start3A_239 = arith.constant 10 : i32
    %dma_start3A_240 = arith.constant 0 : i32
    %dma_start3A_241 = tpu.memref_slice %arg9[%dma_start3A_239, %dma_start3A_240] : memref<32x109xf32, #tpu.memory_space<vmem>> -> memref<1x109xf32, #tpu.memory_space<vmem>>
    %dma_start3A_242 = arith.constant 0 : i32
    %dma_start3A_243 = tpu.memref_slice %arg3[%squeeze3A_223, %dma_start3A_242] : memref<100000x109xf32, #tpu.memory_space<hbm>> -> memref<1x109xf32, #tpu.memory_space<hbm>>
    tpu.enqueue_dma source(%dma_start3A_243 : memref<1x109xf32, #tpu.memory_space<hbm>>) target(%dma_start3A_241 : memref<1x109xf32, #tpu.memory_space<vmem>>) target_semaphore(%arg11 : memref<!tpu.dma_semaphore, #tpu.memory_space<semaphore_mem>>)
    %slice3A_244 = vector.extract_strided_slice %get3A_4 {offsets = [11], sizes = [1], strides = [1]} : vector<16xi32> to vector<1xi32>
    %squeeze3A_245 = vector.extract %slice3A_244[0] : i32 from vector<1xi32>
    %dma_start3A_246 = arith.constant 11 : i32
    %dma_start3A_247 = arith.constant 0 : i32
    %dma_start3A_248 = tpu.memref_slice %arg8[%dma_start3A_246, %dma_start3A_247] : memref<32x112xf32, #tpu.memory_space<vmem>> -> memref<1x112xf32, #tpu.memory_space<vmem>>
    %dma_start3A_249 = arith.constant 0 : i32
    %dma_start3A_250 = tpu.memref_slice %arg2[%squeeze3A_245, %dma_start3A_249] : memref<100000x112xf32, #tpu.memory_space<hbm>> -> memref<1x112xf32, #tpu.memory_space<hbm>>
    %dma_start3A_251 = arith.constant 11 : i32
    %dma_start3A_252 = arith.constant 0 : i32
    %dma_start3A_253 = tpu.memref_slice %arg8[%dma_start3A_251, %dma_start3A_252] : memref<32x112xf32, #tpu.memory_space<vmem>> -> memref<1x112xf32, #tpu.memory_space<vmem>>
    %dma_start3A_254 = arith.constant 0 : i32
    %dma_start3A_255 = tpu.memref_slice %arg2[%squeeze3A_245, %dma_start3A_254] : memref<100000x112xf32, #tpu.memory_space<hbm>> -> memref<1x112xf32, #tpu.memory_space<hbm>>
    tpu.enqueue_dma source(%dma_start3A_255 : memref<1x112xf32, #tpu.memory_space<hbm>>) target(%dma_start3A_253 : memref<1x112xf32, #tpu.memory_space<vmem>>) target_semaphore(%arg10 : memref<!tpu.dma_semaphore, #tpu.memory_space<semaphore_mem>>)
    %dma_start3A_256 = arith.constant 11 : i32
    %dma_start3A_257 = arith.constant 0 : i32
    %dma_start3A_258 = tpu.memref_slice %arg9[%dma_start3A_256, %dma_start3A_257] : memref<32x109xf32, #tpu.memory_space<vmem>> -> memref<1x109xf32, #tpu.memory_space<vmem>>
    %dma_start3A_259 = arith.constant 0 : i32
    %dma_start3A_260 = tpu.memref_slice %arg3[%squeeze3A_245, %dma_start3A_259] : memref<100000x109xf32, #tpu.memory_space<hbm>> -> memref<1x109xf32, #tpu.memory_space<hbm>>
    %dma_start3A_261 = arith.constant 11 : i32
    %dma_start3A_262 = arith.constant 0 : i32
    %dma_start3A_263 = tpu.memref_slice %arg9[%dma_start3A_261, %dma_start3A_262] : memref<32x109xf32, #tpu.memory_space<vmem>> -> memref<1x109xf32, #tpu.memory_space<vmem>>
    %dma_start3A_264 = arith.constant 0 : i32
    %dma_start3A_265 = tpu.memref_slice %arg3[%squeeze3A_245, %dma_start3A_264] : memref<100000x109xf32, #tpu.memory_space<hbm>> -> memref<1x109xf32, #tpu.memory_space<hbm>>
    tpu.enqueue_dma source(%dma_start3A_265 : memref<1x109xf32, #tpu.memory_space<hbm>>) target(%dma_start3A_263 : memref<1x109xf32, #tpu.memory_space<vmem>>) target_semaphore(%arg11 : memref<!tpu.dma_semaphore, #tpu.memory_space<semaphore_mem>>)
    %slice3A_266 = vector.extract_strided_slice %get3A_4 {offsets = [12], sizes = [1], strides = [1]} : vector<16xi32> to vector<1xi32>
    %squeeze3A_267 = vector.extract %slice3A_266[0] : i32 from vector<1xi32>
    %dma_start3A_268 = arith.constant 12 : i32
    %dma_start3A_269 = arith.constant 0 : i32
    %dma_start3A_270 = tpu.memref_slice %arg8[%dma_start3A_268, %dma_start3A_269] : memref<32x112xf32, #tpu.memory_space<vmem>> -> memref<1x112xf32, #tpu.memory_space<vmem>>
    %dma_start3A_271 = arith.constant 0 : i32
    %dma_start3A_272 = tpu.memref_slice %arg2[%squeeze3A_267, %dma_start3A_271] : memref<100000x112xf32, #tpu.memory_space<hbm>> -> memref<1x112xf32, #tpu.memory_space<hbm>>
    %dma_start3A_273 = arith.constant 12 : i32
    %dma_start3A_274 = arith.constant 0 : i32
    %dma_start3A_275 = tpu.memref_slice %arg8[%dma_start3A_273, %dma_start3A_274] : memref<32x112xf32, #tpu.memory_space<vmem>> -> memref<1x112xf32, #tpu.memory_space<vmem>>
    %dma_start3A_276 = arith.constant 0 : i32
    %dma_start3A_277 = tpu.memref_slice %arg2[%squeeze3A_267, %dma_start3A_276] : memref<100000x112xf32, #tpu.memory_space<hbm>> -> memref<1x112xf32, #tpu.memory_space<hbm>>
    tpu.enqueue_dma source(%dma_start3A_277 : memref<1x112xf32, #tpu.memory_space<hbm>>) target(%dma_start3A_275 : memref<1x112xf32, #tpu.memory_space<vmem>>) target_semaphore(%arg10 : memref<!tpu.dma_semaphore, #tpu.memory_space<semaphore_mem>>)
    %dma_start3A_278 = arith.constant 12 : i32
    %dma_start3A_279 = arith.constant 0 : i32
    %dma_start3A_280 = tpu.memref_slice %arg9[%dma_start3A_278, %dma_start3A_279] : memref<32x109xf32, #tpu.memory_space<vmem>> -> memref<1x109xf32, #tpu.memory_space<vmem>>
    %dma_start3A_281 = arith.constant 0 : i32
    %dma_start3A_282 = tpu.memref_slice %arg3[%squeeze3A_267, %dma_start3A_281] : memref<100000x109xf32, #tpu.memory_space<hbm>> -> memref<1x109xf32, #tpu.memory_space<hbm>>
    %dma_start3A_283 = arith.constant 12 : i32
    %dma_start3A_284 = arith.constant 0 : i32
    %dma_start3A_285 = tpu.memref_slice %arg9[%dma_start3A_283, %dma_start3A_284] : memref<32x109xf32, #tpu.memory_space<vmem>> -> memref<1x109xf32, #tpu.memory_space<vmem>>
    %dma_start3A_286 = arith.constant 0 : i32
    %dma_start3A_287 = tpu.memref_slice %arg3[%squeeze3A_267, %dma_start3A_286] : memref<100000x109xf32, #tpu.memory_space<hbm>> -> memref<1x109xf32, #tpu.memory_space<hbm>>
    tpu.enqueue_dma source(%dma_start3A_287 : memref<1x109xf32, #tpu.memory_space<hbm>>) target(%dma_start3A_285 : memref<1x109xf32, #tpu.memory_space<vmem>>) target_semaphore(%arg11 : memref<!tpu.dma_semaphore, #tpu.memory_space<semaphore_mem>>)
    %slice3A_288 = vector.extract_strided_slice %get3A_4 {offsets = [13], sizes = [1], strides = [1]} : vector<16xi32> to vector<1xi32>
    %squeeze3A_289 = vector.extract %slice3A_288[0] : i32 from vector<1xi32>
    %dma_start3A_290 = arith.constant 13 : i32
    %dma_start3A_291 = arith.constant 0 : i32
    %dma_start3A_292 = tpu.memref_slice %arg8[%dma_start3A_290, %dma_start3A_291] : memref<32x112xf32, #tpu.memory_space<vmem>> -> memref<1x112xf32, #tpu.memory_space<vmem>>
    %dma_start3A_293 = arith.constant 0 : i32
    %dma_start3A_294 = tpu.memref_slice %arg2[%squeeze3A_289, %dma_start3A_293] : memref<100000x112xf32, #tpu.memory_space<hbm>> -> memref<1x112xf32, #tpu.memory_space<hbm>>
    %dma_start3A_295 = arith.constant 13 : i32
    %dma_start3A_296 = arith.constant 0 : i32
    %dma_start3A_297 = tpu.memref_slice %arg8[%dma_start3A_295, %dma_start3A_296] : memref<32x112xf32, #tpu.memory_space<vmem>> -> memref<1x112xf32, #tpu.memory_space<vmem>>
    %dma_start3A_298 = arith.constant 0 : i32
    %dma_start3A_299 = tpu.memref_slice %arg2[%squeeze3A_289, %dma_start3A_298] : memref<100000x112xf32, #tpu.memory_space<hbm>> -> memref<1x112xf32, #tpu.memory_space<hbm>>
    tpu.enqueue_dma source(%dma_start3A_299 : memref<1x112xf32, #tpu.memory_space<hbm>>) target(%dma_start3A_297 : memref<1x112xf32, #tpu.memory_space<vmem>>) target_semaphore(%arg10 : memref<!tpu.dma_semaphore, #tpu.memory_space<semaphore_mem>>)
    %dma_start3A_300 = arith.constant 13 : i32
    %dma_start3A_301 = arith.constant 0 : i32
    %dma_start3A_302 = tpu.memref_slice %arg9[%dma_start3A_300, %dma_start3A_301] : memref<32x109xf32, #tpu.memory_space<vmem>> -> memref<1x109xf32, #tpu.memory_space<vmem>>
    %dma_start3A_303 = arith.constant 0 : i32
    %dma_start3A_304 = tpu.memref_slice %arg3[%squeeze3A_289, %dma_start3A_303] : memref<100000x109xf32, #tpu.memory_space<hbm>> -> memref<1x109xf32, #tpu.memory_space<hbm>>
    %dma_start3A_305 = arith.constant 13 : i32
    %dma_start3A_306 = arith.constant 0 : i32
    %dma_start3A_307 = tpu.memref_slice %arg9[%dma_start3A_305, %dma_start3A_306] : memref<32x109xf32, #tpu.memory_space<vmem>> -> memref<1x109xf32, #tpu.memory_space<vmem>>
    %dma_start3A_308 = arith.constant 0 : i32
    %dma_start3A_309 = tpu.memref_slice %arg3[%squeeze3A_289, %dma_start3A_308] : memref<100000x109xf32, #tpu.memory_space<hbm>> -> memref<1x109xf32, #tpu.memory_space<hbm>>
    tpu.enqueue_dma source(%dma_start3A_309 : memref<1x109xf32, #tpu.memory_space<hbm>>) target(%dma_start3A_307 : memref<1x109xf32, #tpu.memory_space<vmem>>) target_semaphore(%arg11 : memref<!tpu.dma_semaphore, #tpu.memory_space<semaphore_mem>>)
    %slice3A_310 = vector.extract_strided_slice %get3A_4 {offsets = [14], sizes = [1], strides = [1]} : vector<16xi32> to vector<1xi32>
    %squeeze3A_311 = vector.extract %slice3A_310[0] : i32 from vector<1xi32>
    %dma_start3A_312 = arith.constant 14 : i32
    %dma_start3A_313 = arith.constant 0 : i32
    %dma_start3A_314 = tpu.memref_slice %arg8[%dma_start3A_312, %dma_start3A_313] : memref<32x112xf32, #tpu.memory_space<vmem>> -> memref<1x112xf32, #tpu.memory_space<vmem>>
    %dma_start3A_315 = arith.constant 0 : i32
    %dma_start3A_316 = tpu.memref_slice %arg2[%squeeze3A_311, %dma_start3A_315] : memref<100000x112xf32, #tpu.memory_space<hbm>> -> memref<1x112xf32, #tpu.memory_space<hbm>>
    %dma_start3A_317 = arith.constant 14 : i32
    %dma_start3A_318 = arith.constant 0 : i32
    %dma_start3A_319 = tpu.memref_slice %arg8[%dma_start3A_317, %dma_start3A_318] : memref<32x112xf32, #tpu.memory_space<vmem>> -> memref<1x112xf32, #tpu.memory_space<vmem>>
    %dma_start3A_320 = arith.constant 0 : i32
    %dma_start3A_321 = tpu.memref_slice %arg2[%squeeze3A_311, %dma_start3A_320] : memref<100000x112xf32, #tpu.memory_space<hbm>> -> memref<1x112xf32, #tpu.memory_space<hbm>>
    tpu.enqueue_dma source(%dma_start3A_321 : memref<1x112xf32, #tpu.memory_space<hbm>>) target(%dma_start3A_319 : memref<1x112xf32, #tpu.memory_space<vmem>>) target_semaphore(%arg10 : memref<!tpu.dma_semaphore, #tpu.memory_space<semaphore_mem>>)
    %dma_start3A_322 = arith.constant 14 : i32
    %dma_start3A_323 = arith.constant 0 : i32
    %dma_start3A_324 = tpu.memref_slice %arg9[%dma_start3A_322, %dma_start3A_323] : memref<32x109xf32, #tpu.memory_space<vmem>> -> memref<1x109xf32, #tpu.memory_space<vmem>>
    %dma_start3A_325 = arith.constant 0 : i32
    %dma_start3A_326 = tpu.memref_slice %arg3[%squeeze3A_311, %dma_start3A_325] : memref<100000x109xf32, #tpu.memory_space<hbm>> -> memref<1x109xf32, #tpu.memory_space<hbm>>
    %dma_start3A_327 = arith.constant 14 : i32
    %dma_start3A_328 = arith.constant 0 : i32
    %dma_start3A_329 = tpu.memref_slice %arg9[%dma_start3A_327, %dma_start3A_328] : memref<32x109xf32, #tpu.memory_space<vmem>> -> memref<1x109xf32, #tpu.memory_space<vmem>>
    %dma_start3A_330 = arith.constant 0 : i32
    %dma_start3A_331 = tpu.memref_slice %arg3[%squeeze3A_311, %dma_start3A_330] : memref<100000x109xf32, #tpu.memory_space<hbm>> -> memref<1x109xf32, #tpu.memory_space<hbm>>
    tpu.enqueue_dma source(%dma_start3A_331 : memref<1x109xf32, #tpu.memory_space<hbm>>) target(%dma_start3A_329 : memref<1x109xf32, #tpu.memory_space<vmem>>) target_semaphore(%arg11 : memref<!tpu.dma_semaphore, #tpu.memory_space<semaphore_mem>>)
    %slice3A_332 = vector.extract_strided_slice %get3A_4 {offsets = [15], sizes = [1], strides = [1]} : vector<16xi32> to vector<1xi32>
    %squeeze3A_333 = vector.extract %slice3A_332[0] : i32 from vector<1xi32>
    %dma_start3A_334 = arith.constant 15 : i32
    %dma_start3A_335 = arith.constant 0 : i32
    %dma_start3A_336 = tpu.memref_slice %arg8[%dma_start3A_334, %dma_start3A_335] : memref<32x112xf32, #tpu.memory_space<vmem>> -> memref<1x112xf32, #tpu.memory_space<vmem>>
    %dma_start3A_337 = arith.constant 0 : i32
    %dma_start3A_338 = tpu.memref_slice %arg2[%squeeze3A_333, %dma_start3A_337] : memref<100000x112xf32, #tpu.memory_space<hbm>> -> memref<1x112xf32, #tpu.memory_space<hbm>>
    %dma_start3A_339 = arith.constant 15 : i32
    %dma_start3A_340 = arith.constant 0 : i32
    %dma_start3A_341 = tpu.memref_slice %arg8[%dma_start3A_339, %dma_start3A_340] : memref<32x112xf32, #tpu.memory_space<vmem>> -> memref<1x112xf32, #tpu.memory_space<vmem>>
    %dma_start3A_342 = arith.constant 0 : i32
    %dma_start3A_343 = tpu.memref_slice %arg2[%squeeze3A_333, %dma_start3A_342] : memref<100000x112xf32, #tpu.memory_space<hbm>> -> memref<1x112xf32, #tpu.memory_space<hbm>>
    tpu.enqueue_dma source(%dma_start3A_343 : memref<1x112xf32, #tpu.memory_space<hbm>>) target(%dma_start3A_341 : memref<1x112xf32, #tpu.memory_space<vmem>>) target_semaphore(%arg10 : memref<!tpu.dma_semaphore, #tpu.memory_space<semaphore_mem>>)
    %dma_start3A_344 = arith.constant 15 : i32
    %dma_start3A_345 = arith.constant 0 : i32
    %dma_start3A_346 = tpu.memref_slice %arg9[%dma_start3A_344, %dma_start3A_345] : memref<32x109xf32, #tpu.memory_space<vmem>> -> memref<1x109xf32, #tpu.memory_space<vmem>>
    %dma_start3A_347 = arith.constant 0 : i32
    %dma_start3A_348 = tpu.memref_slice %arg3[%squeeze3A_333, %dma_start3A_347] : memref<100000x109xf32, #tpu.memory_space<hbm>> -> memref<1x109xf32, #tpu.memory_space<hbm>>
    %dma_start3A_349 = arith.constant 15 : i32
    %dma_start3A_350 = arith.constant 0 : i32
    %dma_start3A_351 = tpu.memref_slice %arg9[%dma_start3A_349, %dma_start3A_350] : memref<32x109xf32, #tpu.memory_space<vmem>> -> memref<1x109xf32, #tpu.memory_space<vmem>>
    %dma_start3A_352 = arith.constant 0 : i32
    %dma_start3A_353 = tpu.memref_slice %arg3[%squeeze3A_333, %dma_start3A_352] : memref<100000x109xf32, #tpu.memory_space<hbm>> -> memref<1x109xf32, #tpu.memory_space<hbm>>
    tpu.enqueue_dma source(%dma_start3A_353 : memref<1x109xf32, #tpu.memory_space<hbm>>) target(%dma_start3A_351 : memref<1x109xf32, #tpu.memory_space<vmem>>) target_semaphore(%arg11 : memref<!tpu.dma_semaphore, #tpu.memory_space<semaphore_mem>>)
    %get3A_354 = arith.constant 16 : index
    %get3A_355 = tpu.vector_load %arg7[%get3A_354] {strides = array<i32>} : memref<32xi32, #tpu.memory_space<vmem>>, vector<16xi32>,
    %get3A_356 = vector.shape_cast %get3A_355 : vector<16xi32> to vector<16xi32>
    %slice3A_357 = vector.extract_strided_slice %get3A_356 {offsets = [0], sizes = [1], strides = [1]} : vector<16xi32> to vector<1xi32>
    %squeeze3A_358 = vector.extract %slice3A_357[0] : i32 from vector<1xi32>
    %dma_start3A_359 = arith.constant 16 : i32
    %dma_start3A_360 = arith.constant 0 : i32
    %dma_start3A_361 = tpu.memref_slice %arg8[%dma_start3A_359, %dma_start3A_360] : memref<32x112xf32, #tpu.memory_space<vmem>> -> memref<1x112xf32, #tpu.memory_space<vmem>>
    %dma_start3A_362 = arith.constant 0 : i32
    %dma_start3A_363 = tpu.memref_slice %arg2[%squeeze3A_358, %dma_start3A_362] : memref<100000x112xf32, #tpu.memory_space<hbm>> -> memref<1x112xf32, #tpu.memory_space<hbm>>
    %dma_start3A_364 = arith.constant 16 : i32
    %dma_start3A_365 = arith.constant 0 : i32
    %dma_start3A_366 = tpu.memref_slice %arg8[%dma_start3A_364, %dma_start3A_365] : memref<32x112xf32, #tpu.memory_space<vmem>> -> memref<1x112xf32, #tpu.memory_space<vmem>>
    %dma_start3A_367 = arith.constant 0 : i32
    %dma_start3A_368 = tpu.memref_slice %arg2[%squeeze3A_358, %dma_start3A_367] : memref<100000x112xf32, #tpu.memory_space<hbm>> -> memref<1x112xf32, #tpu.memory_space<hbm>>
    tpu.enqueue_dma source(%dma_start3A_368 : memref<1x112xf32, #tpu.memory_space<hbm>>) target(%dma_start3A_366 : memref<1x112xf32, #tpu.memory_space<vmem>>) target_semaphore(%arg10 : memref<!tpu.dma_semaphore, #tpu.memory_space<semaphore_mem>>)
    %dma_start3A_369 = arith.constant 16 : i32
    %dma_start3A_370 = arith.constant 0 : i32
    %dma_start3A_371 = tpu.memref_slice %arg9[%dma_start3A_369, %dma_start3A_370] : memref<32x109xf32, #tpu.memory_space<vmem>> -> memref<1x109xf32, #tpu.memory_space<vmem>>
    %dma_start3A_372 = arith.constant 0 : i32
    %dma_start3A_373 = tpu.memref_slice %arg3[%squeeze3A_358, %dma_start3A_372] : memref<100000x109xf32, #tpu.memory_space<hbm>> -> memref<1x109xf32, #tpu.memory_space<hbm>>
    %dma_start3A_374 = arith.constant 16 : i32
    %dma_start3A_375 = arith.constant 0 : i32
    %dma_start3A_376 = tpu.memref_slice %arg9[%dma_start3A_374, %dma_start3A_375] : memref<32x109xf32, #tpu.memory_space<vmem>> -> memref<1x109xf32, #tpu.memory_space<vmem>>
    %dma_start3A_377 = arith.constant 0 : i32
    %dma_start3A_378 = tpu.memref_slice %arg3[%squeeze3A_358, %dma_start3A_377] : memref<100000x109xf32, #tpu.memory_space<hbm>> -> memref<1x109xf32, #tpu.memory_space<hbm>>
    tpu.enqueue_dma source(%dma_start3A_378 : memref<1x109xf32, #tpu.memory_space<hbm>>) target(%dma_start3A_376 : memref<1x109xf32, #tpu.memory_space<vmem>>) target_semaphore(%arg11 : memref<!tpu.dma_semaphore, #tpu.memory_space<semaphore_mem>>)
    %slice3A_379 = vector.extract_strided_slice %get3A_356 {offsets = [1], sizes = [1], strides = [1]} : vector<16xi32> to vector<1xi32>
    %squeeze3A_380 = vector.extract %slice3A_379[0] : i32 from vector<1xi32>
    %dma_start3A_381 = arith.constant 17 : i32
    %dma_start3A_382 = arith.constant 0 : i32
    %dma_start3A_383 = tpu.memref_slice %arg8[%dma_start3A_381, %dma_start3A_382] : memref<32x112xf32, #tpu.memory_space<vmem>> -> memref<1x112xf32, #tpu.memory_space<vmem>>
    %dma_start3A_384 = arith.constant 0 : i32
    %dma_start3A_385 = tpu.memref_slice %arg2[%squeeze3A_380, %dma_start3A_384] : memref<100000x112xf32, #tpu.memory_space<hbm>> -> memref<1x112xf32, #tpu.memory_space<hbm>>
    %dma_start3A_386 = arith.constant 17 : i32
    %dma_start3A_387 = arith.constant 0 : i32
    %dma_start3A_388 = tpu.memref_slice %arg8[%dma_start3A_386, %dma_start3A_387] : memref<32x112xf32, #tpu.memory_space<vmem>> -> memref<1x112xf32, #tpu.memory_space<vmem>>
    %dma_start3A_389 = arith.constant 0 : i32
    %dma_start3A_390 = tpu.memref_slice %arg2[%squeeze3A_380, %dma_start3A_389] : memref<100000x112xf32, #tpu.memory_space<hbm>> -> memref<1x112xf32, #tpu.memory_space<hbm>>
    tpu.enqueue_dma source(%dma_start3A_390 : memref<1x112xf32, #tpu.memory_space<hbm>>) target(%dma_start3A_388 : memref<1x112xf32, #tpu.memory_space<vmem>>) target_semaphore(%arg10 : memref<!tpu.dma_semaphore, #tpu.memory_space<semaphore_mem>>)
    %dma_start3A_391 = arith.constant 17 : i32
    %dma_start3A_392 = arith.constant 0 : i32
    %dma_start3A_393 = tpu.memref_slice %arg9[%dma_start3A_391, %dma_start3A_392] : memref<32x109xf32, #tpu.memory_space<vmem>> -> memref<1x109xf32, #tpu.memory_space<vmem>>
    %dma_start3A_394 = arith.constant 0 : i32
    %dma_start3A_395 = tpu.memref_slice %arg3[%squeeze3A_380, %dma_start3A_394] : memref<100000x109xf32, #tpu.memory_space<hbm>> -> memref<1x109xf32, #tpu.memory_space<hbm>>
    %dma_start3A_396 = arith.constant 17 : i32
    %dma_start3A_397 = arith.constant 0 : i32
    %dma_start3A_398 = tpu.memref_slice %arg9[%dma_start3A_396, %dma_start3A_397] : memref<32x109xf32, #tpu.memory_space<vmem>> -> memref<1x109xf32, #tpu.memory_space<vmem>>
    %dma_start3A_399 = arith.constant 0 : i32
    %dma_start3A_400 = tpu.memref_slice %arg3[%squeeze3A_380, %dma_start3A_399] : memref<100000x109xf32, #tpu.memory_space<hbm>> -> memref<1x109xf32, #tpu.memory_space<hbm>>
    tpu.enqueue_dma source(%dma_start3A_400 : memref<1x109xf32, #tpu.memory_space<hbm>>) target(%dma_start3A_398 : memref<1x109xf32, #tpu.memory_space<vmem>>) target_semaphore(%arg11 : memref<!tpu.dma_semaphore, #tpu.memory_space<semaphore_mem>>)
    %slice3A_401 = vector.extract_strided_slice %get3A_356 {offsets = [2], sizes = [1], strides = [1]} : vector<16xi32> to vector<1xi32>
    %squeeze3A_402 = vector.extract %slice3A_401[0] : i32 from vector<1xi32>
    %dma_start3A_403 = arith.constant 18 : i32
    %dma_start3A_404 = arith.constant 0 : i32
    %dma_start3A_405 = tpu.memref_slice %arg8[%dma_start3A_403, %dma_start3A_404] : memref<32x112xf32, #tpu.memory_space<vmem>> -> memref<1x112xf32, #tpu.memory_space<vmem>>
    %dma_start3A_406 = arith.constant 0 : i32
    %dma_start3A_407 = tpu.memref_slice %arg2[%squeeze3A_402, %dma_start3A_406] : memref<100000x112xf32, #tpu.memory_space<hbm>> -> memref<1x112xf32, #tpu.memory_space<hbm>>
    %dma_start3A_408 = arith.constant 18 : i32
    %dma_start3A_409 = arith.constant 0 : i32
    %dma_start3A_410 = tpu.memref_slice %arg8[%dma_start3A_408, %dma_start3A_409] : memref<32x112xf32, #tpu.memory_space<vmem>> -> memref<1x112xf32, #tpu.memory_space<vmem>>
    %dma_start3A_411 = arith.constant 0 : i32
    %dma_start3A_412 = tpu.memref_slice %arg2[%squeeze3A_402, %dma_start3A_411] : memref<100000x112xf32, #tpu.memory_space<hbm>> -> memref<1x112xf32, #tpu.memory_space<hbm>>
    tpu.enqueue_dma source(%dma_start3A_412 : memref<1x112xf32, #tpu.memory_space<hbm>>) target(%dma_start3A_410 : memref<1x112xf32, #tpu.memory_space<vmem>>) target_semaphore(%arg10 : memref<!tpu.dma_semaphore, #tpu.memory_space<semaphore_mem>>)
    %dma_start3A_413 = arith.constant 18 : i32
    %dma_start3A_414 = arith.constant 0 : i32
    %dma_start3A_415 = tpu.memref_slice %arg9[%dma_start3A_413, %dma_start3A_414] : memref<32x109xf32, #tpu.memory_space<vmem>> -> memref<1x109xf32, #tpu.memory_space<vmem>>
    %dma_start3A_416 = arith.constant 0 : i32
    %dma_start3A_417 = tpu.memref_slice %arg3[%squeeze3A_402, %dma_start3A_416] : memref<100000x109xf32, #tpu.memory_space<hbm>> -> memref<1x109xf32, #tpu.memory_space<hbm>>
    %dma_start3A_418 = arith.constant 18 : i32
    %dma_start3A_419 = arith.constant 0 : i32
    %dma_start3A_420 = tpu.memref_slice %arg9[%dma_start3A_418, %dma_start3A_419] : memref<32x109xf32, #tpu.memory_space<vmem>> -> memref<1x109xf32, #tpu.memory_space<vmem>>
    %dma_start3A_421 = arith.constant 0 : i32
    %dma_start3A_422 = tpu.memref_slice %arg3[%squeeze3A_402, %dma_start3A_421] : memref<100000x109xf32, #tpu.memory_space<hbm>> -> memref<1x109xf32, #tpu.memory_space<hbm>>
    tpu.enqueue_dma source(%dma_start3A_422 : memref<1x109xf32, #tpu.memory_space<hbm>>) target(%dma_start3A_420 : memref<1x109xf32, #tpu.memory_space<vmem>>) target_semaphore(%arg11 : memref<!tpu.dma_semaphore, #tpu.memory_space<semaphore_mem>>)
    %slice3A_423 = vector.extract_strided_slice %get3A_356 {offsets = [3], sizes = [1], strides = [1]} : vector<16xi32> to vector<1xi32>
    %squeeze3A_424 = vector.extract %slice3A_423[0] : i32 from vector<1xi32>
    %dma_start3A_425 = arith.constant 19 : i32
    %dma_start3A_426 = arith.constant 0 : i32
    %dma_start3A_427 = tpu.memref_slice %arg8[%dma_start3A_425, %dma_start3A_426] : memref<32x112xf32, #tpu.memory_space<vmem>> -> memref<1x112xf32, #tpu.memory_space<vmem>>
    %dma_start3A_428 = arith.constant 0 : i32
    %dma_start3A_429 = tpu.memref_slice %arg2[%squeeze3A_424, %dma_start3A_428] : memref<100000x112xf32, #tpu.memory_space<hbm>> -> memref<1x112xf32, #tpu.memory_space<hbm>>
    %dma_start3A_430 = arith.constant 19 : i32
    %dma_start3A_431 = arith.constant 0 : i32
    %dma_start3A_432 = tpu.memref_slice %arg8[%dma_start3A_430, %dma_start3A_431] : memref<32x112xf32, #tpu.memory_space<vmem>> -> memref<1x112xf32, #tpu.memory_space<vmem>>
    %dma_start3A_433 = arith.constant 0 : i32
    %dma_start3A_434 = tpu.memref_slice %arg2[%squeeze3A_424, %dma_start3A_433] : memref<100000x112xf32, #tpu.memory_space<hbm>> -> memref<1x112xf32, #tpu.memory_space<hbm>>
    tpu.enqueue_dma source(%dma_start3A_434 : memref<1x112xf32, #tpu.memory_space<hbm>>) target(%dma_start3A_432 : memref<1x112xf32, #tpu.memory_space<vmem>>) target_semaphore(%arg10 : memref<!tpu.dma_semaphore, #tpu.memory_space<semaphore_mem>>)
    %dma_start3A_435 = arith.constant 19 : i32
    %dma_start3A_436 = arith.constant 0 : i32
    %dma_start3A_437 = tpu.memref_slice %arg9[%dma_start3A_435, %dma_start3A_436] : memref<32x109xf32, #tpu.memory_space<vmem>> -> memref<1x109xf32, #tpu.memory_space<vmem>>
    %dma_start3A_438 = arith.constant 0 : i32
    %dma_start3A_439 = tpu.memref_slice %arg3[%squeeze3A_424, %dma_start3A_438] : memref<100000x109xf32, #tpu.memory_space<hbm>> -> memref<1x109xf32, #tpu.memory_space<hbm>>
    %dma_start3A_440 = arith.constant 19 : i32
    %dma_start3A_441 = arith.constant 0 : i32
    %dma_start3A_442 = tpu.memref_slice %arg9[%dma_start3A_440, %dma_start3A_441] : memref<32x109xf32, #tpu.memory_space<vmem>> -> memref<1x109xf32, #tpu.memory_space<vmem>>
    %dma_start3A_443 = arith.constant 0 : i32
    %dma_start3A_444 = tpu.memref_slice %arg3[%squeeze3A_424, %dma_start3A_443] : memref<100000x109xf32, #tpu.memory_space<hbm>> -> memref<1x109xf32, #tpu.memory_space<hbm>>
    tpu.enqueue_dma source(%dma_start3A_444 : memref<1x109xf32, #tpu.memory_space<hbm>>) target(%dma_start3A_442 : memref<1x109xf32, #tpu.memory_space<vmem>>) target_semaphore(%arg11 : memref<!tpu.dma_semaphore, #tpu.memory_space<semaphore_mem>>)
    %slice3A_445 = vector.extract_strided_slice %get3A_356 {offsets = [4], sizes = [1], strides = [1]} : vector<16xi32> to vector<1xi32>
    %squeeze3A_446 = vector.extract %slice3A_445[0] : i32 from vector<1xi32>
    %dma_start3A_447 = arith.constant 20 : i32
    %dma_start3A_448 = arith.constant 0 : i32
    %dma_start3A_449 = tpu.memref_slice %arg8[%dma_start3A_447, %dma_start3A_448] : memref<32x112xf32, #tpu.memory_space<vmem>> -> memref<1x112xf32, #tpu.memory_space<vmem>>
    %dma_start3A_450 = arith.constant 0 : i32
    %dma_start3A_451 = tpu.memref_slice %arg2[%squeeze3A_446, %dma_start3A_450] : memref<100000x112xf32, #tpu.memory_space<hbm>> -> memref<1x112xf32, #tpu.memory_space<hbm>>
    %dma_start3A_452 = arith.constant 20 : i32
    %dma_start3A_453 = arith.constant 0 : i32
    %dma_start3A_454 = tpu.memref_slice %arg8[%dma_start3A_452, %dma_start3A_453] : memref<32x112xf32, #tpu.memory_space<vmem>> -> memref<1x112xf32, #tpu.memory_space<vmem>>
    %dma_start3A_455 = arith.constant 0 : i32
    %dma_start3A_456 = tpu.memref_slice %arg2[%squeeze3A_446, %dma_start3A_455] : memref<100000x112xf32, #tpu.memory_space<hbm>> -> memref<1x112xf32, #tpu.memory_space<hbm>>
    tpu.enqueue_dma source(%dma_start3A_456 : memref<1x112xf32, #tpu.memory_space<hbm>>) target(%dma_start3A_454 : memref<1x112xf32, #tpu.memory_space<vmem>>) target_semaphore(%arg10 : memref<!tpu.dma_semaphore, #tpu.memory_space<semaphore_mem>>)
    %dma_start3A_457 = arith.constant 20 : i32
    %dma_start3A_458 = arith.constant 0 : i32
    %dma_start3A_459 = tpu.memref_slice %arg9[%dma_start3A_457, %dma_start3A_458] : memref<32x109xf32, #tpu.memory_space<vmem>> -> memref<1x109xf32, #tpu.memory_space<vmem>>
    %dma_start3A_460 = arith.constant 0 : i32
    %dma_start3A_461 = tpu.memref_slice %arg3[%squeeze3A_446, %dma_start3A_460] : memref<100000x109xf32, #tpu.memory_space<hbm>> -> memref<1x109xf32, #tpu.memory_space<hbm>>
    %dma_start3A_462 = arith.constant 20 : i32
    %dma_start3A_463 = arith.constant 0 : i32
    %dma_start3A_464 = tpu.memref_slice %arg9[%dma_start3A_462, %dma_start3A_463] : memref<32x109xf32, #tpu.memory_space<vmem>> -> memref<1x109xf32, #tpu.memory_space<vmem>>
    %dma_start3A_465 = arith.constant 0 : i32
    %dma_start3A_466 = tpu.memref_slice %arg3[%squeeze3A_446, %dma_start3A_465] : memref<100000x109xf32, #tpu.memory_space<hbm>> -> memref<1x109xf32, #tpu.memory_space<hbm>>
    tpu.enqueue_dma source(%dma_start3A_466 : memref<1x109xf32, #tpu.memory_space<hbm>>) target(%dma_start3A_464 : memref<1x109xf32, #tpu.memory_space<vmem>>) target_semaphore(%arg11 : memref<!tpu.dma_semaphore, #tpu.memory_space<semaphore_mem>>)
    %slice3A_467 = vector.extract_strided_slice %get3A_356 {offsets = [5], sizes = [1], strides = [1]} : vector<16xi32> to vector<1xi32>
    %squeeze3A_468 = vector.extract %slice3A_467[0] : i32 from vector<1xi32>
    %dma_start3A_469 = arith.constant 21 : i32
    %dma_start3A_470 = arith.constant 0 : i32
    %dma_start3A_471 = tpu.memref_slice %arg8[%dma_start3A_469, %dma_start3A_470] : memref<32x112xf32, #tpu.memory_space<vmem>> -> memref<1x112xf32, #tpu.memory_space<vmem>>
    %dma_start3A_472 = arith.constant 0 : i32
    %dma_start3A_473 = tpu.memref_slice %arg2[%squeeze3A_468, %dma_start3A_472] : memref<100000x112xf32, #tpu.memory_space<hbm>> -> memref<1x112xf32, #tpu.memory_space<hbm>>
    %dma_start3A_474 = arith.constant 21 : i32
    %dma_start3A_475 = arith.constant 0 : i32
    %dma_start3A_476 = tpu.memref_slice %arg8[%dma_start3A_474, %dma_start3A_475] : memref<32x112xf32, #tpu.memory_space<vmem>> -> memref<1x112xf32, #tpu.memory_space<vmem>>
    %dma_start3A_477 = arith.constant 0 : i32
    %dma_start3A_478 = tpu.memref_slice %arg2[%squeeze3A_468, %dma_start3A_477] : memref<100000x112xf32, #tpu.memory_space<hbm>> -> memref<1x112xf32, #tpu.memory_space<hbm>>
    tpu.enqueue_dma source(%dma_start3A_478 : memref<1x112xf32, #tpu.memory_space<hbm>>) target(%dma_start3A_476 : memref<1x112xf32, #tpu.memory_space<vmem>>) target_semaphore(%arg10 : memref<!tpu.dma_semaphore, #tpu.memory_space<semaphore_mem>>)
    %dma_start3A_479 = arith.constant 21 : i32
    %dma_start3A_480 = arith.constant 0 : i32
    %dma_start3A_481 = tpu.memref_slice %arg9[%dma_start3A_479, %dma_start3A_480] : memref<32x109xf32, #tpu.memory_space<vmem>> -> memref<1x109xf32, #tpu.memory_space<vmem>>
    %dma_start3A_482 = arith.constant 0 : i32
    %dma_start3A_483 = tpu.memref_slice %arg3[%squeeze3A_468, %dma_start3A_482] : memref<100000x109xf32, #tpu.memory_space<hbm>> -> memref<1x109xf32, #tpu.memory_space<hbm>>
    %dma_start3A_484 = arith.constant 21 : i32
    %dma_start3A_485 = arith.constant 0 : i32
    %dma_start3A_486 = tpu.memref_slice %arg9[%dma_start3A_484, %dma_start3A_485] : memref<32x109xf32, #tpu.memory_space<vmem>> -> memref<1x109xf32, #tpu.memory_space<vmem>>
    %dma_start3A_487 = arith.constant 0 : i32
    %dma_start3A_488 = tpu.memref_slice %arg3[%squeeze3A_468, %dma_start3A_487] : memref<100000x109xf32, #tpu.memory_space<hbm>> -> memref<1x109xf32, #tpu.memory_space<hbm>>
    tpu.enqueue_dma source(%dma_start3A_488 : memref<1x109xf32, #tpu.memory_space<hbm>>) target(%dma_start3A_486 : memref<1x109xf32, #tpu.memory_space<vmem>>) target_semaphore(%arg11 : memref<!tpu.dma_semaphore, #tpu.memory_space<semaphore_mem>>)
    %slice3A_489 = vector.extract_strided_slice %get3A_356 {offsets = [6], sizes = [1], strides = [1]} : vector<16xi32> to vector<1xi32>
    %squeeze3A_490 = vector.extract %slice3A_489[0] : i32 from vector<1xi32>
    %dma_start3A_491 = arith.constant 22 : i32
    %dma_start3A_492 = arith.constant 0 : i32
    %dma_start3A_493 = tpu.memref_slice %arg8[%dma_start3A_491, %dma_start3A_492] : memref<32x112xf32, #tpu.memory_space<vmem>> -> memref<1x112xf32, #tpu.memory_space<vmem>>
    %dma_start3A_494 = arith.constant 0 : i32
    %dma_start3A_495 = tpu.memref_slice %arg2[%squeeze3A_490, %dma_start3A_494] : memref<100000x112xf32, #tpu.memory_space<hbm>> -> memref<1x112xf32, #tpu.memory_space<hbm>>
    %dma_start3A_496 = arith.constant 22 : i32
    %dma_start3A_497 = arith.constant 0 : i32
    %dma_start3A_498 = tpu.memref_slice %arg8[%dma_start3A_496, %dma_start3A_497] : memref<32x112xf32, #tpu.memory_space<vmem>> -> memref<1x112xf32, #tpu.memory_space<vmem>>
    %dma_start3A_499 = arith.constant 0 : i32
    %dma_start3A_500 = tpu.memref_slice %arg2[%squeeze3A_490, %dma_start3A_499] : memref<100000x112xf32, #tpu.memory_space<hbm>> -> memref<1x112xf32, #tpu.memory_space<hbm>>
    tpu.enqueue_dma source(%dma_start3A_500 : memref<1x112xf32, #tpu.memory_space<hbm>>) target(%dma_start3A_498 : memref<1x112xf32, #tpu.memory_space<vmem>>) target_semaphore(%arg10 : memref<!tpu.dma_semaphore, #tpu.memory_space<semaphore_mem>>)
    %dma_start3A_501 = arith.constant 22 : i32
    %dma_start3A_502 = arith.constant 0 : i32
    %dma_start3A_503 = tpu.memref_slice %arg9[%dma_start3A_501, %dma_start3A_502] : memref<32x109xf32, #tpu.memory_space<vmem>> -> memref<1x109xf32, #tpu.memory_space<vmem>>
    %dma_start3A_504 = arith.constant 0 : i32
    %dma_start3A_505 = tpu.memref_slice %arg3[%squeeze3A_490, %dma_start3A_504] : memref<100000x109xf32, #tpu.memory_space<hbm>> -> memref<1x109xf32, #tpu.memory_space<hbm>>
    %dma_start3A_506 = arith.constant 22 : i32
    %dma_start3A_507 = arith.constant 0 : i32
    %dma_start3A_508 = tpu.memref_slice %arg9[%dma_start3A_506, %dma_start3A_507] : memref<32x109xf32, #tpu.memory_space<vmem>> -> memref<1x109xf32, #tpu.memory_space<vmem>>
    %dma_start3A_509 = arith.constant 0 : i32
    %dma_start3A_510 = tpu.memref_slice %arg3[%squeeze3A_490, %dma_start3A_509] : memref<100000x109xf32, #tpu.memory_space<hbm>> -> memref<1x109xf32, #tpu.memory_space<hbm>>
    tpu.enqueue_dma source(%dma_start3A_510 : memref<1x109xf32, #tpu.memory_space<hbm>>) target(%dma_start3A_508 : memref<1x109xf32, #tpu.memory_space<vmem>>) target_semaphore(%arg11 : memref<!tpu.dma_semaphore, #tpu.memory_space<semaphore_mem>>)
    %slice3A_511 = vector.extract_strided_slice %get3A_356 {offsets = [7], sizes = [1], strides = [1]} : vector<16xi32> to vector<1xi32>
    %squeeze3A_512 = vector.extract %slice3A_511[0] : i32 from vector<1xi32>
    %dma_start3A_513 = arith.constant 23 : i32
    %dma_start3A_514 = arith.constant 0 : i32
    %dma_start3A_515 = tpu.memref_slice %arg8[%dma_start3A_513, %dma_start3A_514] : memref<32x112xf32, #tpu.memory_space<vmem>> -> memref<1x112xf32, #tpu.memory_space<vmem>>
    %dma_start3A_516 = arith.constant 0 : i32
    %dma_start3A_517 = tpu.memref_slice %arg2[%squeeze3A_512, %dma_start3A_516] : memref<100000x112xf32, #tpu.memory_space<hbm>> -> memref<1x112xf32, #tpu.memory_space<hbm>>
    %dma_start3A_518 = arith.constant 23 : i32
    %dma_start3A_519 = arith.constant 0 : i32
    %dma_start3A_520 = tpu.memref_slice %arg8[%dma_start3A_518, %dma_start3A_519] : memref<32x112xf32, #tpu.memory_space<vmem>> -> memref<1x112xf32, #tpu.memory_space<vmem>>
    %dma_start3A_521 = arith.constant 0 : i32
    %dma_start3A_522 = tpu.memref_slice %arg2[%squeeze3A_512, %dma_start3A_521] : memref<100000x112xf32, #tpu.memory_space<hbm>> -> memref<1x112xf32, #tpu.memory_space<hbm>>
    tpu.enqueue_dma source(%dma_start3A_522 : memref<1x112xf32, #tpu.memory_space<hbm>>) target(%dma_start3A_520 : memref<1x112xf32, #tpu.memory_space<vmem>>) target_semaphore(%arg10 : memref<!tpu.dma_semaphore, #tpu.memory_space<semaphore_mem>>)
    %dma_start3A_523 = arith.constant 23 : i32
    %dma_start3A_524 = arith.constant 0 : i32
    %dma_start3A_525 = tpu.memref_slice %arg9[%dma_start3A_523, %dma_start3A_524] : memref<32x109xf32, #tpu.memory_space<vmem>> -> memref<1x109xf32, #tpu.memory_space<vmem>>
    %dma_start3A_526 = arith.constant 0 : i32
    %dma_start3A_527 = tpu.memref_slice %arg3[%squeeze3A_512, %dma_start3A_526] : memref<100000x109xf32, #tpu.memory_space<hbm>> -> memref<1x109xf32, #tpu.memory_space<hbm>>
    %dma_start3A_528 = arith.constant 23 : i32
    %dma_start3A_529 = arith.constant 0 : i32
    %dma_start3A_530 = tpu.memref_slice %arg9[%dma_start3A_528, %dma_start3A_529] : memref<32x109xf32, #tpu.memory_space<vmem>> -> memref<1x109xf32, #tpu.memory_space<vmem>>
    %dma_start3A_531 = arith.constant 0 : i32
    %dma_start3A_532 = tpu.memref_slice %arg3[%squeeze3A_512, %dma_start3A_531] : memref<100000x109xf32, #tpu.memory_space<hbm>> -> memref<1x109xf32, #tpu.memory_space<hbm>>
    tpu.enqueue_dma source(%dma_start3A_532 : memref<1x109xf32, #tpu.memory_space<hbm>>) target(%dma_start3A_530 : memref<1x109xf32, #tpu.memory_space<vmem>>) target_semaphore(%arg11 : memref<!tpu.dma_semaphore, #tpu.memory_space<semaphore_mem>>)
    %slice3A_533 = vector.extract_strided_slice %get3A_356 {offsets = [8], sizes = [1], strides = [1]} : vector<16xi32> to vector<1xi32>
    %squeeze3A_534 = vector.extract %slice3A_533[0] : i32 from vector<1xi32>
    %dma_start3A_535 = arith.constant 24 : i32
    %dma_start3A_536 = arith.constant 0 : i32
    %dma_start3A_537 = tpu.memref_slice %arg8[%dma_start3A_535, %dma_start3A_536] : memref<32x112xf32, #tpu.memory_space<vmem>> -> memref<1x112xf32, #tpu.memory_space<vmem>>
    %dma_start3A_538 = arith.constant 0 : i32
    %dma_start3A_539 = tpu.memref_slice %arg2[%squeeze3A_534, %dma_start3A_538] : memref<100000x112xf32, #tpu.memory_space<hbm>> -> memref<1x112xf32, #tpu.memory_space<hbm>>
    %dma_start3A_540 = arith.constant 24 : i32
    %dma_start3A_541 = arith.constant 0 : i32
    %dma_start3A_542 = tpu.memref_slice %arg8[%dma_start3A_540, %dma_start3A_541] : memref<32x112xf32, #tpu.memory_space<vmem>> -> memref<1x112xf32, #tpu.memory_space<vmem>>
    %dma_start3A_543 = arith.constant 0 : i32
    %dma_start3A_544 = tpu.memref_slice %arg2[%squeeze3A_534, %dma_start3A_543] : memref<100000x112xf32, #tpu.memory_space<hbm>> -> memref<1x112xf32, #tpu.memory_space<hbm>>
    tpu.enqueue_dma source(%dma_start3A_544 : memref<1x112xf32, #tpu.memory_space<hbm>>) target(%dma_start3A_542 : memref<1x112xf32, #tpu.memory_space<vmem>>) target_semaphore(%arg10 : memref<!tpu.dma_semaphore, #tpu.memory_space<semaphore_mem>>)
    %dma_start3A_545 = arith.constant 24 : i32
    %dma_start3A_546 = arith.constant 0 : i32
    %dma_start3A_547 = tpu.memref_slice %arg9[%dma_start3A_545, %dma_start3A_546] : memref<32x109xf32, #tpu.memory_space<vmem>> -> memref<1x109xf32, #tpu.memory_space<vmem>>
    %dma_start3A_548 = arith.constant 0 : i32
    %dma_start3A_549 = tpu.memref_slice %arg3[%squeeze3A_534, %dma_start3A_548] : memref<100000x109xf32, #tpu.memory_space<hbm>> -> memref<1x109xf32, #tpu.memory_space<hbm>>
    %dma_start3A_550 = arith.constant 24 : i32
    %dma_start3A_551 = arith.constant 0 : i32
    %dma_start3A_552 = tpu.memref_slice %arg9[%dma_start3A_550, %dma_start3A_551] : memref<32x109xf32, #tpu.memory_space<vmem>> -> memref<1x109xf32, #tpu.memory_space<vmem>>
    %dma_start3A_553 = arith.constant 0 : i32
    %dma_start3A_554 = tpu.memref_slice %arg3[%squeeze3A_534, %dma_start3A_553] : memref<100000x109xf32, #tpu.memory_space<hbm>> -> memref<1x109xf32, #tpu.memory_space<hbm>>
    tpu.enqueue_dma source(%dma_start3A_554 : memref<1x109xf32, #tpu.memory_space<hbm>>) target(%dma_start3A_552 : memref<1x109xf32, #tpu.memory_space<vmem>>) target_semaphore(%arg11 : memref<!tpu.dma_semaphore, #tpu.memory_space<semaphore_mem>>)
    %slice3A_555 = vector.extract_strided_slice %get3A_356 {offsets = [9], sizes = [1], strides = [1]} : vector<16xi32> to vector<1xi32>
    %squeeze3A_556 = vector.extract %slice3A_555[0] : i32 from vector<1xi32>
    %dma_start3A_557 = arith.constant 25 : i32
    %dma_start3A_558 = arith.constant 0 : i32
    %dma_start3A_559 = tpu.memref_slice %arg8[%dma_start3A_557, %dma_start3A_558] : memref<32x112xf32, #tpu.memory_space<vmem>> -> memref<1x112xf32, #tpu.memory_space<vmem>>
    %dma_start3A_560 = arith.constant 0 : i32
    %dma_start3A_561 = tpu.memref_slice %arg2[%squeeze3A_556, %dma_start3A_560] : memref<100000x112xf32, #tpu.memory_space<hbm>> -> memref<1x112xf32, #tpu.memory_space<hbm>>
    %dma_start3A_562 = arith.constant 25 : i32
    %dma_start3A_563 = arith.constant 0 : i32
    %dma_start3A_564 = tpu.memref_slice %arg8[%dma_start3A_562, %dma_start3A_563] : memref<32x112xf32, #tpu.memory_space<vmem>> -> memref<1x112xf32, #tpu.memory_space<vmem>>
    %dma_start3A_565 = arith.constant 0 : i32
    %dma_start3A_566 = tpu.memref_slice %arg2[%squeeze3A_556, %dma_start3A_565] : memref<100000x112xf32, #tpu.memory_space<hbm>> -> memref<1x112xf32, #tpu.memory_space<hbm>>
    tpu.enqueue_dma source(%dma_start3A_566 : memref<1x112xf32, #tpu.memory_space<hbm>>) target(%dma_start3A_564 : memref<1x112xf32, #tpu.memory_space<vmem>>) target_semaphore(%arg10 : memref<!tpu.dma_semaphore, #tpu.memory_space<semaphore_mem>>)
    %dma_start3A_567 = arith.constant 25 : i32
    %dma_start3A_568 = arith.constant 0 : i32
    %dma_start3A_569 = tpu.memref_slice %arg9[%dma_start3A_567, %dma_start3A_568] : memref<32x109xf32, #tpu.memory_space<vmem>> -> memref<1x109xf32, #tpu.memory_space<vmem>>
    %dma_start3A_570 = arith.constant 0 : i32
    %dma_start3A_571 = tpu.memref_slice %arg3[%squeeze3A_556, %dma_start3A_570] : memref<100000x109xf32, #tpu.memory_space<hbm>> -> memref<1x109xf32, #tpu.memory_space<hbm>>
    %dma_start3A_572 = arith.constant 25 : i32
    %dma_start3A_573 = arith.constant 0 : i32
    %dma_start3A_574 = tpu.memref_slice %arg9[%dma_start3A_572, %dma_start3A_573] : memref<32x109xf32, #tpu.memory_space<vmem>> -> memref<1x109xf32, #tpu.memory_space<vmem>>
    %dma_start3A_575 = arith.constant 0 : i32
    %dma_start3A_576 = tpu.memref_slice %arg3[%squeeze3A_556, %dma_start3A_575] : memref<100000x109xf32, #tpu.memory_space<hbm>> -> memref<1x109xf32, #tpu.memory_space<hbm>>
    tpu.enqueue_dma source(%dma_start3A_576 : memref<1x109xf32, #tpu.memory_space<hbm>>) target(%dma_start3A_574 : memref<1x109xf32, #tpu.memory_space<vmem>>) target_semaphore(%arg11 : memref<!tpu.dma_semaphore, #tpu.memory_space<semaphore_mem>>)
    %slice3A_577 = vector.extract_strided_slice %get3A_356 {offsets = [10], sizes = [1], strides = [1]} : vector<16xi32> to vector<1xi32>
    %squeeze3A_578 = vector.extract %slice3A_577[0] : i32 from vector<1xi32>
    %dma_start3A_579 = arith.constant 26 : i32
    %dma_start3A_580 = arith.constant 0 : i32
    %dma_start3A_581 = tpu.memref_slice %arg8[%dma_start3A_579, %dma_start3A_580] : memref<32x112xf32, #tpu.memory_space<vmem>> -> memref<1x112xf32, #tpu.memory_space<vmem>>
    %dma_start3A_582 = arith.constant 0 : i32
    %dma_start3A_583 = tpu.memref_slice %arg2[%squeeze3A_578, %dma_start3A_582] : memref<100000x112xf32, #tpu.memory_space<hbm>> -> memref<1x112xf32, #tpu.memory_space<hbm>>
    %dma_start3A_584 = arith.constant 26 : i32
    %dma_start3A_585 = arith.constant 0 : i32
    %dma_start3A_586 = tpu.memref_slice %arg8[%dma_start3A_584, %dma_start3A_585] : memref<32x112xf32, #tpu.memory_space<vmem>> -> memref<1x112xf32, #tpu.memory_space<vmem>>
    %dma_start3A_587 = arith.constant 0 : i32
    %dma_start3A_588 = tpu.memref_slice %arg2[%squeeze3A_578, %dma_start3A_587] : memref<100000x112xf32, #tpu.memory_space<hbm>> -> memref<1x112xf32, #tpu.memory_space<hbm>>
    tpu.enqueue_dma source(%dma_start3A_588 : memref<1x112xf32, #tpu.memory_space<hbm>>) target(%dma_start3A_586 : memref<1x112xf32, #tpu.memory_space<vmem>>) target_semaphore(%arg10 : memref<!tpu.dma_semaphore, #tpu.memory_space<semaphore_mem>>)
    %dma_start3A_589 = arith.constant 26 : i32
    %dma_start3A_590 = arith.constant 0 : i32
    %dma_start3A_591 = tpu.memref_slice %arg9[%dma_start3A_589, %dma_start3A_590] : memref<32x109xf32, #tpu.memory_space<vmem>> -> memref<1x109xf32, #tpu.memory_space<vmem>>
    %dma_start3A_592 = arith.constant 0 : i32
    %dma_start3A_593 = tpu.memref_slice %arg3[%squeeze3A_578, %dma_start3A_592] : memref<100000x109xf32, #tpu.memory_space<hbm>> -> memref<1x109xf32, #tpu.memory_space<hbm>>
    %dma_start3A_594 = arith.constant 26 : i32
    %dma_start3A_595 = arith.constant 0 : i32
    %dma_start3A_596 = tpu.memref_slice %arg9[%dma_start3A_594, %dma_start3A_595] : memref<32x109xf32, #tpu.memory_space<vmem>> -> memref<1x109xf32, #tpu.memory_space<vmem>>
    %dma_start3A_597 = arith.constant 0 : i32
    %dma_start3A_598 = tpu.memref_slice %arg3[%squeeze3A_578, %dma_start3A_597] : memref<100000x109xf32, #tpu.memory_space<hbm>> -> memref<1x109xf32, #tpu.memory_space<hbm>>
    tpu.enqueue_dma source(%dma_start3A_598 : memref<1x109xf32, #tpu.memory_space<hbm>>) target(%dma_start3A_596 : memref<1x109xf32, #tpu.memory_space<vmem>>) target_semaphore(%arg11 : memref<!tpu.dma_semaphore, #tpu.memory_space<semaphore_mem>>)
    %slice3A_599 = vector.extract_strided_slice %get3A_356 {offsets = [11], sizes = [1], strides = [1]} : vector<16xi32> to vector<1xi32>
    %squeeze3A_600 = vector.extract %slice3A_599[0] : i32 from vector<1xi32>
    %dma_start3A_601 = arith.constant 27 : i32
    %dma_start3A_602 = arith.constant 0 : i32
    %dma_start3A_603 = tpu.memref_slice %arg8[%dma_start3A_601, %dma_start3A_602] : memref<32x112xf32, #tpu.memory_space<vmem>> -> memref<1x112xf32, #tpu.memory_space<vmem>>
    %dma_start3A_604 = arith.constant 0 : i32
    %dma_start3A_605 = tpu.memref_slice %arg2[%squeeze3A_600, %dma_start3A_604] : memref<100000x112xf32, #tpu.memory_space<hbm>> -> memref<1x112xf32, #tpu.memory_space<hbm>>
    %dma_start3A_606 = arith.constant 27 : i32
    %dma_start3A_607 = arith.constant 0 : i32
    %dma_start3A_608 = tpu.memref_slice %arg8[%dma_start3A_606, %dma_start3A_607] : memref<32x112xf32, #tpu.memory_space<vmem>> -> memref<1x112xf32, #tpu.memory_space<vmem>>
    %dma_start3A_609 = arith.constant 0 : i32
    %dma_start3A_610 = tpu.memref_slice %arg2[%squeeze3A_600, %dma_start3A_609] : memref<100000x112xf32, #tpu.memory_space<hbm>> -> memref<1x112xf32, #tpu.memory_space<hbm>>
    tpu.enqueue_dma source(%dma_start3A_610 : memref<1x112xf32, #tpu.memory_space<hbm>>) target(%dma_start3A_608 : memref<1x112xf32, #tpu.memory_space<vmem>>) target_semaphore(%arg10 : memref<!tpu.dma_semaphore, #tpu.memory_space<semaphore_mem>>)
    %dma_start3A_611 = arith.constant 27 : i32
    %dma_start3A_612 = arith.constant 0 : i32
    %dma_start3A_613 = tpu.memref_slice %arg9[%dma_start3A_611, %dma_start3A_612] : memref<32x109xf32, #tpu.memory_space<vmem>> -> memref<1x109xf32, #tpu.memory_space<vmem>>
    %dma_start3A_614 = arith.constant 0 : i32
    %dma_start3A_615 = tpu.memref_slice %arg3[%squeeze3A_600, %dma_start3A_614] : memref<100000x109xf32, #tpu.memory_space<hbm>> -> memref<1x109xf32, #tpu.memory_space<hbm>>
    %dma_start3A_616 = arith.constant 27 : i32
    %dma_start3A_617 = arith.constant 0 : i32
    %dma_start3A_618 = tpu.memref_slice %arg9[%dma_start3A_616, %dma_start3A_617] : memref<32x109xf32, #tpu.memory_space<vmem>> -> memref<1x109xf32, #tpu.memory_space<vmem>>
    %dma_start3A_619 = arith.constant 0 : i32
    %dma_start3A_620 = tpu.memref_slice %arg3[%squeeze3A_600, %dma_start3A_619] : memref<100000x109xf32, #tpu.memory_space<hbm>> -> memref<1x109xf32, #tpu.memory_space<hbm>>
    tpu.enqueue_dma source(%dma_start3A_620 : memref<1x109xf32, #tpu.memory_space<hbm>>) target(%dma_start3A_618 : memref<1x109xf32, #tpu.memory_space<vmem>>) target_semaphore(%arg11 : memref<!tpu.dma_semaphore, #tpu.memory_space<semaphore_mem>>)
    %slice3A_621 = vector.extract_strided_slice %get3A_356 {offsets = [12], sizes = [1], strides = [1]} : vector<16xi32> to vector<1xi32>
    %squeeze3A_622 = vector.extract %slice3A_621[0] : i32 from vector<1xi32>
    %dma_start3A_623 = arith.constant 28 : i32
    %dma_start3A_624 = arith.constant 0 : i32
    %dma_start3A_625 = tpu.memref_slice %arg8[%dma_start3A_623, %dma_start3A_624] : memref<32x112xf32, #tpu.memory_space<vmem>> -> memref<1x112xf32, #tpu.memory_space<vmem>>
    %dma_start3A_626 = arith.constant 0 : i32
    %dma_start3A_627 = tpu.memref_slice %arg2[%squeeze3A_622, %dma_start3A_626] : memref<100000x112xf32, #tpu.memory_space<hbm>> -> memref<1x112xf32, #tpu.memory_space<hbm>>
    %dma_start3A_628 = arith.constant 28 : i32
    %dma_start3A_629 = arith.constant 0 : i32
    %dma_start3A_630 = tpu.memref_slice %arg8[%dma_start3A_628, %dma_start3A_629] : memref<32x112xf32, #tpu.memory_space<vmem>> -> memref<1x112xf32, #tpu.memory_space<vmem>>
    %dma_start3A_631 = arith.constant 0 : i32
    %dma_start3A_632 = tpu.memref_slice %arg2[%squeeze3A_622, %dma_start3A_631] : memref<100000x112xf32, #tpu.memory_space<hbm>> -> memref<1x112xf32, #tpu.memory_space<hbm>>
    tpu.enqueue_dma source(%dma_start3A_632 : memref<1x112xf32, #tpu.memory_space<hbm>>) target(%dma_start3A_630 : memref<1x112xf32, #tpu.memory_space<vmem>>) target_semaphore(%arg10 : memref<!tpu.dma_semaphore, #tpu.memory_space<semaphore_mem>>)
    %dma_start3A_633 = arith.constant 28 : i32
    %dma_start3A_634 = arith.constant 0 : i32
    %dma_start3A_635 = tpu.memref_slice %arg9[%dma_start3A_633, %dma_start3A_634] : memref<32x109xf32, #tpu.memory_space<vmem>> -> memref<1x109xf32, #tpu.memory_space<vmem>>
    %dma_start3A_636 = arith.constant 0 : i32
    %dma_start3A_637 = tpu.memref_slice %arg3[%squeeze3A_622, %dma_start3A_636] : memref<100000x109xf32, #tpu.memory_space<hbm>> -> memref<1x109xf32, #tpu.memory_space<hbm>>
    %dma_start3A_638 = arith.constant 28 : i32
    %dma_start3A_639 = arith.constant 0 : i32
    %dma_start3A_640 = tpu.memref_slice %arg9[%dma_start3A_638, %dma_start3A_639] : memref<32x109xf32, #tpu.memory_space<vmem>> -> memref<1x109xf32, #tpu.memory_space<vmem>>
    %dma_start3A_641 = arith.constant 0 : i32
    %dma_start3A_642 = tpu.memref_slice %arg3[%squeeze3A_622, %dma_start3A_641] : memref<100000x109xf32, #tpu.memory_space<hbm>> -> memref<1x109xf32, #tpu.memory_space<hbm>>
    tpu.enqueue_dma source(%dma_start3A_642 : memref<1x109xf32, #tpu.memory_space<hbm>>) target(%dma_start3A_640 : memref<1x109xf32, #tpu.memory_space<vmem>>) target_semaphore(%arg11 : memref<!tpu.dma_semaphore, #tpu.memory_space<semaphore_mem>>)
    %slice3A_643 = vector.extract_strided_slice %get3A_356 {offsets = [13], sizes = [1], strides = [1]} : vector<16xi32> to vector<1xi32>
    %squeeze3A_644 = vector.extract %slice3A_643[0] : i32 from vector<1xi32>
    %dma_start3A_645 = arith.constant 29 : i32
    %dma_start3A_646 = arith.constant 0 : i32
    %dma_start3A_647 = tpu.memref_slice %arg8[%dma_start3A_645, %dma_start3A_646] : memref<32x112xf32, #tpu.memory_space<vmem>> -> memref<1x112xf32, #tpu.memory_space<vmem>>
    %dma_start3A_648 = arith.constant 0 : i32
    %dma_start3A_649 = tpu.memref_slice %arg2[%squeeze3A_644, %dma_start3A_648] : memref<100000x112xf32, #tpu.memory_space<hbm>> -> memref<1x112xf32, #tpu.memory_space<hbm>>
    %dma_start3A_650 = arith.constant 29 : i32
    %dma_start3A_651 = arith.constant 0 : i32
    %dma_start3A_652 = tpu.memref_slice %arg8[%dma_start3A_650, %dma_start3A_651] : memref<32x112xf32, #tpu.memory_space<vmem>> -> memref<1x112xf32, #tpu.memory_space<vmem>>
    %dma_start3A_653 = arith.constant 0 : i32
    %dma_start3A_654 = tpu.memref_slice %arg2[%squeeze3A_644, %dma_start3A_653] : memref<100000x112xf32, #tpu.memory_space<hbm>> -> memref<1x112xf32, #tpu.memory_space<hbm>>
    tpu.enqueue_dma source(%dma_start3A_654 : memref<1x112xf32, #tpu.memory_space<hbm>>) target(%dma_start3A_652 : memref<1x112xf32, #tpu.memory_space<vmem>>) target_semaphore(%arg10 : memref<!tpu.dma_semaphore, #tpu.memory_space<semaphore_mem>>)
    %dma_start3A_655 = arith.constant 29 : i32
    %dma_start3A_656 = arith.constant 0 : i32
    %dma_start3A_657 = tpu.memref_slice %arg9[%dma_start3A_655, %dma_start3A_656] : memref<32x109xf32, #tpu.memory_space<vmem>> -> memref<1x109xf32, #tpu.memory_space<vmem>>
    %dma_start3A_658 = arith.constant 0 : i32
    %dma_start3A_659 = tpu.memref_slice %arg3[%squeeze3A_644, %dma_start3A_658] : memref<100000x109xf32, #tpu.memory_space<hbm>> -> memref<1x109xf32, #tpu.memory_space<hbm>>
    %dma_start3A_660 = arith.constant 29 : i32
    %dma_start3A_661 = arith.constant 0 : i32
    %dma_start3A_662 = tpu.memref_slice %arg9[%dma_start3A_660, %dma_start3A_661] : memref<32x109xf32, #tpu.memory_space<vmem>> -> memref<1x109xf32, #tpu.memory_space<vmem>>
    %dma_start3A_663 = arith.constant 0 : i32
    %dma_start3A_664 = tpu.memref_slice %arg3[%squeeze3A_644, %dma_start3A_663] : memref<100000x109xf32, #tpu.memory_space<hbm>> -> memref<1x109xf32, #tpu.memory_space<hbm>>
    tpu.enqueue_dma source(%dma_start3A_664 : memref<1x109xf32, #tpu.memory_space<hbm>>) target(%dma_start3A_662 : memref<1x109xf32, #tpu.memory_space<vmem>>) target_semaphore(%arg11 : memref<!tpu.dma_semaphore, #tpu.memory_space<semaphore_mem>>)
    %slice3A_665 = vector.extract_strided_slice %get3A_356 {offsets = [14], sizes = [1], strides = [1]} : vector<16xi32> to vector<1xi32>
    %squeeze3A_666 = vector.extract %slice3A_665[0] : i32 from vector<1xi32>
    %dma_start3A_667 = arith.constant 30 : i32
    %dma_start3A_668 = arith.constant 0 : i32
    %dma_start3A_669 = tpu.memref_slice %arg8[%dma_start3A_667, %dma_start3A_668] : memref<32x112xf32, #tpu.memory_space<vmem>> -> memref<1x112xf32, #tpu.memory_space<vmem>>
    %dma_start3A_670 = arith.constant 0 : i32
    %dma_start3A_671 = tpu.memref_slice %arg2[%squeeze3A_666, %dma_start3A_670] : memref<100000x112xf32, #tpu.memory_space<hbm>> -> memref<1x112xf32, #tpu.memory_space<hbm>>
    %dma_start3A_672 = arith.constant 30 : i32
    %dma_start3A_673 = arith.constant 0 : i32
    %dma_start3A_674 = tpu.memref_slice %arg8[%dma_start3A_672, %dma_start3A_673] : memref<32x112xf32, #tpu.memory_space<vmem>> -> memref<1x112xf32, #tpu.memory_space<vmem>>
    %dma_start3A_675 = arith.constant 0 : i32
    %dma_start3A_676 = tpu.memref_slice %arg2[%squeeze3A_666, %dma_start3A_675] : memref<100000x112xf32, #tpu.memory_space<hbm>> -> memref<1x112xf32, #tpu.memory_space<hbm>>
    tpu.enqueue_dma source(%dma_start3A_676 : memref<1x112xf32, #tpu.memory_space<hbm>>) target(%dma_start3A_674 : memref<1x112xf32, #tpu.memory_space<vmem>>) target_semaphore(%arg10 : memref<!tpu.dma_semaphore, #tpu.memory_space<semaphore_mem>>)
    %dma_start3A_677 = arith.constant 30 : i32
    %dma_start3A_678 = arith.constant 0 : i32
    %dma_start3A_679 = tpu.memref_slice %arg9[%dma_start3A_677, %dma_start3A_678] : memref<32x109xf32, #tpu.memory_space<vmem>> -> memref<1x109xf32, #tpu.memory_space<vmem>>
    %dma_start3A_680 = arith.constant 0 : i32
    %dma_start3A_681 = tpu.memref_slice %arg3[%squeeze3A_666, %dma_start3A_680] : memref<100000x109xf32, #tpu.memory_space<hbm>> -> memref<1x109xf32, #tpu.memory_space<hbm>>
    %dma_start3A_682 = arith.constant 30 : i32
    %dma_start3A_683 = arith.constant 0 : i32
    %dma_start3A_684 = tpu.memref_slice %arg9[%dma_start3A_682, %dma_start3A_683] : memref<32x109xf32, #tpu.memory_space<vmem>> -> memref<1x109xf32, #tpu.memory_space<vmem>>
    %dma_start3A_685 = arith.constant 0 : i32
    %dma_start3A_686 = tpu.memref_slice %arg3[%squeeze3A_666, %dma_start3A_685] : memref<100000x109xf32, #tpu.memory_space<hbm>> -> memref<1x109xf32, #tpu.memory_space<hbm>>
    tpu.enqueue_dma source(%dma_start3A_686 : memref<1x109xf32, #tpu.memory_space<hbm>>) target(%dma_start3A_684 : memref<1x109xf32, #tpu.memory_space<vmem>>) target_semaphore(%arg11 : memref<!tpu.dma_semaphore, #tpu.memory_space<semaphore_mem>>)
    %slice3A_687 = vector.extract_strided_slice %get3A_356 {offsets = [15], sizes = [1], strides = [1]} : vector<16xi32> to vector<1xi32>
    %squeeze3A_688 = vector.extract %slice3A_687[0] : i32 from vector<1xi32>
    %dma_start3A_689 = arith.constant 31 : i32
    %dma_start3A_690 = arith.constant 0 : i32
    %dma_start3A_691 = tpu.memref_slice %arg8[%dma_start3A_689, %dma_start3A_690] : memref<32x112xf32, #tpu.memory_space<vmem>> -> memref<1x112xf32, #tpu.memory_space<vmem>>
    %dma_start3A_692 = arith.constant 0 : i32
    %dma_start3A_693 = tpu.memref_slice %arg2[%squeeze3A_688, %dma_start3A_692] : memref<100000x112xf32, #tpu.memory_space<hbm>> -> memref<1x112xf32, #tpu.memory_space<hbm>>
    %dma_start3A_694 = arith.constant 31 : i32
    %dma_start3A_695 = arith.constant 0 : i32
    %dma_start3A_696 = tpu.memref_slice %arg8[%dma_start3A_694, %dma_start3A_695] : memref<32x112xf32, #tpu.memory_space<vmem>> -> memref<1x112xf32, #tpu.memory_space<vmem>>
    %dma_start3A_697 = arith.constant 0 : i32
    %dma_start3A_698 = tpu.memref_slice %arg2[%squeeze3A_688, %dma_start3A_697] : memref<100000x112xf32, #tpu.memory_space<hbm>> -> memref<1x112xf32, #tpu.memory_space<hbm>>
    tpu.enqueue_dma source(%dma_start3A_698 : memref<1x112xf32, #tpu.memory_space<hbm>>) target(%dma_start3A_696 : memref<1x112xf32, #tpu.memory_space<vmem>>) target_semaphore(%arg10 : memref<!tpu.dma_semaphore, #tpu.memory_space<semaphore_mem>>)
    %dma_start3A_699 = arith.constant 31 : i32
    %dma_start3A_700 = arith.constant 0 : i32
    %dma_start3A_701 = tpu.memref_slice %arg9[%dma_start3A_699, %dma_start3A_700] : memref<32x109xf32, #tpu.memory_space<vmem>> -> memref<1x109xf32, #tpu.memory_space<vmem>>
    %dma_start3A_702 = arith.constant 0 : i32
    %dma_start3A_703 = tpu.memref_slice %arg3[%squeeze3A_688, %dma_start3A_702] : memref<100000x109xf32, #tpu.memory_space<hbm>> -> memref<1x109xf32, #tpu.memory_space<hbm>>
    %dma_start3A_704 = arith.constant 31 : i32
    %dma_start3A_705 = arith.constant 0 : i32
    %dma_start3A_706 = tpu.memref_slice %arg9[%dma_start3A_704, %dma_start3A_705] : memref<32x109xf32, #tpu.memory_space<vmem>> -> memref<1x109xf32, #tpu.memory_space<vmem>>
    %dma_start3A_707 = arith.constant 0 : i32
    %dma_start3A_708 = tpu.memref_slice %arg3[%squeeze3A_688, %dma_start3A_707] : memref<100000x109xf32, #tpu.memory_space<hbm>> -> memref<1x109xf32, #tpu.memory_space<hbm>>
    tpu.enqueue_dma source(%dma_start3A_708 : memref<1x109xf32, #tpu.memory_space<hbm>>) target(%dma_start3A_706 : memref<1x109xf32, #tpu.memory_space<vmem>>) target_semaphore(%arg11 : memref<!tpu.dma_semaphore, #tpu.memory_space<semaphore_mem>>)
    %dma_wait3A = arith.constant 0 : i32
    %dma_wait3A_709 = arith.constant 0 : i32
    %dma_wait3A_710 = tpu.memref_slice %arg8[%dma_wait3A, %dma_wait3A_709] : memref<32x112xf32, #tpu.memory_space<vmem>> -> memref<1x112xf32, #tpu.memory_space<vmem>>
    %dma_wait3A_711 = arith.constant 0 : i32
    %dma_wait3A_712 = tpu.memref_slice %arg2[%squeeze3A, %dma_wait3A_711] : memref<100000x112xf32, #tpu.memory_space<hbm>> -> memref<1x112xf32, #tpu.memory_space<hbm>>
    %dma_wait3A_713 = arith.constant 0 : i32
    %dma_wait3A_714 = arith.constant 0 : i32
    %dma_wait3A_715 = tpu.memref_slice %arg8[%dma_wait3A_713, %dma_wait3A_714] : memref<32x112xf32, #tpu.memory_space<vmem>> -> memref<1x112xf32, #tpu.memory_space<vmem>>
    %dma_wait3A_716 = arith.constant 0 : i32
    %dma_wait3A_717 = tpu.memref_slice %arg2[%squeeze3A, %dma_wait3A_716] : memref<100000x112xf32, #tpu.memory_space<hbm>> -> memref<1x112xf32, #tpu.memory_space<hbm>>
    tpu.wait_dma2 semaphore(%arg10 : memref<!tpu.dma_semaphore, #tpu.memory_space<semaphore_mem>>) src(%dma_wait3A_717 : memref<1x112xf32, #tpu.memory_space<hbm>>) dst(%dma_wait3A_715 : memref<1x112xf32, #tpu.memory_space<vmem>>)
    %dma_wait3A_718 = arith.constant 0 : i32
    %dma_wait3A_719 = arith.constant 0 : i32
    %dma_wait3A_720 = tpu.memref_slice %arg9[%dma_wait3A_718, %dma_wait3A_719] : memref<32x109xf32, #tpu.memory_space<vmem>> -> memref<1x109xf32, #tpu.memory_space<vmem>>
    %dma_wait3A_721 = arith.constant 0 : i32
    %dma_wait3A_722 = tpu.memref_slice %arg3[%squeeze3A, %dma_wait3A_721] : memref<100000x109xf32, #tpu.memory_space<hbm>> -> memref<1x109xf32, #tpu.memory_space<hbm>>
    %dma_wait3A_723 = arith.constant 0 : i32
    %dma_wait3A_724 = arith.constant 0 : i32
    %dma_wait3A_725 = tpu.memref_slice %arg9[%dma_wait3A_723, %dma_wait3A_724] : memref<32x109xf32, #tpu.memory_space<vmem>> -> memref<1x109xf32, #tpu.memory_space<vmem>>
    %dma_wait3A_726 = arith.constant 0 : i32
    %dma_wait3A_727 = tpu.memref_slice %arg3[%squeeze3A, %dma_wait3A_726] : memref<100000x109xf32, #tpu.memory_space<hbm>> -> memref<1x109xf32, #tpu.memory_space<hbm>>
    tpu.wait_dma2 semaphore(%arg11 : memref<!tpu.dma_semaphore, #tpu.memory_space<semaphore_mem>>) src(%dma_wait3A_727 : memref<1x109xf32, #tpu.memory_space<hbm>>) dst(%dma_wait3A_725 : memref<1x109xf32, #tpu.memory_space<vmem>>)
    %dma_wait3A_728 = arith.constant 1 : i32
    %dma_wait3A_729 = arith.constant 0 : i32
    %dma_wait3A_730 = tpu.memref_slice %arg8[%dma_wait3A_728, %dma_wait3A_729] : memref<32x112xf32, #tpu.memory_space<vmem>> -> memref<1x112xf32, #tpu.memory_space<vmem>>
    %dma_wait3A_731 = arith.constant 0 : i32
    %dma_wait3A_732 = tpu.memref_slice %arg2[%squeeze3A_25, %dma_wait3A_731] : memref<100000x112xf32, #tpu.memory_space<hbm>> -> memref<1x112xf32, #tpu.memory_space<hbm>>
    %dma_wait3A_733 = arith.constant 1 : i32
    %dma_wait3A_734 = arith.constant 0 : i32
    %dma_wait3A_735 = tpu.memref_slice %arg8[%dma_wait3A_733, %dma_wait3A_734] : memref<32x112xf32, #tpu.memory_space<vmem>> -> memref<1x112xf32, #tpu.memory_space<vmem>>
    %dma_wait3A_736 = arith.constant 0 : i32
    %dma_wait3A_737 = tpu.memref_slice %arg2[%squeeze3A_25, %dma_wait3A_736] : memref<100000x112xf32, #tpu.memory_space<hbm>> -> memref<1x112xf32, #tpu.memory_space<hbm>>
    tpu.wait_dma2 semaphore(%arg10 : memref<!tpu.dma_semaphore, #tpu.memory_space<semaphore_mem>>) src(%dma_wait3A_737 : memref<1x112xf32, #tpu.memory_space<hbm>>) dst(%dma_wait3A_735 : memref<1x112xf32, #tpu.memory_space<vmem>>)
    %dma_wait3A_738 = arith.constant 1 : i32
    %dma_wait3A_739 = arith.constant 0 : i32
    %dma_wait3A_740 = tpu.memref_slice %arg9[%dma_wait3A_738, %dma_wait3A_739] : memref<32x109xf32, #tpu.memory_space<vmem>> -> memref<1x109xf32, #tpu.memory_space<vmem>>
    %dma_wait3A_741 = arith.constant 0 : i32
    %dma_wait3A_742 = tpu.memref_slice %arg3[%squeeze3A_25, %dma_wait3A_741] : memref<100000x109xf32, #tpu.memory_space<hbm>> -> memref<1x109xf32, #tpu.memory_space<hbm>>
    %dma_wait3A_743 = arith.constant 1 : i32
    %dma_wait3A_744 = arith.constant 0 : i32
    %dma_wait3A_745 = tpu.memref_slice %arg9[%dma_wait3A_743, %dma_wait3A_744] : memref<32x109xf32, #tpu.memory_space<vmem>> -> memref<1x109xf32, #tpu.memory_space<vmem>>
    %dma_wait3A_746 = arith.constant 0 : i32
    %dma_wait3A_747 = tpu.memref_slice %arg3[%squeeze3A_25, %dma_wait3A_746] : memref<100000x109xf32, #tpu.memory_space<hbm>> -> memref<1x109xf32, #tpu.memory_space<hbm>>
    tpu.wait_dma2 semaphore(%arg11 : memref<!tpu.dma_semaphore, #tpu.memory_space<semaphore_mem>>) src(%dma_wait3A_747 : memref<1x109xf32, #tpu.memory_space<hbm>>) dst(%dma_wait3A_745 : memref<1x109xf32, #tpu.memory_space<vmem>>)
    %dma_wait3A_748 = arith.constant 2 : i32
    %dma_wait3A_749 = arith.constant 0 : i32
    %dma_wait3A_750 = tpu.memref_slice %arg8[%dma_wait3A_748, %dma_wait3A_749] : memref<32x112xf32, #tpu.memory_space<vmem>> -> memref<1x112xf32, #tpu.memory_space<vmem>>
    %dma_wait3A_751 = arith.constant 0 : i32
    %dma_wait3A_752 = tpu.memref_slice %arg2[%squeeze3A_47, %dma_wait3A_751] : memref<100000x112xf32, #tpu.memory_space<hbm>> -> memref<1x112xf32, #tpu.memory_space<hbm>>
    %dma_wait3A_753 = arith.constant 2 : i32
    %dma_wait3A_754 = arith.constant 0 : i32
    %dma_wait3A_755 = tpu.memref_slice %arg8[%dma_wait3A_753, %dma_wait3A_754] : memref<32x112xf32, #tpu.memory_space<vmem>> -> memref<1x112xf32, #tpu.memory_space<vmem>>
    %dma_wait3A_756 = arith.constant 0 : i32
    %dma_wait3A_757 = tpu.memref_slice %arg2[%squeeze3A_47, %dma_wait3A_756] : memref<100000x112xf32, #tpu.memory_space<hbm>> -> memref<1x112xf32, #tpu.memory_space<hbm>>
    tpu.wait_dma2 semaphore(%arg10 : memref<!tpu.dma_semaphore, #tpu.memory_space<semaphore_mem>>) src(%dma_wait3A_757 : memref<1x112xf32, #tpu.memory_space<hbm>>) dst(%dma_wait3A_755 : memref<1x112xf32, #tpu.memory_space<vmem>>)
    %dma_wait3A_758 = arith.constant 2 : i32
    %dma_wait3A_759 = arith.constant 0 : i32
    %dma_wait3A_760 = tpu.memref_slice %arg9[%dma_wait3A_758, %dma_wait3A_759] : memref<32x109xf32, #tpu.memory_space<vmem>> -> memref<1x109xf32, #tpu.memory_space<vmem>>
    %dma_wait3A_761 = arith.constant 0 : i32
    %dma_wait3A_762 = tpu.memref_slice %arg3[%squeeze3A_47, %dma_wait3A_761] : memref<100000x109xf32, #tpu.memory_space<hbm>> -> memref<1x109xf32, #tpu.memory_space<hbm>>
    %dma_wait3A_763 = arith.constant 2 : i32
    %dma_wait3A_764 = arith.constant 0 : i32
    %dma_wait3A_765 = tpu.memref_slice %arg9[%dma_wait3A_763, %dma_wait3A_764] : memref<32x109xf32, #tpu.memory_space<vmem>> -> memref<1x109xf32, #tpu.memory_space<vmem>>
    %dma_wait3A_766 = arith.constant 0 : i32
    %dma_wait3A_767 = tpu.memref_slice %arg3[%squeeze3A_47, %dma_wait3A_766] : memref<100000x109xf32, #tpu.memory_space<hbm>> -> memref<1x109xf32, #tpu.memory_space<hbm>>
    tpu.wait_dma2 semaphore(%arg11 : memref<!tpu.dma_semaphore, #tpu.memory_space<semaphore_mem>>) src(%dma_wait3A_767 : memref<1x109xf32, #tpu.memory_space<hbm>>) dst(%dma_wait3A_765 : memref<1x109xf32, #tpu.memory_space<vmem>>)
    %dma_wait3A_768 = arith.constant 3 : i32
    %dma_wait3A_769 = arith.constant 0 : i32
    %dma_wait3A_770 = tpu.memref_slice %arg8[%dma_wait3A_768, %dma_wait3A_769] : memref<32x112xf32, #tpu.memory_space<vmem>> -> memref<1x112xf32, #tpu.memory_space<vmem>>
    %dma_wait3A_771 = arith.constant 0 : i32
    %dma_wait3A_772 = tpu.memref_slice %arg2[%squeeze3A_69, %dma_wait3A_771] : memref<100000x112xf32, #tpu.memory_space<hbm>> -> memref<1x112xf32, #tpu.memory_space<hbm>>
    %dma_wait3A_773 = arith.constant 3 : i32
    %dma_wait3A_774 = arith.constant 0 : i32
    %dma_wait3A_775 = tpu.memref_slice %arg8[%dma_wait3A_773, %dma_wait3A_774] : memref<32x112xf32, #tpu.memory_space<vmem>> -> memref<1x112xf32, #tpu.memory_space<vmem>>
    %dma_wait3A_776 = arith.constant 0 : i32
    %dma_wait3A_777 = tpu.memref_slice %arg2[%squeeze3A_69, %dma_wait3A_776] : memref<100000x112xf32, #tpu.memory_space<hbm>> -> memref<1x112xf32, #tpu.memory_space<hbm>>
    tpu.wait_dma2 semaphore(%arg10 : memref<!tpu.dma_semaphore, #tpu.memory_space<semaphore_mem>>) src(%dma_wait3A_777 : memref<1x112xf32, #tpu.memory_space<hbm>>) dst(%dma_wait3A_775 : memref<1x112xf32, #tpu.memory_space<vmem>>)
    %dma_wait3A_778 = arith.constant 3 : i32
    %dma_wait3A_779 = arith.constant 0 : i32
    %dma_wait3A_780 = tpu.memref_slice %arg9[%dma_wait3A_778, %dma_wait3A_779] : memref<32x109xf32, #tpu.memory_space<vmem>> -> memref<1x109xf32, #tpu.memory_space<vmem>>
    %dma_wait3A_781 = arith.constant 0 : i32
    %dma_wait3A_782 = tpu.memref_slice %arg3[%squeeze3A_69, %dma_wait3A_781] : memref<100000x109xf32, #tpu.memory_space<hbm>> -> memref<1x109xf32, #tpu.memory_space<hbm>>
    %dma_wait3A_783 = arith.constant 3 : i32
    %dma_wait3A_784 = arith.constant 0 : i32
    %dma_wait3A_785 = tpu.memref_slice %arg9[%dma_wait3A_783, %dma_wait3A_784] : memref<32x109xf32, #tpu.memory_space<vmem>> -> memref<1x109xf32, #tpu.memory_space<vmem>>
    %dma_wait3A_786 = arith.constant 0 : i32
    %dma_wait3A_787 = tpu.memref_slice %arg3[%squeeze3A_69, %dma_wait3A_786] : memref<100000x109xf32, #tpu.memory_space<hbm>> -> memref<1x109xf32, #tpu.memory_space<hbm>>
    tpu.wait_dma2 semaphore(%arg11 : memref<!tpu.dma_semaphore, #tpu.memory_space<semaphore_mem>>) src(%dma_wait3A_787 : memref<1x109xf32, #tpu.memory_space<hbm>>) dst(%dma_wait3A_785 : memref<1x109xf32, #tpu.memory_space<vmem>>)
    %dma_wait3A_788 = arith.constant 4 : i32
    %dma_wait3A_789 = arith.constant 0 : i32
    %dma_wait3A_790 = tpu.memref_slice %arg8[%dma_wait3A_788, %dma_wait3A_789] : memref<32x112xf32, #tpu.memory_space<vmem>> -> memref<1x112xf32, #tpu.memory_space<vmem>>
    %dma_wait3A_791 = arith.constant 0 : i32
    %dma_wait3A_792 = tpu.memref_slice %arg2[%squeeze3A_91, %dma_wait3A_791] : memref<100000x112xf32, #tpu.memory_space<hbm>> -> memref<1x112xf32, #tpu.memory_space<hbm>>
    %dma_wait3A_793 = arith.constant 4 : i32
    %dma_wait3A_794 = arith.constant 0 : i32
    %dma_wait3A_795 = tpu.memref_slice %arg8[%dma_wait3A_793, %dma_wait3A_794] : memref<32x112xf32, #tpu.memory_space<vmem>> -> memref<1x112xf32, #tpu.memory_space<vmem>>
    %dma_wait3A_796 = arith.constant 0 : i32
    %dma_wait3A_797 = tpu.memref_slice %arg2[%squeeze3A_91, %dma_wait3A_796] : memref<100000x112xf32, #tpu.memory_space<hbm>> -> memref<1x112xf32, #tpu.memory_space<hbm>>
    tpu.wait_dma2 semaphore(%arg10 : memref<!tpu.dma_semaphore, #tpu.memory_space<semaphore_mem>>) src(%dma_wait3A_797 : memref<1x112xf32, #tpu.memory_space<hbm>>) dst(%dma_wait3A_795 : memref<1x112xf32, #tpu.memory_space<vmem>>)
    %dma_wait3A_798 = arith.constant 4 : i32
    %dma_wait3A_799 = arith.constant 0 : i32
    %dma_wait3A_800 = tpu.memref_slice %arg9[%dma_wait3A_798, %dma_wait3A_799] : memref<32x109xf32, #tpu.memory_space<vmem>> -> memref<1x109xf32, #tpu.memory_space<vmem>>
    %dma_wait3A_801 = arith.constant 0 : i32
    %dma_wait3A_802 = tpu.memref_slice %arg3[%squeeze3A_91, %dma_wait3A_801] : memref<100000x109xf32, #tpu.memory_space<hbm>> -> memref<1x109xf32, #tpu.memory_space<hbm>>
    %dma_wait3A_803 = arith.constant 4 : i32
    %dma_wait3A_804 = arith.constant 0 : i32
    %dma_wait3A_805 = tpu.memref_slice %arg9[%dma_wait3A_803, %dma_wait3A_804] : memref<32x109xf32, #tpu.memory_space<vmem>> -> memref<1x109xf32, #tpu.memory_space<vmem>>
    %dma_wait3A_806 = arith.constant 0 : i32
    %dma_wait3A_807 = tpu.memref_slice %arg3[%squeeze3A_91, %dma_wait3A_806] : memref<100000x109xf32, #tpu.memory_space<hbm>> -> memref<1x109xf32, #tpu.memory_space<hbm>>
    tpu.wait_dma2 semaphore(%arg11 : memref<!tpu.dma_semaphore, #tpu.memory_space<semaphore_mem>>) src(%dma_wait3A_807 : memref<1x109xf32, #tpu.memory_space<hbm>>) dst(%dma_wait3A_805 : memref<1x109xf32, #tpu.memory_space<vmem>>)
    %dma_wait3A_808 = arith.constant 5 : i32
    %dma_wait3A_809 = arith.constant 0 : i32
    %dma_wait3A_810 = tpu.memref_slice %arg8[%dma_wait3A_808, %dma_wait3A_809] : memref<32x112xf32, #tpu.memory_space<vmem>> -> memref<1x112xf32, #tpu.memory_space<vmem>>
    %dma_wait3A_811 = arith.constant 0 : i32
    %dma_wait3A_812 = tpu.memref_slice %arg2[%squeeze3A_113, %dma_wait3A_811] : memref<100000x112xf32, #tpu.memory_space<hbm>> -> memref<1x112xf32, #tpu.memory_space<hbm>>
    %dma_wait3A_813 = arith.constant 5 : i32
    %dma_wait3A_814 = arith.constant 0 : i32
    %dma_wait3A_815 = tpu.memref_slice %arg8[%dma_wait3A_813, %dma_wait3A_814] : memref<32x112xf32, #tpu.memory_space<vmem>> -> memref<1x112xf32, #tpu.memory_space<vmem>>
    %dma_wait3A_816 = arith.constant 0 : i32
    %dma_wait3A_817 = tpu.memref_slice %arg2[%squeeze3A_113, %dma_wait3A_816] : memref<100000x112xf32, #tpu.memory_space<hbm>> -> memref<1x112xf32, #tpu.memory_space<hbm>>
    tpu.wait_dma2 semaphore(%arg10 : memref<!tpu.dma_semaphore, #tpu.memory_space<semaphore_mem>>) src(%dma_wait3A_817 : memref<1x112xf32, #tpu.memory_space<hbm>>) dst(%dma_wait3A_815 : memref<1x112xf32, #tpu.memory_space<vmem>>)
    %dma_wait3A_818 = arith.constant 5 : i32
    %dma_wait3A_819 = arith.constant 0 : i32
    %dma_wait3A_820 = tpu.memref_slice %arg9[%dma_wait3A_818, %dma_wait3A_819] : memref<32x109xf32, #tpu.memory_space<vmem>> -> memref<1x109xf32, #tpu.memory_space<vmem>>
    %dma_wait3A_821 = arith.constant 0 : i32
    %dma_wait3A_822 = tpu.memref_slice %arg3[%squeeze3A_113, %dma_wait3A_821] : memref<100000x109xf32, #tpu.memory_space<hbm>> -> memref<1x109xf32, #tpu.memory_space<hbm>>
    %dma_wait3A_823 = arith.constant 5 : i32
    %dma_wait3A_824 = arith.constant 0 : i32
    %dma_wait3A_825 = tpu.memref_slice %arg9[%dma_wait3A_823, %dma_wait3A_824] : memref<32x109xf32, #tpu.memory_space<vmem>> -> memref<1x109xf32, #tpu.memory_space<vmem>>
    %dma_wait3A_826 = arith.constant 0 : i32
    %dma_wait3A_827 = tpu.memref_slice %arg3[%squeeze3A_113, %dma_wait3A_826] : memref<100000x109xf32, #tpu.memory_space<hbm>> -> memref<1x109xf32, #tpu.memory_space<hbm>>
    tpu.wait_dma2 semaphore(%arg11 : memref<!tpu.dma_semaphore, #tpu.memory_space<semaphore_mem>>) src(%dma_wait3A_827 : memref<1x109xf32, #tpu.memory_space<hbm>>) dst(%dma_wait3A_825 : memref<1x109xf32, #tpu.memory_space<vmem>>)
    %dma_wait3A_828 = arith.constant 6 : i32
    %dma_wait3A_829 = arith.constant 0 : i32
    %dma_wait3A_830 = tpu.memref_slice %arg8[%dma_wait3A_828, %dma_wait3A_829] : memref<32x112xf32, #tpu.memory_space<vmem>> -> memref<1x112xf32, #tpu.memory_space<vmem>>
    %dma_wait3A_831 = arith.constant 0 : i32
    %dma_wait3A_832 = tpu.memref_slice %arg2[%squeeze3A_135, %dma_wait3A_831] : memref<100000x112xf32, #tpu.memory_space<hbm>> -> memref<1x112xf32, #tpu.memory_space<hbm>>
    %dma_wait3A_833 = arith.constant 6 : i32
    %dma_wait3A_834 = arith.constant 0 : i32
    %dma_wait3A_835 = tpu.memref_slice %arg8[%dma_wait3A_833, %dma_wait3A_834] : memref<32x112xf32, #tpu.memory_space<vmem>> -> memref<1x112xf32, #tpu.memory_space<vmem>>
    %dma_wait3A_836 = arith.constant 0 : i32
    %dma_wait3A_837 = tpu.memref_slice %arg2[%squeeze3A_135, %dma_wait3A_836] : memref<100000x112xf32, #tpu.memory_space<hbm>> -> memref<1x112xf32, #tpu.memory_space<hbm>>
    tpu.wait_dma2 semaphore(%arg10 : memref<!tpu.dma_semaphore, #tpu.memory_space<semaphore_mem>>) src(%dma_wait3A_837 : memref<1x112xf32, #tpu.memory_space<hbm>>) dst(%dma_wait3A_835 : memref<1x112xf32, #tpu.memory_space<vmem>>)
    %dma_wait3A_838 = arith.constant 6 : i32
    %dma_wait3A_839 = arith.constant 0 : i32
    %dma_wait3A_840 = tpu.memref_slice %arg9[%dma_wait3A_838, %dma_wait3A_839] : memref<32x109xf32, #tpu.memory_space<vmem>> -> memref<1x109xf32, #tpu.memory_space<vmem>>
    %dma_wait3A_841 = arith.constant 0 : i32
    %dma_wait3A_842 = tpu.memref_slice %arg3[%squeeze3A_135, %dma_wait3A_841] : memref<100000x109xf32, #tpu.memory_space<hbm>> -> memref<1x109xf32, #tpu.memory_space<hbm>>
    %dma_wait3A_843 = arith.constant 6 : i32
    %dma_wait3A_844 = arith.constant 0 : i32
    %dma_wait3A_845 = tpu.memref_slice %arg9[%dma_wait3A_843, %dma_wait3A_844] : memref<32x109xf32, #tpu.memory_space<vmem>> -> memref<1x109xf32, #tpu.memory_space<vmem>>
    %dma_wait3A_846 = arith.constant 0 : i32
    %dma_wait3A_847 = tpu.memref_slice %arg3[%squeeze3A_135, %dma_wait3A_846] : memref<100000x109xf32, #tpu.memory_space<hbm>> -> memref<1x109xf32, #tpu.memory_space<hbm>>
    tpu.wait_dma2 semaphore(%arg11 : memref<!tpu.dma_semaphore, #tpu.memory_space<semaphore_mem>>) src(%dma_wait3A_847 : memref<1x109xf32, #tpu.memory_space<hbm>>) dst(%dma_wait3A_845 : memref<1x109xf32, #tpu.memory_space<vmem>>)
    %dma_wait3A_848 = arith.constant 7 : i32
    %dma_wait3A_849 = arith.constant 0 : i32
    %dma_wait3A_850 = tpu.memref_slice %arg8[%dma_wait3A_848, %dma_wait3A_849] : memref<32x112xf32, #tpu.memory_space<vmem>> -> memref<1x112xf32, #tpu.memory_space<vmem>>
    %dma_wait3A_851 = arith.constant 0 : i32
    %dma_wait3A_852 = tpu.memref_slice %arg2[%squeeze3A_157, %dma_wait3A_851] : memref<100000x112xf32, #tpu.memory_space<hbm>> -> memref<1x112xf32, #tpu.memory_space<hbm>>
    %dma_wait3A_853 = arith.constant 7 : i32
    %dma_wait3A_854 = arith.constant 0 : i32
    %dma_wait3A_855 = tpu.memref_slice %arg8[%dma_wait3A_853, %dma_wait3A_854] : memref<32x112xf32, #tpu.memory_space<vmem>> -> memref<1x112xf32, #tpu.memory_space<vmem>>
    %dma_wait3A_856 = arith.constant 0 : i32
    %dma_wait3A_857 = tpu.memref_slice %arg2[%squeeze3A_157, %dma_wait3A_856] : memref<100000x112xf32, #tpu.memory_space<hbm>> -> memref<1x112xf32, #tpu.memory_space<hbm>>
    tpu.wait_dma2 semaphore(%arg10 : memref<!tpu.dma_semaphore, #tpu.memory_space<semaphore_mem>>) src(%dma_wait3A_857 : memref<1x112xf32, #tpu.memory_space<hbm>>) dst(%dma_wait3A_855 : memref<1x112xf32, #tpu.memory_space<vmem>>)
    %dma_wait3A_858 = arith.constant 7 : i32
    %dma_wait3A_859 = arith.constant 0 : i32
    %dma_wait3A_860 = tpu.memref_slice %arg9[%dma_wait3A_858, %dma_wait3A_859] : memref<32x109xf32, #tpu.memory_space<vmem>> -> memref<1x109xf32, #tpu.memory_space<vmem>>
    %dma_wait3A_861 = arith.constant 0 : i32
    %dma_wait3A_862 = tpu.memref_slice %arg3[%squeeze3A_157, %dma_wait3A_861] : memref<100000x109xf32, #tpu.memory_space<hbm>> -> memref<1x109xf32, #tpu.memory_space<hbm>>
    %dma_wait3A_863 = arith.constant 7 : i32
    %dma_wait3A_864 = arith.constant 0 : i32
    %dma_wait3A_865 = tpu.memref_slice %arg9[%dma_wait3A_863, %dma_wait3A_864] : memref<32x109xf32, #tpu.memory_space<vmem>> -> memref<1x109xf32, #tpu.memory_space<vmem>>
    %dma_wait3A_866 = arith.constant 0 : i32
    %dma_wait3A_867 = tpu.memref_slice %arg3[%squeeze3A_157, %dma_wait3A_866] : memref<100000x109xf32, #tpu.memory_space<hbm>> -> memref<1x109xf32, #tpu.memory_space<hbm>>
    tpu.wait_dma2 semaphore(%arg11 : memref<!tpu.dma_semaphore, #tpu.memory_space<semaphore_mem>>) src(%dma_wait3A_867 : memref<1x109xf32, #tpu.memory_space<hbm>>) dst(%dma_wait3A_865 : memref<1x109xf32, #tpu.memory_space<vmem>>)
    %dma_wait3A_868 = arith.constant 8 : i32
    %dma_wait3A_869 = arith.constant 0 : i32
    %dma_wait3A_870 = tpu.memref_slice %arg8[%dma_wait3A_868, %dma_wait3A_869] : memref<32x112xf32, #tpu.memory_space<vmem>> -> memref<1x112xf32, #tpu.memory_space<vmem>>
    %dma_wait3A_871 = arith.constant 0 : i32
    %dma_wait3A_872 = tpu.memref_slice %arg2[%squeeze3A_179, %dma_wait3A_871] : memref<100000x112xf32, #tpu.memory_space<hbm>> -> memref<1x112xf32, #tpu.memory_space<hbm>>
    %dma_wait3A_873 = arith.constant 8 : i32
    %dma_wait3A_874 = arith.constant 0 : i32
    %dma_wait3A_875 = tpu.memref_slice %arg8[%dma_wait3A_873, %dma_wait3A_874] : memref<32x112xf32, #tpu.memory_space<vmem>> -> memref<1x112xf32, #tpu.memory_space<vmem>>
    %dma_wait3A_876 = arith.constant 0 : i32
    %dma_wait3A_877 = tpu.memref_slice %arg2[%squeeze3A_179, %dma_wait3A_876] : memref<100000x112xf32, #tpu.memory_space<hbm>> -> memref<1x112xf32, #tpu.memory_space<hbm>>
    tpu.wait_dma2 semaphore(%arg10 : memref<!tpu.dma_semaphore, #tpu.memory_space<semaphore_mem>>) src(%dma_wait3A_877 : memref<1x112xf32, #tpu.memory_space<hbm>>) dst(%dma_wait3A_875 : memref<1x112xf32, #tpu.memory_space<vmem>>)
    %dma_wait3A_878 = arith.constant 8 : i32
    %dma_wait3A_879 = arith.constant 0 : i32
    %dma_wait3A_880 = tpu.memref_slice %arg9[%dma_wait3A_878, %dma_wait3A_879] : memref<32x109xf32, #tpu.memory_space<vmem>> -> memref<1x109xf32, #tpu.memory_space<vmem>>
    %dma_wait3A_881 = arith.constant 0 : i32
    %dma_wait3A_882 = tpu.memref_slice %arg3[%squeeze3A_179, %dma_wait3A_881] : memref<100000x109xf32, #tpu.memory_space<hbm>> -> memref<1x109xf32, #tpu.memory_space<hbm>>
    %dma_wait3A_883 = arith.constant 8 : i32
    %dma_wait3A_884 = arith.constant 0 : i32
    %dma_wait3A_885 = tpu.memref_slice %arg9[%dma_wait3A_883, %dma_wait3A_884] : memref<32x109xf32, #tpu.memory_space<vmem>> -> memref<1x109xf32, #tpu.memory_space<vmem>>
    %dma_wait3A_886 = arith.constant 0 : i32
    %dma_wait3A_887 = tpu.memref_slice %arg3[%squeeze3A_179, %dma_wait3A_886] : memref<100000x109xf32, #tpu.memory_space<hbm>> -> memref<1x109xf32, #tpu.memory_space<hbm>>
    tpu.wait_dma2 semaphore(%arg11 : memref<!tpu.dma_semaphore, #tpu.memory_space<semaphore_mem>>) src(%dma_wait3A_887 : memref<1x109xf32, #tpu.memory_space<hbm>>) dst(%dma_wait3A_885 : memref<1x109xf32, #tpu.memory_space<vmem>>)
    %dma_wait3A_888 = arith.constant 9 : i32
    %dma_wait3A_889 = arith.constant 0 : i32
    %dma_wait3A_890 = tpu.memref_slice %arg8[%dma_wait3A_888, %dma_wait3A_889] : memref<32x112xf32, #tpu.memory_space<vmem>> -> memref<1x112xf32, #tpu.memory_space<vmem>>
    %dma_wait3A_891 = arith.constant 0 : i32
    %dma_wait3A_892 = tpu.memref_slice %arg2[%squeeze3A_201, %dma_wait3A_891] : memref<100000x112xf32, #tpu.memory_space<hbm>> -> memref<1x112xf32, #tpu.memory_space<hbm>>
    %dma_wait3A_893 = arith.constant 9 : i32
    %dma_wait3A_894 = arith.constant 0 : i32
    %dma_wait3A_895 = tpu.memref_slice %arg8[%dma_wait3A_893, %dma_wait3A_894] : memref<32x112xf32, #tpu.memory_space<vmem>> -> memref<1x112xf32, #tpu.memory_space<vmem>>
    %dma_wait3A_896 = arith.constant 0 : i32
    %dma_wait3A_897 = tpu.memref_slice %arg2[%squeeze3A_201, %dma_wait3A_896] : memref<100000x112xf32, #tpu.memory_space<hbm>> -> memref<1x112xf32, #tpu.memory_space<hbm>>
    tpu.wait_dma2 semaphore(%arg10 : memref<!tpu.dma_semaphore, #tpu.memory_space<semaphore_mem>>) src(%dma_wait3A_897 : memref<1x112xf32, #tpu.memory_space<hbm>>) dst(%dma_wait3A_895 : memref<1x112xf32, #tpu.memory_space<vmem>>)
    %dma_wait3A_898 = arith.constant 9 : i32
    %dma_wait3A_899 = arith.constant 0 : i32
    %dma_wait3A_900 = tpu.memref_slice %arg9[%dma_wait3A_898, %dma_wait3A_899] : memref<32x109xf32, #tpu.memory_space<vmem>> -> memref<1x109xf32, #tpu.memory_space<vmem>>
    %dma_wait3A_901 = arith.constant 0 : i32
    %dma_wait3A_902 = tpu.memref_slice %arg3[%squeeze3A_201, %dma_wait3A_901] : memref<100000x109xf32, #tpu.memory_space<hbm>> -> memref<1x109xf32, #tpu.memory_space<hbm>>
    %dma_wait3A_903 = arith.constant 9 : i32
    %dma_wait3A_904 = arith.constant 0 : i32
    %dma_wait3A_905 = tpu.memref_slice %arg9[%dma_wait3A_903, %dma_wait3A_904] : memref<32x109xf32, #tpu.memory_space<vmem>> -> memref<1x109xf32, #tpu.memory_space<vmem>>
    %dma_wait3A_906 = arith.constant 0 : i32
    %dma_wait3A_907 = tpu.memref_slice %arg3[%squeeze3A_201, %dma_wait3A_906] : memref<100000x109xf32, #tpu.memory_space<hbm>> -> memref<1x109xf32, #tpu.memory_space<hbm>>
    tpu.wait_dma2 semaphore(%arg11 : memref<!tpu.dma_semaphore, #tpu.memory_space<semaphore_mem>>) src(%dma_wait3A_907 : memref<1x109xf32, #tpu.memory_space<hbm>>) dst(%dma_wait3A_905 : memref<1x109xf32, #tpu.memory_space<vmem>>)
    %dma_wait3A_908 = arith.constant 10 : i32
    %dma_wait3A_909 = arith.constant 0 : i32
    %dma_wait3A_910 = tpu.memref_slice %arg8[%dma_wait3A_908, %dma_wait3A_909] : memref<32x112xf32, #tpu.memory_space<vmem>> -> memref<1x112xf32, #tpu.memory_space<vmem>>
    %dma_wait3A_911 = arith.constant 0 : i32
    %dma_wait3A_912 = tpu.memref_slice %arg2[%squeeze3A_223, %dma_wait3A_911] : memref<100000x112xf32, #tpu.memory_space<hbm>> -> memref<1x112xf32, #tpu.memory_space<hbm>>
    %dma_wait3A_913 = arith.constant 10 : i32
    %dma_wait3A_914 = arith.constant 0 : i32
    %dma_wait3A_915 = tpu.memref_slice %arg8[%dma_wait3A_913, %dma_wait3A_914] : memref<32x112xf32, #tpu.memory_space<vmem>> -> memref<1x112xf32, #tpu.memory_space<vmem>>
    %dma_wait3A_916 = arith.constant 0 : i32
    %dma_wait3A_917 = tpu.memref_slice %arg2[%squeeze3A_223, %dma_wait3A_916] : memref<100000x112xf32, #tpu.memory_space<hbm>> -> memref<1x112xf32, #tpu.memory_space<hbm>>
    tpu.wait_dma2 semaphore(%arg10 : memref<!tpu.dma_semaphore, #tpu.memory_space<semaphore_mem>>) src(%dma_wait3A_917 : memref<1x112xf32, #tpu.memory_space<hbm>>) dst(%dma_wait3A_915 : memref<1x112xf32, #tpu.memory_space<vmem>>)
    %dma_wait3A_918 = arith.constant 10 : i32
    %dma_wait3A_919 = arith.constant 0 : i32
    %dma_wait3A_920 = tpu.memref_slice %arg9[%dma_wait3A_918, %dma_wait3A_919] : memref<32x109xf32, #tpu.memory_space<vmem>> -> memref<1x109xf32, #tpu.memory_space<vmem>>
    %dma_wait3A_921 = arith.constant 0 : i32
    %dma_wait3A_922 = tpu.memref_slice %arg3[%squeeze3A_223, %dma_wait3A_921] : memref<100000x109xf32, #tpu.memory_space<hbm>> -> memref<1x109xf32, #tpu.memory_space<hbm>>
    %dma_wait3A_923 = arith.constant 10 : i32
    %dma_wait3A_924 = arith.constant 0 : i32
    %dma_wait3A_925 = tpu.memref_slice %arg9[%dma_wait3A_923, %dma_wait3A_924] : memref<32x109xf32, #tpu.memory_space<vmem>> -> memref<1x109xf32, #tpu.memory_space<vmem>>
    %dma_wait3A_926 = arith.constant 0 : i32
    %dma_wait3A_927 = tpu.memref_slice %arg3[%squeeze3A_223, %dma_wait3A_926] : memref<100000x109xf32, #tpu.memory_space<hbm>> -> memref<1x109xf32, #tpu.memory_space<hbm>>
    tpu.wait_dma2 semaphore(%arg11 : memref<!tpu.dma_semaphore, #tpu.memory_space<semaphore_mem>>) src(%dma_wait3A_927 : memref<1x109xf32, #tpu.memory_space<hbm>>) dst(%dma_wait3A_925 : memref<1x109xf32, #tpu.memory_space<vmem>>)
    %dma_wait3A_928 = arith.constant 11 : i32
    %dma_wait3A_929 = arith.constant 0 : i32
    %dma_wait3A_930 = tpu.memref_slice %arg8[%dma_wait3A_928, %dma_wait3A_929] : memref<32x112xf32, #tpu.memory_space<vmem>> -> memref<1x112xf32, #tpu.memory_space<vmem>>
    %dma_wait3A_931 = arith.constant 0 : i32
    %dma_wait3A_932 = tpu.memref_slice %arg2[%squeeze3A_245, %dma_wait3A_931] : memref<100000x112xf32, #tpu.memory_space<hbm>> -> memref<1x112xf32, #tpu.memory_space<hbm>>
    %dma_wait3A_933 = arith.constant 11 : i32
    %dma_wait3A_934 = arith.constant 0 : i32
    %dma_wait3A_935 = tpu.memref_slice %arg8[%dma_wait3A_933, %dma_wait3A_934] : memref<32x112xf32, #tpu.memory_space<vmem>> -> memref<1x112xf32, #tpu.memory_space<vmem>>
    %dma_wait3A_936 = arith.constant 0 : i32
    %dma_wait3A_937 = tpu.memref_slice %arg2[%squeeze3A_245, %dma_wait3A_936] : memref<100000x112xf32, #tpu.memory_space<hbm>> -> memref<1x112xf32, #tpu.memory_space<hbm>>
    tpu.wait_dma2 semaphore(%arg10 : memref<!tpu.dma_semaphore, #tpu.memory_space<semaphore_mem>>) src(%dma_wait3A_937 : memref<1x112xf32, #tpu.memory_space<hbm>>) dst(%dma_wait3A_935 : memref<1x112xf32, #tpu.memory_space<vmem>>)
    %dma_wait3A_938 = arith.constant 11 : i32
    %dma_wait3A_939 = arith.constant 0 : i32
    %dma_wait3A_940 = tpu.memref_slice %arg9[%dma_wait3A_938, %dma_wait3A_939] : memref<32x109xf32, #tpu.memory_space<vmem>> -> memref<1x109xf32, #tpu.memory_space<vmem>>
    %dma_wait3A_941 = arith.constant 0 : i32
    %dma_wait3A_942 = tpu.memref_slice %arg3[%squeeze3A_245, %dma_wait3A_941] : memref<100000x109xf32, #tpu.memory_space<hbm>> -> memref<1x109xf32, #tpu.memory_space<hbm>>
    %dma_wait3A_943 = arith.constant 11 : i32
    %dma_wait3A_944 = arith.constant 0 : i32
    %dma_wait3A_945 = tpu.memref_slice %arg9[%dma_wait3A_943, %dma_wait3A_944] : memref<32x109xf32, #tpu.memory_space<vmem>> -> memref<1x109xf32, #tpu.memory_space<vmem>>
    %dma_wait3A_946 = arith.constant 0 : i32
    %dma_wait3A_947 = tpu.memref_slice %arg3[%squeeze3A_245, %dma_wait3A_946] : memref<100000x109xf32, #tpu.memory_space<hbm>> -> memref<1x109xf32, #tpu.memory_space<hbm>>
    tpu.wait_dma2 semaphore(%arg11 : memref<!tpu.dma_semaphore, #tpu.memory_space<semaphore_mem>>) src(%dma_wait3A_947 : memref<1x109xf32, #tpu.memory_space<hbm>>) dst(%dma_wait3A_945 : memref<1x109xf32, #tpu.memory_space<vmem>>)
    %dma_wait3A_948 = arith.constant 12 : i32
    %dma_wait3A_949 = arith.constant 0 : i32
    %dma_wait3A_950 = tpu.memref_slice %arg8[%dma_wait3A_948, %dma_wait3A_949] : memref<32x112xf32, #tpu.memory_space<vmem>> -> memref<1x112xf32, #tpu.memory_space<vmem>>
    %dma_wait3A_951 = arith.constant 0 : i32
    %dma_wait3A_952 = tpu.memref_slice %arg2[%squeeze3A_267, %dma_wait3A_951] : memref<100000x112xf32, #tpu.memory_space<hbm>> -> memref<1x112xf32, #tpu.memory_space<hbm>>
    %dma_wait3A_953 = arith.constant 12 : i32
    %dma_wait3A_954 = arith.constant 0 : i32
    %dma_wait3A_955 = tpu.memref_slice %arg8[%dma_wait3A_953, %dma_wait3A_954] : memref<32x112xf32, #tpu.memory_space<vmem>> -> memref<1x112xf32, #tpu.memory_space<vmem>>
    %dma_wait3A_956 = arith.constant 0 : i32
    %dma_wait3A_957 = tpu.memref_slice %arg2[%squeeze3A_267, %dma_wait3A_956] : memref<100000x112xf32, #tpu.memory_space<hbm>> -> memref<1x112xf32, #tpu.memory_space<hbm>>
    tpu.wait_dma2 semaphore(%arg10 : memref<!tpu.dma_semaphore, #tpu.memory_space<semaphore_mem>>) src(%dma_wait3A_957 : memref<1x112xf32, #tpu.memory_space<hbm>>) dst(%dma_wait3A_955 : memref<1x112xf32, #tpu.memory_space<vmem>>)
    %dma_wait3A_958 = arith.constant 12 : i32
    %dma_wait3A_959 = arith.constant 0 : i32
    %dma_wait3A_960 = tpu.memref_slice %arg9[%dma_wait3A_958, %dma_wait3A_959] : memref<32x109xf32, #tpu.memory_space<vmem>> -> memref<1x109xf32, #tpu.memory_space<vmem>>
    %dma_wait3A_961 = arith.constant 0 : i32
    %dma_wait3A_962 = tpu.memref_slice %arg3[%squeeze3A_267, %dma_wait3A_961] : memref<100000x109xf32, #tpu.memory_space<hbm>> -> memref<1x109xf32, #tpu.memory_space<hbm>>
    %dma_wait3A_963 = arith.constant 12 : i32
    %dma_wait3A_964 = arith.constant 0 : i32
    %dma_wait3A_965 = tpu.memref_slice %arg9[%dma_wait3A_963, %dma_wait3A_964] : memref<32x109xf32, #tpu.memory_space<vmem>> -> memref<1x109xf32, #tpu.memory_space<vmem>>
    %dma_wait3A_966 = arith.constant 0 : i32
    %dma_wait3A_967 = tpu.memref_slice %arg3[%squeeze3A_267, %dma_wait3A_966] : memref<100000x109xf32, #tpu.memory_space<hbm>> -> memref<1x109xf32, #tpu.memory_space<hbm>>
    tpu.wait_dma2 semaphore(%arg11 : memref<!tpu.dma_semaphore, #tpu.memory_space<semaphore_mem>>) src(%dma_wait3A_967 : memref<1x109xf32, #tpu.memory_space<hbm>>) dst(%dma_wait3A_965 : memref<1x109xf32, #tpu.memory_space<vmem>>)
    %dma_wait3A_968 = arith.constant 13 : i32
    %dma_wait3A_969 = arith.constant 0 : i32
    %dma_wait3A_970 = tpu.memref_slice %arg8[%dma_wait3A_968, %dma_wait3A_969] : memref<32x112xf32, #tpu.memory_space<vmem>> -> memref<1x112xf32, #tpu.memory_space<vmem>>
    %dma_wait3A_971 = arith.constant 0 : i32
    %dma_wait3A_972 = tpu.memref_slice %arg2[%squeeze3A_289, %dma_wait3A_971] : memref<100000x112xf32, #tpu.memory_space<hbm>> -> memref<1x112xf32, #tpu.memory_space<hbm>>
    %dma_wait3A_973 = arith.constant 13 : i32
    %dma_wait3A_974 = arith.constant 0 : i32
    %dma_wait3A_975 = tpu.memref_slice %arg8[%dma_wait3A_973, %dma_wait3A_974] : memref<32x112xf32, #tpu.memory_space<vmem>> -> memref<1x112xf32, #tpu.memory_space<vmem>>
    %dma_wait3A_976 = arith.constant 0 : i32
    %dma_wait3A_977 = tpu.memref_slice %arg2[%squeeze3A_289, %dma_wait3A_976] : memref<100000x112xf32, #tpu.memory_space<hbm>> -> memref<1x112xf32, #tpu.memory_space<hbm>>
    tpu.wait_dma2 semaphore(%arg10 : memref<!tpu.dma_semaphore, #tpu.memory_space<semaphore_mem>>) src(%dma_wait3A_977 : memref<1x112xf32, #tpu.memory_space<hbm>>) dst(%dma_wait3A_975 : memref<1x112xf32, #tpu.memory_space<vmem>>)
    %dma_wait3A_978 = arith.constant 13 : i32
    %dma_wait3A_979 = arith.constant 0 : i32
    %dma_wait3A_980 = tpu.memref_slice %arg9[%dma_wait3A_978, %dma_wait3A_979] : memref<32x109xf32, #tpu.memory_space<vmem>> -> memref<1x109xf32, #tpu.memory_space<vmem>>
    %dma_wait3A_981 = arith.constant 0 : i32
    %dma_wait3A_982 = tpu.memref_slice %arg3[%squeeze3A_289, %dma_wait3A_981] : memref<100000x109xf32, #tpu.memory_space<hbm>> -> memref<1x109xf32, #tpu.memory_space<hbm>>
    %dma_wait3A_983 = arith.constant 13 : i32
    %dma_wait3A_984 = arith.constant 0 : i32
    %dma_wait3A_985 = tpu.memref_slice %arg9[%dma_wait3A_983, %dma_wait3A_984] : memref<32x109xf32, #tpu.memory_space<vmem>> -> memref<1x109xf32, #tpu.memory_space<vmem>>
    %dma_wait3A_986 = arith.constant 0 : i32
    %dma_wait3A_987 = tpu.memref_slice %arg3[%squeeze3A_289, %dma_wait3A_986] : memref<100000x109xf32, #tpu.memory_space<hbm>> -> memref<1x109xf32, #tpu.memory_space<hbm>>
    tpu.wait_dma2 semaphore(%arg11 : memref<!tpu.dma_semaphore, #tpu.memory_space<semaphore_mem>>) src(%dma_wait3A_987 : memref<1x109xf32, #tpu.memory_space<hbm>>) dst(%dma_wait3A_985 : memref<1x109xf32, #tpu.memory_space<vmem>>)
    %dma_wait3A_988 = arith.constant 14 : i32
    %dma_wait3A_989 = arith.constant 0 : i32
    %dma_wait3A_990 = tpu.memref_slice %arg8[%dma_wait3A_988, %dma_wait3A_989] : memref<32x112xf32, #tpu.memory_space<vmem>> -> memref<1x112xf32, #tpu.memory_space<vmem>>
    %dma_wait3A_991 = arith.constant 0 : i32
    %dma_wait3A_992 = tpu.memref_slice %arg2[%squeeze3A_311, %dma_wait3A_991] : memref<100000x112xf32, #tpu.memory_space<hbm>> -> memref<1x112xf32, #tpu.memory_space<hbm>>
    %dma_wait3A_993 = arith.constant 14 : i32
    %dma_wait3A_994 = arith.constant 0 : i32
    %dma_wait3A_995 = tpu.memref_slice %arg8[%dma_wait3A_993, %dma_wait3A_994] : memref<32x112xf32, #tpu.memory_space<vmem>> -> memref<1x112xf32, #tpu.memory_space<vmem>>
    %dma_wait3A_996 = arith.constant 0 : i32
    %dma_wait3A_997 = tpu.memref_slice %arg2[%squeeze3A_311, %dma_wait3A_996] : memref<100000x112xf32, #tpu.memory_space<hbm>> -> memref<1x112xf32, #tpu.memory_space<hbm>>
    tpu.wait_dma2 semaphore(%arg10 : memref<!tpu.dma_semaphore, #tpu.memory_space<semaphore_mem>>) src(%dma_wait3A_997 : memref<1x112xf32, #tpu.memory_space<hbm>>) dst(%dma_wait3A_995 : memref<1x112xf32, #tpu.memory_space<vmem>>)
    %dma_wait3A_998 = arith.constant 14 : i32
    %dma_wait3A_999 = arith.constant 0 : i32
    %dma_wait3A_1000 = tpu.memref_slice %arg9[%dma_wait3A_998, %dma_wait3A_999] : memref<32x109xf32, #tpu.memory_space<vmem>> -> memref<1x109xf32, #tpu.memory_space<vmem>>
    %dma_wait3A_1001 = arith.constant 0 : i32
    %dma_wait3A_1002 = tpu.memref_slice %arg3[%squeeze3A_311, %dma_wait3A_1001] : memref<100000x109xf32, #tpu.memory_space<hbm>> -> memref<1x109xf32, #tpu.memory_space<hbm>>
    %dma_wait3A_1003 = arith.constant 14 : i32
    %dma_wait3A_1004 = arith.constant 0 : i32
    %dma_wait3A_1005 = tpu.memref_slice %arg9[%dma_wait3A_1003, %dma_wait3A_1004] : memref<32x109xf32, #tpu.memory_space<vmem>> -> memref<1x109xf32, #tpu.memory_space<vmem>>
    %dma_wait3A_1006 = arith.constant 0 : i32
    %dma_wait3A_1007 = tpu.memref_slice %arg3[%squeeze3A_311, %dma_wait3A_1006] : memref<100000x109xf32, #tpu.memory_space<hbm>> -> memref<1x109xf32, #tpu.memory_space<hbm>>
    tpu.wait_dma2 semaphore(%arg11 : memref<!tpu.dma_semaphore, #tpu.memory_space<semaphore_mem>>) src(%dma_wait3A_1007 : memref<1x109xf32, #tpu.memory_space<hbm>>) dst(%dma_wait3A_1005 : memref<1x109xf32, #tpu.memory_space<vmem>>)
    %dma_wait3A_1008 = arith.constant 15 : i32
    %dma_wait3A_1009 = arith.constant 0 : i32
    %dma_wait3A_1010 = tpu.memref_slice %arg8[%dma_wait3A_1008, %dma_wait3A_1009] : memref<32x112xf32, #tpu.memory_space<vmem>> -> memref<1x112xf32, #tpu.memory_space<vmem>>
    %dma_wait3A_1011 = arith.constant 0 : i32
    %dma_wait3A_1012 = tpu.memref_slice %arg2[%squeeze3A_333, %dma_wait3A_1011] : memref<100000x112xf32, #tpu.memory_space<hbm>> -> memref<1x112xf32, #tpu.memory_space<hbm>>
    %dma_wait3A_1013 = arith.constant 15 : i32
    %dma_wait3A_1014 = arith.constant 0 : i32
    %dma_wait3A_1015 = tpu.memref_slice %arg8[%dma_wait3A_1013, %dma_wait3A_1014] : memref<32x112xf32, #tpu.memory_space<vmem>> -> memref<1x112xf32, #tpu.memory_space<vmem>>
    %dma_wait3A_1016 = arith.constant 0 : i32
    %dma_wait3A_1017 = tpu.memref_slice %arg2[%squeeze3A_333, %dma_wait3A_1016] : memref<100000x112xf32, #tpu.memory_space<hbm>> -> memref<1x112xf32, #tpu.memory_space<hbm>>
    tpu.wait_dma2 semaphore(%arg10 : memref<!tpu.dma_semaphore, #tpu.memory_space<semaphore_mem>>) src(%dma_wait3A_1017 : memref<1x112xf32, #tpu.memory_space<hbm>>) dst(%dma_wait3A_1015 : memref<1x112xf32, #tpu.memory_space<vmem>>)
    %dma_wait3A_1018 = arith.constant 15 : i32
    %dma_wait3A_1019 = arith.constant 0 : i32
    %dma_wait3A_1020 = tpu.memref_slice %arg9[%dma_wait3A_1018, %dma_wait3A_1019] : memref<32x109xf32, #tpu.memory_space<vmem>> -> memref<1x109xf32, #tpu.memory_space<vmem>>
    %dma_wait3A_1021 = arith.constant 0 : i32
    %dma_wait3A_1022 = tpu.memref_slice %arg3[%squeeze3A_333, %dma_wait3A_1021] : memref<100000x109xf32, #tpu.memory_space<hbm>> -> memref<1x109xf32, #tpu.memory_space<hbm>>
    %dma_wait3A_1023 = arith.constant 15 : i32
    %dma_wait3A_1024 = arith.constant 0 : i32
    %dma_wait3A_1025 = tpu.memref_slice %arg9[%dma_wait3A_1023, %dma_wait3A_1024] : memref<32x109xf32, #tpu.memory_space<vmem>> -> memref<1x109xf32, #tpu.memory_space<vmem>>
    %dma_wait3A_1026 = arith.constant 0 : i32
    %dma_wait3A_1027 = tpu.memref_slice %arg3[%squeeze3A_333, %dma_wait3A_1026] : memref<100000x109xf32, #tpu.memory_space<hbm>> -> memref<1x109xf32, #tpu.memory_space<hbm>>
    tpu.wait_dma2 semaphore(%arg11 : memref<!tpu.dma_semaphore, #tpu.memory_space<semaphore_mem>>) src(%dma_wait3A_1027 : memref<1x109xf32, #tpu.memory_space<hbm>>) dst(%dma_wait3A_1025 : memref<1x109xf32, #tpu.memory_space<vmem>>)
    %dma_wait3A_1028 = arith.constant 16 : i32
    %dma_wait3A_1029 = arith.constant 0 : i32
    %dma_wait3A_1030 = tpu.memref_slice %arg8[%dma_wait3A_1028, %dma_wait3A_1029] : memref<32x112xf32, #tpu.memory_space<vmem>> -> memref<1x112xf32, #tpu.memory_space<vmem>>
    %dma_wait3A_1031 = arith.constant 0 : i32
    %dma_wait3A_1032 = tpu.memref_slice %arg2[%squeeze3A_358, %dma_wait3A_1031] : memref<100000x112xf32, #tpu.memory_space<hbm>> -> memref<1x112xf32, #tpu.memory_space<hbm>>
    %dma_wait3A_1033 = arith.constant 16 : i32
    %dma_wait3A_1034 = arith.constant 0 : i32
    %dma_wait3A_1035 = tpu.memref_slice %arg8[%dma_wait3A_1033, %dma_wait3A_1034] : memref<32x112xf32, #tpu.memory_space<vmem>> -> memref<1x112xf32, #tpu.memory_space<vmem>>
    %dma_wait3A_1036 = arith.constant 0 : i32
    %dma_wait3A_1037 = tpu.memref_slice %arg2[%squeeze3A_358, %dma_wait3A_1036] : memref<100000x112xf32, #tpu.memory_space<hbm>> -> memref<1x112xf32, #tpu.memory_space<hbm>>
    tpu.wait_dma2 semaphore(%arg10 : memref<!tpu.dma_semaphore, #tpu.memory_space<semaphore_mem>>) src(%dma_wait3A_1037 : memref<1x112xf32, #tpu.memory_space<hbm>>) dst(%dma_wait3A_1035 : memref<1x112xf32, #tpu.memory_space<vmem>>)
    %dma_wait3A_1038 = arith.constant 16 : i32
    %dma_wait3A_1039 = arith.constant 0 : i32
    %dma_wait3A_1040 = tpu.memref_slice %arg9[%dma_wait3A_1038, %dma_wait3A_1039] : memref<32x109xf32, #tpu.memory_space<vmem>> -> memref<1x109xf32, #tpu.memory_space<vmem>>
    %dma_wait3A_1041 = arith.constant 0 : i32
    %dma_wait3A_1042 = tpu.memref_slice %arg3[%squeeze3A_358, %dma_wait3A_1041] : memref<100000x109xf32, #tpu.memory_space<hbm>> -> memref<1x109xf32, #tpu.memory_space<hbm>>
    %dma_wait3A_1043 = arith.constant 16 : i32
    %dma_wait3A_1044 = arith.constant 0 : i32
    %dma_wait3A_1045 = tpu.memref_slice %arg9[%dma_wait3A_1043, %dma_wait3A_1044] : memref<32x109xf32, #tpu.memory_space<vmem>> -> memref<1x109xf32, #tpu.memory_space<vmem>>
    %dma_wait3A_1046 = arith.constant 0 : i32
    %dma_wait3A_1047 = tpu.memref_slice %arg3[%squeeze3A_358, %dma_wait3A_1046] : memref<100000x109xf32, #tpu.memory_space<hbm>> -> memref<1x109xf32, #tpu.memory_space<hbm>>
    tpu.wait_dma2 semaphore(%arg11 : memref<!tpu.dma_semaphore, #tpu.memory_space<semaphore_mem>>) src(%dma_wait3A_1047 : memref<1x109xf32, #tpu.memory_space<hbm>>) dst(%dma_wait3A_1045 : memref<1x109xf32, #tpu.memory_space<vmem>>)
    %dma_wait3A_1048 = arith.constant 17 : i32
    %dma_wait3A_1049 = arith.constant 0 : i32
    %dma_wait3A_1050 = tpu.memref_slice %arg8[%dma_wait3A_1048, %dma_wait3A_1049] : memref<32x112xf32, #tpu.memory_space<vmem>> -> memref<1x112xf32, #tpu.memory_space<vmem>>
    %dma_wait3A_1051 = arith.constant 0 : i32
    %dma_wait3A_1052 = tpu.memref_slice %arg2[%squeeze3A_380, %dma_wait3A_1051] : memref<100000x112xf32, #tpu.memory_space<hbm>> -> memref<1x112xf32, #tpu.memory_space<hbm>>
    %dma_wait3A_1053 = arith.constant 17 : i32
    %dma_wait3A_1054 = arith.constant 0 : i32
    %dma_wait3A_1055 = tpu.memref_slice %arg8[%dma_wait3A_1053, %dma_wait3A_1054] : memref<32x112xf32, #tpu.memory_space<vmem>> -> memref<1x112xf32, #tpu.memory_space<vmem>>
    %dma_wait3A_1056 = arith.constant 0 : i32
    %dma_wait3A_1057 = tpu.memref_slice %arg2[%squeeze3A_380, %dma_wait3A_1056] : memref<100000x112xf32, #tpu.memory_space<hbm>> -> memref<1x112xf32, #tpu.memory_space<hbm>>
    tpu.wait_dma2 semaphore(%arg10 : memref<!tpu.dma_semaphore, #tpu.memory_space<semaphore_mem>>) src(%dma_wait3A_1057 : memref<1x112xf32, #tpu.memory_space<hbm>>) dst(%dma_wait3A_1055 : memref<1x112xf32, #tpu.memory_space<vmem>>)
    %dma_wait3A_1058 = arith.constant 17 : i32
    %dma_wait3A_1059 = arith.constant 0 : i32
    %dma_wait3A_1060 = tpu.memref_slice %arg9[%dma_wait3A_1058, %dma_wait3A_1059] : memref<32x109xf32, #tpu.memory_space<vmem>> -> memref<1x109xf32, #tpu.memory_space<vmem>>
    %dma_wait3A_1061 = arith.constant 0 : i32
    %dma_wait3A_1062 = tpu.memref_slice %arg3[%squeeze3A_380, %dma_wait3A_1061] : memref<100000x109xf32, #tpu.memory_space<hbm>> -> memref<1x109xf32, #tpu.memory_space<hbm>>
    %dma_wait3A_1063 = arith.constant 17 : i32
    %dma_wait3A_1064 = arith.constant 0 : i32
    %dma_wait3A_1065 = tpu.memref_slice %arg9[%dma_wait3A_1063, %dma_wait3A_1064] : memref<32x109xf32, #tpu.memory_space<vmem>> -> memref<1x109xf32, #tpu.memory_space<vmem>>
    %dma_wait3A_1066 = arith.constant 0 : i32
    %dma_wait3A_1067 = tpu.memref_slice %arg3[%squeeze3A_380, %dma_wait3A_1066] : memref<100000x109xf32, #tpu.memory_space<hbm>> -> memref<1x109xf32, #tpu.memory_space<hbm>>
    tpu.wait_dma2 semaphore(%arg11 : memref<!tpu.dma_semaphore, #tpu.memory_space<semaphore_mem>>) src(%dma_wait3A_1067 : memref<1x109xf32, #tpu.memory_space<hbm>>) dst(%dma_wait3A_1065 : memref<1x109xf32, #tpu.memory_space<vmem>>)
    %dma_wait3A_1068 = arith.constant 18 : i32
    %dma_wait3A_1069 = arith.constant 0 : i32
    %dma_wait3A_1070 = tpu.memref_slice %arg8[%dma_wait3A_1068, %dma_wait3A_1069] : memref<32x112xf32, #tpu.memory_space<vmem>> -> memref<1x112xf32, #tpu.memory_space<vmem>>
    %dma_wait3A_1071 = arith.constant 0 : i32
    %dma_wait3A_1072 = tpu.memref_slice %arg2[%squeeze3A_402, %dma_wait3A_1071] : memref<100000x112xf32, #tpu.memory_space<hbm>> -> memref<1x112xf32, #tpu.memory_space<hbm>>
    %dma_wait3A_1073 = arith.constant 18 : i32
    %dma_wait3A_1074 = arith.constant 0 : i32
    %dma_wait3A_1075 = tpu.memref_slice %arg8[%dma_wait3A_1073, %dma_wait3A_1074] : memref<32x112xf32, #tpu.memory_space<vmem>> -> memref<1x112xf32, #tpu.memory_space<vmem>>
    %dma_wait3A_1076 = arith.constant 0 : i32
    %dma_wait3A_1077 = tpu.memref_slice %arg2[%squeeze3A_402, %dma_wait3A_1076] : memref<100000x112xf32, #tpu.memory_space<hbm>> -> memref<1x112xf32, #tpu.memory_space<hbm>>
    tpu.wait_dma2 semaphore(%arg10 : memref<!tpu.dma_semaphore, #tpu.memory_space<semaphore_mem>>) src(%dma_wait3A_1077 : memref<1x112xf32, #tpu.memory_space<hbm>>) dst(%dma_wait3A_1075 : memref<1x112xf32, #tpu.memory_space<vmem>>)
    %dma_wait3A_1078 = arith.constant 18 : i32
    %dma_wait3A_1079 = arith.constant 0 : i32
    %dma_wait3A_1080 = tpu.memref_slice %arg9[%dma_wait3A_1078, %dma_wait3A_1079] : memref<32x109xf32, #tpu.memory_space<vmem>> -> memref<1x109xf32, #tpu.memory_space<vmem>>
    %dma_wait3A_1081 = arith.constant 0 : i32
    %dma_wait3A_1082 = tpu.memref_slice %arg3[%squeeze3A_402, %dma_wait3A_1081] : memref<100000x109xf32, #tpu.memory_space<hbm>> -> memref<1x109xf32, #tpu.memory_space<hbm>>
    %dma_wait3A_1083 = arith.constant 18 : i32
    %dma_wait3A_1084 = arith.constant 0 : i32
    %dma_wait3A_1085 = tpu.memref_slice %arg9[%dma_wait3A_1083, %dma_wait3A_1084] : memref<32x109xf32, #tpu.memory_space<vmem>> -> memref<1x109xf32, #tpu.memory_space<vmem>>
    %dma_wait3A_1086 = arith.constant 0 : i32
    %dma_wait3A_1087 = tpu.memref_slice %arg3[%squeeze3A_402, %dma_wait3A_1086] : memref<100000x109xf32, #tpu.memory_space<hbm>> -> memref<1x109xf32, #tpu.memory_space<hbm>>
    tpu.wait_dma2 semaphore(%arg11 : memref<!tpu.dma_semaphore, #tpu.memory_space<semaphore_mem>>) src(%dma_wait3A_1087 : memref<1x109xf32, #tpu.memory_space<hbm>>) dst(%dma_wait3A_1085 : memref<1x109xf32, #tpu.memory_space<vmem>>)
    %dma_wait3A_1088 = arith.constant 19 : i32
    %dma_wait3A_1089 = arith.constant 0 : i32
    %dma_wait3A_1090 = tpu.memref_slice %arg8[%dma_wait3A_1088, %dma_wait3A_1089] : memref<32x112xf32, #tpu.memory_space<vmem>> -> memref<1x112xf32, #tpu.memory_space<vmem>>
    %dma_wait3A_1091 = arith.constant 0 : i32
    %dma_wait3A_1092 = tpu.memref_slice %arg2[%squeeze3A_424, %dma_wait3A_1091] : memref<100000x112xf32, #tpu.memory_space<hbm>> -> memref<1x112xf32, #tpu.memory_space<hbm>>
    %dma_wait3A_1093 = arith.constant 19 : i32
    %dma_wait3A_1094 = arith.constant 0 : i32
    %dma_wait3A_1095 = tpu.memref_slice %arg8[%dma_wait3A_1093, %dma_wait3A_1094] : memref<32x112xf32, #tpu.memory_space<vmem>> -> memref<1x112xf32, #tpu.memory_space<vmem>>
    %dma_wait3A_1096 = arith.constant 0 : i32
    %dma_wait3A_1097 = tpu.memref_slice %arg2[%squeeze3A_424, %dma_wait3A_1096] : memref<100000x112xf32, #tpu.memory_space<hbm>> -> memref<1x112xf32, #tpu.memory_space<hbm>>
    tpu.wait_dma2 semaphore(%arg10 : memref<!tpu.dma_semaphore, #tpu.memory_space<semaphore_mem>>) src(%dma_wait3A_1097 : memref<1x112xf32, #tpu.memory_space<hbm>>) dst(%dma_wait3A_1095 : memref<1x112xf32, #tpu.memory_space<vmem>>)
    %dma_wait3A_1098 = arith.constant 19 : i32
    %dma_wait3A_1099 = arith.constant 0 : i32
    %dma_wait3A_1100 = tpu.memref_slice %arg9[%dma_wait3A_1098, %dma_wait3A_1099] : memref<32x109xf32, #tpu.memory_space<vmem>> -> memref<1x109xf32, #tpu.memory_space<vmem>>
    %dma_wait3A_1101 = arith.constant 0 : i32
    %dma_wait3A_1102 = tpu.memref_slice %arg3[%squeeze3A_424, %dma_wait3A_1101] : memref<100000x109xf32, #tpu.memory_space<hbm>> -> memref<1x109xf32, #tpu.memory_space<hbm>>
    %dma_wait3A_1103 = arith.constant 19 : i32
    %dma_wait3A_1104 = arith.constant 0 : i32
    %dma_wait3A_1105 = tpu.memref_slice %arg9[%dma_wait3A_1103, %dma_wait3A_1104] : memref<32x109xf32, #tpu.memory_space<vmem>> -> memref<1x109xf32, #tpu.memory_space<vmem>>
    %dma_wait3A_1106 = arith.constant 0 : i32
    %dma_wait3A_1107 = tpu.memref_slice %arg3[%squeeze3A_424, %dma_wait3A_1106] : memref<100000x109xf32, #tpu.memory_space<hbm>> -> memref<1x109xf32, #tpu.memory_space<hbm>>
    tpu.wait_dma2 semaphore(%arg11 : memref<!tpu.dma_semaphore, #tpu.memory_space<semaphore_mem>>) src(%dma_wait3A_1107 : memref<1x109xf32, #tpu.memory_space<hbm>>) dst(%dma_wait3A_1105 : memref<1x109xf32, #tpu.memory_space<vmem>>)
    %dma_wait3A_1108 = arith.constant 20 : i32
    %dma_wait3A_1109 = arith.constant 0 : i32
    %dma_wait3A_1110 = tpu.memref_slice %arg8[%dma_wait3A_1108, %dma_wait3A_1109] : memref<32x112xf32, #tpu.memory_space<vmem>> -> memref<1x112xf32, #tpu.memory_space<vmem>>
    %dma_wait3A_1111 = arith.constant 0 : i32
    %dma_wait3A_1112 = tpu.memref_slice %arg2[%squeeze3A_446, %dma_wait3A_1111] : memref<100000x112xf32, #tpu.memory_space<hbm>> -> memref<1x112xf32, #tpu.memory_space<hbm>>
    %dma_wait3A_1113 = arith.constant 20 : i32
    %dma_wait3A_1114 = arith.constant 0 : i32
    %dma_wait3A_1115 = tpu.memref_slice %arg8[%dma_wait3A_1113, %dma_wait3A_1114] : memref<32x112xf32, #tpu.memory_space<vmem>> -> memref<1x112xf32, #tpu.memory_space<vmem>>
    %dma_wait3A_1116 = arith.constant 0 : i32
    %dma_wait3A_1117 = tpu.memref_slice %arg2[%squeeze3A_446, %dma_wait3A_1116] : memref<100000x112xf32, #tpu.memory_space<hbm>> -> memref<1x112xf32, #tpu.memory_space<hbm>>
    tpu.wait_dma2 semaphore(%arg10 : memref<!tpu.dma_semaphore, #tpu.memory_space<semaphore_mem>>) src(%dma_wait3A_1117 : memref<1x112xf32, #tpu.memory_space<hbm>>) dst(%dma_wait3A_1115 : memref<1x112xf32, #tpu.memory_space<vmem>>)
    %dma_wait3A_1118 = arith.constant 20 : i32
    %dma_wait3A_1119 = arith.constant 0 : i32
    %dma_wait3A_1120 = tpu.memref_slice %arg9[%dma_wait3A_1118, %dma_wait3A_1119] : memref<32x109xf32, #tpu.memory_space<vmem>> -> memref<1x109xf32, #tpu.memory_space<vmem>>
    %dma_wait3A_1121 = arith.constant 0 : i32
    %dma_wait3A_1122 = tpu.memref_slice %arg3[%squeeze3A_446, %dma_wait3A_1121] : memref<100000x109xf32, #tpu.memory_space<hbm>> -> memref<1x109xf32, #tpu.memory_space<hbm>>
    %dma_wait3A_1123 = arith.constant 20 : i32
    %dma_wait3A_1124 = arith.constant 0 : i32
    %dma_wait3A_1125 = tpu.memref_slice %arg9[%dma_wait3A_1123, %dma_wait3A_1124] : memref<32x109xf32, #tpu.memory_space<vmem>> -> memref<1x109xf32, #tpu.memory_space<vmem>>
    %dma_wait3A_1126 = arith.constant 0 : i32
    %dma_wait3A_1127 = tpu.memref_slice %arg3[%squeeze3A_446, %dma_wait3A_1126] : memref<100000x109xf32, #tpu.memory_space<hbm>> -> memref<1x109xf32, #tpu.memory_space<hbm>>
    tpu.wait_dma2 semaphore(%arg11 : memref<!tpu.dma_semaphore, #tpu.memory_space<semaphore_mem>>) src(%dma_wait3A_1127 : memref<1x109xf32, #tpu.memory_space<hbm>>) dst(%dma_wait3A_1125 : memref<1x109xf32, #tpu.memory_space<vmem>>)
    %dma_wait3A_1128 = arith.constant 21 : i32
    %dma_wait3A_1129 = arith.constant 0 : i32
    %dma_wait3A_1130 = tpu.memref_slice %arg8[%dma_wait3A_1128, %dma_wait3A_1129] : memref<32x112xf32, #tpu.memory_space<vmem>> -> memref<1x112xf32, #tpu.memory_space<vmem>>
    %dma_wait3A_1131 = arith.constant 0 : i32
    %dma_wait3A_1132 = tpu.memref_slice %arg2[%squeeze3A_468, %dma_wait3A_1131] : memref<100000x112xf32, #tpu.memory_space<hbm>> -> memref<1x112xf32, #tpu.memory_space<hbm>>
    %dma_wait3A_1133 = arith.constant 21 : i32
    %dma_wait3A_1134 = arith.constant 0 : i32
    %dma_wait3A_1135 = tpu.memref_slice %arg8[%dma_wait3A_1133, %dma_wait3A_1134] : memref<32x112xf32, #tpu.memory_space<vmem>> -> memref<1x112xf32, #tpu.memory_space<vmem>>
    %dma_wait3A_1136 = arith.constant 0 : i32
    %dma_wait3A_1137 = tpu.memref_slice %arg2[%squeeze3A_468, %dma_wait3A_1136] : memref<100000x112xf32, #tpu.memory_space<hbm>> -> memref<1x112xf32, #tpu.memory_space<hbm>>
    tpu.wait_dma2 semaphore(%arg10 : memref<!tpu.dma_semaphore, #tpu.memory_space<semaphore_mem>>) src(%dma_wait3A_1137 : memref<1x112xf32, #tpu.memory_space<hbm>>) dst(%dma_wait3A_1135 : memref<1x112xf32, #tpu.memory_space<vmem>>)
    %dma_wait3A_1138 = arith.constant 21 : i32
    %dma_wait3A_1139 = arith.constant 0 : i32
    %dma_wait3A_1140 = tpu.memref_slice %arg9[%dma_wait3A_1138, %dma_wait3A_1139] : memref<32x109xf32, #tpu.memory_space<vmem>> -> memref<1x109xf32, #tpu.memory_space<vmem>>
    %dma_wait3A_1141 = arith.constant 0 : i32
    %dma_wait3A_1142 = tpu.memref_slice %arg3[%squeeze3A_468, %dma_wait3A_1141] : memref<100000x109xf32, #tpu.memory_space<hbm>> -> memref<1x109xf32, #tpu.memory_space<hbm>>
    %dma_wait3A_1143 = arith.constant 21 : i32
    %dma_wait3A_1144 = arith.constant 0 : i32
    %dma_wait3A_1145 = tpu.memref_slice %arg9[%dma_wait3A_1143, %dma_wait3A_1144] : memref<32x109xf32, #tpu.memory_space<vmem>> -> memref<1x109xf32, #tpu.memory_space<vmem>>
    %dma_wait3A_1146 = arith.constant 0 : i32
    %dma_wait3A_1147 = tpu.memref_slice %arg3[%squeeze3A_468, %dma_wait3A_1146] : memref<100000x109xf32, #tpu.memory_space<hbm>> -> memref<1x109xf32, #tpu.memory_space<hbm>>
    tpu.wait_dma2 semaphore(%arg11 : memref<!tpu.dma_semaphore, #tpu.memory_space<semaphore_mem>>) src(%dma_wait3A_1147 : memref<1x109xf32, #tpu.memory_space<hbm>>) dst(%dma_wait3A_1145 : memref<1x109xf32, #tpu.memory_space<vmem>>)
    %dma_wait3A_1148 = arith.constant 22 : i32
    %dma_wait3A_1149 = arith.constant 0 : i32
    %dma_wait3A_1150 = tpu.memref_slice %arg8[%dma_wait3A_1148, %dma_wait3A_1149] : memref<32x112xf32, #tpu.memory_space<vmem>> -> memref<1x112xf32, #tpu.memory_space<vmem>>
    %dma_wait3A_1151 = arith.constant 0 : i32
    %dma_wait3A_1152 = tpu.memref_slice %arg2[%squeeze3A_490, %dma_wait3A_1151] : memref<100000x112xf32, #tpu.memory_space<hbm>> -> memref<1x112xf32, #tpu.memory_space<hbm>>
    %dma_wait3A_1153 = arith.constant 22 : i32
    %dma_wait3A_1154 = arith.constant 0 : i32
    %dma_wait3A_1155 = tpu.memref_slice %arg8[%dma_wait3A_1153, %dma_wait3A_1154] : memref<32x112xf32, #tpu.memory_space<vmem>> -> memref<1x112xf32, #tpu.memory_space<vmem>>
    %dma_wait3A_1156 = arith.constant 0 : i32
    %dma_wait3A_1157 = tpu.memref_slice %arg2[%squeeze3A_490, %dma_wait3A_1156] : memref<100000x112xf32, #tpu.memory_space<hbm>> -> memref<1x112xf32, #tpu.memory_space<hbm>>
    tpu.wait_dma2 semaphore(%arg10 : memref<!tpu.dma_semaphore, #tpu.memory_space<semaphore_mem>>) src(%dma_wait3A_1157 : memref<1x112xf32, #tpu.memory_space<hbm>>) dst(%dma_wait3A_1155 : memref<1x112xf32, #tpu.memory_space<vmem>>)
    %dma_wait3A_1158 = arith.constant 22 : i32
    %dma_wait3A_1159 = arith.constant 0 : i32
    %dma_wait3A_1160 = tpu.memref_slice %arg9[%dma_wait3A_1158, %dma_wait3A_1159] : memref<32x109xf32, #tpu.memory_space<vmem>> -> memref<1x109xf32, #tpu.memory_space<vmem>>
    %dma_wait3A_1161 = arith.constant 0 : i32
    %dma_wait3A_1162 = tpu.memref_slice %arg3[%squeeze3A_490, %dma_wait3A_1161] : memref<100000x109xf32, #tpu.memory_space<hbm>> -> memref<1x109xf32, #tpu.memory_space<hbm>>
    %dma_wait3A_1163 = arith.constant 22 : i32
    %dma_wait3A_1164 = arith.constant 0 : i32
    %dma_wait3A_1165 = tpu.memref_slice %arg9[%dma_wait3A_1163, %dma_wait3A_1164] : memref<32x109xf32, #tpu.memory_space<vmem>> -> memref<1x109xf32, #tpu.memory_space<vmem>>
    %dma_wait3A_1166 = arith.constant 0 : i32
    %dma_wait3A_1167 = tpu.memref_slice %arg3[%squeeze3A_490, %dma_wait3A_1166] : memref<100000x109xf32, #tpu.memory_space<hbm>> -> memref<1x109xf32, #tpu.memory_space<hbm>>
    tpu.wait_dma2 semaphore(%arg11 : memref<!tpu.dma_semaphore, #tpu.memory_space<semaphore_mem>>) src(%dma_wait3A_1167 : memref<1x109xf32, #tpu.memory_space<hbm>>) dst(%dma_wait3A_1165 : memref<1x109xf32, #tpu.memory_space<vmem>>)
    %dma_wait3A_1168 = arith.constant 23 : i32
    %dma_wait3A_1169 = arith.constant 0 : i32
    %dma_wait3A_1170 = tpu.memref_slice %arg8[%dma_wait3A_1168, %dma_wait3A_1169] : memref<32x112xf32, #tpu.memory_space<vmem>> -> memref<1x112xf32, #tpu.memory_space<vmem>>
    %dma_wait3A_1171 = arith.constant 0 : i32
    %dma_wait3A_1172 = tpu.memref_slice %arg2[%squeeze3A_512, %dma_wait3A_1171] : memref<100000x112xf32, #tpu.memory_space<hbm>> -> memref<1x112xf32, #tpu.memory_space<hbm>>
    %dma_wait3A_1173 = arith.constant 23 : i32
    %dma_wait3A_1174 = arith.constant 0 : i32
    %dma_wait3A_1175 = tpu.memref_slice %arg8[%dma_wait3A_1173, %dma_wait3A_1174] : memref<32x112xf32, #tpu.memory_space<vmem>> -> memref<1x112xf32, #tpu.memory_space<vmem>>
    %dma_wait3A_1176 = arith.constant 0 : i32
    %dma_wait3A_1177 = tpu.memref_slice %arg2[%squeeze3A_512, %dma_wait3A_1176] : memref<100000x112xf32, #tpu.memory_space<hbm>> -> memref<1x112xf32, #tpu.memory_space<hbm>>
    tpu.wait_dma2 semaphore(%arg10 : memref<!tpu.dma_semaphore, #tpu.memory_space<semaphore_mem>>) src(%dma_wait3A_1177 : memref<1x112xf32, #tpu.memory_space<hbm>>) dst(%dma_wait3A_1175 : memref<1x112xf32, #tpu.memory_space<vmem>>)
    %dma_wait3A_1178 = arith.constant 23 : i32
    %dma_wait3A_1179 = arith.constant 0 : i32
    %dma_wait3A_1180 = tpu.memref_slice %arg9[%dma_wait3A_1178, %dma_wait3A_1179] : memref<32x109xf32, #tpu.memory_space<vmem>> -> memref<1x109xf32, #tpu.memory_space<vmem>>
    %dma_wait3A_1181 = arith.constant 0 : i32
    %dma_wait3A_1182 = tpu.memref_slice %arg3[%squeeze3A_512, %dma_wait3A_1181] : memref<100000x109xf32, #tpu.memory_space<hbm>> -> memref<1x109xf32, #tpu.memory_space<hbm>>
    %dma_wait3A_1183 = arith.constant 23 : i32
    %dma_wait3A_1184 = arith.constant 0 : i32
    %dma_wait3A_1185 = tpu.memref_slice %arg9[%dma_wait3A_1183, %dma_wait3A_1184] : memref<32x109xf32, #tpu.memory_space<vmem>> -> memref<1x109xf32, #tpu.memory_space<vmem>>
    %dma_wait3A_1186 = arith.constant 0 : i32
    %dma_wait3A_1187 = tpu.memref_slice %arg3[%squeeze3A_512, %dma_wait3A_1186] : memref<100000x109xf32, #tpu.memory_space<hbm>> -> memref<1x109xf32, #tpu.memory_space<hbm>>
    tpu.wait_dma2 semaphore(%arg11 : memref<!tpu.dma_semaphore, #tpu.memory_space<semaphore_mem>>) src(%dma_wait3A_1187 : memref<1x109xf32, #tpu.memory_space<hbm>>) dst(%dma_wait3A_1185 : memref<1x109xf32, #tpu.memory_space<vmem>>)
    %dma_wait3A_1188 = arith.constant 24 : i32
    %dma_wait3A_1189 = arith.constant 0 : i32
    %dma_wait3A_1190 = tpu.memref_slice %arg8[%dma_wait3A_1188, %dma_wait3A_1189] : memref<32x112xf32, #tpu.memory_space<vmem>> -> memref<1x112xf32, #tpu.memory_space<vmem>>
    %dma_wait3A_1191 = arith.constant 0 : i32
    %dma_wait3A_1192 = tpu.memref_slice %arg2[%squeeze3A_534, %dma_wait3A_1191] : memref<100000x112xf32, #tpu.memory_space<hbm>> -> memref<1x112xf32, #tpu.memory_space<hbm>>
    %dma_wait3A_1193 = arith.constant 24 : i32
    %dma_wait3A_1194 = arith.constant 0 : i32
    %dma_wait3A_1195 = tpu.memref_slice %arg8[%dma_wait3A_1193, %dma_wait3A_1194] : memref<32x112xf32, #tpu.memory_space<vmem>> -> memref<1x112xf32, #tpu.memory_space<vmem>>
    %dma_wait3A_1196 = arith.constant 0 : i32
    %dma_wait3A_1197 = tpu.memref_slice %arg2[%squeeze3A_534, %dma_wait3A_1196] : memref<100000x112xf32, #tpu.memory_space<hbm>> -> memref<1x112xf32, #tpu.memory_space<hbm>>
    tpu.wait_dma2 semaphore(%arg10 : memref<!tpu.dma_semaphore, #tpu.memory_space<semaphore_mem>>) src(%dma_wait3A_1197 : memref<1x112xf32, #tpu.memory_space<hbm>>) dst(%dma_wait3A_1195 : memref<1x112xf32, #tpu.memory_space<vmem>>)
    %dma_wait3A_1198 = arith.constant 24 : i32
    %dma_wait3A_1199 = arith.constant 0 : i32
    %dma_wait3A_1200 = tpu.memref_slice %arg9[%dma_wait3A_1198, %dma_wait3A_1199] : memref<32x109xf32, #tpu.memory_space<vmem>> -> memref<1x109xf32, #tpu.memory_space<vmem>>
    %dma_wait3A_1201 = arith.constant 0 : i32
    %dma_wait3A_1202 = tpu.memref_slice %arg3[%squeeze3A_534, %dma_wait3A_1201] : memref<100000x109xf32, #tpu.memory_space<hbm>> -> memref<1x109xf32, #tpu.memory_space<hbm>>
    %dma_wait3A_1203 = arith.constant 24 : i32
    %dma_wait3A_1204 = arith.constant 0 : i32
    %dma_wait3A_1205 = tpu.memref_slice %arg9[%dma_wait3A_1203, %dma_wait3A_1204] : memref<32x109xf32, #tpu.memory_space<vmem>> -> memref<1x109xf32, #tpu.memory_space<vmem>>
    %dma_wait3A_1206 = arith.constant 0 : i32
    %dma_wait3A_1207 = tpu.memref_slice %arg3[%squeeze3A_534, %dma_wait3A_1206] : memref<100000x109xf32, #tpu.memory_space<hbm>> -> memref<1x109xf32, #tpu.memory_space<hbm>>
    tpu.wait_dma2 semaphore(%arg11 : memref<!tpu.dma_semaphore, #tpu.memory_space<semaphore_mem>>) src(%dma_wait3A_1207 : memref<1x109xf32, #tpu.memory_space<hbm>>) dst(%dma_wait3A_1205 : memref<1x109xf32, #tpu.memory_space<vmem>>)
    %dma_wait3A_1208 = arith.constant 25 : i32
    %dma_wait3A_1209 = arith.constant 0 : i32
    %dma_wait3A_1210 = tpu.memref_slice %arg8[%dma_wait3A_1208, %dma_wait3A_1209] : memref<32x112xf32, #tpu.memory_space<vmem>> -> memref<1x112xf32, #tpu.memory_space<vmem>>
    %dma_wait3A_1211 = arith.constant 0 : i32
    %dma_wait3A_1212 = tpu.memref_slice %arg2[%squeeze3A_556, %dma_wait3A_1211] : memref<100000x112xf32, #tpu.memory_space<hbm>> -> memref<1x112xf32, #tpu.memory_space<hbm>>
    %dma_wait3A_1213 = arith.constant 25 : i32
    %dma_wait3A_1214 = arith.constant 0 : i32
    %dma_wait3A_1215 = tpu.memref_slice %arg8[%dma_wait3A_1213, %dma_wait3A_1214] : memref<32x112xf32, #tpu.memory_space<vmem>> -> memref<1x112xf32, #tpu.memory_space<vmem>>
    %dma_wait3A_1216 = arith.constant 0 : i32
    %dma_wait3A_1217 = tpu.memref_slice %arg2[%squeeze3A_556, %dma_wait3A_1216] : memref<100000x112xf32, #tpu.memory_space<hbm>> -> memref<1x112xf32, #tpu.memory_space<hbm>>
    tpu.wait_dma2 semaphore(%arg10 : memref<!tpu.dma_semaphore, #tpu.memory_space<semaphore_mem>>) src(%dma_wait3A_1217 : memref<1x112xf32, #tpu.memory_space<hbm>>) dst(%dma_wait3A_1215 : memref<1x112xf32, #tpu.memory_space<vmem>>)
    %dma_wait3A_1218 = arith.constant 25 : i32
    %dma_wait3A_1219 = arith.constant 0 : i32
    %dma_wait3A_1220 = tpu.memref_slice %arg9[%dma_wait3A_1218, %dma_wait3A_1219] : memref<32x109xf32, #tpu.memory_space<vmem>> -> memref<1x109xf32, #tpu.memory_space<vmem>>
    %dma_wait3A_1221 = arith.constant 0 : i32
    %dma_wait3A_1222 = tpu.memref_slice %arg3[%squeeze3A_556, %dma_wait3A_1221] : memref<100000x109xf32, #tpu.memory_space<hbm>> -> memref<1x109xf32, #tpu.memory_space<hbm>>
    %dma_wait3A_1223 = arith.constant 25 : i32
    %dma_wait3A_1224 = arith.constant 0 : i32
    %dma_wait3A_1225 = tpu.memref_slice %arg9[%dma_wait3A_1223, %dma_wait3A_1224] : memref<32x109xf32, #tpu.memory_space<vmem>> -> memref<1x109xf32, #tpu.memory_space<vmem>>
    %dma_wait3A_1226 = arith.constant 0 : i32
    %dma_wait3A_1227 = tpu.memref_slice %arg3[%squeeze3A_556, %dma_wait3A_1226] : memref<100000x109xf32, #tpu.memory_space<hbm>> -> memref<1x109xf32, #tpu.memory_space<hbm>>
    tpu.wait_dma2 semaphore(%arg11 : memref<!tpu.dma_semaphore, #tpu.memory_space<semaphore_mem>>) src(%dma_wait3A_1227 : memref<1x109xf32, #tpu.memory_space<hbm>>) dst(%dma_wait3A_1225 : memref<1x109xf32, #tpu.memory_space<vmem>>)
    %dma_wait3A_1228 = arith.constant 26 : i32
    %dma_wait3A_1229 = arith.constant 0 : i32
    %dma_wait3A_1230 = tpu.memref_slice %arg8[%dma_wait3A_1228, %dma_wait3A_1229] : memref<32x112xf32, #tpu.memory_space<vmem>> -> memref<1x112xf32, #tpu.memory_space<vmem>>
    %dma_wait3A_1231 = arith.constant 0 : i32
    %dma_wait3A_1232 = tpu.memref_slice %arg2[%squeeze3A_578, %dma_wait3A_1231] : memref<100000x112xf32, #tpu.memory_space<hbm>> -> memref<1x112xf32, #tpu.memory_space<hbm>>
    %dma_wait3A_1233 = arith.constant 26 : i32
    %dma_wait3A_1234 = arith.constant 0 : i32
    %dma_wait3A_1235 = tpu.memref_slice %arg8[%dma_wait3A_1233, %dma_wait3A_1234] : memref<32x112xf32, #tpu.memory_space<vmem>> -> memref<1x112xf32, #tpu.memory_space<vmem>>
    %dma_wait3A_1236 = arith.constant 0 : i32
    %dma_wait3A_1237 = tpu.memref_slice %arg2[%squeeze3A_578, %dma_wait3A_1236] : memref<100000x112xf32, #tpu.memory_space<hbm>> -> memref<1x112xf32, #tpu.memory_space<hbm>>
    tpu.wait_dma2 semaphore(%arg10 : memref<!tpu.dma_semaphore, #tpu.memory_space<semaphore_mem>>) src(%dma_wait3A_1237 : memref<1x112xf32, #tpu.memory_space<hbm>>) dst(%dma_wait3A_1235 : memref<1x112xf32, #tpu.memory_space<vmem>>)
    %dma_wait3A_1238 = arith.constant 26 : i32
    %dma_wait3A_1239 = arith.constant 0 : i32
    %dma_wait3A_1240 = tpu.memref_slice %arg9[%dma_wait3A_1238, %dma_wait3A_1239] : memref<32x109xf32, #tpu.memory_space<vmem>> -> memref<1x109xf32, #tpu.memory_space<vmem>>
    %dma_wait3A_1241 = arith.constant 0 : i32
    %dma_wait3A_1242 = tpu.memref_slice %arg3[%squeeze3A_578, %dma_wait3A_1241] : memref<100000x109xf32, #tpu.memory_space<hbm>> -> memref<1x109xf32, #tpu.memory_space<hbm>>
    %dma_wait3A_1243 = arith.constant 26 : i32
    %dma_wait3A_1244 = arith.constant 0 : i32
    %dma_wait3A_1245 = tpu.memref_slice %arg9[%dma_wait3A_1243, %dma_wait3A_1244] : memref<32x109xf32, #tpu.memory_space<vmem>> -> memref<1x109xf32, #tpu.memory_space<vmem>>
    %dma_wait3A_1246 = arith.constant 0 : i32
    %dma_wait3A_1247 = tpu.memref_slice %arg3[%squeeze3A_578, %dma_wait3A_1246] : memref<100000x109xf32, #tpu.memory_space<hbm>> -> memref<1x109xf32, #tpu.memory_space<hbm>>
    tpu.wait_dma2 semaphore(%arg11 : memref<!tpu.dma_semaphore, #tpu.memory_space<semaphore_mem>>) src(%dma_wait3A_1247 : memref<1x109xf32, #tpu.memory_space<hbm>>) dst(%dma_wait3A_1245 : memref<1x109xf32, #tpu.memory_space<vmem>>)
    %dma_wait3A_1248 = arith.constant 27 : i32
    %dma_wait3A_1249 = arith.constant 0 : i32
    %dma_wait3A_1250 = tpu.memref_slice %arg8[%dma_wait3A_1248, %dma_wait3A_1249] : memref<32x112xf32, #tpu.memory_space<vmem>> -> memref<1x112xf32, #tpu.memory_space<vmem>>
    %dma_wait3A_1251 = arith.constant 0 : i32
    %dma_wait3A_1252 = tpu.memref_slice %arg2[%squeeze3A_600, %dma_wait3A_1251] : memref<100000x112xf32, #tpu.memory_space<hbm>> -> memref<1x112xf32, #tpu.memory_space<hbm>>
    %dma_wait3A_1253 = arith.constant 27 : i32
    %dma_wait3A_1254 = arith.constant 0 : i32
    %dma_wait3A_1255 = tpu.memref_slice %arg8[%dma_wait3A_1253, %dma_wait3A_1254] : memref<32x112xf32, #tpu.memory_space<vmem>> -> memref<1x112xf32, #tpu.memory_space<vmem>>
    %dma_wait3A_1256 = arith.constant 0 : i32
    %dma_wait3A_1257 = tpu.memref_slice %arg2[%squeeze3A_600, %dma_wait3A_1256] : memref<100000x112xf32, #tpu.memory_space<hbm>> -> memref<1x112xf32, #tpu.memory_space<hbm>>
    tpu.wait_dma2 semaphore(%arg10 : memref<!tpu.dma_semaphore, #tpu.memory_space<semaphore_mem>>) src(%dma_wait3A_1257 : memref<1x112xf32, #tpu.memory_space<hbm>>) dst(%dma_wait3A_1255 : memref<1x112xf32, #tpu.memory_space<vmem>>)
    %dma_wait3A_1258 = arith.constant 27 : i32
    %dma_wait3A_1259 = arith.constant 0 : i32
    %dma_wait3A_1260 = tpu.memref_slice %arg9[%dma_wait3A_1258, %dma_wait3A_1259] : memref<32x109xf32, #tpu.memory_space<vmem>> -> memref<1x109xf32, #tpu.memory_space<vmem>>
    %dma_wait3A_1261 = arith.constant 0 : i32
    %dma_wait3A_1262 = tpu.memref_slice %arg3[%squeeze3A_600, %dma_wait3A_1261] : memref<100000x109xf32, #tpu.memory_space<hbm>> -> memref<1x109xf32, #tpu.memory_space<hbm>>
    %dma_wait3A_1263 = arith.constant 27 : i32
    %dma_wait3A_1264 = arith.constant 0 : i32
    %dma_wait3A_1265 = tpu.memref_slice %arg9[%dma_wait3A_1263, %dma_wait3A_1264] : memref<32x109xf32, #tpu.memory_space<vmem>> -> memref<1x109xf32, #tpu.memory_space<vmem>>
    %dma_wait3A_1266 = arith.constant 0 : i32
    %dma_wait3A_1267 = tpu.memref_slice %arg3[%squeeze3A_600, %dma_wait3A_1266] : memref<100000x109xf32, #tpu.memory_space<hbm>> -> memref<1x109xf32, #tpu.memory_space<hbm>>
    tpu.wait_dma2 semaphore(%arg11 : memref<!tpu.dma_semaphore, #tpu.memory_space<semaphore_mem>>) src(%dma_wait3A_1267 : memref<1x109xf32, #tpu.memory_space<hbm>>) dst(%dma_wait3A_1265 : memref<1x109xf32, #tpu.memory_space<vmem>>)
    %dma_wait3A_1268 = arith.constant 28 : i32
    %dma_wait3A_1269 = arith.constant 0 : i32
    %dma_wait3A_1270 = tpu.memref_slice %arg8[%dma_wait3A_1268, %dma_wait3A_1269] : memref<32x112xf32, #tpu.memory_space<vmem>> -> memref<1x112xf32, #tpu.memory_space<vmem>>
    %dma_wait3A_1271 = arith.constant 0 : i32
    %dma_wait3A_1272 = tpu.memref_slice %arg2[%squeeze3A_622, %dma_wait3A_1271] : memref<100000x112xf32, #tpu.memory_space<hbm>> -> memref<1x112xf32, #tpu.memory_space<hbm>>
    %dma_wait3A_1273 = arith.constant 28 : i32
    %dma_wait3A_1274 = arith.constant 0 : i32
    %dma_wait3A_1275 = tpu.memref_slice %arg8[%dma_wait3A_1273, %dma_wait3A_1274] : memref<32x112xf32, #tpu.memory_space<vmem>> -> memref<1x112xf32, #tpu.memory_space<vmem>>
    %dma_wait3A_1276 = arith.constant 0 : i32
    %dma_wait3A_1277 = tpu.memref_slice %arg2[%squeeze3A_622, %dma_wait3A_1276] : memref<100000x112xf32, #tpu.memory_space<hbm>> -> memref<1x112xf32, #tpu.memory_space<hbm>>
    tpu.wait_dma2 semaphore(%arg10 : memref<!tpu.dma_semaphore, #tpu.memory_space<semaphore_mem>>) src(%dma_wait3A_1277 : memref<1x112xf32, #tpu.memory_space<hbm>>) dst(%dma_wait3A_1275 : memref<1x112xf32, #tpu.memory_space<vmem>>)
    %dma_wait3A_1278 = arith.constant 28 : i32
    %dma_wait3A_1279 = arith.constant 0 : i32
    %dma_wait3A_1280 = tpu.memref_slice %arg9[%dma_wait3A_1278, %dma_wait3A_1279] : memref<32x109xf32, #tpu.memory_space<vmem>> -> memref<1x109xf32, #tpu.memory_space<vmem>>
    %dma_wait3A_1281 = arith.constant 0 : i32
    %dma_wait3A_1282 = tpu.memref_slice %arg3[%squeeze3A_622, %dma_wait3A_1281] : memref<100000x109xf32, #tpu.memory_space<hbm>> -> memref<1x109xf32, #tpu.memory_space<hbm>>
    %dma_wait3A_1283 = arith.constant 28 : i32
    %dma_wait3A_1284 = arith.constant 0 : i32
    %dma_wait3A_1285 = tpu.memref_slice %arg9[%dma_wait3A_1283, %dma_wait3A_1284] : memref<32x109xf32, #tpu.memory_space<vmem>> -> memref<1x109xf32, #tpu.memory_space<vmem>>
    %dma_wait3A_1286 = arith.constant 0 : i32
    %dma_wait3A_1287 = tpu.memref_slice %arg3[%squeeze3A_622, %dma_wait3A_1286] : memref<100000x109xf32, #tpu.memory_space<hbm>> -> memref<1x109xf32, #tpu.memory_space<hbm>>
    tpu.wait_dma2 semaphore(%arg11 : memref<!tpu.dma_semaphore, #tpu.memory_space<semaphore_mem>>) src(%dma_wait3A_1287 : memref<1x109xf32, #tpu.memory_space<hbm>>) dst(%dma_wait3A_1285 : memref<1x109xf32, #tpu.memory_space<vmem>>)
    %dma_wait3A_1288 = arith.constant 29 : i32
    %dma_wait3A_1289 = arith.constant 0 : i32
    %dma_wait3A_1290 = tpu.memref_slice %arg8[%dma_wait3A_1288, %dma_wait3A_1289] : memref<32x112xf32, #tpu.memory_space<vmem>> -> memref<1x112xf32, #tpu.memory_space<vmem>>
    %dma_wait3A_1291 = arith.constant 0 : i32
    %dma_wait3A_1292 = tpu.memref_slice %arg2[%squeeze3A_644, %dma_wait3A_1291] : memref<100000x112xf32, #tpu.memory_space<hbm>> -> memref<1x112xf32, #tpu.memory_space<hbm>>
    %dma_wait3A_1293 = arith.constant 29 : i32
    %dma_wait3A_1294 = arith.constant 0 : i32
    %dma_wait3A_1295 = tpu.memref_slice %arg8[%dma_wait3A_1293, %dma_wait3A_1294] : memref<32x112xf32, #tpu.memory_space<vmem>> -> memref<1x112xf32, #tpu.memory_space<vmem>>
    %dma_wait3A_1296 = arith.constant 0 : i32
    %dma_wait3A_1297 = tpu.memref_slice %arg2[%squeeze3A_644, %dma_wait3A_1296] : memref<100000x112xf32, #tpu.memory_space<hbm>> -> memref<1x112xf32, #tpu.memory_space<hbm>>
    tpu.wait_dma2 semaphore(%arg10 : memref<!tpu.dma_semaphore, #tpu.memory_space<semaphore_mem>>) src(%dma_wait3A_1297 : memref<1x112xf32, #tpu.memory_space<hbm>>) dst(%dma_wait3A_1295 : memref<1x112xf32, #tpu.memory_space<vmem>>)
    %dma_wait3A_1298 = arith.constant 29 : i32
    %dma_wait3A_1299 = arith.constant 0 : i32
    %dma_wait3A_1300 = tpu.memref_slice %arg9[%dma_wait3A_1298, %dma_wait3A_1299] : memref<32x109xf32, #tpu.memory_space<vmem>> -> memref<1x109xf32, #tpu.memory_space<vmem>>
    %dma_wait3A_1301 = arith.constant 0 : i32
    %dma_wait3A_1302 = tpu.memref_slice %arg3[%squeeze3A_644, %dma_wait3A_1301] : memref<100000x109xf32, #tpu.memory_space<hbm>> -> memref<1x109xf32, #tpu.memory_space<hbm>>
    %dma_wait3A_1303 = arith.constant 29 : i32
    %dma_wait3A_1304 = arith.constant 0 : i32
    %dma_wait3A_1305 = tpu.memref_slice %arg9[%dma_wait3A_1303, %dma_wait3A_1304] : memref<32x109xf32, #tpu.memory_space<vmem>> -> memref<1x109xf32, #tpu.memory_space<vmem>>
    %dma_wait3A_1306 = arith.constant 0 : i32
    %dma_wait3A_1307 = tpu.memref_slice %arg3[%squeeze3A_644, %dma_wait3A_1306] : memref<100000x109xf32, #tpu.memory_space<hbm>> -> memref<1x109xf32, #tpu.memory_space<hbm>>
    tpu.wait_dma2 semaphore(%arg11 : memref<!tpu.dma_semaphore, #tpu.memory_space<semaphore_mem>>) src(%dma_wait3A_1307 : memref<1x109xf32, #tpu.memory_space<hbm>>) dst(%dma_wait3A_1305 : memref<1x109xf32, #tpu.memory_space<vmem>>)
    %dma_wait3A_1308 = arith.constant 30 : i32
    %dma_wait3A_1309 = arith.constant 0 : i32
    %dma_wait3A_1310 = tpu.memref_slice %arg8[%dma_wait3A_1308, %dma_wait3A_1309] : memref<32x112xf32, #tpu.memory_space<vmem>> -> memref<1x112xf32, #tpu.memory_space<vmem>>
    %dma_wait3A_1311 = arith.constant 0 : i32
    %dma_wait3A_1312 = tpu.memref_slice %arg2[%squeeze3A_666, %dma_wait3A_1311] : memref<100000x112xf32, #tpu.memory_space<hbm>> -> memref<1x112xf32, #tpu.memory_space<hbm>>
    %dma_wait3A_1313 = arith.constant 30 : i32
    %dma_wait3A_1314 = arith.constant 0 : i32
    %dma_wait3A_1315 = tpu.memref_slice %arg8[%dma_wait3A_1313, %dma_wait3A_1314] : memref<32x112xf32, #tpu.memory_space<vmem>> -> memref<1x112xf32, #tpu.memory_space<vmem>>
    %dma_wait3A_1316 = arith.constant 0 : i32
    %dma_wait3A_1317 = tpu.memref_slice %arg2[%squeeze3A_666, %dma_wait3A_1316] : memref<100000x112xf32, #tpu.memory_space<hbm>> -> memref<1x112xf32, #tpu.memory_space<hbm>>
    tpu.wait_dma2 semaphore(%arg10 : memref<!tpu.dma_semaphore, #tpu.memory_space<semaphore_mem>>) src(%dma_wait3A_1317 : memref<1x112xf32, #tpu.memory_space<hbm>>) dst(%dma_wait3A_1315 : memref<1x112xf32, #tpu.memory_space<vmem>>)
    %dma_wait3A_1318 = arith.constant 30 : i32
    %dma_wait3A_1319 = arith.constant 0 : i32
    %dma_wait3A_1320 = tpu.memref_slice %arg9[%dma_wait3A_1318, %dma_wait3A_1319] : memref<32x109xf32, #tpu.memory_space<vmem>> -> memref<1x109xf32, #tpu.memory_space<vmem>>
    %dma_wait3A_1321 = arith.constant 0 : i32
    %dma_wait3A_1322 = tpu.memref_slice %arg3[%squeeze3A_666, %dma_wait3A_1321] : memref<100000x109xf32, #tpu.memory_space<hbm>> -> memref<1x109xf32, #tpu.memory_space<hbm>>
    %dma_wait3A_1323 = arith.constant 30 : i32
    %dma_wait3A_1324 = arith.constant 0 : i32
    %dma_wait3A_1325 = tpu.memref_slice %arg9[%dma_wait3A_1323, %dma_wait3A_1324] : memref<32x109xf32, #tpu.memory_space<vmem>> -> memref<1x109xf32, #tpu.memory_space<vmem>>
    %dma_wait3A_1326 = arith.constant 0 : i32
    %dma_wait3A_1327 = tpu.memref_slice %arg3[%squeeze3A_666, %dma_wait3A_1326] : memref<100000x109xf32, #tpu.memory_space<hbm>> -> memref<1x109xf32, #tpu.memory_space<hbm>>
    tpu.wait_dma2 semaphore(%arg11 : memref<!tpu.dma_semaphore, #tpu.memory_space<semaphore_mem>>) src(%dma_wait3A_1327 : memref<1x109xf32, #tpu.memory_space<hbm>>) dst(%dma_wait3A_1325 : memref<1x109xf32, #tpu.memory_space<vmem>>)
    %dma_wait3A_1328 = arith.constant 31 : i32
    %dma_wait3A_1329 = arith.constant 0 : i32
    %dma_wait3A_1330 = tpu.memref_slice %arg8[%dma_wait3A_1328, %dma_wait3A_1329] : memref<32x112xf32, #tpu.memory_space<vmem>> -> memref<1x112xf32, #tpu.memory_space<vmem>>
    %dma_wait3A_1331 = arith.constant 0 : i32
    %dma_wait3A_1332 = tpu.memref_slice %arg2[%squeeze3A_688, %dma_wait3A_1331] : memref<100000x112xf32, #tpu.memory_space<hbm>> -> memref<1x112xf32, #tpu.memory_space<hbm>>
    %dma_wait3A_1333 = arith.constant 31 : i32
    %dma_wait3A_1334 = arith.constant 0 : i32
    %dma_wait3A_1335 = tpu.memref_slice %arg8[%dma_wait3A_1333, %dma_wait3A_1334] : memref<32x112xf32, #tpu.memory_space<vmem>> -> memref<1x112xf32, #tpu.memory_space<vmem>>
    %dma_wait3A_1336 = arith.constant 0 : i32
    %dma_wait3A_1337 = tpu.memref_slice %arg2[%squeeze3A_688, %dma_wait3A_1336] : memref<100000x112xf32, #tpu.memory_space<hbm>> -> memref<1x112xf32, #tpu.memory_space<hbm>>
    tpu.wait_dma2 semaphore(%arg10 : memref<!tpu.dma_semaphore, #tpu.memory_space<semaphore_mem>>) src(%dma_wait3A_1337 : memref<1x112xf32, #tpu.memory_space<hbm>>) dst(%dma_wait3A_1335 : memref<1x112xf32, #tpu.memory_space<vmem>>)
    %dma_wait3A_1338 = arith.constant 31 : i32
    %dma_wait3A_1339 = arith.constant 0 : i32
    %dma_wait3A_1340 = tpu.memref_slice %arg9[%dma_wait3A_1338, %dma_wait3A_1339] : memref<32x109xf32, #tpu.memory_space<vmem>> -> memref<1x109xf32, #tpu.memory_space<vmem>>
    %dma_wait3A_1341 = arith.constant 0 : i32
    %dma_wait3A_1342 = tpu.memref_slice %arg3[%squeeze3A_688, %dma_wait3A_1341] : memref<100000x109xf32, #tpu.memory_space<hbm>> -> memref<1x109xf32, #tpu.memory_space<hbm>>
    %dma_wait3A_1343 = arith.constant 31 : i32
    %dma_wait3A_1344 = arith.constant 0 : i32
    %dma_wait3A_1345 = tpu.memref_slice %arg9[%dma_wait3A_1343, %dma_wait3A_1344] : memref<32x109xf32, #tpu.memory_space<vmem>> -> memref<1x109xf32, #tpu.memory_space<vmem>>
    %dma_wait3A_1346 = arith.constant 0 : i32
    %dma_wait3A_1347 = tpu.memref_slice %arg3[%squeeze3A_688, %dma_wait3A_1346] : memref<100000x109xf32, #tpu.memory_space<hbm>> -> memref<1x109xf32, #tpu.memory_space<hbm>>
    tpu.wait_dma2 semaphore(%arg11 : memref<!tpu.dma_semaphore, #tpu.memory_space<semaphore_mem>>) src(%dma_wait3A_1347 : memref<1x109xf32, #tpu.memory_space<hbm>>) dst(%dma_wait3A_1345 : memref<1x109xf32, #tpu.memory_space<vmem>>)
    "tpu.region"() ({
      %run_scoped3A = tpu.sem_alloc : memref<!tpu.dma_semaphore, #tpu.memory_space<semaphore_mem>>
      %dma_start3A_1348 = arith.constant 0 : i32
      %dma_start3A_1349 = tpu.memref_slice %arg5[%mul3A_2, %dma_start3A_1348] : memref<1024x112xf32, #tpu.memory_space<hbm>> -> memref<32x112xf32, #tpu.memory_space<hbm>>
      %dma_start3A_1350 = arith.constant 0 : i32
      %dma_start3A_1351 = tpu.memref_slice %arg5[%mul3A_2, %dma_start3A_1350] : memref<1024x112xf32, #tpu.memory_space<hbm>> -> memref<32x112xf32, #tpu.memory_space<hbm>>
      tpu.enqueue_dma source(%arg8 : memref<32x112xf32, #tpu.memory_space<vmem>>) target(%dma_start3A_1351 : memref<32x112xf32, #tpu.memory_space<hbm>>) target_semaphore(%run_scoped3A : memref<!tpu.dma_semaphore, #tpu.memory_space<semaphore_mem>>)
      %dma_wait3A_1352 = arith.constant 0 : i32
      %dma_wait3A_1353 = tpu.memref_slice %arg5[%mul3A_2, %dma_wait3A_1352] : memref<1024x112xf32, #tpu.memory_space<hbm>> -> memref<32x112xf32, #tpu.memory_space<hbm>>
      %dma_wait3A_1354 = arith.constant 0 : i32
      %dma_wait3A_1355 = tpu.memref_slice %arg5[%mul3A_2, %dma_wait3A_1354] : memref<1024x112xf32, #tpu.memory_space<hbm>> -> memref<32x112xf32, #tpu.memory_space<hbm>>
      tpu.wait_dma2 semaphore(%run_scoped3A : memref<!tpu.dma_semaphore, #tpu.memory_space<semaphore_mem>>) src(%arg8 : memref<32x112xf32, #tpu.memory_space<vmem>>) dst(%dma_wait3A_1355 : memref<32x112xf32, #tpu.memory_space<hbm>>)
      tpu.yield
    }) : () -> ()
    "tpu.region"() ({
      %run_scoped3A = tpu.sem_alloc : memref<!tpu.dma_semaphore, #tpu.memory_space<semaphore_mem>>
      %dma_start3A_1348 = arith.constant 0 : i32
      %dma_start3A_1349 = tpu.memref_slice %arg6[%mul3A_2, %dma_start3A_1348] : memref<1024x109xf32, #tpu.memory_space<hbm>> -> memref<32x109xf32, #tpu.memory_space<hbm>>
      %dma_start3A_1350 = arith.constant 0 : i32
      %dma_start3A_1351 = tpu.memref_slice %arg6[%mul3A_2, %dma_start3A_1350] : memref<1024x109xf32, #tpu.memory_space<hbm>> -> memref<32x109xf32, #tpu.memory_space<hbm>>
      tpu.enqueue_dma source(%arg9 : memref<32x109xf32, #tpu.memory_space<vmem>>) target(%dma_start3A_1351 : memref<32x109xf32, #tpu.memory_space<hbm>>) target_semaphore(%run_scoped3A : memref<!tpu.dma_semaphore, #tpu.memory_space<semaphore_mem>>)
      %dma_wait3A_1352 = arith.constant 0 : i32
      %dma_wait3A_1353 = tpu.memref_slice %arg6[%mul3A_2, %dma_wait3A_1352] : memref<1024x109xf32, #tpu.memory_space<hbm>> -> memref<32x109xf32, #tpu.memory_space<hbm>>
      %dma_wait3A_1354 = arith.constant 0 : i32
      %dma_wait3A_1355 = tpu.memref_slice %arg6[%mul3A_2, %dma_wait3A_1354] : memref<1024x109xf32, #tpu.memory_space<hbm>> -> memref<32x109xf32, #tpu.memory_space<hbm>>
      tpu.wait_dma2 semaphore(%run_scoped3A : memref<!tpu.dma_semaphore, #tpu.memory_space<semaphore_mem>>) src(%arg9 : memref<32x109xf32, #tpu.memory_space<vmem>>) dst(%dma_wait3A_1355 : memref<32x109xf32, #tpu.memory_space<hbm>>)
      tpu.yield
    }) : () -> ()
    return
  }
}

module attributes {stable_mosaic.version = 14 : i64} {
  func.func @_precompute_body(%arg0: memref<1024x112xf32, #tpu.memory_space<vmem>>, %arg1: memref<1024x109xf32, #tpu.memory_space<vmem>>, %arg2: memref<1024x384xf32, #tpu.memory_space<vmem>>) attributes {dimension_semantics = [], scalar_prefetch = 0 : i64, scratch_operands = 0 : i64, tpu.core_type = #tpu.core_type<tc>} {
    %get3A = arith.constant 0 : index
    %get3A_0 = arith.constant 0 : index
    %get3A_1 = vector.load %arg0[%get3A, %get3A_0] : memref<1024x112xf32, #tpu.memory_space<vmem>>, vector<1024x112xf32>
    %get3A_2 = arith.constant 0 : index
    %get3A_3 = arith.constant 0 : index
    %get3A_4 = vector.load %arg1[%get3A_2, %get3A_3] : memref<1024x109xf32, #tpu.memory_space<vmem>>, vector<1024x109xf32>
    %slice3A = vector.extract_strided_slice %get3A_4 {offsets = [0, 0], sizes = [1024, 63], strides = [1, 1]} : vector<1024x109xf32> to vector<1024x63xf32>
    %reduce_max3A = arith.constant dense<0xFF800000> : vector<1024xf32>
    %reduce_max3A_5 = vector.multi_reduction <maximumf>, %slice3A, %reduce_max3A [1] : vector<1024x63xf32> to vector<1024xf32>
    %broadcast_in_dim3A = vector.shape_cast %reduce_max3A_5 : vector<1024xf32> to vector<1024x1xf32>
    %sub3A = vector.broadcast %broadcast_in_dim3A : vector<1024x1xf32> to vector<1024x63xf32>
    %sub3A_6 = arith.subf %slice3A, %sub3A : vector<1024x63xf32>
    %exp3A = math.exp %sub3A_6 : vector<1024x63xf32>
    %reduce_sum3A = arith.constant dense<0.000000e+00> : vector<1024xf32>
    %reduce_sum3A_7 = vector.multi_reduction <add>, %exp3A, %reduce_sum3A [1] : vector<1024x63xf32> to vector<1024xf32>
    %broadcast_in_dim3A_8 = vector.shape_cast %reduce_sum3A_7 : vector<1024xf32> to vector<1024x1xf32>
    %div3A = vector.broadcast %broadcast_in_dim3A_8 : vector<1024x1xf32> to vector<1024x63xf32>
    %div3A_9 = arith.divf %exp3A, %div3A : vector<1024x63xf32>
    %iota3A = tpu.iota {dimensions = array<i32: 0>} : vector<63x63xi32>
    %iota3A_10 = tpu.iota {dimensions = array<i32: 1>} : vector<63x63xi32>
    %le3A = arith.cmpi sle, %iota3A, %iota3A_10 : vector<63x63xi32>
    %convert_element_type3A = arith.extui %le3A : vector<63x63xi1> to vector<63x63xi32>
    %convert_element_type3A_11 = arith.sitofp %convert_element_type3A : vector<63x63xi32> to vector<63x63xf32>
    %dot_general3A = arith.constant dense<0.000000e+00> : vector<1024x63xf32>
    %dot_general3A_12 = tpu.matmul %div3A_9, %convert_element_type3A_11, %dot_general3A {dimension_numbers = #tpu.dot_dimension_numbers<[1], [0], [0], [1], [0, 0, 1, 1], [], []>, transpose_lhs_hint = false} : vector<1024x63xf32>, vector<63x63xf32>, vector<1024x63xf32> -> vector<1024x63xf32>
    %broadcast_in_dim3A_13 = arith.constant 0.000000e+00 : f32
    %broadcast_in_dim3A_14 = vector.broadcast %broadcast_in_dim3A_13 : f32 to vector<1024x1xf32>
    %slice3A_15 = vector.extract_strided_slice %dot_general3A_12 {offsets = [0, 0], sizes = [1024, 62], strides = [1, 1]} : vector<1024x63xf32> to vector<1024x62xf32>
    %broadcast_in_dim3A_16 = arith.constant 1.000000e+00 : f32
    %broadcast_in_dim3A_17 = vector.broadcast %broadcast_in_dim3A_16 : f32 to vector<1024x1xf32>
    %concatenate3A = tpu.concatenate %broadcast_in_dim3A_14, %slice3A_15, %broadcast_in_dim3A_17 in 1 : vector<1024x1xf32>, vector<1024x62xf32>, vector<1024x1xf32> -> vector<1024x64xf32>
    %slice3A_18 = vector.extract_strided_slice %get3A_1 {offsets = [0, 0], sizes = [1024, 64], strides = [1, 1]} : vector<1024x112xf32> to vector<1024x64xf32>
    %exp3A_19 = math.exp %slice3A_18 : vector<1024x64xf32>
    %broadcast_in_dim3A_20 = arith.constant 0.000000e+00 : f32
    %broadcast_in_dim3A_21 = vector.broadcast %broadcast_in_dim3A_20 : f32 to vector<1024x1xf32>
    %slice3A_22 = vector.extract_strided_slice %get3A_4 {offsets = [0, 63], sizes = [1024, 31], strides = [1, 1]} : vector<1024x109xf32> to vector<1024x31xf32>
    %reduce_max3A_23 = arith.constant dense<0xFF800000> : vector<1024xf32>
    %reduce_max3A_24 = vector.multi_reduction <maximumf>, %slice3A_22, %reduce_max3A_23 [1] : vector<1024x31xf32> to vector<1024xf32>
    %broadcast_in_dim3A_25 = vector.shape_cast %reduce_max3A_24 : vector<1024xf32> to vector<1024x1xf32>
    %sub3A_26 = vector.broadcast %broadcast_in_dim3A_25 : vector<1024x1xf32> to vector<1024x31xf32>
    %sub3A_27 = arith.subf %slice3A_22, %sub3A_26 : vector<1024x31xf32>
    %exp3A_28 = math.exp %sub3A_27 : vector<1024x31xf32>
    %reduce_sum3A_29 = arith.constant dense<0.000000e+00> : vector<1024xf32>
    %reduce_sum3A_30 = vector.multi_reduction <add>, %exp3A_28, %reduce_sum3A_29 [1] : vector<1024x31xf32> to vector<1024xf32>
    %broadcast_in_dim3A_31 = vector.shape_cast %reduce_sum3A_30 : vector<1024xf32> to vector<1024x1xf32>
    %div3A_32 = vector.broadcast %broadcast_in_dim3A_31 : vector<1024x1xf32> to vector<1024x31xf32>
    %div3A_33 = arith.divf %exp3A_28, %div3A_32 : vector<1024x31xf32>
    %iota3A_34 = tpu.iota {dimensions = array<i32: 0>} : vector<31x31xi32>
    %iota3A_35 = tpu.iota {dimensions = array<i32: 1>} : vector<31x31xi32>
    %le3A_36 = arith.cmpi sle, %iota3A_34, %iota3A_35 : vector<31x31xi32>
    %convert_element_type3A_37 = arith.extui %le3A_36 : vector<31x31xi1> to vector<31x31xi32>
    %convert_element_type3A_38 = arith.sitofp %convert_element_type3A_37 : vector<31x31xi32> to vector<31x31xf32>
    %dot_general3A_39 = arith.constant dense<0.000000e+00> : vector<1024x31xf32>
    %dot_general3A_40 = tpu.matmul %div3A_33, %convert_element_type3A_38, %dot_general3A_39 {dimension_numbers = #tpu.dot_dimension_numbers<[1], [0], [0], [1], [0, 0, 1, 1], [], []>, transpose_lhs_hint = false} : vector<1024x31xf32>, vector<31x31xf32>, vector<1024x31xf32> -> vector<1024x31xf32>
    %broadcast_in_dim3A_41 = arith.constant 0.000000e+00 : f32
    %broadcast_in_dim3A_42 = vector.broadcast %broadcast_in_dim3A_41 : f32 to vector<1024x1xf32>
    %slice3A_43 = vector.extract_strided_slice %dot_general3A_40 {offsets = [0, 0], sizes = [1024, 30], strides = [1, 1]} : vector<1024x31xf32> to vector<1024x30xf32>
    %broadcast_in_dim3A_44 = arith.constant 1.000000e+00 : f32
    %broadcast_in_dim3A_45 = vector.broadcast %broadcast_in_dim3A_44 : f32 to vector<1024x1xf32>
    %concatenate3A_46 = tpu.concatenate %broadcast_in_dim3A_42, %slice3A_43, %broadcast_in_dim3A_45 in 1 : vector<1024x1xf32>, vector<1024x30xf32>, vector<1024x1xf32> -> vector<1024x32xf32>
    %slice3A_47 = vector.extract_strided_slice %get3A_1 {offsets = [0, 64], sizes = [1024, 32], strides = [1, 1]} : vector<1024x112xf32> to vector<1024x32xf32>
    %exp3A_48 = math.exp %slice3A_47 : vector<1024x32xf32>
    %broadcast_in_dim3A_49 = arith.constant 0.000000e+00 : f32
    %broadcast_in_dim3A_50 = vector.broadcast %broadcast_in_dim3A_49 : f32 to vector<1024x1xf32>
    %slice3A_51 = vector.extract_strided_slice %get3A_4 {offsets = [0, 94], sizes = [1024, 15], strides = [1, 1]} : vector<1024x109xf32> to vector<1024x15xf32>
    %reduce_max3A_52 = arith.constant dense<0xFF800000> : vector<1024xf32>
    %reduce_max3A_53 = vector.multi_reduction <maximumf>, %slice3A_51, %reduce_max3A_52 [1] : vector<1024x15xf32> to vector<1024xf32>
    %broadcast_in_dim3A_54 = vector.shape_cast %reduce_max3A_53 : vector<1024xf32> to vector<1024x1xf32>
    %sub3A_55 = vector.broadcast %broadcast_in_dim3A_54 : vector<1024x1xf32> to vector<1024x15xf32>
    %sub3A_56 = arith.subf %slice3A_51, %sub3A_55 : vector<1024x15xf32>
    %exp3A_57 = math.exp %sub3A_56 : vector<1024x15xf32>
    %reduce_sum3A_58 = arith.constant dense<0.000000e+00> : vector<1024xf32>
    %reduce_sum3A_59 = vector.multi_reduction <add>, %exp3A_57, %reduce_sum3A_58 [1] : vector<1024x15xf32> to vector<1024xf32>
    %broadcast_in_dim3A_60 = vector.shape_cast %reduce_sum3A_59 : vector<1024xf32> to vector<1024x1xf32>
    %div3A_61 = vector.broadcast %broadcast_in_dim3A_60 : vector<1024x1xf32> to vector<1024x15xf32>
    %div3A_62 = arith.divf %exp3A_57, %div3A_61 : vector<1024x15xf32>
    %iota3A_63 = tpu.iota {dimensions = array<i32: 0>} : vector<15x15xi32>
    %iota3A_64 = tpu.iota {dimensions = array<i32: 1>} : vector<15x15xi32>
    %le3A_65 = arith.cmpi sle, %iota3A_63, %iota3A_64 : vector<15x15xi32>
    %convert_element_type3A_66 = arith.extui %le3A_65 : vector<15x15xi1> to vector<15x15xi32>
    %convert_element_type3A_67 = arith.sitofp %convert_element_type3A_66 : vector<15x15xi32> to vector<15x15xf32>
    %dot_general3A_68 = arith.constant dense<0.000000e+00> : vector<1024x15xf32>
    %dot_general3A_69 = tpu.matmul %div3A_62, %convert_element_type3A_67, %dot_general3A_68 {dimension_numbers = #tpu.dot_dimension_numbers<[1], [0], [0], [1], [0, 0, 1, 1], [], []>, transpose_lhs_hint = false} : vector<1024x15xf32>, vector<15x15xf32>, vector<1024x15xf32> -> vector<1024x15xf32>
    %broadcast_in_dim3A_70 = arith.constant 0.000000e+00 : f32
    %broadcast_in_dim3A_71 = vector.broadcast %broadcast_in_dim3A_70 : f32 to vector<1024x1xf32>
    %slice3A_72 = vector.extract_strided_slice %dot_general3A_69 {offsets = [0, 0], sizes = [1024, 14], strides = [1, 1]} : vector<1024x15xf32> to vector<1024x14xf32>
    %broadcast_in_dim3A_73 = arith.constant 1.000000e+00 : f32
    %broadcast_in_dim3A_74 = vector.broadcast %broadcast_in_dim3A_73 : f32 to vector<1024x1xf32>
    %concatenate3A_75 = tpu.concatenate %broadcast_in_dim3A_71, %slice3A_72, %broadcast_in_dim3A_74 in 1 : vector<1024x1xf32>, vector<1024x14xf32>, vector<1024x1xf32> -> vector<1024x16xf32>
    %slice3A_76 = vector.extract_strided_slice %get3A_1 {offsets = [0, 96], sizes = [1024, 16], strides = [1, 1]} : vector<1024x112xf32> to vector<1024x16xf32>
    %exp3A_77 = math.exp %slice3A_76 : vector<1024x16xf32>
    %broadcast_in_dim3A_78 = arith.constant 0.000000e+00 : f32
    %broadcast_in_dim3A_79 = vector.broadcast %broadcast_in_dim3A_78 : f32 to vector<1024x17xf32>
    %broadcast_in_dim3A_80 = arith.constant 0.000000e+00 : f32
    %broadcast_in_dim3A_81 = vector.broadcast %broadcast_in_dim3A_80 : f32 to vector<1024x16xf32>
    %concatenate3A_82 = tpu.concatenate %div3A_9, %broadcast_in_dim3A_21, %div3A_33, %broadcast_in_dim3A_50, %div3A_62, %broadcast_in_dim3A_79, %concatenate3A, %concatenate3A_46, %concatenate3A_75, %broadcast_in_dim3A_81, %exp3A_19, %exp3A_48, %exp3A_77, %broadcast_in_dim3A_81 in 1 : vector<1024x63xf32>, vector<1024x1xf32>, vector<1024x31xf32>, vector<1024x1xf32>, vector<1024x15xf32>, vector<1024x17xf32>, vector<1024x64xf32>, vector<1024x32xf32>, vector<1024x16xf32>, vector<1024x16xf32>, vector<1024x64xf32>, vector<1024x32xf32>, vector<1024x16xf32>, vector<1024x16xf32> -> vector<1024x384xf32>
    %swap3A = arith.constant 0 : index
    %swap3A_83 = arith.constant 0 : index
    %swap3A_84 = vector.load %arg2[%swap3A, %swap3A_83] : memref<1024x384xf32, #tpu.memory_space<vmem>>, vector<1024x384xf32>
    tpu.vector_store %arg2[%swap3A, %swap3A_83], %concatenate3A_82 {strides = array<i32>} : memref<1024x384xf32, #tpu.memory_space<vmem>>, vector<1024x384xf32>,
    return
  }
}

module attributes {stable_mosaic.version = 14 : i64} {
  func.func @_spline_body(%arg0: i32, %arg1: memref<1x1x1024xf32, #tpu.memory_space<vmem>>, %arg2: memref<1x1x1024xi32, #tpu.memory_space<vmem>>, %arg3: memref<112x1024xf32, #tpu.memory_space<vmem>>, %arg4: memref<1024x384xf32, #tpu.memory_space<vmem>>, %arg5: memref<1x1x1024xf32, #tpu.memory_space<vmem>>, %arg6: memref<1x1x1024xf32, #tpu.memory_space<vmem>>, %arg7: memref<384x1024xf32, #tpu.memory_space<vmem>>) attributes {dimension_semantics = [#tpu.dimension_semantics<arbitrary>], iteration_bounds = array<i64: 256>, scalar_prefetch = 0 : i64, scratch_operands = 1 : i64, tpu.core_type = #tpu.core_type<tc>, window_params = [{transform_indices = @transform_0, window_bounds = array<i64: 1, 1, 1024>}, {transform_indices = @transform_1, window_bounds = array<i64: 1, 1, 1024>}, {transform_indices = @transform_2, window_bounds = array<i64: 112, 1024>}, {pipeline_mode = #tpu.pipeline_mode<synchronous>, transform_indices = @transform_3, window_bounds = array<i64: 1024, 384>}, {transform_indices = @transform_4, window_bounds = array<i64: 1, 1, 1024>}, {transform_indices = @transform_5, window_bounds = array<i64: 1, 1, 1024>}]} {
    %get3A = arith.constant 0 : index
    %get3A_0 = arith.constant 0 : index
    %get3A_1 = arith.constant 0 : index
    %get3A_2 = vector.load %arg1[%get3A, %get3A_0, %get3A_1] : memref<1x1x1024xf32, #tpu.memory_space<vmem>>, vector<1x1x1024xf32>
    %get3A_3 = vector.shape_cast %get3A_2 : vector<1x1x1024xf32> to vector<1x1024xf32>
    %get3A_4 = arith.constant 0 : index
    %get3A_5 = arith.constant 0 : index
    %get3A_6 = arith.constant 0 : index
    %get3A_7 = vector.load %arg2[%get3A_4, %get3A_5, %get3A_6] : memref<1x1x1024xi32, #tpu.memory_space<vmem>>, vector<1x1x1024xi32>
    %get3A_8 = vector.shape_cast %get3A_7 : vector<1x1x1024xi32> to vector<1x1024xi32>
    %get3A_9 = arith.constant 0 : index
    %get3A_10 = arith.constant 0 : index
    %get3A_11 = arith.constant 0 : index
    %get3A_12 = vector.load %arg2[%get3A_9, %get3A_10, %get3A_11] : memref<1x1x1024xi32, #tpu.memory_space<vmem>>, vector<1x1x1xi32>
    %get3A_13 = vector.extract %get3A_12[0, 0, 0] : i32 from vector<1x1x1xi32>
    %get3A_14 = arith.constant 0 : index
    %get3A_15 = arith.constant 0 : index
    %get3A_16 = arith.constant 1023 : index
    %get3A_17 = vector.load %arg2[%get3A_14, %get3A_15, %get3A_16] : memref<1x1x1024xi32, #tpu.memory_space<vmem>>, vector<1x1x1xi32>
    %get3A_18 = vector.extract %get3A_17[0, 0, 0] : i32 from vector<1x1x1xi32>
    %jit3A = arith.constant 8 : i32
    %div3A = arith.divsi %get3A_13, %jit3A : i32
    %sign3A = arith.constant 0 : i32
    %sign3A_19 = arith.cmpi sgt, %get3A_13, %sign3A : i32
    %sign3A_20 = arith.extui %sign3A_19 : i1 to i32
    %sign3A_21 = arith.constant 0 : i32
    %sign3A_22 = arith.cmpi slt, %get3A_13, %sign3A_21 : i32
    %sign3A_23 = arith.extui %sign3A_22 : i1 to i32
    %sign3A_24 = arith.subi %sign3A_20, %sign3A_23 : i32
    %sign3A_25 = arith.constant 0 : i32
    %sign3A_26 = arith.cmpi sgt, %jit3A, %sign3A_25 : i32
    %sign3A_27 = arith.extui %sign3A_26 : i1 to i32
    %sign3A_28 = arith.constant 0 : i32
    %sign3A_29 = arith.cmpi slt, %jit3A, %sign3A_28 : i32
    %sign3A_30 = arith.extui %sign3A_29 : i1 to i32
    %sign3A_31 = arith.subi %sign3A_27, %sign3A_30 : i32
    %ne3A = arith.cmpi ne, %sign3A_24, %sign3A_31 : i32
    %rem3A = arith.remsi %get3A_13, %jit3A : i32
    %ne3A_32 = arith.constant 0 : i32
    %ne3A_33 = arith.cmpi ne, %rem3A, %ne3A_32 : i32
    %and3A = arith.andi %ne3A, %ne3A_33 : i1
    %sub3A = arith.constant 1 : i32
    %sub3A_34 = arith.subi %div3A, %sub3A : i32
    %select_n3A = arith.select %and3A, %sub3A_34, %div3A : i32
    %mul3A = arith.constant 8 : i32
    %mul3A_35 = arith.muli %select_n3A, %mul3A : i32
    %min3A = arith.constant 960 : i32
    %min3A_36 = arith.minsi %mul3A_35, %min3A : i32
    %iota3A = tpu.iota {dimensions = array<i32: 0>} : vector<64x1024xi32>
    %add3A = vector.broadcast %min3A_36 : i32 to vector<64x1024xi32>
    %add3A_37 = arith.addi %iota3A, %add3A : vector<64x1024xi32>
    %eq3A = vector.broadcast %get3A_8 : vector<1x1024xi32> to vector<64x1024xi32>
    %eq3A_38 = arith.cmpi eq, %add3A_37, %eq3A : vector<64x1024xi32>
    %convert_element_type3A = arith.extui %eq3A_38 : vector<64x1024xi1> to vector<64x1024xi32>
    %convert_element_type3A_39 = arith.sitofp %convert_element_type3A : vector<64x1024xi32> to vector<64x1024xf32>
    %get3A_40 = arith.index_cast %min3A_36 : i32 to index
    %get3A_41 = arith.constant 0 : index
    %get3A_42 = vector.load %arg4[%get3A_40, %get3A_41] : memref<1024x384xf32, #tpu.memory_space<vmem>>, vector<64x384xf32>
    %dot_general3A = arith.constant dense<0.000000e+00> : vector<384x1024xf32>
    %dot_general3A_43 = tpu.matmul %get3A_42, %convert_element_type3A_39, %dot_general3A {dimension_numbers = #tpu.dot_dimension_numbers<[0], [0], [1], [1], [0, 1, 1, 1], [], []>, transpose_lhs_hint = false} : vector<64x384xf32>, vector<64x1024xf32>, vector<384x1024xf32> -> vector<384x1024xf32>
    %swap3A = arith.constant 0 : index
    %swap3A_44 = arith.constant 0 : index
    %swap3A_45 = vector.load %arg7[%swap3A, %swap3A_44] : memref<384x1024xf32, #tpu.memory_space<vmem>>, vector<384x1024xf32>
    tpu.vector_store %arg7[%swap3A, %swap3A_44], %dot_general3A_43 {strides = array<i32>} : memref<384x1024xf32, #tpu.memory_space<vmem>>, vector<384x1024xf32>,
    %add3A_46 = arith.constant 64 : i32
    %add3A_47 = arith.addi %min3A_36, %add3A_46 : i32
    %ge3A = arith.cmpi sge, %get3A_18, %add3A_47 : i32
    %convert_element_type3A_48 = arith.extui %ge3A : i1 to i32
    %cond3A = arith.constant 0 : i32
    %cond3A_49 = arith.cmpi ne, %convert_element_type3A_48, %cond3A : i32
    scf.if %cond3A_49 {
      %min3A_361 = arith.constant 960 : i32
      %min3A_362 = arith.minsi %add3A_47, %min3A_361 : i32
      %add3A_363 = vector.broadcast %min3A_362 : i32 to vector<64x1024xi32>
      %add3A_364 = arith.addi %iota3A, %add3A_363 : vector<64x1024xi32>
      %eq3A_365 = vector.broadcast %get3A_8 : vector<1x1024xi32> to vector<64x1024xi32>
      %eq3A_366 = arith.cmpi eq, %add3A_364, %eq3A_365 : vector<64x1024xi32>
      %ge3A_367 = vector.broadcast %add3A_47 : i32 to vector<1x1024xi32>
      %ge3A_368 = arith.cmpi sge, %get3A_8, %ge3A_367 : vector<1x1024xi32>
      %and3A_369 = vector.broadcast %ge3A_368 : vector<1x1024xi1> to vector<64x1024xi1>
      %and3A_370 = arith.andi %eq3A_366, %and3A_369 : vector<64x1024xi1>
      %convert_element_type3A_371 = arith.extui %and3A_370 : vector<64x1024xi1> to vector<64x1024xi32>
      %convert_element_type3A_372 = arith.sitofp %convert_element_type3A_371 : vector<64x1024xi32> to vector<64x1024xf32>
      %get3A_373 = arith.constant 0 : index
      %get3A_374 = arith.constant 0 : index
      %get3A_375 = vector.load %arg7[%get3A_373, %get3A_374] : memref<384x1024xf32, #tpu.memory_space<vmem>>, vector<384x1024xf32>
      %get3A_376 = arith.index_cast %min3A_362 : i32 to index
      %get3A_377 = arith.constant 0 : index
      %get3A_378 = vector.load %arg4[%get3A_376, %get3A_377] : memref<1024x384xf32, #tpu.memory_space<vmem>>, vector<64x384xf32>
      %dot_general3A_379 = arith.constant dense<0.000000e+00> : vector<384x1024xf32>
      %dot_general3A_380 = tpu.matmul %get3A_378, %convert_element_type3A_372, %dot_general3A_379 {dimension_numbers = #tpu.dot_dimension_numbers<[0], [0], [1], [1], [0, 1, 1, 1], [], []>, transpose_lhs_hint = false} : vector<64x384xf32>, vector<64x1024xf32>, vector<384x1024xf32> -> vector<384x1024xf32>
      %add3A_381 = arith.addf %get3A_375, %dot_general3A_380 : vector<384x1024xf32>
      %swap3A_382 = arith.constant 0 : index
      %swap3A_383 = arith.constant 0 : index
      %swap3A_384 = vector.load %arg7[%swap3A_382, %swap3A_383] : memref<384x1024xf32, #tpu.memory_space<vmem>>, vector<384x1024xf32>
      tpu.vector_store %arg7[%swap3A_382, %swap3A_383], %add3A_381 {strides = array<i32>} : memref<384x1024xf32, #tpu.memory_space<vmem>>, vector<384x1024xf32>,
    } else {
    }
    %add3A_50 = arith.constant 128 : i32
    %add3A_51 = arith.addi %min3A_36, %add3A_50 : i32
    %ge3A_52 = arith.cmpi sge, %get3A_18, %add3A_51 : i32
    %convert_element_type3A_53 = arith.extui %ge3A_52 : i1 to i32
    %cond3A_54 = arith.constant 0 : i32
    %cond3A_55 = arith.cmpi ne, %convert_element_type3A_53, %cond3A_54 : i32
    scf.if %cond3A_55 {
      %min3A_361 = arith.constant 960 : i32
      %min3A_362 = arith.minsi %add3A_51, %min3A_361 : i32
      %add3A_363 = vector.broadcast %min3A_362 : i32 to vector<64x1024xi32>
      %add3A_364 = arith.addi %iota3A, %add3A_363 : vector<64x1024xi32>
      %eq3A_365 = vector.broadcast %get3A_8 : vector<1x1024xi32> to vector<64x1024xi32>
      %eq3A_366 = arith.cmpi eq, %add3A_364, %eq3A_365 : vector<64x1024xi32>
      %ge3A_367 = vector.broadcast %add3A_51 : i32 to vector<1x1024xi32>
      %ge3A_368 = arith.cmpi sge, %get3A_8, %ge3A_367 : vector<1x1024xi32>
      %and3A_369 = vector.broadcast %ge3A_368 : vector<1x1024xi1> to vector<64x1024xi1>
      %and3A_370 = arith.andi %eq3A_366, %and3A_369 : vector<64x1024xi1>
      %convert_element_type3A_371 = arith.extui %and3A_370 : vector<64x1024xi1> to vector<64x1024xi32>
      %convert_element_type3A_372 = arith.sitofp %convert_element_type3A_371 : vector<64x1024xi32> to vector<64x1024xf32>
      %get3A_373 = arith.constant 0 : index
      %get3A_374 = arith.constant 0 : index
      %get3A_375 = vector.load %arg7[%get3A_373, %get3A_374] : memref<384x1024xf32, #tpu.memory_space<vmem>>, vector<384x1024xf32>
      %get3A_376 = arith.index_cast %min3A_362 : i32 to index
      %get3A_377 = arith.constant 0 : index
      %get3A_378 = vector.load %arg4[%get3A_376, %get3A_377] : memref<1024x384xf32, #tpu.memory_space<vmem>>, vector<64x384xf32>
      %dot_general3A_379 = arith.constant dense<0.000000e+00> : vector<384x1024xf32>
      %dot_general3A_380 = tpu.matmul %get3A_378, %convert_element_type3A_372, %dot_general3A_379 {dimension_numbers = #tpu.dot_dimension_numbers<[0], [0], [1], [1], [0, 1, 1, 1], [], []>, transpose_lhs_hint = false} : vector<64x384xf32>, vector<64x1024xf32>, vector<384x1024xf32> -> vector<384x1024xf32>
      %add3A_381 = arith.addf %get3A_375, %dot_general3A_380 : vector<384x1024xf32>
      %swap3A_382 = arith.constant 0 : index
      %swap3A_383 = arith.constant 0 : index
      %swap3A_384 = vector.load %arg7[%swap3A_382, %swap3A_383] : memref<384x1024xf32, #tpu.memory_space<vmem>>, vector<384x1024xf32>
      tpu.vector_store %arg7[%swap3A_382, %swap3A_383], %add3A_381 {strides = array<i32>} : memref<384x1024xf32, #tpu.memory_space<vmem>>, vector<384x1024xf32>,
    } else {
    }
    %add3A_56 = arith.constant 192 : i32
    %add3A_57 = arith.addi %min3A_36, %add3A_56 : i32
    %ge3A_58 = arith.cmpi sge, %get3A_18, %add3A_57 : i32
    %convert_element_type3A_59 = arith.extui %ge3A_58 : i1 to i32
    %cond3A_60 = arith.constant 0 : i32
    %cond3A_61 = arith.cmpi ne, %convert_element_type3A_59, %cond3A_60 : i32
    scf.if %cond3A_61 {
      %min3A_361 = arith.constant 960 : i32
      %min3A_362 = arith.minsi %add3A_57, %min3A_361 : i32
      %add3A_363 = vector.broadcast %min3A_362 : i32 to vector<64x1024xi32>
      %add3A_364 = arith.addi %iota3A, %add3A_363 : vector<64x1024xi32>
      %eq3A_365 = vector.broadcast %get3A_8 : vector<1x1024xi32> to vector<64x1024xi32>
      %eq3A_366 = arith.cmpi eq, %add3A_364, %eq3A_365 : vector<64x1024xi32>
      %ge3A_367 = vector.broadcast %add3A_57 : i32 to vector<1x1024xi32>
      %ge3A_368 = arith.cmpi sge, %get3A_8, %ge3A_367 : vector<1x1024xi32>
      %and3A_369 = vector.broadcast %ge3A_368 : vector<1x1024xi1> to vector<64x1024xi1>
      %and3A_370 = arith.andi %eq3A_366, %and3A_369 : vector<64x1024xi1>
      %convert_element_type3A_371 = arith.extui %and3A_370 : vector<64x1024xi1> to vector<64x1024xi32>
      %convert_element_type3A_372 = arith.sitofp %convert_element_type3A_371 : vector<64x1024xi32> to vector<64x1024xf32>
      %get3A_373 = arith.constant 0 : index
      %get3A_374 = arith.constant 0 : index
      %get3A_375 = vector.load %arg7[%get3A_373, %get3A_374] : memref<384x1024xf32, #tpu.memory_space<vmem>>, vector<384x1024xf32>
      %get3A_376 = arith.index_cast %min3A_362 : i32 to index
      %get3A_377 = arith.constant 0 : index
      %get3A_378 = vector.load %arg4[%get3A_376, %get3A_377] : memref<1024x384xf32, #tpu.memory_space<vmem>>, vector<64x384xf32>
      %dot_general3A_379 = arith.constant dense<0.000000e+00> : vector<384x1024xf32>
      %dot_general3A_380 = tpu.matmul %get3A_378, %convert_element_type3A_372, %dot_general3A_379 {dimension_numbers = #tpu.dot_dimension_numbers<[0], [0], [1], [1], [0, 1, 1, 1], [], []>, transpose_lhs_hint = false} : vector<64x384xf32>, vector<64x1024xf32>, vector<384x1024xf32> -> vector<384x1024xf32>
      %add3A_381 = arith.addf %get3A_375, %dot_general3A_380 : vector<384x1024xf32>
      %swap3A_382 = arith.constant 0 : index
      %swap3A_383 = arith.constant 0 : index
      %swap3A_384 = vector.load %arg7[%swap3A_382, %swap3A_383] : memref<384x1024xf32, #tpu.memory_space<vmem>>, vector<384x1024xf32>
      tpu.vector_store %arg7[%swap3A_382, %swap3A_383], %add3A_381 {strides = array<i32>} : memref<384x1024xf32, #tpu.memory_space<vmem>>, vector<384x1024xf32>,
    } else {
    }
    %add3A_62 = arith.constant 256 : i32
    %add3A_63 = arith.addi %min3A_36, %add3A_62 : i32
    %ge3A_64 = arith.cmpi sge, %get3A_18, %add3A_63 : i32
    %convert_element_type3A_65 = arith.extui %ge3A_64 : i1 to i32
    %cond3A_66 = arith.constant 0 : i32
    %cond3A_67 = arith.cmpi ne, %convert_element_type3A_65, %cond3A_66 : i32
    scf.if %cond3A_67 {
      %min3A_361 = arith.constant 960 : i32
      %min3A_362 = arith.minsi %add3A_63, %min3A_361 : i32
      %add3A_363 = vector.broadcast %min3A_362 : i32 to vector<64x1024xi32>
      %add3A_364 = arith.addi %iota3A, %add3A_363 : vector<64x1024xi32>
      %eq3A_365 = vector.broadcast %get3A_8 : vector<1x1024xi32> to vector<64x1024xi32>
      %eq3A_366 = arith.cmpi eq, %add3A_364, %eq3A_365 : vector<64x1024xi32>
      %ge3A_367 = vector.broadcast %add3A_63 : i32 to vector<1x1024xi32>
      %ge3A_368 = arith.cmpi sge, %get3A_8, %ge3A_367 : vector<1x1024xi32>
      %and3A_369 = vector.broadcast %ge3A_368 : vector<1x1024xi1> to vector<64x1024xi1>
      %and3A_370 = arith.andi %eq3A_366, %and3A_369 : vector<64x1024xi1>
      %convert_element_type3A_371 = arith.extui %and3A_370 : vector<64x1024xi1> to vector<64x1024xi32>
      %convert_element_type3A_372 = arith.sitofp %convert_element_type3A_371 : vector<64x1024xi32> to vector<64x1024xf32>
      %get3A_373 = arith.constant 0 : index
      %get3A_374 = arith.constant 0 : index
      %get3A_375 = vector.load %arg7[%get3A_373, %get3A_374] : memref<384x1024xf32, #tpu.memory_space<vmem>>, vector<384x1024xf32>
      %get3A_376 = arith.index_cast %min3A_362 : i32 to index
      %get3A_377 = arith.constant 0 : index
      %get3A_378 = vector.load %arg4[%get3A_376, %get3A_377] : memref<1024x384xf32, #tpu.memory_space<vmem>>, vector<64x384xf32>
      %dot_general3A_379 = arith.constant dense<0.000000e+00> : vector<384x1024xf32>
      %dot_general3A_380 = tpu.matmul %get3A_378, %convert_element_type3A_372, %dot_general3A_379 {dimension_numbers = #tpu.dot_dimension_numbers<[0], [0], [1], [1], [0, 1, 1, 1], [], []>, transpose_lhs_hint = false} : vector<64x384xf32>, vector<64x1024xf32>, vector<384x1024xf32> -> vector<384x1024xf32>
      %add3A_381 = arith.addf %get3A_375, %dot_general3A_380 : vector<384x1024xf32>
      %swap3A_382 = arith.constant 0 : index
      %swap3A_383 = arith.constant 0 : index
      %swap3A_384 = vector.load %arg7[%swap3A_382, %swap3A_383] : memref<384x1024xf32, #tpu.memory_space<vmem>>, vector<384x1024xf32>
      tpu.vector_store %arg7[%swap3A_382, %swap3A_383], %add3A_381 {strides = array<i32>} : memref<384x1024xf32, #tpu.memory_space<vmem>>, vector<384x1024xf32>,
    } else {
    }
    %add3A_68 = arith.constant 320 : i32
    %add3A_69 = arith.addi %min3A_36, %add3A_68 : i32
    %ge3A_70 = arith.cmpi sge, %get3A_18, %add3A_69 : i32
    %convert_element_type3A_71 = arith.extui %ge3A_70 : i1 to i32
    %cond3A_72 = arith.constant 0 : i32
    %cond3A_73 = arith.cmpi ne, %convert_element_type3A_71, %cond3A_72 : i32
    scf.if %cond3A_73 {
      %min3A_361 = arith.constant 960 : i32
      %min3A_362 = arith.minsi %add3A_69, %min3A_361 : i32
      %add3A_363 = vector.broadcast %min3A_362 : i32 to vector<64x1024xi32>
      %add3A_364 = arith.addi %iota3A, %add3A_363 : vector<64x1024xi32>
      %eq3A_365 = vector.broadcast %get3A_8 : vector<1x1024xi32> to vector<64x1024xi32>
      %eq3A_366 = arith.cmpi eq, %add3A_364, %eq3A_365 : vector<64x1024xi32>
      %ge3A_367 = vector.broadcast %add3A_69 : i32 to vector<1x1024xi32>
      %ge3A_368 = arith.cmpi sge, %get3A_8, %ge3A_367 : vector<1x1024xi32>
      %and3A_369 = vector.broadcast %ge3A_368 : vector<1x1024xi1> to vector<64x1024xi1>
      %and3A_370 = arith.andi %eq3A_366, %and3A_369 : vector<64x1024xi1>
      %convert_element_type3A_371 = arith.extui %and3A_370 : vector<64x1024xi1> to vector<64x1024xi32>
      %convert_element_type3A_372 = arith.sitofp %convert_element_type3A_371 : vector<64x1024xi32> to vector<64x1024xf32>
      %get3A_373 = arith.constant 0 : index
      %get3A_374 = arith.constant 0 : index
      %get3A_375 = vector.load %arg7[%get3A_373, %get3A_374] : memref<384x1024xf32, #tpu.memory_space<vmem>>, vector<384x1024xf32>
      %get3A_376 = arith.index_cast %min3A_362 : i32 to index
      %get3A_377 = arith.constant 0 : index
      %get3A_378 = vector.load %arg4[%get3A_376, %get3A_377] : memref<1024x384xf32, #tpu.memory_space<vmem>>, vector<64x384xf32>
      %dot_general3A_379 = arith.constant dense<0.000000e+00> : vector<384x1024xf32>
      %dot_general3A_380 = tpu.matmul %get3A_378, %convert_element_type3A_372, %dot_general3A_379 {dimension_numbers = #tpu.dot_dimension_numbers<[0], [0], [1], [1], [0, 1, 1, 1], [], []>, transpose_lhs_hint = false} : vector<64x384xf32>, vector<64x1024xf32>, vector<384x1024xf32> -> vector<384x1024xf32>
      %add3A_381 = arith.addf %get3A_375, %dot_general3A_380 : vector<384x1024xf32>
      %swap3A_382 = arith.constant 0 : index
      %swap3A_383 = arith.constant 0 : index
      %swap3A_384 = vector.load %arg7[%swap3A_382, %swap3A_383] : memref<384x1024xf32, #tpu.memory_space<vmem>>, vector<384x1024xf32>
      tpu.vector_store %arg7[%swap3A_382, %swap3A_383], %add3A_381 {strides = array<i32>} : memref<384x1024xf32, #tpu.memory_space<vmem>>, vector<384x1024xf32>,
    } else {
    }
    %add3A_74 = arith.constant 384 : i32
    %add3A_75 = arith.addi %min3A_36, %add3A_74 : i32
    %ge3A_76 = arith.cmpi sge, %get3A_18, %add3A_75 : i32
    %convert_element_type3A_77 = arith.extui %ge3A_76 : i1 to i32
    %cond3A_78 = arith.constant 0 : i32
    %cond3A_79 = arith.cmpi ne, %convert_element_type3A_77, %cond3A_78 : i32
    scf.if %cond3A_79 {
      %min3A_361 = arith.constant 960 : i32
      %min3A_362 = arith.minsi %add3A_75, %min3A_361 : i32
      %add3A_363 = vector.broadcast %min3A_362 : i32 to vector<64x1024xi32>
      %add3A_364 = arith.addi %iota3A, %add3A_363 : vector<64x1024xi32>
      %eq3A_365 = vector.broadcast %get3A_8 : vector<1x1024xi32> to vector<64x1024xi32>
      %eq3A_366 = arith.cmpi eq, %add3A_364, %eq3A_365 : vector<64x1024xi32>
      %ge3A_367 = vector.broadcast %add3A_75 : i32 to vector<1x1024xi32>
      %ge3A_368 = arith.cmpi sge, %get3A_8, %ge3A_367 : vector<1x1024xi32>
      %and3A_369 = vector.broadcast %ge3A_368 : vector<1x1024xi1> to vector<64x1024xi1>
      %and3A_370 = arith.andi %eq3A_366, %and3A_369 : vector<64x1024xi1>
      %convert_element_type3A_371 = arith.extui %and3A_370 : vector<64x1024xi1> to vector<64x1024xi32>
      %convert_element_type3A_372 = arith.sitofp %convert_element_type3A_371 : vector<64x1024xi32> to vector<64x1024xf32>
      %get3A_373 = arith.constant 0 : index
      %get3A_374 = arith.constant 0 : index
      %get3A_375 = vector.load %arg7[%get3A_373, %get3A_374] : memref<384x1024xf32, #tpu.memory_space<vmem>>, vector<384x1024xf32>
      %get3A_376 = arith.index_cast %min3A_362 : i32 to index
      %get3A_377 = arith.constant 0 : index
      %get3A_378 = vector.load %arg4[%get3A_376, %get3A_377] : memref<1024x384xf32, #tpu.memory_space<vmem>>, vector<64x384xf32>
      %dot_general3A_379 = arith.constant dense<0.000000e+00> : vector<384x1024xf32>
      %dot_general3A_380 = tpu.matmul %get3A_378, %convert_element_type3A_372, %dot_general3A_379 {dimension_numbers = #tpu.dot_dimension_numbers<[0], [0], [1], [1], [0, 1, 1, 1], [], []>, transpose_lhs_hint = false} : vector<64x384xf32>, vector<64x1024xf32>, vector<384x1024xf32> -> vector<384x1024xf32>
      %add3A_381 = arith.addf %get3A_375, %dot_general3A_380 : vector<384x1024xf32>
      %swap3A_382 = arith.constant 0 : index
      %swap3A_383 = arith.constant 0 : index
      %swap3A_384 = vector.load %arg7[%swap3A_382, %swap3A_383] : memref<384x1024xf32, #tpu.memory_space<vmem>>, vector<384x1024xf32>
      tpu.vector_store %arg7[%swap3A_382, %swap3A_383], %add3A_381 {strides = array<i32>} : memref<384x1024xf32, #tpu.memory_space<vmem>>, vector<384x1024xf32>,
    } else {
    }
    %add3A_80 = arith.constant 448 : i32
    %add3A_81 = arith.addi %min3A_36, %add3A_80 : i32
    %ge3A_82 = arith.cmpi sge, %get3A_18, %add3A_81 : i32
    %convert_element_type3A_83 = arith.extui %ge3A_82 : i1 to i32
    %cond3A_84 = arith.constant 0 : i32
    %cond3A_85 = arith.cmpi ne, %convert_element_type3A_83, %cond3A_84 : i32
    scf.if %cond3A_85 {
      %min3A_361 = arith.constant 960 : i32
      %min3A_362 = arith.minsi %add3A_81, %min3A_361 : i32
      %add3A_363 = vector.broadcast %min3A_362 : i32 to vector<64x1024xi32>
      %add3A_364 = arith.addi %iota3A, %add3A_363 : vector<64x1024xi32>
      %eq3A_365 = vector.broadcast %get3A_8 : vector<1x1024xi32> to vector<64x1024xi32>
      %eq3A_366 = arith.cmpi eq, %add3A_364, %eq3A_365 : vector<64x1024xi32>
      %ge3A_367 = vector.broadcast %add3A_81 : i32 to vector<1x1024xi32>
      %ge3A_368 = arith.cmpi sge, %get3A_8, %ge3A_367 : vector<1x1024xi32>
      %and3A_369 = vector.broadcast %ge3A_368 : vector<1x1024xi1> to vector<64x1024xi1>
      %and3A_370 = arith.andi %eq3A_366, %and3A_369 : vector<64x1024xi1>
      %convert_element_type3A_371 = arith.extui %and3A_370 : vector<64x1024xi1> to vector<64x1024xi32>
      %convert_element_type3A_372 = arith.sitofp %convert_element_type3A_371 : vector<64x1024xi32> to vector<64x1024xf32>
      %get3A_373 = arith.constant 0 : index
      %get3A_374 = arith.constant 0 : index
      %get3A_375 = vector.load %arg7[%get3A_373, %get3A_374] : memref<384x1024xf32, #tpu.memory_space<vmem>>, vector<384x1024xf32>
      %get3A_376 = arith.index_cast %min3A_362 : i32 to index
      %get3A_377 = arith.constant 0 : index
      %get3A_378 = vector.load %arg4[%get3A_376, %get3A_377] : memref<1024x384xf32, #tpu.memory_space<vmem>>, vector<64x384xf32>
      %dot_general3A_379 = arith.constant dense<0.000000e+00> : vector<384x1024xf32>
      %dot_general3A_380 = tpu.matmul %get3A_378, %convert_element_type3A_372, %dot_general3A_379 {dimension_numbers = #tpu.dot_dimension_numbers<[0], [0], [1], [1], [0, 1, 1, 1], [], []>, transpose_lhs_hint = false} : vector<64x384xf32>, vector<64x1024xf32>, vector<384x1024xf32> -> vector<384x1024xf32>
      %add3A_381 = arith.addf %get3A_375, %dot_general3A_380 : vector<384x1024xf32>
      %swap3A_382 = arith.constant 0 : index
      %swap3A_383 = arith.constant 0 : index
      %swap3A_384 = vector.load %arg7[%swap3A_382, %swap3A_383] : memref<384x1024xf32, #tpu.memory_space<vmem>>, vector<384x1024xf32>
      tpu.vector_store %arg7[%swap3A_382, %swap3A_383], %add3A_381 {strides = array<i32>} : memref<384x1024xf32, #tpu.memory_space<vmem>>, vector<384x1024xf32>,
    } else {
    }
    %add3A_86 = arith.constant 512 : i32
    %add3A_87 = arith.addi %min3A_36, %add3A_86 : i32
    %ge3A_88 = arith.cmpi sge, %get3A_18, %add3A_87 : i32
    %convert_element_type3A_89 = arith.extui %ge3A_88 : i1 to i32
    %cond3A_90 = arith.constant 0 : i32
    %cond3A_91 = arith.cmpi ne, %convert_element_type3A_89, %cond3A_90 : i32
    scf.if %cond3A_91 {
      %min3A_361 = arith.constant 960 : i32
      %min3A_362 = arith.minsi %add3A_87, %min3A_361 : i32
      %add3A_363 = vector.broadcast %min3A_362 : i32 to vector<64x1024xi32>
      %add3A_364 = arith.addi %iota3A, %add3A_363 : vector<64x1024xi32>
      %eq3A_365 = vector.broadcast %get3A_8 : vector<1x1024xi32> to vector<64x1024xi32>
      %eq3A_366 = arith.cmpi eq, %add3A_364, %eq3A_365 : vector<64x1024xi32>
      %ge3A_367 = vector.broadcast %add3A_87 : i32 to vector<1x1024xi32>
      %ge3A_368 = arith.cmpi sge, %get3A_8, %ge3A_367 : vector<1x1024xi32>
      %and3A_369 = vector.broadcast %ge3A_368 : vector<1x1024xi1> to vector<64x1024xi1>
      %and3A_370 = arith.andi %eq3A_366, %and3A_369 : vector<64x1024xi1>
      %convert_element_type3A_371 = arith.extui %and3A_370 : vector<64x1024xi1> to vector<64x1024xi32>
      %convert_element_type3A_372 = arith.sitofp %convert_element_type3A_371 : vector<64x1024xi32> to vector<64x1024xf32>
      %get3A_373 = arith.constant 0 : index
      %get3A_374 = arith.constant 0 : index
      %get3A_375 = vector.load %arg7[%get3A_373, %get3A_374] : memref<384x1024xf32, #tpu.memory_space<vmem>>, vector<384x1024xf32>
      %get3A_376 = arith.index_cast %min3A_362 : i32 to index
      %get3A_377 = arith.constant 0 : index
      %get3A_378 = vector.load %arg4[%get3A_376, %get3A_377] : memref<1024x384xf32, #tpu.memory_space<vmem>>, vector<64x384xf32>
      %dot_general3A_379 = arith.constant dense<0.000000e+00> : vector<384x1024xf32>
      %dot_general3A_380 = tpu.matmul %get3A_378, %convert_element_type3A_372, %dot_general3A_379 {dimension_numbers = #tpu.dot_dimension_numbers<[0], [0], [1], [1], [0, 1, 1, 1], [], []>, transpose_lhs_hint = false} : vector<64x384xf32>, vector<64x1024xf32>, vector<384x1024xf32> -> vector<384x1024xf32>
      %add3A_381 = arith.addf %get3A_375, %dot_general3A_380 : vector<384x1024xf32>
      %swap3A_382 = arith.constant 0 : index
      %swap3A_383 = arith.constant 0 : index
      %swap3A_384 = vector.load %arg7[%swap3A_382, %swap3A_383] : memref<384x1024xf32, #tpu.memory_space<vmem>>, vector<384x1024xf32>
      tpu.vector_store %arg7[%swap3A_382, %swap3A_383], %add3A_381 {strides = array<i32>} : memref<384x1024xf32, #tpu.memory_space<vmem>>, vector<384x1024xf32>,
    } else {
    }
    %add3A_92 = arith.constant 576 : i32
    %add3A_93 = arith.addi %min3A_36, %add3A_92 : i32
    %ge3A_94 = arith.cmpi sge, %get3A_18, %add3A_93 : i32
    %convert_element_type3A_95 = arith.extui %ge3A_94 : i1 to i32
    %cond3A_96 = arith.constant 0 : i32
    %cond3A_97 = arith.cmpi ne, %convert_element_type3A_95, %cond3A_96 : i32
    scf.if %cond3A_97 {
      %min3A_361 = arith.constant 960 : i32
      %min3A_362 = arith.minsi %add3A_93, %min3A_361 : i32
      %add3A_363 = vector.broadcast %min3A_362 : i32 to vector<64x1024xi32>
      %add3A_364 = arith.addi %iota3A, %add3A_363 : vector<64x1024xi32>
      %eq3A_365 = vector.broadcast %get3A_8 : vector<1x1024xi32> to vector<64x1024xi32>
      %eq3A_366 = arith.cmpi eq, %add3A_364, %eq3A_365 : vector<64x1024xi32>
      %ge3A_367 = vector.broadcast %add3A_93 : i32 to vector<1x1024xi32>
      %ge3A_368 = arith.cmpi sge, %get3A_8, %ge3A_367 : vector<1x1024xi32>
      %and3A_369 = vector.broadcast %ge3A_368 : vector<1x1024xi1> to vector<64x1024xi1>
      %and3A_370 = arith.andi %eq3A_366, %and3A_369 : vector<64x1024xi1>
      %convert_element_type3A_371 = arith.extui %and3A_370 : vector<64x1024xi1> to vector<64x1024xi32>
      %convert_element_type3A_372 = arith.sitofp %convert_element_type3A_371 : vector<64x1024xi32> to vector<64x1024xf32>
      %get3A_373 = arith.constant 0 : index
      %get3A_374 = arith.constant 0 : index
      %get3A_375 = vector.load %arg7[%get3A_373, %get3A_374] : memref<384x1024xf32, #tpu.memory_space<vmem>>, vector<384x1024xf32>
      %get3A_376 = arith.index_cast %min3A_362 : i32 to index
      %get3A_377 = arith.constant 0 : index
      %get3A_378 = vector.load %arg4[%get3A_376, %get3A_377] : memref<1024x384xf32, #tpu.memory_space<vmem>>, vector<64x384xf32>
      %dot_general3A_379 = arith.constant dense<0.000000e+00> : vector<384x1024xf32>
      %dot_general3A_380 = tpu.matmul %get3A_378, %convert_element_type3A_372, %dot_general3A_379 {dimension_numbers = #tpu.dot_dimension_numbers<[0], [0], [1], [1], [0, 1, 1, 1], [], []>, transpose_lhs_hint = false} : vector<64x384xf32>, vector<64x1024xf32>, vector<384x1024xf32> -> vector<384x1024xf32>
      %add3A_381 = arith.addf %get3A_375, %dot_general3A_380 : vector<384x1024xf32>
      %swap3A_382 = arith.constant 0 : index
      %swap3A_383 = arith.constant 0 : index
      %swap3A_384 = vector.load %arg7[%swap3A_382, %swap3A_383] : memref<384x1024xf32, #tpu.memory_space<vmem>>, vector<384x1024xf32>
      tpu.vector_store %arg7[%swap3A_382, %swap3A_383], %add3A_381 {strides = array<i32>} : memref<384x1024xf32, #tpu.memory_space<vmem>>, vector<384x1024xf32>,
    } else {
    }
    %add3A_98 = arith.constant 640 : i32
    %add3A_99 = arith.addi %min3A_36, %add3A_98 : i32
    %ge3A_100 = arith.cmpi sge, %get3A_18, %add3A_99 : i32
    %convert_element_type3A_101 = arith.extui %ge3A_100 : i1 to i32
    %cond3A_102 = arith.constant 0 : i32
    %cond3A_103 = arith.cmpi ne, %convert_element_type3A_101, %cond3A_102 : i32
    scf.if %cond3A_103 {
      %min3A_361 = arith.constant 960 : i32
      %min3A_362 = arith.minsi %add3A_99, %min3A_361 : i32
      %add3A_363 = vector.broadcast %min3A_362 : i32 to vector<64x1024xi32>
      %add3A_364 = arith.addi %iota3A, %add3A_363 : vector<64x1024xi32>
      %eq3A_365 = vector.broadcast %get3A_8 : vector<1x1024xi32> to vector<64x1024xi32>
      %eq3A_366 = arith.cmpi eq, %add3A_364, %eq3A_365 : vector<64x1024xi32>
      %ge3A_367 = vector.broadcast %add3A_99 : i32 to vector<1x1024xi32>
      %ge3A_368 = arith.cmpi sge, %get3A_8, %ge3A_367 : vector<1x1024xi32>
      %and3A_369 = vector.broadcast %ge3A_368 : vector<1x1024xi1> to vector<64x1024xi1>
      %and3A_370 = arith.andi %eq3A_366, %and3A_369 : vector<64x1024xi1>
      %convert_element_type3A_371 = arith.extui %and3A_370 : vector<64x1024xi1> to vector<64x1024xi32>
      %convert_element_type3A_372 = arith.sitofp %convert_element_type3A_371 : vector<64x1024xi32> to vector<64x1024xf32>
      %get3A_373 = arith.constant 0 : index
      %get3A_374 = arith.constant 0 : index
      %get3A_375 = vector.load %arg7[%get3A_373, %get3A_374] : memref<384x1024xf32, #tpu.memory_space<vmem>>, vector<384x1024xf32>
      %get3A_376 = arith.index_cast %min3A_362 : i32 to index
      %get3A_377 = arith.constant 0 : index
      %get3A_378 = vector.load %arg4[%get3A_376, %get3A_377] : memref<1024x384xf32, #tpu.memory_space<vmem>>, vector<64x384xf32>
      %dot_general3A_379 = arith.constant dense<0.000000e+00> : vector<384x1024xf32>
      %dot_general3A_380 = tpu.matmul %get3A_378, %convert_element_type3A_372, %dot_general3A_379 {dimension_numbers = #tpu.dot_dimension_numbers<[0], [0], [1], [1], [0, 1, 1, 1], [], []>, transpose_lhs_hint = false} : vector<64x384xf32>, vector<64x1024xf32>, vector<384x1024xf32> -> vector<384x1024xf32>
      %add3A_381 = arith.addf %get3A_375, %dot_general3A_380 : vector<384x1024xf32>
      %swap3A_382 = arith.constant 0 : index
      %swap3A_383 = arith.constant 0 : index
      %swap3A_384 = vector.load %arg7[%swap3A_382, %swap3A_383] : memref<384x1024xf32, #tpu.memory_space<vmem>>, vector<384x1024xf32>
      tpu.vector_store %arg7[%swap3A_382, %swap3A_383], %add3A_381 {strides = array<i32>} : memref<384x1024xf32, #tpu.memory_space<vmem>>, vector<384x1024xf32>,
    } else {
    }
    %add3A_104 = arith.constant 704 : i32
    %add3A_105 = arith.addi %min3A_36, %add3A_104 : i32
    %ge3A_106 = arith.cmpi sge, %get3A_18, %add3A_105 : i32
    %convert_element_type3A_107 = arith.extui %ge3A_106 : i1 to i32
    %cond3A_108 = arith.constant 0 : i32
    %cond3A_109 = arith.cmpi ne, %convert_element_type3A_107, %cond3A_108 : i32
    scf.if %cond3A_109 {
      %min3A_361 = arith.constant 960 : i32
      %min3A_362 = arith.minsi %add3A_105, %min3A_361 : i32
      %add3A_363 = vector.broadcast %min3A_362 : i32 to vector<64x1024xi32>
      %add3A_364 = arith.addi %iota3A, %add3A_363 : vector<64x1024xi32>
      %eq3A_365 = vector.broadcast %get3A_8 : vector<1x1024xi32> to vector<64x1024xi32>
      %eq3A_366 = arith.cmpi eq, %add3A_364, %eq3A_365 : vector<64x1024xi32>
      %ge3A_367 = vector.broadcast %add3A_105 : i32 to vector<1x1024xi32>
      %ge3A_368 = arith.cmpi sge, %get3A_8, %ge3A_367 : vector<1x1024xi32>
      %and3A_369 = vector.broadcast %ge3A_368 : vector<1x1024xi1> to vector<64x1024xi1>
      %and3A_370 = arith.andi %eq3A_366, %and3A_369 : vector<64x1024xi1>
      %convert_element_type3A_371 = arith.extui %and3A_370 : vector<64x1024xi1> to vector<64x1024xi32>
      %convert_element_type3A_372 = arith.sitofp %convert_element_type3A_371 : vector<64x1024xi32> to vector<64x1024xf32>
      %get3A_373 = arith.constant 0 : index
      %get3A_374 = arith.constant 0 : index
      %get3A_375 = vector.load %arg7[%get3A_373, %get3A_374] : memref<384x1024xf32, #tpu.memory_space<vmem>>, vector<384x1024xf32>
      %get3A_376 = arith.index_cast %min3A_362 : i32 to index
      %get3A_377 = arith.constant 0 : index
      %get3A_378 = vector.load %arg4[%get3A_376, %get3A_377] : memref<1024x384xf32, #tpu.memory_space<vmem>>, vector<64x384xf32>
      %dot_general3A_379 = arith.constant dense<0.000000e+00> : vector<384x1024xf32>
      %dot_general3A_380 = tpu.matmul %get3A_378, %convert_element_type3A_372, %dot_general3A_379 {dimension_numbers = #tpu.dot_dimension_numbers<[0], [0], [1], [1], [0, 1, 1, 1], [], []>, transpose_lhs_hint = false} : vector<64x384xf32>, vector<64x1024xf32>, vector<384x1024xf32> -> vector<384x1024xf32>
      %add3A_381 = arith.addf %get3A_375, %dot_general3A_380 : vector<384x1024xf32>
      %swap3A_382 = arith.constant 0 : index
      %swap3A_383 = arith.constant 0 : index
      %swap3A_384 = vector.load %arg7[%swap3A_382, %swap3A_383] : memref<384x1024xf32, #tpu.memory_space<vmem>>, vector<384x1024xf32>
      tpu.vector_store %arg7[%swap3A_382, %swap3A_383], %add3A_381 {strides = array<i32>} : memref<384x1024xf32, #tpu.memory_space<vmem>>, vector<384x1024xf32>,
    } else {
    }
    %add3A_110 = arith.constant 768 : i32
    %add3A_111 = arith.addi %min3A_36, %add3A_110 : i32
    %ge3A_112 = arith.cmpi sge, %get3A_18, %add3A_111 : i32
    %convert_element_type3A_113 = arith.extui %ge3A_112 : i1 to i32
    %cond3A_114 = arith.constant 0 : i32
    %cond3A_115 = arith.cmpi ne, %convert_element_type3A_113, %cond3A_114 : i32
    scf.if %cond3A_115 {
      %min3A_361 = arith.constant 960 : i32
      %min3A_362 = arith.minsi %add3A_111, %min3A_361 : i32
      %add3A_363 = vector.broadcast %min3A_362 : i32 to vector<64x1024xi32>
      %add3A_364 = arith.addi %iota3A, %add3A_363 : vector<64x1024xi32>
      %eq3A_365 = vector.broadcast %get3A_8 : vector<1x1024xi32> to vector<64x1024xi32>
      %eq3A_366 = arith.cmpi eq, %add3A_364, %eq3A_365 : vector<64x1024xi32>
      %ge3A_367 = vector.broadcast %add3A_111 : i32 to vector<1x1024xi32>
      %ge3A_368 = arith.cmpi sge, %get3A_8, %ge3A_367 : vector<1x1024xi32>
      %and3A_369 = vector.broadcast %ge3A_368 : vector<1x1024xi1> to vector<64x1024xi1>
      %and3A_370 = arith.andi %eq3A_366, %and3A_369 : vector<64x1024xi1>
      %convert_element_type3A_371 = arith.extui %and3A_370 : vector<64x1024xi1> to vector<64x1024xi32>
      %convert_element_type3A_372 = arith.sitofp %convert_element_type3A_371 : vector<64x1024xi32> to vector<64x1024xf32>
      %get3A_373 = arith.constant 0 : index
      %get3A_374 = arith.constant 0 : index
      %get3A_375 = vector.load %arg7[%get3A_373, %get3A_374] : memref<384x1024xf32, #tpu.memory_space<vmem>>, vector<384x1024xf32>
      %get3A_376 = arith.index_cast %min3A_362 : i32 to index
      %get3A_377 = arith.constant 0 : index
      %get3A_378 = vector.load %arg4[%get3A_376, %get3A_377] : memref<1024x384xf32, #tpu.memory_space<vmem>>, vector<64x384xf32>
      %dot_general3A_379 = arith.constant dense<0.000000e+00> : vector<384x1024xf32>
      %dot_general3A_380 = tpu.matmul %get3A_378, %convert_element_type3A_372, %dot_general3A_379 {dimension_numbers = #tpu.dot_dimension_numbers<[0], [0], [1], [1], [0, 1, 1, 1], [], []>, transpose_lhs_hint = false} : vector<64x384xf32>, vector<64x1024xf32>, vector<384x1024xf32> -> vector<384x1024xf32>
      %add3A_381 = arith.addf %get3A_375, %dot_general3A_380 : vector<384x1024xf32>
      %swap3A_382 = arith.constant 0 : index
      %swap3A_383 = arith.constant 0 : index
      %swap3A_384 = vector.load %arg7[%swap3A_382, %swap3A_383] : memref<384x1024xf32, #tpu.memory_space<vmem>>, vector<384x1024xf32>
      tpu.vector_store %arg7[%swap3A_382, %swap3A_383], %add3A_381 {strides = array<i32>} : memref<384x1024xf32, #tpu.memory_space<vmem>>, vector<384x1024xf32>,
    } else {
    }
    %add3A_116 = arith.constant 832 : i32
    %add3A_117 = arith.addi %min3A_36, %add3A_116 : i32
    %ge3A_118 = arith.cmpi sge, %get3A_18, %add3A_117 : i32
    %convert_element_type3A_119 = arith.extui %ge3A_118 : i1 to i32
    %cond3A_120 = arith.constant 0 : i32
    %cond3A_121 = arith.cmpi ne, %convert_element_type3A_119, %cond3A_120 : i32
    scf.if %cond3A_121 {
      %min3A_361 = arith.constant 960 : i32
      %min3A_362 = arith.minsi %add3A_117, %min3A_361 : i32
      %add3A_363 = vector.broadcast %min3A_362 : i32 to vector<64x1024xi32>
      %add3A_364 = arith.addi %iota3A, %add3A_363 : vector<64x1024xi32>
      %eq3A_365 = vector.broadcast %get3A_8 : vector<1x1024xi32> to vector<64x1024xi32>
      %eq3A_366 = arith.cmpi eq, %add3A_364, %eq3A_365 : vector<64x1024xi32>
      %ge3A_367 = vector.broadcast %add3A_117 : i32 to vector<1x1024xi32>
      %ge3A_368 = arith.cmpi sge, %get3A_8, %ge3A_367 : vector<1x1024xi32>
      %and3A_369 = vector.broadcast %ge3A_368 : vector<1x1024xi1> to vector<64x1024xi1>
      %and3A_370 = arith.andi %eq3A_366, %and3A_369 : vector<64x1024xi1>
      %convert_element_type3A_371 = arith.extui %and3A_370 : vector<64x1024xi1> to vector<64x1024xi32>
      %convert_element_type3A_372 = arith.sitofp %convert_element_type3A_371 : vector<64x1024xi32> to vector<64x1024xf32>
      %get3A_373 = arith.constant 0 : index
      %get3A_374 = arith.constant 0 : index
      %get3A_375 = vector.load %arg7[%get3A_373, %get3A_374] : memref<384x1024xf32, #tpu.memory_space<vmem>>, vector<384x1024xf32>
      %get3A_376 = arith.index_cast %min3A_362 : i32 to index
      %get3A_377 = arith.constant 0 : index
      %get3A_378 = vector.load %arg4[%get3A_376, %get3A_377] : memref<1024x384xf32, #tpu.memory_space<vmem>>, vector<64x384xf32>
      %dot_general3A_379 = arith.constant dense<0.000000e+00> : vector<384x1024xf32>
      %dot_general3A_380 = tpu.matmul %get3A_378, %convert_element_type3A_372, %dot_general3A_379 {dimension_numbers = #tpu.dot_dimension_numbers<[0], [0], [1], [1], [0, 1, 1, 1], [], []>, transpose_lhs_hint = false} : vector<64x384xf32>, vector<64x1024xf32>, vector<384x1024xf32> -> vector<384x1024xf32>
      %add3A_381 = arith.addf %get3A_375, %dot_general3A_380 : vector<384x1024xf32>
      %swap3A_382 = arith.constant 0 : index
      %swap3A_383 = arith.constant 0 : index
      %swap3A_384 = vector.load %arg7[%swap3A_382, %swap3A_383] : memref<384x1024xf32, #tpu.memory_space<vmem>>, vector<384x1024xf32>
      tpu.vector_store %arg7[%swap3A_382, %swap3A_383], %add3A_381 {strides = array<i32>} : memref<384x1024xf32, #tpu.memory_space<vmem>>, vector<384x1024xf32>,
    } else {
    }
    %add3A_122 = arith.constant 896 : i32
    %add3A_123 = arith.addi %min3A_36, %add3A_122 : i32
    %ge3A_124 = arith.cmpi sge, %get3A_18, %add3A_123 : i32
    %convert_element_type3A_125 = arith.extui %ge3A_124 : i1 to i32
    %cond3A_126 = arith.constant 0 : i32
    %cond3A_127 = arith.cmpi ne, %convert_element_type3A_125, %cond3A_126 : i32
    scf.if %cond3A_127 {
      %min3A_361 = arith.constant 960 : i32
      %min3A_362 = arith.minsi %add3A_123, %min3A_361 : i32
      %add3A_363 = vector.broadcast %min3A_362 : i32 to vector<64x1024xi32>
      %add3A_364 = arith.addi %iota3A, %add3A_363 : vector<64x1024xi32>
      %eq3A_365 = vector.broadcast %get3A_8 : vector<1x1024xi32> to vector<64x1024xi32>
      %eq3A_366 = arith.cmpi eq, %add3A_364, %eq3A_365 : vector<64x1024xi32>
      %ge3A_367 = vector.broadcast %add3A_123 : i32 to vector<1x1024xi32>
      %ge3A_368 = arith.cmpi sge, %get3A_8, %ge3A_367 : vector<1x1024xi32>
      %and3A_369 = vector.broadcast %ge3A_368 : vector<1x1024xi1> to vector<64x1024xi1>
      %and3A_370 = arith.andi %eq3A_366, %and3A_369 : vector<64x1024xi1>
      %convert_element_type3A_371 = arith.extui %and3A_370 : vector<64x1024xi1> to vector<64x1024xi32>
      %convert_element_type3A_372 = arith.sitofp %convert_element_type3A_371 : vector<64x1024xi32> to vector<64x1024xf32>
      %get3A_373 = arith.constant 0 : index
      %get3A_374 = arith.constant 0 : index
      %get3A_375 = vector.load %arg7[%get3A_373, %get3A_374] : memref<384x1024xf32, #tpu.memory_space<vmem>>, vector<384x1024xf32>
      %get3A_376 = arith.index_cast %min3A_362 : i32 to index
      %get3A_377 = arith.constant 0 : index
      %get3A_378 = vector.load %arg4[%get3A_376, %get3A_377] : memref<1024x384xf32, #tpu.memory_space<vmem>>, vector<64x384xf32>
      %dot_general3A_379 = arith.constant dense<0.000000e+00> : vector<384x1024xf32>
      %dot_general3A_380 = tpu.matmul %get3A_378, %convert_element_type3A_372, %dot_general3A_379 {dimension_numbers = #tpu.dot_dimension_numbers<[0], [0], [1], [1], [0, 1, 1, 1], [], []>, transpose_lhs_hint = false} : vector<64x384xf32>, vector<64x1024xf32>, vector<384x1024xf32> -> vector<384x1024xf32>
      %add3A_381 = arith.addf %get3A_375, %dot_general3A_380 : vector<384x1024xf32>
      %swap3A_382 = arith.constant 0 : index
      %swap3A_383 = arith.constant 0 : index
      %swap3A_384 = vector.load %arg7[%swap3A_382, %swap3A_383] : memref<384x1024xf32, #tpu.memory_space<vmem>>, vector<384x1024xf32>
      tpu.vector_store %arg7[%swap3A_382, %swap3A_383], %add3A_381 {strides = array<i32>} : memref<384x1024xf32, #tpu.memory_space<vmem>>, vector<384x1024xf32>,
    } else {
    }
    %add3A_128 = arith.constant 960 : i32
    %add3A_129 = arith.addi %min3A_36, %add3A_128 : i32
    %ge3A_130 = arith.cmpi sge, %get3A_18, %add3A_129 : i32
    %convert_element_type3A_131 = arith.extui %ge3A_130 : i1 to i32
    %cond3A_132 = arith.constant 0 : i32
    %cond3A_133 = arith.cmpi ne, %convert_element_type3A_131, %cond3A_132 : i32
    scf.if %cond3A_133 {
      %min3A_361 = arith.constant 960 : i32
      %min3A_362 = arith.minsi %add3A_129, %min3A_361 : i32
      %add3A_363 = vector.broadcast %min3A_362 : i32 to vector<64x1024xi32>
      %add3A_364 = arith.addi %iota3A, %add3A_363 : vector<64x1024xi32>
      %eq3A_365 = vector.broadcast %get3A_8 : vector<1x1024xi32> to vector<64x1024xi32>
      %eq3A_366 = arith.cmpi eq, %add3A_364, %eq3A_365 : vector<64x1024xi32>
      %ge3A_367 = vector.broadcast %add3A_129 : i32 to vector<1x1024xi32>
      %ge3A_368 = arith.cmpi sge, %get3A_8, %ge3A_367 : vector<1x1024xi32>
      %and3A_369 = vector.broadcast %ge3A_368 : vector<1x1024xi1> to vector<64x1024xi1>
      %and3A_370 = arith.andi %eq3A_366, %and3A_369 : vector<64x1024xi1>
      %convert_element_type3A_371 = arith.extui %and3A_370 : vector<64x1024xi1> to vector<64x1024xi32>
      %convert_element_type3A_372 = arith.sitofp %convert_element_type3A_371 : vector<64x1024xi32> to vector<64x1024xf32>
      %get3A_373 = arith.constant 0 : index
      %get3A_374 = arith.constant 0 : index
      %get3A_375 = vector.load %arg7[%get3A_373, %get3A_374] : memref<384x1024xf32, #tpu.memory_space<vmem>>, vector<384x1024xf32>
      %get3A_376 = arith.index_cast %min3A_362 : i32 to index
      %get3A_377 = arith.constant 0 : index
      %get3A_378 = vector.load %arg4[%get3A_376, %get3A_377] : memref<1024x384xf32, #tpu.memory_space<vmem>>, vector<64x384xf32>
      %dot_general3A_379 = arith.constant dense<0.000000e+00> : vector<384x1024xf32>
      %dot_general3A_380 = tpu.matmul %get3A_378, %convert_element_type3A_372, %dot_general3A_379 {dimension_numbers = #tpu.dot_dimension_numbers<[0], [0], [1], [1], [0, 1, 1, 1], [], []>, transpose_lhs_hint = false} : vector<64x384xf32>, vector<64x1024xf32>, vector<384x1024xf32> -> vector<384x1024xf32>
      %add3A_381 = arith.addf %get3A_375, %dot_general3A_380 : vector<384x1024xf32>
      %swap3A_382 = arith.constant 0 : index
      %swap3A_383 = arith.constant 0 : index
      %swap3A_384 = vector.load %arg7[%swap3A_382, %swap3A_383] : memref<384x1024xf32, #tpu.memory_space<vmem>>, vector<384x1024xf32>
      tpu.vector_store %arg7[%swap3A_382, %swap3A_383], %add3A_381 {strides = array<i32>} : memref<384x1024xf32, #tpu.memory_space<vmem>>, vector<384x1024xf32>,
    } else {
    }
    %get3A_134 = arith.constant 256 : index
    %get3A_135 = arith.constant 0 : index
    %get3A_136 = vector.load %arg7[%get3A_134, %get3A_135] : memref<384x1024xf32, #tpu.memory_space<vmem>>, vector<112x1024xf32>
    %get3A_137 = arith.constant 0 : index
    %get3A_138 = arith.constant 0 : index
    %get3A_139 = vector.load %arg3[%get3A_137, %get3A_138] : memref<112x1024xf32, #tpu.memory_space<vmem>>, vector<112x1024xf32>
    %exp3A = math.exp %get3A_139 : vector<112x1024xf32>
    %mul3A_140 = arith.mulf %get3A_136, %exp3A : vector<112x1024xf32>
    %slice3A = vector.extract_strided_slice %mul3A_140 {offsets = [0, 0], sizes = [111, 1024], strides = [1, 1]} : vector<112x1024xf32> to vector<111x1024xf32>
    %slice3A_141 = vector.extract_strided_slice %mul3A_140 {offsets = [1, 0], sizes = [111, 1024], strides = [1, 1]} : vector<112x1024xf32> to vector<111x1024xf32>
    %add3A_142 = arith.addf %slice3A, %slice3A_141 : vector<111x1024xf32>
    %mul3A_143 = arith.constant 5.000000e-01 : f32
    %mul3A_144 = vector.broadcast %mul3A_143 : f32 to vector<111x1024xf32>
    %mul3A_145 = arith.mulf %mul3A_144, %add3A_142 : vector<111x1024xf32>
    %get3A_146 = arith.constant 0 : index
    %get3A_147 = arith.constant 0 : index
    %get3A_148 = vector.load %arg7[%get3A_146, %get3A_147] : memref<384x1024xf32, #tpu.memory_space<vmem>>, vector<111x1024xf32>
    %mul3A_149 = arith.mulf %mul3A_145, %get3A_148 : vector<111x1024xf32>
    %broadcast_in_dim3A = arith.constant 0.000000e+00 : f32
    %broadcast_in_dim3A_150 = vector.broadcast %broadcast_in_dim3A : f32 to vector<1x1024xf32>
    %get3A_151 = arith.constant 128 : index
    %get3A_152 = arith.constant 0 : index
    %get3A_153 = vector.load %arg7[%get3A_151, %get3A_152] : memref<384x1024xf32, #tpu.memory_space<vmem>>, vector<64x1024xf32>
    %get3A_154 = arith.constant 0 : index
    %get3A_155 = arith.constant 0 : index
    %get3A_156 = vector.load %arg7[%get3A_154, %get3A_155] : memref<384x1024xf32, #tpu.memory_space<vmem>>, vector<63x1024xf32>
    %slice3A_157 = vector.extract_strided_slice %mul3A_140 {offsets = [0, 0], sizes = [64, 1024], strides = [1, 1]} : vector<112x1024xf32> to vector<64x1024xf32>
    %slice3A_158 = vector.extract_strided_slice %mul3A_149 {offsets = [0, 0], sizes = [63, 1024], strides = [1, 1]} : vector<111x1024xf32> to vector<63x1024xf32>
    %ge3A_159 = vector.broadcast %get3A_3 : vector<1x1024xf32> to vector<64x1024xf32>
    %ge3A_160 = arith.cmpf oge, %ge3A_159, %get3A_153 : vector<64x1024xf32>
    %convert_element_type3A_161 = arith.extui %ge3A_160 : vector<64x1024xi1> to vector<64x1024xi32>
    %convert_element_type3A_162 = arith.sitofp %convert_element_type3A_161 : vector<64x1024xi32> to vector<64x1024xf32>
    %slice3A_163 = vector.extract_strided_slice %convert_element_type3A_162 {offsets = [1, 0], sizes = [62, 1024], strides = [1, 1]} : vector<64x1024xf32> to vector<62x1024xf32>
    %broadcast_in_dim3A_164 = arith.constant 0.000000e+00 : f32
    %broadcast_in_dim3A_165 = vector.broadcast %broadcast_in_dim3A_164 : f32 to vector<1x1024xf32>
    %concatenate3A = tpu.concatenate %slice3A_163, %broadcast_in_dim3A_165 in 0 : vector<62x1024xf32>, vector<1x1024xf32> -> vector<63x1024xf32>
    %slice3A_166 = vector.extract_strided_slice %convert_element_type3A_162 {offsets = [0, 0], sizes = [63, 1024], strides = [1, 1]} : vector<64x1024xf32> to vector<63x1024xf32>
    %sub3A_167 = arith.subf %slice3A_166, %concatenate3A : vector<63x1024xf32>
    %slice3A_168 = vector.extract_strided_slice %get3A_153 {offsets = [0, 0], sizes = [63, 1024], strides = [1, 1]} : vector<64x1024xf32> to vector<63x1024xf32>
    %mul3A_169 = arith.mulf %sub3A_167, %slice3A_168 : vector<63x1024xf32>
    %reduce_sum3A = arith.constant dense<0.000000e+00> : vector<1024xf32>
    %reduce_sum3A_170 = vector.multi_reduction <add>, %mul3A_169, %reduce_sum3A [0] : vector<63x1024xf32> to vector<1024xf32>
    %broadcast_in_dim3A_171 = vector.shape_cast %reduce_sum3A_170 : vector<1024xf32> to vector<1x1024xf32>
    %mul3A_172 = arith.mulf %sub3A_167, %get3A_156 : vector<63x1024xf32>
    %reduce_sum3A_173 = arith.constant dense<0.000000e+00> : vector<1024xf32>
    %reduce_sum3A_174 = vector.multi_reduction <add>, %mul3A_172, %reduce_sum3A_173 [0] : vector<63x1024xf32> to vector<1024xf32>
    %broadcast_in_dim3A_175 = vector.shape_cast %reduce_sum3A_174 : vector<1024xf32> to vector<1x1024xf32>
    %mul3A_176 = arith.mulf %concatenate3A, %slice3A_158 : vector<63x1024xf32>
    %reduce_sum3A_177 = arith.constant dense<0.000000e+00> : vector<1024xf32>
    %reduce_sum3A_178 = vector.multi_reduction <add>, %mul3A_176, %reduce_sum3A_177 [0] : vector<63x1024xf32> to vector<1024xf32>
    %broadcast_in_dim3A_179 = vector.shape_cast %reduce_sum3A_178 : vector<1024xf32> to vector<1x1024xf32>
    %reduce_sum3A_180 = arith.constant dense<0.000000e+00> : vector<1024xf32>
    %reduce_sum3A_181 = vector.multi_reduction <add>, %slice3A_158, %reduce_sum3A_180 [0] : vector<63x1024xf32> to vector<1024xf32>
    %broadcast_in_dim3A_182 = vector.shape_cast %reduce_sum3A_181 : vector<1024xf32> to vector<1x1024xf32>
    %slice3A_183 = vector.extract_strided_slice %slice3A_157 {offsets = [0, 0], sizes = [63, 1024], strides = [1, 1]} : vector<64x1024xf32> to vector<63x1024xf32>
    %mul3A_184 = arith.mulf %sub3A_167, %slice3A_183 : vector<63x1024xf32>
    %reduce_sum3A_185 = arith.constant dense<0.000000e+00> : vector<1024xf32>
    %reduce_sum3A_186 = vector.multi_reduction <add>, %mul3A_184, %reduce_sum3A_185 [0] : vector<63x1024xf32> to vector<1024xf32>
    %broadcast_in_dim3A_187 = vector.shape_cast %reduce_sum3A_186 : vector<1024xf32> to vector<1x1024xf32>
    %slice3A_188 = vector.extract_strided_slice %slice3A_157 {offsets = [1, 0], sizes = [63, 1024], strides = [1, 1]} : vector<64x1024xf32> to vector<63x1024xf32>
    %mul3A_189 = arith.mulf %sub3A_167, %slice3A_188 : vector<63x1024xf32>
    %reduce_sum3A_190 = arith.constant dense<0.000000e+00> : vector<1024xf32>
    %reduce_sum3A_191 = vector.multi_reduction <add>, %mul3A_189, %reduce_sum3A_190 [0] : vector<63x1024xf32> to vector<1024xf32>
    %broadcast_in_dim3A_192 = vector.shape_cast %reduce_sum3A_191 : vector<1024xf32> to vector<1x1024xf32>
    %div3A_193 = arith.constant 1.000000e+00 : f32
    %div3A_194 = vector.broadcast %div3A_193 : f32 to vector<1x1024xf32>
    %div3A_195 = arith.divf %div3A_194, %broadcast_in_dim3A_182 : vector<1x1024xf32>
    %mul3A_196 = arith.mulf %broadcast_in_dim3A_187, %div3A_195 : vector<1x1024xf32>
    %mul3A_197 = arith.mulf %broadcast_in_dim3A_192, %div3A_195 : vector<1x1024xf32>
    %mul3A_198 = arith.mulf %broadcast_in_dim3A_179, %div3A_195 : vector<1x1024xf32>
    %sub3A_199 = arith.subf %get3A_3, %broadcast_in_dim3A_171 : vector<1x1024xf32>
    %div3A_200 = arith.divf %sub3A_199, %broadcast_in_dim3A_175 : vector<1x1024xf32>
    %sub3A_201 = arith.subf %mul3A_197, %mul3A_196 : vector<1x1024xf32>
    %mul3A_202 = arith.constant 5.000000e-01 : f32
    %mul3A_203 = vector.broadcast %mul3A_202 : f32 to vector<1x1024xf32>
    %mul3A_204 = arith.mulf %mul3A_203, %sub3A_201 : vector<1x1024xf32>
    %mul3A_205 = arith.mulf %mul3A_204, %broadcast_in_dim3A_175 : vector<1x1024xf32>
    %mul3A_206 = arith.mulf %mul3A_205, %div3A_200 : vector<1x1024xf32>
    %mul3A_207 = arith.mulf %mul3A_206, %div3A_200 : vector<1x1024xf32>
    %mul3A_208 = arith.mulf %mul3A_196, %broadcast_in_dim3A_175 : vector<1x1024xf32>
    %mul3A_209 = arith.mulf %mul3A_208, %div3A_200 : vector<1x1024xf32>
    %add3A_210 = arith.addf %mul3A_207, %mul3A_209 : vector<1x1024xf32>
    %add3A_211 = arith.addf %add3A_210, %mul3A_198 : vector<1x1024xf32>
    %sub3A_212 = arith.subf %mul3A_197, %mul3A_196 : vector<1x1024xf32>
    %mul3A_213 = arith.mulf %div3A_200, %sub3A_212 : vector<1x1024xf32>
    %add3A_214 = arith.addf %mul3A_196, %mul3A_213 : vector<1x1024xf32>
    %log3A = math.log %add3A_214 : vector<1x1024xf32>
    %add3A_215 = arith.addf %broadcast_in_dim3A_150, %log3A : vector<1x1024xf32>
    %get3A_216 = arith.constant 192 : index
    %get3A_217 = arith.constant 0 : index
    %get3A_218 = vector.load %arg7[%get3A_216, %get3A_217] : memref<384x1024xf32, #tpu.memory_space<vmem>>, vector<32x1024xf32>
    %get3A_219 = arith.constant 64 : index
    %get3A_220 = arith.constant 0 : index
    %get3A_221 = vector.load %arg7[%get3A_219, %get3A_220] : memref<384x1024xf32, #tpu.memory_space<vmem>>, vector<31x1024xf32>
    %slice3A_222 = vector.extract_strided_slice %mul3A_140 {offsets = [64, 0], sizes = [32, 1024], strides = [1, 1]} : vector<112x1024xf32> to vector<32x1024xf32>
    %slice3A_223 = vector.extract_strided_slice %mul3A_149 {offsets = [64, 0], sizes = [31, 1024], strides = [1, 1]} : vector<111x1024xf32> to vector<31x1024xf32>
    %ge3A_224 = vector.broadcast %add3A_211 : vector<1x1024xf32> to vector<32x1024xf32>
    %ge3A_225 = arith.cmpf oge, %ge3A_224, %get3A_218 : vector<32x1024xf32>
    %convert_element_type3A_226 = arith.extui %ge3A_225 : vector<32x1024xi1> to vector<32x1024xi32>
    %convert_element_type3A_227 = arith.sitofp %convert_element_type3A_226 : vector<32x1024xi32> to vector<32x1024xf32>
    %slice3A_228 = vector.extract_strided_slice %convert_element_type3A_227 {offsets = [1, 0], sizes = [30, 1024], strides = [1, 1]} : vector<32x1024xf32> to vector<30x1024xf32>
    %broadcast_in_dim3A_229 = arith.constant 0.000000e+00 : f32
    %broadcast_in_dim3A_230 = vector.broadcast %broadcast_in_dim3A_229 : f32 to vector<1x1024xf32>
    %concatenate3A_231 = tpu.concatenate %slice3A_228, %broadcast_in_dim3A_230 in 0 : vector<30x1024xf32>, vector<1x1024xf32> -> vector<31x1024xf32>
    %slice3A_232 = vector.extract_strided_slice %convert_element_type3A_227 {offsets = [0, 0], sizes = [31, 1024], strides = [1, 1]} : vector<32x1024xf32> to vector<31x1024xf32>
    %sub3A_233 = arith.subf %slice3A_232, %concatenate3A_231 : vector<31x1024xf32>
    %slice3A_234 = vector.extract_strided_slice %get3A_218 {offsets = [0, 0], sizes = [31, 1024], strides = [1, 1]} : vector<32x1024xf32> to vector<31x1024xf32>
    %mul3A_235 = arith.mulf %sub3A_233, %slice3A_234 : vector<31x1024xf32>
    %reduce_sum3A_236 = arith.constant dense<0.000000e+00> : vector<1024xf32>
    %reduce_sum3A_237 = vector.multi_reduction <add>, %mul3A_235, %reduce_sum3A_236 [0] : vector<31x1024xf32> to vector<1024xf32>
    %broadcast_in_dim3A_238 = vector.shape_cast %reduce_sum3A_237 : vector<1024xf32> to vector<1x1024xf32>
    %mul3A_239 = arith.mulf %sub3A_233, %get3A_221 : vector<31x1024xf32>
    %reduce_sum3A_240 = arith.constant dense<0.000000e+00> : vector<1024xf32>
    %reduce_sum3A_241 = vector.multi_reduction <add>, %mul3A_239, %reduce_sum3A_240 [0] : vector<31x1024xf32> to vector<1024xf32>
    %broadcast_in_dim3A_242 = vector.shape_cast %reduce_sum3A_241 : vector<1024xf32> to vector<1x1024xf32>
    %mul3A_243 = arith.mulf %concatenate3A_231, %slice3A_223 : vector<31x1024xf32>
    %reduce_sum3A_244 = arith.constant dense<0.000000e+00> : vector<1024xf32>
    %reduce_sum3A_245 = vector.multi_reduction <add>, %mul3A_243, %reduce_sum3A_244 [0] : vector<31x1024xf32> to vector<1024xf32>
    %broadcast_in_dim3A_246 = vector.shape_cast %reduce_sum3A_245 : vector<1024xf32> to vector<1x1024xf32>
    %reduce_sum3A_247 = arith.constant dense<0.000000e+00> : vector<1024xf32>
    %reduce_sum3A_248 = vector.multi_reduction <add>, %slice3A_223, %reduce_sum3A_247 [0] : vector<31x1024xf32> to vector<1024xf32>
    %broadcast_in_dim3A_249 = vector.shape_cast %reduce_sum3A_248 : vector<1024xf32> to vector<1x1024xf32>
    %slice3A_250 = vector.extract_strided_slice %slice3A_222 {offsets = [0, 0], sizes = [31, 1024], strides = [1, 1]} : vector<32x1024xf32> to vector<31x1024xf32>
    %mul3A_251 = arith.mulf %sub3A_233, %slice3A_250 : vector<31x1024xf32>
    %reduce_sum3A_252 = arith.constant dense<0.000000e+00> : vector<1024xf32>
    %reduce_sum3A_253 = vector.multi_reduction <add>, %mul3A_251, %reduce_sum3A_252 [0] : vector<31x1024xf32> to vector<1024xf32>
    %broadcast_in_dim3A_254 = vector.shape_cast %reduce_sum3A_253 : vector<1024xf32> to vector<1x1024xf32>
    %slice3A_255 = vector.extract_strided_slice %slice3A_222 {offsets = [1, 0], sizes = [31, 1024], strides = [1, 1]} : vector<32x1024xf32> to vector<31x1024xf32>
    %mul3A_256 = arith.mulf %sub3A_233, %slice3A_255 : vector<31x1024xf32>
    %reduce_sum3A_257 = arith.constant dense<0.000000e+00> : vector<1024xf32>
    %reduce_sum3A_258 = vector.multi_reduction <add>, %mul3A_256, %reduce_sum3A_257 [0] : vector<31x1024xf32> to vector<1024xf32>
    %broadcast_in_dim3A_259 = vector.shape_cast %reduce_sum3A_258 : vector<1024xf32> to vector<1x1024xf32>
    %div3A_260 = arith.constant 1.000000e+00 : f32
    %div3A_261 = vector.broadcast %div3A_260 : f32 to vector<1x1024xf32>
    %div3A_262 = arith.divf %div3A_261, %broadcast_in_dim3A_249 : vector<1x1024xf32>
    %mul3A_263 = arith.mulf %broadcast_in_dim3A_254, %div3A_262 : vector<1x1024xf32>
    %mul3A_264 = arith.mulf %broadcast_in_dim3A_259, %div3A_262 : vector<1x1024xf32>
    %mul3A_265 = arith.mulf %broadcast_in_dim3A_246, %div3A_262 : vector<1x1024xf32>
    %sub3A_266 = arith.subf %add3A_211, %broadcast_in_dim3A_238 : vector<1x1024xf32>
    %div3A_267 = arith.divf %sub3A_266, %broadcast_in_dim3A_242 : vector<1x1024xf32>
    %sub3A_268 = arith.subf %mul3A_264, %mul3A_263 : vector<1x1024xf32>
    %mul3A_269 = arith.constant 5.000000e-01 : f32
    %mul3A_270 = vector.broadcast %mul3A_269 : f32 to vector<1x1024xf32>
    %mul3A_271 = arith.mulf %mul3A_270, %sub3A_268 : vector<1x1024xf32>
    %mul3A_272 = arith.mulf %mul3A_271, %broadcast_in_dim3A_242 : vector<1x1024xf32>
    %mul3A_273 = arith.mulf %mul3A_272, %div3A_267 : vector<1x1024xf32>
    %mul3A_274 = arith.mulf %mul3A_273, %div3A_267 : vector<1x1024xf32>
    %mul3A_275 = arith.mulf %mul3A_263, %broadcast_in_dim3A_242 : vector<1x1024xf32>
    %mul3A_276 = arith.mulf %mul3A_275, %div3A_267 : vector<1x1024xf32>
    %add3A_277 = arith.addf %mul3A_274, %mul3A_276 : vector<1x1024xf32>
    %add3A_278 = arith.addf %add3A_277, %mul3A_265 : vector<1x1024xf32>
    %sub3A_279 = arith.subf %mul3A_264, %mul3A_263 : vector<1x1024xf32>
    %mul3A_280 = arith.mulf %div3A_267, %sub3A_279 : vector<1x1024xf32>
    %add3A_281 = arith.addf %mul3A_263, %mul3A_280 : vector<1x1024xf32>
    %log3A_282 = math.log %add3A_281 : vector<1x1024xf32>
    %add3A_283 = arith.addf %add3A_215, %log3A_282 : vector<1x1024xf32>
    %get3A_284 = arith.constant 224 : index
    %get3A_285 = arith.constant 0 : index
    %get3A_286 = vector.load %arg7[%get3A_284, %get3A_285] : memref<384x1024xf32, #tpu.memory_space<vmem>>, vector<16x1024xf32>
    %get3A_287 = arith.constant 96 : index
    %get3A_288 = arith.constant 0 : index
    %get3A_289 = vector.load %arg7[%get3A_287, %get3A_288] : memref<384x1024xf32, #tpu.memory_space<vmem>>, vector<15x1024xf32>
    %slice3A_290 = vector.extract_strided_slice %mul3A_140 {offsets = [96, 0], sizes = [16, 1024], strides = [1, 1]} : vector<112x1024xf32> to vector<16x1024xf32>
    %slice3A_291 = vector.extract_strided_slice %mul3A_149 {offsets = [96, 0], sizes = [15, 1024], strides = [1, 1]} : vector<111x1024xf32> to vector<15x1024xf32>
    %ge3A_292 = vector.broadcast %add3A_278 : vector<1x1024xf32> to vector<16x1024xf32>
    %ge3A_293 = arith.cmpf oge, %ge3A_292, %get3A_286 : vector<16x1024xf32>
    %convert_element_type3A_294 = arith.extui %ge3A_293 : vector<16x1024xi1> to vector<16x1024xi32>
    %convert_element_type3A_295 = arith.sitofp %convert_element_type3A_294 : vector<16x1024xi32> to vector<16x1024xf32>
    %slice3A_296 = vector.extract_strided_slice %convert_element_type3A_295 {offsets = [1, 0], sizes = [14, 1024], strides = [1, 1]} : vector<16x1024xf32> to vector<14x1024xf32>
    %broadcast_in_dim3A_297 = arith.constant 0.000000e+00 : f32
    %broadcast_in_dim3A_298 = vector.broadcast %broadcast_in_dim3A_297 : f32 to vector<1x1024xf32>
    %concatenate3A_299 = tpu.concatenate %slice3A_296, %broadcast_in_dim3A_298 in 0 : vector<14x1024xf32>, vector<1x1024xf32> -> vector<15x1024xf32>
    %slice3A_300 = vector.extract_strided_slice %convert_element_type3A_295 {offsets = [0, 0], sizes = [15, 1024], strides = [1, 1]} : vector<16x1024xf32> to vector<15x1024xf32>
    %sub3A_301 = arith.subf %slice3A_300, %concatenate3A_299 : vector<15x1024xf32>
    %slice3A_302 = vector.extract_strided_slice %get3A_286 {offsets = [0, 0], sizes = [15, 1024], strides = [1, 1]} : vector<16x1024xf32> to vector<15x1024xf32>
    %mul3A_303 = arith.mulf %sub3A_301, %slice3A_302 : vector<15x1024xf32>
    %reduce_sum3A_304 = arith.constant dense<0.000000e+00> : vector<1024xf32>
    %reduce_sum3A_305 = vector.multi_reduction <add>, %mul3A_303, %reduce_sum3A_304 [0] : vector<15x1024xf32> to vector<1024xf32>
    %broadcast_in_dim3A_306 = vector.shape_cast %reduce_sum3A_305 : vector<1024xf32> to vector<1x1024xf32>
    %mul3A_307 = arith.mulf %sub3A_301, %get3A_289 : vector<15x1024xf32>
    %reduce_sum3A_308 = arith.constant dense<0.000000e+00> : vector<1024xf32>
    %reduce_sum3A_309 = vector.multi_reduction <add>, %mul3A_307, %reduce_sum3A_308 [0] : vector<15x1024xf32> to vector<1024xf32>
    %broadcast_in_dim3A_310 = vector.shape_cast %reduce_sum3A_309 : vector<1024xf32> to vector<1x1024xf32>
    %mul3A_311 = arith.mulf %concatenate3A_299, %slice3A_291 : vector<15x1024xf32>
    %reduce_sum3A_312 = arith.constant dense<0.000000e+00> : vector<1024xf32>
    %reduce_sum3A_313 = vector.multi_reduction <add>, %mul3A_311, %reduce_sum3A_312 [0] : vector<15x1024xf32> to vector<1024xf32>
    %broadcast_in_dim3A_314 = vector.shape_cast %reduce_sum3A_313 : vector<1024xf32> to vector<1x1024xf32>
    %reduce_sum3A_315 = arith.constant dense<0.000000e+00> : vector<1024xf32>
    %reduce_sum3A_316 = vector.multi_reduction <add>, %slice3A_291, %reduce_sum3A_315 [0] : vector<15x1024xf32> to vector<1024xf32>
    %broadcast_in_dim3A_317 = vector.shape_cast %reduce_sum3A_316 : vector<1024xf32> to vector<1x1024xf32>
    %slice3A_318 = vector.extract_strided_slice %slice3A_290 {offsets = [0, 0], sizes = [15, 1024], strides = [1, 1]} : vector<16x1024xf32> to vector<15x1024xf32>
    %mul3A_319 = arith.mulf %sub3A_301, %slice3A_318 : vector<15x1024xf32>
    %reduce_sum3A_320 = arith.constant dense<0.000000e+00> : vector<1024xf32>
    %reduce_sum3A_321 = vector.multi_reduction <add>, %mul3A_319, %reduce_sum3A_320 [0] : vector<15x1024xf32> to vector<1024xf32>
    %broadcast_in_dim3A_322 = vector.shape_cast %reduce_sum3A_321 : vector<1024xf32> to vector<1x1024xf32>
    %slice3A_323 = vector.extract_strided_slice %slice3A_290 {offsets = [1, 0], sizes = [15, 1024], strides = [1, 1]} : vector<16x1024xf32> to vector<15x1024xf32>
    %mul3A_324 = arith.mulf %sub3A_301, %slice3A_323 : vector<15x1024xf32>
    %reduce_sum3A_325 = arith.constant dense<0.000000e+00> : vector<1024xf32>
    %reduce_sum3A_326 = vector.multi_reduction <add>, %mul3A_324, %reduce_sum3A_325 [0] : vector<15x1024xf32> to vector<1024xf32>
    %broadcast_in_dim3A_327 = vector.shape_cast %reduce_sum3A_326 : vector<1024xf32> to vector<1x1024xf32>
    %div3A_328 = arith.constant 1.000000e+00 : f32
    %div3A_329 = vector.broadcast %div3A_328 : f32 to vector<1x1024xf32>
    %div3A_330 = arith.divf %div3A_329, %broadcast_in_dim3A_317 : vector<1x1024xf32>
    %mul3A_331 = arith.mulf %broadcast_in_dim3A_322, %div3A_330 : vector<1x1024xf32>
    %mul3A_332 = arith.mulf %broadcast_in_dim3A_327, %div3A_330 : vector<1x1024xf32>
    %mul3A_333 = arith.mulf %broadcast_in_dim3A_314, %div3A_330 : vector<1x1024xf32>
    %sub3A_334 = arith.subf %add3A_278, %broadcast_in_dim3A_306 : vector<1x1024xf32>
    %div3A_335 = arith.divf %sub3A_334, %broadcast_in_dim3A_310 : vector<1x1024xf32>
    %sub3A_336 = arith.subf %mul3A_332, %mul3A_331 : vector<1x1024xf32>
    %mul3A_337 = arith.constant 5.000000e-01 : f32
    %mul3A_338 = vector.broadcast %mul3A_337 : f32 to vector<1x1024xf32>
    %mul3A_339 = arith.mulf %mul3A_338, %sub3A_336 : vector<1x1024xf32>
    %mul3A_340 = arith.mulf %mul3A_339, %broadcast_in_dim3A_310 : vector<1x1024xf32>
    %mul3A_341 = arith.mulf %mul3A_340, %div3A_335 : vector<1x1024xf32>
    %mul3A_342 = arith.mulf %mul3A_341, %div3A_335 : vector<1x1024xf32>
    %mul3A_343 = arith.mulf %mul3A_331, %broadcast_in_dim3A_310 : vector<1x1024xf32>
    %mul3A_344 = arith.mulf %mul3A_343, %div3A_335 : vector<1x1024xf32>
    %add3A_345 = arith.addf %mul3A_342, %mul3A_344 : vector<1x1024xf32>
    %add3A_346 = arith.addf %add3A_345, %mul3A_333 : vector<1x1024xf32>
    %sub3A_347 = arith.subf %mul3A_332, %mul3A_331 : vector<1x1024xf32>
    %mul3A_348 = arith.mulf %div3A_335, %sub3A_347 : vector<1x1024xf32>
    %add3A_349 = arith.addf %mul3A_331, %mul3A_348 : vector<1x1024xf32>
    %log3A_350 = math.log %add3A_349 : vector<1x1024xf32>
    %add3A_351 = arith.addf %add3A_283, %log3A_350 : vector<1x1024xf32>
    %reshape3A = vector.shape_cast %add3A_346 : vector<1x1024xf32> to vector<1x1x1024xf32>
    %swap3A_352 = arith.constant 0 : index
    %swap3A_353 = arith.constant 0 : index
    %swap3A_354 = arith.constant 0 : index
    %swap3A_355 = vector.load %arg5[%swap3A_352, %swap3A_353, %swap3A_354] : memref<1x1x1024xf32, #tpu.memory_space<vmem>>, vector<1x1x1024xf32>
    tpu.vector_store %arg5[%swap3A_352, %swap3A_353, %swap3A_354], %reshape3A {strides = array<i32>} : memref<1x1x1024xf32, #tpu.memory_space<vmem>>, vector<1x1x1024xf32>,
    %reshape3A_356 = vector.shape_cast %add3A_351 : vector<1x1024xf32> to vector<1x1x1024xf32>
    %swap3A_357 = arith.constant 0 : index
    %swap3A_358 = arith.constant 0 : index
    %swap3A_359 = arith.constant 0 : index
    %swap3A_360 = vector.load %arg6[%swap3A_357, %swap3A_358, %swap3A_359] : memref<1x1x1024xf32, #tpu.memory_space<vmem>>, vector<1x1x1024xf32>
    tpu.vector_store %arg6[%swap3A_357, %swap3A_358, %swap3A_359], %reshape3A_356 {strides = array<i32>} : memref<1x1x1024xf32, #tpu.memory_space<vmem>>, vector<1x1x1024xf32>,
    return
  }
  func.func @transform_0(%arg0: i32) -> (i32, i32, i32) {
    %c0_i32 = arith.constant 0 : i32
    %c0_i32_0 = arith.constant 0 : i32
    %c0_i32_1 = arith.constant 0 : i32
    return %arg0, %c0_i32, %c0_i32_0 : i32, i32, i32
  }
  func.func @transform_1(%arg0: i32) -> (i32, i32, i32) {
    %c0_i32 = arith.constant 0 : i32
    %c0_i32_0 = arith.constant 0 : i32
    %c0_i32_1 = arith.constant 0 : i32
    return %arg0, %c0_i32, %c0_i32_0 : i32, i32, i32
  }
  func.func @transform_2(%arg0: i32) -> (i32, i32) {
    %c0_i32 = arith.constant 0 : i32
    %c0_i32_0 = arith.constant 0 : i32
    return %c0_i32, %arg0 : i32, i32
  }
  func.func @transform_3(%arg0: i32) -> (i32, i32) {
    %c0_i32 = arith.constant 0 : i32
    %c0_i32_0 = arith.constant 0 : i32
    %c0_i32_1 = arith.constant 0 : i32
    return %c0_i32, %c0_i32_0 : i32, i32
  }
  func.func @transform_4(%arg0: i32) -> (i32, i32, i32) {
    %c0_i32 = arith.constant 0 : i32
    %c0_i32_0 = arith.constant 0 : i32
    %c0_i32_1 = arith.constant 0 : i32
    return %arg0, %c0_i32, %c0_i32_0 : i32, i32, i32
  }
  func.func @transform_5(%arg0: i32) -> (i32, i32, i32) {
    %c0_i32 = arith.constant 0 : i32
    %c0_i32_0 = arith.constant 0 : i32
    %c0_i32_1 = arith.constant 0 : i32
    return %arg0, %c0_i32, %c0_i32_0 : i32, i32, i32
  }
}

</mosaic_0001>

<sc_bundles>
// kernel: kernel.5.cloned.1.call-start
scs
__scs_entry_jumppad:
0x0: {  	(pc) =	sbr.rel $0x88, $3  }
0x1: {  	(tag) =	ssettag $0x0;
	lr =	simm.s32 $0x1  }
0x2: {  	[smem:$0x3F9B] =	sst lr;
	_ =	strace $0xD0000000  }
0x3: {  	_ = 	snop  }
0x4: {  	_ = 	snop  }
0x5: {  	_ = 	snop  }
0x6: {  	_ = 	snop  }
0x7: {  	_ = 	snop  }
__scs_overlays_trampoline_lowered:
0x8: {  	[smem:$0x3FAA] =	sst s0  }
0x9: {  	[smem:$0x3FAB] =	sst s1  }
0xa: {  	[smem:$0x3FAC] =	sst s2  }
0xb: {  	[smem:$0x3FAD] =	sst s3  }
0xc: {  	[smem:$0x3FAE] =	sst s4  }
0xd: {  	[smem:$0x3FAF] =	sst s5  }
0xe: {  	[smem:$0x3FB0] =	sst s6  }
0xf: {  	[smem:$0x3FB1] =	sst s7  }
0x10: {  	[smem:$0x3FB2] =	sst s8  }
0x11: {  	[smem:$0x3FB3] =	sst s9;
	s0 =	simm.s32 @!p0 $0x0  }
0x12: {  	s1 =	sld [smem:$0x3F99];
	s0 =	simm.s32 @p0 $0x1  }
0x13: {  	[smem:$0x3FB4] =	sst s0;
	s0 =	simm.s32 @!p1 $0x0  }
0x14: {  	s2 =	sld [smem:$0x3F98];
	s0 =	simm.s32 @p1 $0x1  }
0x15: {  	[smem:$0x3FB5] =	sst s0;
	s0 =	simm.s32 @!p2 $0x0  }
0x16: {  	s3 =	sld [smem:$0x3FDB];
	s0 =	simm.s32 @p2 $0x1  }
0x17: {  	s4 =	simm.s32 $0x1BF5;
	[smem:$0x3FB7] =	sst s0  }
0x18: {  	s0 =	sld [smem:$0x3F9A];
	_ =	swait.ge [sflag:s4], $0x0  }
0x19: {  	s7 =	sld [smem:$0x3F9B]  }
0x1a: {  	s8 =	sadd.s32 $0xFFFFE003, lr  }
0x1b: {  	s9 =	sadd.s32 $0xFFFFFEF7, lr;
	s5 =	simm.s32 $0xFFFFFFFF;
	p2 =	slt.u32 s8, $0xFFFFF086  }
0x1c: {  	p1 =	slt.u32 s9, $0xF7A;
	s5 =	simm.s32 @!p2 $0x0  }
0x1d: {  	s5 =	simm.s32 @p1 $0x1;
	p0 =	seq.s32 s7, s2  }
0x1e: {  	s7 =	smul.u32 @!p0 $0xF7A, s2;
	p2 =	seq.s32 @!p0 s5, $0x0  }
0x1f: {  	s9 =	smul.u32 $0xF7A, s1;
	s8 =	simm.s32 @!p0 $0x1BF5;
	p2 =	por !p2, p0  }
0x20: {  	[sflag:s8] =	ssyncset.s32 @!p0 $0xFFFFF086;
	s6 =	sadd.s32 @!p0 s3, s7;
	s7 =	simm.s32 @!p0 $0x108  }
0x21: {  	s3 =	sadd.s32 s3, s9;
	s6 =	sadd.s32 @!p0 $0x88, s6;
	s7 =	simm.s32 @p2 $0x1082  }
0x22: {  	[simem:s7], [sflag:s8] =	dma.local @!p0 [hbm:s6], $0xF7A  }
0x23: {  	s9 =	sor.u32 $0xD0000000, s2;
	s6 =	simm.s32 $0x108;
	_ =	swait.ge @!p0 [sflag:s8], $0x0  }
0x24: {  	s3 =	sadd.s32 $0x88, s3;
	s6 =	simm.s32 @!p1 $0x1082;
	[sflag:s4] =	ssyncset.s32 $0xFFFFF086  }
0x25: {  	[simem:s6], [sflag:s4] =	dma.local [hbm:s3], $0xF7A  }
0x26: {  	[smem:$0x3F9B] =	sst s1;
	(tag) =	ssettag s2;
	_ =	strace s9  }
0x27: {  	s1 =	sld [smem:$0x3FAB]  }
0x28: {  	s2 =	sld [smem:$0x3FAC]  }
0x29: {  	s4 =	sld [smem:$0x3FAE]  }
0x2a: {  	p0 =	seq.s32 s5, $0x0;
	s5 =	sld [smem:$0x3FAF]  }
0x2b: {  	s6 =	sld [smem:$0x3FB0]  }
0x2c: {  	s7 =	sld [smem:$0x3FB1]  }
0x2d: {  	s3 =	simm.s32 $0x108;
	s8 =	sld [smem:$0x3FB2]  }
0x2e: {  	s3 =	simm.s32 @!p0 $0x1082;
	s9 =	sld [smem:$0x3FB3]  }
0x2f: {  	lr =	sadd.s32 s0, s3;
	s0 =	sld [smem:$0x3FAA]  }
0x30: {  	s3 =	sld [smem:$0x3FAD]  }
0x31: {  	[smem:$0x3FB6] =	sst s10  }
0x32: {  	s10 =	sld [smem:$0x3FB4];
	_ =	sdelay $0x3  }
0x33: {  	p0 =	seq.s32 s10, $0x1;
	s10 =	sld [smem:$0x3FB6];
	_ =	sdelay $0x3  }
0x34: {  	[smem:$0x3FB6] =	sst s10  }
0x35: {  	s10 =	sld [smem:$0x3FB5];
	_ =	sdelay $0x3  }
0x36: {  	p1 =	seq.s32 s10, $0x1;
	s10 =	sld [smem:$0x3FB6];
	_ =	sdelay $0x3  }
0x37: {  	[smem:$0x3FB6] =	sst s10  }
0x38: {  	s10 =	sld [smem:$0x3FB7]  }
0x39: {  	_ = 	snop;
	(pc) =	sbr.ind lr, $3  }
0x3a: {  	_ = 	snop  }
0x3b: {  	_ = 	snop  }
0x3c: {  	p2 =	seq.s32 s10, $0x1;
	s10 =	sld [smem:$0x3FB6]  }
0x3d: {  	_ =	shalt  }
0x3e: {  	_ =	shalt  }
0x3f: {  	_ =	shalt  }
0x40: {  	_ =	shalt  }
0x41: {  	_ =	shalt  }
0x42: {  	_ =	shalt  }
0x43: {  	_ =	shalt  }
0x44: {  	_ =	shalt  }
0x45: {  	_ =	shalt  }
0x46: {  	_ =	shalt  }
0x47: {  	_ =	shalt  }
0x48: {  	_ =	shalt  }
0x49: {  	_ =	shalt  }
0x4a: {  	_ =	shalt  }
0x4b: {  	_ =	shalt  }
0x4c: {  	_ =	shalt  }
0x4d: {  	_ =	shalt  }
0x4e: {  	_ =	shalt  }
0x4f: {  	_ =	shalt  }
0x50: {  	_ =	shalt  }
0x51: {  	_ =	shalt  }
0x52: {  	_ =	shalt  }
0x53: {  	_ =	shalt  }
0x54: {  	_ =	shalt  }
0x55: {  	_ =	shalt  }
0x56: {  	_ =	shalt  }
0x57: {  	_ =	shalt  }
0x58: {  	_ =	shalt  }
0x59: {  	_ =	shalt  }
0x5a: {  	_ =	shalt  }
0x5b: {  	_ =	shalt  }
0x5c: {  	_ =	shalt  }
0x5d: {  	_ =	shalt  }
0x5e: {  	_ =	shalt  }
0x5f: {  	_ =	shalt  }
0x60: {  	_ =	shalt  }
0x61: {  	_ =	shalt  }
0x62: {  	_ =	shalt  }
0x63: {  	_ =	shalt  }
0x64: {  	_ =	shalt  }
0x65: {  	_ =	shalt  }
0x66: {  	_ =	shalt  }
0x67: {  	_ =	shalt  }
0x68: {  	_ =	shalt  }
0x69: {  	_ =	shalt  }
0x6a: {  	_ =	shalt  }
0x6b: {  	_ =	shalt  }
0x6c: {  	_ =	shalt  }
0x6d: {  	_ =	shalt  }
0x6e: {  	_ =	shalt  }
0x6f: {  	_ =	shalt  }
0x70: {  	_ =	shalt  }
0x71: {  	_ =	shalt  }
0x72: {  	_ =	shalt  }
0x73: {  	_ =	shalt  }
0x74: {  	_ =	shalt  }
0x75: {  	_ =	shalt  }
0x76: {  	_ =	shalt  }
0x77: {  	_ =	shalt  }
0x78: {  	_ =	shalt  }
0x79: {  	_ =	shalt  }
0x7a: {  	_ =	shalt  }
0x7b: {  	_ =	shalt  }
0x7c: {  	_ =	shalt  }
0x7d: {  	_ =	shalt  }
0x7e: {  	_ =	shalt  }
0x7f: {  	_ =	shalt  }
0x80: {  	_ =	shalt  }
0x81: {  	_ =	shalt  }
0x82: {  	_ =	shalt  }
0x83: {  	_ =	shalt  }
0x84: {  	_ =	shalt  }
0x85: {  	_ =	shalt  }
0x86: {  	_ =	shalt  }
0x87: {  	_ =	shalt  }
.Lfunc_end0:
.L_simem_size_0:
called_computation_lowered:
.L_overlay_start_0:
0x88: {  	s2 =	sld [smem:$0x3FD9]  }
0x89: {  	s3 =	sld [smem:$0x3FFE];
	_ =	sdelay $0x1  }
0x8a: {  	s1 =	srdreg.scid  }
0x8b: {  	s0 =	sand.u32 $0x1, s1  }
0x8c: {  	s14 =	sshll.u32 s0, $0xA;
	s2 =	sadd.s32 s3, s2  }
0x8d: {  	s2 =	sadd.s32 s2, s14  }
0x8e: {  	[smem:$0x3FC2] =	sst s2  }
0x8f: {  	_ = 	snop  }
0x90: {  	s2 =	sld [smem:$0x3FD0];
	_ =	sdelay $0x2  }
0x91: {  	s4 =	simm.s32 $0xA;
	s5 =	simm.s32 $0x10;
	s15 =	sld [smem:$0x3FC8]  }
0x92: {  	[smem:s5], [sflag:s4] =	dma.local [hbm:s2], $0x1  }
0x93: {  	_ =	swait.eq [sflag:s4], $0x1  }
0x94: {  	[sflag:s4] =	ssyncset.done $0x0  }
0x95: {  	s16 =	sld [smem:$0x10];
	[sflag:s4] =	ssyncadd.s32 $0xFFFFFFFF  }
0x96: {  	s17 =	sld [smem:$0x11];
	(tm) =	ssettm $0x1  }
0x97: {  	s18 =	sld [smem:$0x3FFB];
	_ =	sdelay $0x3  }
0x98: {  	_ =	strace s18  }
0x99: {  	s5 =	sld [smem:$0x3FFC];
	_ =	sdelay $0x3  }
0x9a: {  	_ =	strace s5  }
0x9b: {  	s5 =	sld [smem:$0x3FFD];
	_ =	sdelay $0x3  }
0x9c: {  	_ =	strace s5  }
0x9d: {  	_ =	strace $0x8FFFFFFF  }
0x9e: {  	s19 =	sld [smem:$0x3FDB];
	_ =	sdelay $0x1  }
0x9f: {  	s6 =	simm.s32 $_scs_section_size  }
0xa0: {  	s7 =	simm.s32 $_size__tile_overlayer_lowered;
	s8 =	simm.s32 $_tile_overlayer_lowered  }
0xa1: {  	s22 =	simm.s32 $0x1BFF;
	s21 =	sshll.u32 s8, $0x1;
	s5 =	sadd.s32 s6, s19  }
0xa2: {  	s9 =	simm.s32 $0x0;
	s20 =	sshll.u32 s7, $0x1;
	s7 =	sadd.s32 s21, s5  }
0xa3: {  	[timem:s9], [sflag:s22] =	dma.local [hbm:s7], s20  }
0xa4: {  	_ =	swait.ge [sflag:s22], s20  }
0xa5: {  	s6 =	ssub.s32 $0x0, s20;
	[sflag:s22] =	ssyncset.done $0x0  }
0xa6: {  	[sflag:s22] =	ssyncadd.s32 s6;
	_ =	sdelay $0x1  }
0xa7: {  	s23 =	simm.s32 $0x1B8B  }
0xa8: {  	_ =	swait.ge [sflag:s23], $0x1  }
0xa9: {  	[sflag:s23] =	ssyncset.done $0x0  }
0xaa: {  	s25 =	simm.s32 $0x1B8E;
	s24 =	sld [smem:$0x3FFE];
	[sflag:s23] =	ssyncadd.s32 $0xFFFFFFFF  }
0xab: {  	s26 =	simm.s32 $execute0_lowered;
	[smem:$0x3FD2] =	sst s25  }
0xac: {  	s7 =	sshll.u32 s26, $0x1;
	_ =	strace $0x80000046;
	[dreg:$0x1] =	wrdreg $0xFFFFFFFF  }
0xad: {  	s28 =	simm.s32 $_size_execute0_lowered;
	s5 =	sadd.s32 s5, s7;
	[dreg:$0x0] =	wrdreg $0x0  }
0xae: {  	s7 =	sshll.u32 s28, $0x1;
	[dreg:$0x2] =	wrdreg s5  }
0xaf: {  	[dreg:$0x3] =	wrdreg s7  }
0xb0: {  	[dreg:$0x4] =	wrdreg $0xC0  }
0xb1: {  	_ =	task [dreg:s9], $0x5FFFF  }
0xb2: {  	[dreg:$0x1] =	wrdreg $0xFFFFFFFF  }
0xb3: {  	[dreg:$0x0] =	wrdreg $0x60  }
0xb4: {  	[dreg:$0x2] =	wrdreg s24  }
0xb5: {  	[dreg:$0x3] =	wrdreg s15  }
0xb6: {  	[dreg:$0x4] =	wrdreg s17  }
0xb7: {  	[dreg:$0x5] =	wrdreg s16  }
0xb8: {  	[dreg:$0x6] =	wrdreg $0x9  }
0xb9: {  	_ =	task.clear_ibuf [dreg:s9], $0x7FFFF;
	_ =	strace $0x90000046  }
0xba: {  	s29 =	simm.s32 $0x9;
	_ =	strace $0x80000048  }
0xbb: {  	_ =	swait.ge [sflag:s29], $0x1  }
0xbc: {  	[sflag:s29] =	ssyncadd.s32 $0xFFFFFFFF  }
0xbd: {  	_ =	strace $0x90000048  }
0xbe: {  	_ =	sfence  }
0xbf: {  	s30 =	sld [smem:$0x0];
	_ =	sdelay $0x2  }
0xc0: {  	s31 =	sshll.u32 s1, $0xD;
	s1 =	sshrl.u32 s1, $0x2  }
0xc1: {  	s3 =	sand.u32 $0x4000, s31;
	s1 =	sadd.s32 s1, s30  }
0xc2: {  	s0 =	sor.u32 s3, s0;
	s1 =	sshll.u32 s1, $0x11  }
0xc3: {  	s0 =	sor.u32 s1, s0  }
0xc4: {  	s0 =	sadd.s32 $0x8F2B, s0  }
0xc5: {  	[sflag:s0] =	ssyncadd.remote.s32 $0x1  }
0xc6: {  	_ =	sfence.sel $0xFFFF  }
0xc7: {  	[dreg:$0x0] =	wrdreg $0xFFFFFFFF;
	(pc) =	sbr.abs _section_cstart, $3  }
0xc8: {  	[dreg:$0x1] =	wrdreg $0xFFFFFFFF  }
0xc9: {  	_ =	task.clear_ibuf [dreg:s9], $0x2FFFF;
	_ =	strace $0x9FFFFFFF  }
0xca: {  	(tm) =	ssettm $0x7FFFFFFF  }
0xcb: {  	_ =	shalt  }
tec
execute0_lowered:
.L_overlay_start_1:
0x0: {  	(tag) =	ssettag $0x1  }
0x1: {  	s3 =	rddreg [dreg:$0x0]  }
0x2: {  	s5 =	rddreg [dreg:$0x1]  }
0x3: {  	s6 =	rddreg [dreg:$0x2]  }
0x4: {  	s1 =	srdreg.scid;
	s7 =	rddreg [dreg:$0x3]  }
0x5: {  	s2 =	simm.s32 $0x0;
	s4 =	sand.u32 $0x1, s1;
	s1 =	rddreg [dreg:$0x4]  }
0x6: {  	s18 =	simm.s32 $0x100;
	[smem:$0x7FF] =	sst s2  }
0x7: {  	s19 =	simm.s32 $0x1100;
	_ =	strace $0x80000047;
	[dreg:$0x8] =	wrdreg s18  }
0x8: {  	s20 =	simm.s32 $0x180;
	[dreg:$0x9] =	wrdreg s19  }
0x9: {  	s21 =	simm.s32 $0x1180;
	[dreg:$0xa] =	wrdreg s20  }
0xa: {  	s22 =	simm.s32 $0x200;
	[dreg:$0xb] =	wrdreg s21  }
0xb: {  	s23 =	simm.s32 $0x1200;
	[dreg:$0xc] =	wrdreg s22  }
0xc: {  	s24 =	simm.s32 $0x280;
	[dreg:$0xd] =	wrdreg s23  }
0xd: {  	s25 =	simm.s32 $0x1280;
	[dreg:$0xe] =	wrdreg s24  }
0xe: {  	s26 =	simm.s32 $0x300;
	[dreg:$0xf] =	wrdreg s25  }
0xf: {  	s28 =	simm.s32 $0x1300;
	[dreg:$0x10] =	wrdreg s26  }
0x10: {  	s29 =	simm.s32 $0x380;
	[dreg:$0x11] =	wrdreg s28  }
0x11: {  	s30 =	simm.s32 $0x1380;
	[dreg:$0x12] =	wrdreg s29  }
0x12: {  	s31 =	simm.s32 $0x400;
	[dreg:$0x13] =	wrdreg s30  }
0x13: {  	s10 =	simm.s32 $0x1500;
	[dreg:$0x14] =	wrdreg s31  }
0x14: {  	s11 =	simm.s32 $0x580;
	[dreg:$0x19] =	wrdreg s10  }
0x15: {  	s12 =	simm.s32 $0x1580;
	[dreg:$0x1a] =	wrdreg s11  }
0x16: {  	s13 =	simm.s32 $0x600;
	[dreg:$0x1b] =	wrdreg s12  }
0x17: {  	s14 =	simm.s32 $0x1600;
	[dreg:$0x1c] =	wrdreg s13  }
0x18: {  	s15 =	simm.s32 $0x680;
	[dreg:$0x1d] =	wrdreg s14  }
0x19: {  	[dreg:$0x1e] =	wrdreg s15;
	s18 =	simm.s32 $0x1700  }
0x1a: {  	s19 =	simm.s32 $0x780;
	[smem:$0x7D9] =	sst s18  }
0x1b: {  	s20 =	simm.s32 $0x1780;
	[smem:$0x7DA] =	sst s19  }
0x1c: {  	s21 =	simm.s32 $0x800;
	[smem:$0x7DB] =	sst s20  }
0x1d: {  	s22 =	simm.s32 $0x1800;
	[smem:$0x7DC] =	sst s21  }
0x1e: {  	s23 =	simm.s32 $0x880;
	[smem:$0x7DD] =	sst s22  }
0x1f: {  	s24 =	simm.s32 $0x1880;
	[smem:$0x7DE] =	sst s23  }
0x20: {  	s25 =	simm.s32 $0x900;
	[smem:$0x7DF] =	sst s24  }
0x21: {  	s26 =	simm.s32 $0x1900;
	[smem:$0x7E0] =	sst s25  }
0x22: {  	s28 =	simm.s32 $0x980;
	[smem:$0x7E1] =	sst s26  }
0x23: {  	s29 =	simm.s32 $0x1980;
	[smem:$0x7E2] =	sst s28  }
0x24: {  	s30 =	simm.s32 $0xA00;
	[smem:$0x7E3] =	sst s29  }
0x25: {  	s31 =	simm.s32 $0x1A00;
	[smem:$0x7E4] =	sst s30  }
0x26: {  	s10 =	simm.s32 $0xB80;
	[smem:$0x7E5] =	sst s31  }
0x27: {  	s11 =	simm.s32 $0x1B80;
	[smem:$0x7EA] =	sst s10  }
0x28: {  	s12 =	simm.s32 $0xC00;
	[smem:$0x7EB] =	sst s11  }
0x29: {  	s13 =	simm.s32 $0x1C00;
	[smem:$0x7EC] =	sst s12  }
0x2a: {  	s14 =	simm.s32 $0xC80;
	[smem:$0x7ED] =	sst s13  }
0x2b: {  	s15 =	simm.s32 $0x1C80;
	[smem:$0x7EE] =	sst s14  }
0x2c: {  	[smem:$0x7EF] =	sst s15;
	s18 =	simm.s32 $0xD80  }
0x2d: {  	s19 =	simm.s32 $0x1D80;
	[smem:$0x7F2] =	sst s18  }
0x2e: {  	s20 =	simm.s32 $0xE00;
	[smem:$0x7F3] =	sst s19  }
0x2f: {  	s21 =	simm.s32 $0x1E00;
	[smem:$0x7F4] =	sst s20  }
0x30: {  	s22 =	simm.s32 $0xE80;
	[smem:$0x7F5] =	sst s21  }
0x31: {  	s23 =	simm.s32 $0x1E80;
	[smem:$0x7F6] =	sst s22  }
0x32: {  	s24 =	simm.s32 $0xF00;
	[smem:$0x7F7] =	sst s23  }
0x33: {  	s0 =	stileid.u32;
	s25 =	simm.s32 $0x1F00;
	[smem:$0x7F8] =	sst s24  }
0x34: {  	s8 =	sshll.u32 s0, $0x6;
	s28 =	simm.s32 $0xF80;
	[smem:$0x7F9] =	sst s25  }
0x35: {  	s9 =	sshll.u32 s4, $0x5;
	s29 =	simm.s32 $0x1F80;
	[smem:$0x7FA] =	sst s28  }
0x36: {  	s8 =	sor.u32 s9, s8;
	s30 =	simm.s32 $0x1000;
	[smem:$0x7FB] =	sst s29  }
0x37: {  	s31 =	simm.s32 $0x2000;
	s9 =	sshrl.u32 s8, $0x3;
	[smem:$0x7FC] =	sst s30  }
0x38: {  	s8 =	sshll.u32 s8, $0x4;
	[smem:$0x7FD] =	sst s31;
	s5 =	sadd.s32 s5, s9  }
0x39: {  	s16 =	sadd.s32 s6, s8;
	[dreg:$0x5] =	wrdreg s5  }
0x3a: {  	s17 =	sadd.s32 s7, s8;
	[dreg:$0x6] =	wrdreg s16  }
0x3b: {  	s6 =	simm.s32 $0x1400;
	[dreg:$0x7] =	wrdreg s17  }
0x3c: {  	p0 =	por $0x0, $0x0;
	s7 =	simm.s32 $0x480;
	[dreg:$0x15] =	wrdreg s6  }
0x3d: {  	s4 =	ssub.s32 $0x2, s4;
	s8 =	simm.s32 $0x1480;
	[dreg:$0x16] =	wrdreg s7  }
0x3e: {  	s26 =	sshrl.u32 s4, $0x1;
	s9 =	simm.s32 $0x500;
	[dreg:$0x17] =	wrdreg s8  }
0x3f: {  	s4 =	ssub.s32 s4, s26;
	[dreg:$0x18] =	wrdreg s9;
	s16 =	simm.s32 $0x1680  }
0x40: {  	s10 =	smax.u32 s4, $0x1;
	s17 =	simm.s32 $0x700;
	[dreg:$0x1f] =	wrdreg s16  }
0x41: {  	s4 =	simm.s32 $0x1080;
	s6 =	simm.s32 $0xA80;
	[smem:$0x7D8] =	sst s17  }
0x42: {  	s7 =	simm.s32 $0x1A80;
	s8 =	simm.s32 $0xB00;
	[smem:$0x7E6] =	sst s6  }
0x43: {  	s9 =	simm.s32 $0x1B00;
	p1 =	sne.s32 s10, $0x1;
	[smem:$0x7E7] =	sst s7  }
.Ltmp0:
0x44: {  	s5 =	simm.s32 $0x80;
	[smem:$0x7E8] =	sst s8;
	(pc) =	sbr.rel @!p1 .LBB2_3-.Ltmp0, $4  }
0x45: {  	s10 =	sadd.s32 $0xFFFFFFFF, s10;
	[smem:$0x7E9] =	sst s9;
	s16 =	simm.s32 $0xD00  }
0x46: {  	s17 =	simm.s32 $0x1D00;
	s8 =	sadd.s32 $0x1200, s3;
	s11 =	rddreg [dreg:$0x5]  }
0x47: {  	s9 =	sadd.s32 $0x187C00, s3;
	s3 =	simm.s32 $0x3;
	[smem:$0x7F0] =	sst s16  }
0x48: {  	s7 =	simm.s32 $0x1;
	s6 =	simm.s32 $0x2;
	[smem:$0x7F1] =	sst s17  }
0x49: {  	[tilespmem:s2], [sflag:$0x3] =	stream.linear.gather [hbm4b:s11+s2], $0x20, $0x38;
	[tilespmem:$0x2080] =	vst v63  }
0x4a: {  	_ =	swait.ge [sflag:s3], $0x20  }
0x4b: {  	[sflag:s3] =	ssyncset.done $0x0  }
0x4c: {  	[sflag:s3] =	ssyncadd.s32 $0xFFFFFFE0  }
0x4d: {  	v0 =	vld [tilespmem:$0x0];
	_ =	sdelay $0x4  }
0x4e: {  	v0 =	vshll.u32 v0, $0x4  }
0x4f: {  	(v2sf) =	vpush v0, $0x0;
	_ =	sdelay $0x1  }
0x50: {  	(v2sf) =	vpush v0, $0x1;
	_ =	sdelay $0x3  }
0x51: {  	(v2sf) =	vpush v0, $0x2;
	_ =	sdelay $0x3  }
0x52: {  	(v2sf) =	vpush v0, $0x3;
	_ =	sdelay $0x4  }
0x53: {  	s20 =	spop (v2sf)  }
0x54: {  	(v2sf) =	vpush v0, $0x4;
	s11 =	sand.u32 $0x1FFFFFF0, s20  }
0x55: {  	s12 =	spop (v2sf);
	s13 =	sadd.s32 s8, s11  }
0x56: {  	[tilespmem:s5], [sflag:$0x1] =	stream.linear.gather [hbm4b:s13+s2], $0x80, $0x38;
	[tilespmem:$0x2080] =	vst v63  }
0x57: {  	(v2sf) =	vpush v0, $0x5;
	s12 =	sand.u32 $0x1FFFFFF0, s12;
	s11 =	sadd.s32 s9, s11  }
0x58: {  	[tilespmem:s4], [sflag:$0x2] =	stream.linear.gather [hbm4b:s11+s2], $0x80, $0x38;
	[tilespmem:$0x2080] =	vst v63  }
0x59: {  	s21 =	rddreg [dreg:$0x8];
	s23 =	spop (v2sf);
	s14 =	sadd.s32 s8, s12  }
0x5a: {  	[tilespmem:s21], [sflag:$0x1] =	stream.linear.gather [hbm4b:s14+s2], $0x80, $0x38;
	[tilespmem:$0x2080] =	vst v63  }
0x5b: {  	s22 =	rddreg [dreg:$0x9];
	(v2sf) =	vpush v0, $0x6;
	s13 =	sand.u32 $0x1FFFFFF0, s23;
	s12 =	sadd.s32 s9, s12  }
0x5c: {  	[tilespmem:s22], [sflag:$0x2] =	stream.linear.gather [hbm4b:s12+s2], $0x80, $0x38;
	[tilespmem:$0x2080] =	vst v63  }
0x5d: {  	s24 =	rddreg [dreg:$0xa];
	s28 =	spop (v2sf);
	s26 =	sadd.s32 s8, s13  }
0x5e: {  	[tilespmem:s24], [sflag:$0x1] =	stream.linear.gather [hbm4b:s26+s2], $0x80, $0x38;
	[tilespmem:$0x2080] =	vst v63  }
0x5f: {  	s25 =	rddreg [dreg:$0xb];
	(v2sf) =	vpush v0, $0x7;
	s13 =	sadd.s32 s9, s13;
	s12 =	sand.u32 $0x1FFFFFF0, s28  }
0x60: {  	[tilespmem:s25], [sflag:$0x2] =	stream.linear.gather [hbm4b:s13+s2], $0x80, $0x38;
	[tilespmem:$0x2080] =	vst v63  }
0x61: {  	s29 =	rddreg [dreg:$0xc];
	s31 =	sadd.s32 s8, s12  }
0x62: {  	[tilespmem:s29], [sflag:$0x1] =	stream.linear.gather [hbm4b:s31+s2], $0x80, $0x38;
	[tilespmem:$0x2080] =	vst v63  }
0x63: {  	s30 =	rddreg [dreg:$0xd];
	s15 =	spop (v2sf);
	(v2sf) =	vpush v0, $0x8  }
0x64: {  	s16 =	rddreg [dreg:$0xe];
	s12 =	sadd.s32 s9, s12;
	s13 =	sand.u32 $0x1FFFFFF0, s15  }
0x65: {  	[tilespmem:s30], [sflag:$0x2] =	stream.linear.gather [hbm4b:s12+s2], $0x80, $0x38;
	[tilespmem:$0x2080] =	vst v63  }
0x66: {  	s17 =	rddreg [dreg:$0xf];
	s19 =	spop (v2sf);
	s18 =	sadd.s32 s8, s13  }
0x67: {  	(v2sf) =	vpush v0, $0x9;
	[tilespmem:s16], [sflag:$0x1] =	stream.linear.gather [hbm4b:s18+s2], $0x80, $0x38;
	[tilespmem:$0x2080] =	vst v63  }
0x68: {  	s20 =	rddreg [dreg:$0x10];
	s12 =	sand.u32 $0x1FFFFFF0, s19;
	s13 =	sadd.s32 s9, s13  }
0x69: {  	[tilespmem:s17], [sflag:$0x2] =	stream.linear.gather [hbm4b:s13+s2], $0x80, $0x38;
	[tilespmem:$0x2080] =	vst v63  }
0x6a: {  	s22 =	rddreg [dreg:$0x11];
	s23 =	spop (v2sf);
	s21 =	sadd.s32 s8, s12  }
0x6b: {  	(v2sf) =	vpush v0, $0xA;
	[tilespmem:s20], [sflag:$0x1] =	stream.linear.gather [hbm4b:s21+s2], $0x80, $0x38;
	[tilespmem:$0x2080] =	vst v63  }
0x6c: {  	s24 =	rddreg [dreg:$0x12];
	s11 =	sand.u32 $0x1FFFFFF0, s23;
	s12 =	sadd.s32 s9, s12  }
0x6d: {  	[tilespmem:s22], [sflag:$0x2] =	stream.linear.gather [hbm4b:s12+s2], $0x80, $0x38;
	[tilespmem:$0x2080] =	vst v63  }
0x6e: {  	s26 =	rddreg [dreg:$0x13];
	s28 =	spop (v2sf);
	s25 =	sadd.s32 s8, s11  }
0x6f: {  	(v2sf) =	vpush v0, $0xB;
	[tilespmem:s24], [sflag:$0x1] =	stream.linear.gather [hbm4b:s25+s2], $0x80, $0x38;
	[tilespmem:$0x2080] =	vst v63  }
0x70: {  	s29 =	rddreg [dreg:$0x14];
	s11 =	sadd.s32 s9, s11;
	s12 =	sand.u32 $0x1FFFFFF0, s28  }
0x71: {  	[tilespmem:s26], [sflag:$0x2] =	stream.linear.gather [hbm4b:s11+s2], $0x80, $0x38;
	[tilespmem:$0x2080] =	vst v63  }
0x72: {  	s31 =	rddreg [dreg:$0x15];
	s30 =	sadd.s32 s8, s12;
	s15 =	spop (v2sf)  }
0x73: {  	(v2sf) =	vpush v0, $0xC;
	[tilespmem:s29], [sflag:$0x1] =	stream.linear.gather [hbm4b:s30+s2], $0x80, $0x38;
	[tilespmem:$0x2080] =	vst v63  }
0x74: {  	s16 =	rddreg [dreg:$0x16];
	s12 =	sadd.s32 s9, s12;
	s11 =	sand.u32 $0x1FFFFFF0, s15  }
0x75: {  	[tilespmem:s31], [sflag:$0x2] =	stream.linear.gather [hbm4b:s12+s2], $0x80, $0x38;
	[tilespmem:$0x2080] =	vst v63  }
0x76: {  	s18 =	rddreg [dreg:$0x17];
	s19 =	spop (v2sf);
	s17 =	sadd.s32 s8, s11  }
0x77: {  	(v2sf) =	vpush v0, $0xD;
	[tilespmem:s16], [sflag:$0x1] =	stream.linear.gather [hbm4b:s17+s2], $0x80, $0x38;
	[tilespmem:$0x2080] =	vst v63  }
0x78: {  	s20 =	rddreg [dreg:$0x18];
	s11 =	sadd.s32 s9, s11;
	s12 =	sand.u32 $0x1FFFFFF0, s19  }
0x79: {  	[tilespmem:s18], [sflag:$0x2] =	stream.linear.gather [hbm4b:s11+s2], $0x80, $0x38;
	[tilespmem:$0x2080] =	vst v63  }
0x7a: {  	s22 =	rddreg [dreg:$0x19];
	s23 =	spop (v2sf);
	s21 =	sadd.s32 s8, s12  }
0x7b: {  	(v2sf) =	vpush v0, $0xE;
	[tilespmem:s20], [sflag:$0x1] =	stream.linear.gather [hbm4b:s21+s2], $0x80, $0x38;
	[tilespmem:$0x2080] =	vst v63  }
0x7c: {  	s24 =	rddreg [dreg:$0x1a];
	s12 =	sadd.s32 s9, s12;
	s11 =	sand.u32 $0x1FFFFFF0, s23  }
0x7d: {  	[tilespmem:s22], [sflag:$0x2] =	stream.linear.gather [hbm4b:s12+s2], $0x80, $0x38;
	[tilespmem:$0x2080] =	vst v63  }
0x7e: {  	s26 =	rddreg [dreg:$0x1b];
	s28 =	spop (v2sf);
	s25 =	sadd.s32 s8, s11  }
0x7f: {  	(v2sf) =	vpush v0, $0xF;
	[tilespmem:s24], [sflag:$0x1] =	stream.linear.gather [hbm4b:s25+s2], $0x80, $0x38;
	[tilespmem:$0x2080] =	vst v63  }
0x80: {  	s29 =	rddreg [dreg:$0x1c];
	s11 =	sadd.s32 s9, s11;
	s12 =	sand.u32 $0x1FFFFFF0, s28  }
0x81: {  	[tilespmem:s26], [sflag:$0x2] =	stream.linear.gather [hbm4b:s11+s2], $0x80, $0x38;
	[tilespmem:$0x2080] =	vst v63  }
0x82: {  	s31 =	rddreg [dreg:$0x1d];
	s30 =	sadd.s32 s8, s12;
	s15 =	spop (v2sf)  }
0x83: {  	[tilespmem:s29], [sflag:$0x1] =	stream.linear.gather [hbm4b:s30+s2], $0x80, $0x38;
	[tilespmem:$0x2080] =	vst v63  }
0x84: {  	s16 =	rddreg [dreg:$0x1e];
	s12 =	sadd.s32 s9, s12;
	s11 =	sand.u32 $0x1FFFFFF0, s15  }
0x85: {  	[tilespmem:s31], [sflag:$0x2] =	stream.linear.gather [hbm4b:s12+s2], $0x80, $0x38;
	[tilespmem:$0x2080] =	vst v63  }
0x86: {  	s18 =	rddreg [dreg:$0x1f];
	s19 =	spop (v2sf);
	s17 =	sadd.s32 s8, s11  }
0x87: {  	[tilespmem:s16], [sflag:$0x1] =	stream.linear.gather [hbm4b:s17+s2], $0x80, $0x38;
	[tilespmem:$0x2080] =	vst v63  }
0x88: {  	s20 =	sld [smem:$0x7D8];
	s11 =	sadd.s32 s9, s11;
	s12 =	sand.u32 $0x1FFFFFF0, s19  }
0x89: {  	[tilespmem:s18], [sflag:$0x2] =	stream.linear.gather [hbm4b:s11+s2], $0x80, $0x38;
	[tilespmem:$0x2080] =	vst v63  }
0x8a: {  	s22 =	sld [smem:$0x7D9];
	s23 =	spop (v2sf);
	s21 =	sadd.s32 s8, s12  }
0x8b: {  	[tilespmem:s20], [sflag:$0x1] =	stream.linear.gather [hbm4b:s21+s2], $0x80, $0x38;
	[tilespmem:$0x2080] =	vst v63  }
0x8c: {  	s24 =	sld [smem:$0x7DA];
	s12 =	sadd.s32 s9, s12;
	s11 =	sand.u32 $0x1FFFFFF0, s23  }
0x8d: {  	[tilespmem:s22], [sflag:$0x2] =	stream.linear.gather [hbm4b:s12+s2], $0x80, $0x38;
	[tilespmem:$0x2080] =	vst v63  }
0x8e: {  	s26 =	sld [smem:$0x7DB];
	s28 =	spop (v2sf);
	s25 =	sadd.s32 s8, s11  }
0x8f: {  	[tilespmem:s24], [sflag:$0x1] =	stream.linear.gather [hbm4b:s25+s2], $0x80, $0x38;
	[tilespmem:$0x2080] =	vst v63  }
0x90: {  	s29 =	sld [smem:$0x7DC];
	s11 =	sadd.s32 s9, s11;
	s12 =	sand.u32 $0x1FFFFFF0, s28  }
0x91: {  	[tilespmem:s26], [sflag:$0x2] =	stream.linear.gather [hbm4b:s11+s2], $0x80, $0x38;
	[tilespmem:$0x2080] =	vst v63  }
0x92: {  	s31 =	sld [smem:$0x7DD];
	s30 =	sadd.s32 s8, s12  }
0x93: {  	[tilespmem:s29], [sflag:$0x1] =	stream.linear.gather [hbm4b:s30+s2], $0x80, $0x38;
	[tilespmem:$0x2080] =	vst v63  }
0x94: {  	s12 =	sadd.s32 s9, s12  }
0x95: {  	[tilespmem:s31], [sflag:$0x2] =	stream.linear.gather [hbm4b:s12+s2], $0x80, $0x38;
	[tilespmem:$0x2080] =	vst v63  }
0x96: {  	v63 =	vld [tilespmem:$0x10];
	_ =	sdelay $0x4  }
0x97: {  	v0 =	vshll.u32 v63, $0x4  }
0x98: {  	(v2sf) =	vpush v0, $0x0;
	_ =	sdelay $0x1  }
0x99: {  	(v2sf) =	vpush v0, $0x1;
	_ =	sdelay $0x3  }
0x9a: {  	(v2sf) =	vpush v0, $0x2;
	_ =	sdelay $0x3  }
0x9b: {  	(v2sf) =	vpush v0, $0x3;
	_ =	sdelay $0x4  }
0x9c: {  	s13 =	sld [smem:$0x7DE];
	s14 =	spop (v2sf)  }
0x9d: {  	(v2sf) =	vpush v0, $0x4;
	s12 =	sand.u32 $0x1FFFFFF0, s14  }
0x9e: {  	s15 =	sld [smem:$0x7DF];
	s17 =	spop (v2sf);
	s16 =	sadd.s32 s8, s12  }
0x9f: {  	[tilespmem:s13], [sflag:$0x1] =	stream.linear.gather [hbm4b:s16+s2], $0x80, $0x38;
	[tilespmem:$0x2080] =	vst v63  }
0xa0: {  	s18 =	sld [smem:$0x7E0];
	(v2sf) =	vpush v0, $0x5;
	s11 =	sand.u32 $0x1FFFFFF0, s17;
	s12 =	sadd.s32 s9, s12  }
0xa1: {  	[tilespmem:s15], [sflag:$0x2] =	stream.linear.gather [hbm4b:s12+s2], $0x80, $0x38;
	[tilespmem:$0x2080] =	vst v63  }
0xa2: {  	s19 =	sld [smem:$0x7E1];
	s21 =	spop (v2sf);
	s20 =	sadd.s32 s8, s11  }
0xa3: {  	[tilespmem:s18], [sflag:$0x1] =	stream.linear.gather [hbm4b:s20+s2], $0x80, $0x38;
	[tilespmem:$0x2080] =	vst v63  }
0xa4: {  	s22 =	sld [smem:$0x7E2];
	(v2sf) =	vpush v0, $0x6;
	s13 =	sand.u32 $0x1FFFFFF0, s21;
	s11 =	sadd.s32 s9, s11  }
0xa5: {  	[tilespmem:s19], [sflag:$0x2] =	stream.linear.gather [hbm4b:s11+s2], $0x80, $0x38;
	[tilespmem:$0x2080] =	vst v63  }
0xa6: {  	s23 =	sld [smem:$0x7E3];
	s25 =	spop (v2sf);
	s24 =	sadd.s32 s8, s13  }
0xa7: {  	[tilespmem:s22], [sflag:$0x1] =	stream.linear.gather [hbm4b:s24+s2], $0x80, $0x38;
	[tilespmem:$0x2080] =	vst v63  }
0xa8: {  	s26 =	sld [smem:$0x7E4];
	(v2sf) =	vpush v0, $0x7;
	s13 =	sadd.s32 s9, s13;
	s12 =	sand.u32 $0x1FFFFFF0, s25  }
0xa9: {  	[tilespmem:s23], [sflag:$0x2] =	stream.linear.gather [hbm4b:s13+s2], $0x80, $0x38;
	[tilespmem:$0x2080] =	vst v63  }
0xaa: {  	s28 =	sld [smem:$0x7E5];
	s29 =	sadd.s32 s8, s12  }
0xab: {  	[tilespmem:s26], [sflag:$0x1] =	stream.linear.gather [hbm4b:s29+s2], $0x80, $0x38;
	[tilespmem:$0x2080] =	vst v63  }
0xac: {  	s30 =	spop (v2sf);
	(v2sf) =	vpush v0, $0x8  }
0xad: {  	s31 =	sld [smem:$0x7E6];
	s12 =	sadd.s32 s9, s12;
	s13 =	sand.u32 $0x1FFFFFF0, s30  }
0xae: {  	[tilespmem:s28], [sflag:$0x2] =	stream.linear.gather [hbm4b:s12+s2], $0x80, $0x38;
	[tilespmem:$0x2080] =	vst v63  }
0xaf: {  	s15 =	sld [smem:$0x7E7];
	s17 =	spop (v2sf);
	s16 =	sadd.s32 s8, s13  }
0xb0: {  	(v2sf) =	vpush v0, $0x9;
	[tilespmem:s31], [sflag:$0x1] =	stream.linear.gather [hbm4b:s16+s2], $0x80, $0x38;
	[tilespmem:$0x2080] =	vst v63  }
0xb1: {  	s18 =	sld [smem:$0x7E8];
	s12 =	sand.u32 $0x1FFFFFF0, s17;
	s13 =	sadd.s32 s9, s13  }
0xb2: {  	[tilespmem:s15], [sflag:$0x2] =	stream.linear.gather [hbm4b:s13+s2], $0x80, $0x38;
	[tilespmem:$0x2080] =	vst v63  }
0xb3: {  	s19 =	sld [smem:$0x7E9];
	s21 =	spop (v2sf);
	s20 =	sadd.s32 s8, s12  }
0xb4: {  	(v2sf) =	vpush v0, $0xA;
	[tilespmem:s18], [sflag:$0x1] =	stream.linear.gather [hbm4b:s20+s2], $0x80, $0x38;
	[tilespmem:$0x2080] =	vst v63  }
0xb5: {  	s22 =	sld [smem:$0x7EA];
	s12 =	sadd.s32 s9, s12;
	s13 =	sand.u32 $0x1FFFFFF0, s21  }
0xb6: {  	[tilespmem:s19], [sflag:$0x2] =	stream.linear.gather [hbm4b:s12+s2], $0x80, $0x38;
	[tilespmem:$0x2080] =	vst v63  }
0xb7: {  	s23 =	sld [smem:$0x7EB];
	s25 =	spop (v2sf);
	s24 =	sadd.s32 s8, s13  }
0xb8: {  	(v2sf) =	vpush v0, $0xB;
	[tilespmem:s22], [sflag:$0x1] =	stream.linear.gather [hbm4b:s24+s2], $0x80, $0x38;
	[tilespmem:$0x2080] =	vst v63  }
0xb9: {  	s26 =	sld [smem:$0x7EC];
	s13 =	sadd.s32 s9, s13;
	s12 =	sand.u32 $0x1FFFFFF0, s25  }
0xba: {  	[tilespmem:s23], [sflag:$0x2] =	stream.linear.gather [hbm4b:s13+s2], $0x80, $0x38;
	[tilespmem:$0x2080] =	vst v63  }
0xbb: {  	s29 =	sld [smem:$0x7ED];
	s28 =	sadd.s32 s8, s12;
	s30 =	spop (v2sf)  }
0xbc: {  	(v2sf) =	vpush v0, $0xC;
	[tilespmem:s26], [sflag:$0x1] =	stream.linear.gather [hbm4b:s28+s2], $0x80, $0x38;
	[tilespmem:$0x2080] =	vst v63  }
0xbd: {  	s31 =	sld [smem:$0x7EE];
	s12 =	sadd.s32 s9, s12;
	s11 =	sand.u32 $0x1FFFFFF0, s30  }
0xbe: {  	[tilespmem:s29], [sflag:$0x2] =	stream.linear.gather [hbm4b:s12+s2], $0x80, $0x38;
	[tilespmem:$0x2080] =	vst v63  }
0xbf: {  	s16 =	sld [smem:$0x7EF];
	s17 =	spop (v2sf);
	s15 =	sadd.s32 s8, s11  }
0xc0: {  	(v2sf) =	vpush v0, $0xD;
	[tilespmem:s31], [sflag:$0x1] =	stream.linear.gather [hbm4b:s15+s2], $0x80, $0x38;
	[tilespmem:$0x2080] =	vst v63  }
0xc1: {  	s18 =	sld [smem:$0x7F0];
	s11 =	sadd.s32 s9, s11;
	s12 =	sand.u32 $0x1FFFFFF0, s17  }
0xc2: {  	[tilespmem:s16], [sflag:$0x2] =	stream.linear.gather [hbm4b:s11+s2], $0x80, $0x38;
	[tilespmem:$0x2080] =	vst v63  }
0xc3: {  	s20 =	sld [smem:$0x7F1];
	s21 =	spop (v2sf);
	s19 =	sadd.s32 s8, s12  }
0xc4: {  	(v2sf) =	vpush v0, $0xE;
	[tilespmem:s18], [sflag:$0x1] =	stream.linear.gather [hbm4b:s19+s2], $0x80, $0x38;
	[tilespmem:$0x2080] =	vst v63  }
0xc5: {  	s22 =	sld [smem:$0x7F2];
	s12 =	sadd.s32 s9, s12;
	s11 =	sand.u32 $0x1FFFFFF0, s21  }
0xc6: {  	[tilespmem:s20], [sflag:$0x2] =	stream.linear.gather [hbm4b:s12+s2], $0x80, $0x38;
	[tilespmem:$0x2080] =	vst v63  }
0xc7: {  	s24 =	sld [smem:$0x7F3];
	s25 =	spop (v2sf);
	s23 =	sadd.s32 s8, s11  }
0xc8: {  	(v2sf) =	vpush v0, $0xF;
	[tilespmem:s22], [sflag:$0x1] =	stream.linear.gather [hbm4b:s23+s2], $0x80, $0x38;
	[tilespmem:$0x2080] =	vst v63  }
0xc9: {  	s26 =	sld [smem:$0x7F4];
	s11 =	sadd.s32 s9, s11;
	s12 =	sand.u32 $0x1FFFFFF0, s25  }
0xca: {  	[tilespmem:s24], [sflag:$0x2] =	stream.linear.gather [hbm4b:s11+s2], $0x80, $0x38;
	[tilespmem:$0x2080] =	vst v63  }
0xcb: {  	s29 =	sld [smem:$0x7F5];
	s28 =	sadd.s32 s8, s12;
	s30 =	spop (v2sf)  }
0xcc: {  	[tilespmem:s26], [sflag:$0x1] =	stream.linear.gather [hbm4b:s28+s2], $0x80, $0x38;
	[tilespmem:$0x2080] =	vst v63  }
0xcd: {  	s31 =	sld [smem:$0x7F6];
	s12 =	sadd.s32 s9, s12;
	s11 =	sand.u32 $0x1FFFFFF0, s30  }
0xce: {  	[tilespmem:s29], [sflag:$0x2] =	stream.linear.gather [hbm4b:s12+s2], $0x80, $0x38;
	[tilespmem:$0x2080] =	vst v63  }
0xcf: {  	s15 =	sld [smem:$0x7F7];
	s16 =	spop (v2sf);
	s13 =	sadd.s32 s8, s11  }
0xd0: {  	[tilespmem:s31], [sflag:$0x1] =	stream.linear.gather [hbm4b:s13+s2], $0x80, $0x38;
	[tilespmem:$0x2080] =	vst v63  }
0xd1: {  	s17 =	sld [smem:$0x7F8];
	s11 =	sadd.s32 s9, s11;
	s12 =	sand.u32 $0x1FFFFFF0, s16  }
0xd2: {  	[tilespmem:s15], [sflag:$0x2] =	stream.linear.gather [hbm4b:s11+s2], $0x80, $0x38;
	[tilespmem:$0x2080] =	vst v63  }
0xd3: {  	s19 =	sld [smem:$0x7F9];
	s20 =	spop (v2sf);
	s18 =	sadd.s32 s8, s12  }
0xd4: {  	[tilespmem:s17], [sflag:$0x1] =	stream.linear.gather [hbm4b:s18+s2], $0x80, $0x38;
	[tilespmem:$0x2080] =	vst v63  }
0xd5: {  	s21 =	sld [smem:$0x7FA];
	s12 =	sadd.s32 s9, s12;
	s11 =	sand.u32 $0x1FFFFFF0, s20  }
0xd6: {  	[tilespmem:s19], [sflag:$0x2] =	stream.linear.gather [hbm4b:s12+s2], $0x80, $0x38;
	[tilespmem:$0x2080] =	vst v63  }
0xd7: {  	s23 =	sld [smem:$0x7FB];
	s24 =	spop (v2sf);
	s22 =	sadd.s32 s8, s11  }
0xd8: {  	[tilespmem:s21], [sflag:$0x1] =	stream.linear.gather [hbm4b:s22+s2], $0x80, $0x38;
	[tilespmem:$0x2080] =	vst v63  }
0xd9: {  	s25 =	sld [smem:$0x7FC];
	s11 =	sadd.s32 s9, s11;
	s12 =	sand.u32 $0x1FFFFFF0, s24  }
0xda: {  	[tilespmem:s23], [sflag:$0x2] =	stream.linear.gather [hbm4b:s11+s2], $0x80, $0x38;
	[tilespmem:$0x2080] =	vst v63  }
0xdb: {  	s28 =	sld [smem:$0x7FD];
	s26 =	sadd.s32 s8, s12  }
0xdc: {  	[tilespmem:s25], [sflag:$0x1] =	stream.linear.gather [hbm4b:s26+s2], $0x80, $0x38;
	[tilespmem:$0x2080] =	vst v63  }
0xdd: {  	s29 =	sadd.s32 s9, s12  }
0xde: {  	[tilespmem:s28], [sflag:$0x2] =	stream.linear.gather [hbm4b:s29+s2], $0x80, $0x38;
	[tilespmem:$0x2080] =	vst v63  }
0xdf: {  	_ =	swait.ge [sflag:s7], $0x80  }
0xe0: {  	[sflag:s7] =	ssyncset.done $0x0  }
0xe1: {  	[sflag:s7] =	ssyncadd.s32 $0xFFFFFF80  }
0xe2: {  	_ =	swait.ge [sflag:s6], $0x80  }
0xe3: {  	[sflag:s6] =	ssyncset.done $0x0  }
0xe4: {  	[sflag:s6] =	ssyncadd.s32 $0xFFFFFF80  }
0xe5: {  	_ =	swait.ge [sflag:s7], $0x80  }
0xe6: {  	[sflag:s7] =	ssyncset.done $0x0  }
0xe7: {  	[sflag:s7] =	ssyncadd.s32 $0xFFFFFF80  }
0xe8: {  	_ =	swait.ge [sflag:s6], $0x80  }
0xe9: {  	[sflag:s6] =	ssyncset.done $0x0  }
0xea: {  	[sflag:s6] =	ssyncadd.s32 $0xFFFFFF80  }
0xeb: {  	_ =	swait.ge [sflag:s7], $0x80  }
0xec: {  	[sflag:s7] =	ssyncset.done $0x0  }
0xed: {  	[sflag:s7] =	ssyncadd.s32 $0xFFFFFF80  }
0xee: {  	_ =	swait.ge [sflag:s6], $0x80  }
0xef: {  	[sflag:s6] =	ssyncset.done $0x0  }
0xf0: {  	[sflag:s6] =	ssyncadd.s32 $0xFFFFFF80  }
0xf1: {  	_ =	swait.ge [sflag:s7], $0x80  }
0xf2: {  	[sflag:s7] =	ssyncset.done $0x0  }
0xf3: {  	[sflag:s7] =	ssyncadd.s32 $0xFFFFFF80  }
0xf4: {  	_ =	swait.ge [sflag:s6], $0x80  }
0xf5: {  	[sflag:s6] =	ssyncset.done $0x0  }
0xf6: {  	[sflag:s6] =	ssyncadd.s32 $0xFFFFFF80  }
0xf7: {  	_ =	swait.ge [sflag:s7], $0x80  }
0xf8: {  	[sflag:s7] =	ssyncset.done $0x0  }
0xf9: {  	[sflag:s7] =	ssyncadd.s32 $0xFFFFFF80  }
0xfa: {  	_ =	swait.ge [sflag:s6], $0x80  }
0xfb: {  	[sflag:s6] =	ssyncset.done $0x0  }
0xfc: {  	[sflag:s6] =	ssyncadd.s32 $0xFFFFFF80  }
0xfd: {  	_ =	swait.ge [sflag:s7], $0x80  }
0xfe: {  	[sflag:s7] =	ssyncset.done $0x0  }
0xff: {  	[sflag:s7] =	ssyncadd.s32 $0xFFFFFF80  }
0x100: {  	_ =	swait.ge [sflag:s6], $0x80  }
0x101: {  	[sflag:s6] =	ssyncset.done $0x0  }
0x102: {  	[sflag:s6] =	ssyncadd.s32 $0xFFFFFF80  }
0x103: {  	_ =	swait.ge [sflag:s7], $0x80  }
0x104: {  	[sflag:s7] =	ssyncset.done $0x0  }
0x105: {  	[sflag:s7] =	ssyncadd.s32 $0xFFFFFF80  }
0x106: {  	_ =	swait.ge [sflag:s6], $0x80  }
0x107: {  	[sflag:s6] =	ssyncset.done $0x0  }
0x108: {  	[sflag:s6] =	ssyncadd.s32 $0xFFFFFF80  }
0x109: {  	_ =	swait.ge [sflag:s7], $0x80  }
0x10a: {  	[sflag:s7] =	ssyncset.done $0x0  }
0x10b: {  	[sflag:s7] =	ssyncadd.s32 $0xFFFFFF80  }
0x10c: {  	_ =	swait.ge [sflag:s6], $0x80  }
0x10d: {  	[sflag:s6] =	ssyncset.done $0x0  }
0x10e: {  	[sflag:s6] =	ssyncadd.s32 $0xFFFFFF80  }
0x10f: {  	_ =	swait.ge [sflag:s7], $0x80  }
0x110: {  	[sflag:s7] =	ssyncset.done $0x0  }
0x111: {  	[sflag:s7] =	ssyncadd.s32 $0xFFFFFF80  }
0x112: {  	_ =	swait.ge [sflag:s6], $0x80  }
0x113: {  	[sflag:s6] =	ssyncset.done $0x0  }
0x114: {  	[sflag:s6] =	ssyncadd.s32 $0xFFFFFF80  }
0x115: {  	_ =	swait.ge [sflag:s7], $0x80  }
0x116: {  	[sflag:s7] =	ssyncset.done $0x0  }
0x117: {  	[sflag:s7] =	ssyncadd.s32 $0xFFFFFF80  }
0x118: {  	_ =	swait.ge [sflag:s6], $0x80  }
0x119: {  	[sflag:s6] =	ssyncset.done $0x0  }
0x11a: {  	[sflag:s6] =	ssyncadd.s32 $0xFFFFFF80  }
0x11b: {  	_ =	swait.ge [sflag:s7], $0x80  }
0x11c: {  	[sflag:s7] =	ssyncset.done $0x0  }
0x11d: {  	[sflag:s7] =	ssyncadd.s32 $0xFFFFFF80  }
0x11e: {  	_ =	swait.ge [sflag:s6], $0x80  }
0x11f: {  	[sflag:s6] =	ssyncset.done $0x0  }
0x120: {  	[sflag:s6] =	ssyncadd.s32 $0xFFFFFF80  }
0x121: {  	_ =	swait.ge [sflag:s7], $0x80  }
0x122: {  	[sflag:s7] =	ssyncset.done $0x0  }
0x123: {  	[sflag:s7] =	ssyncadd.s32 $0xFFFFFF80  }
0x124: {  	_ =	swait.ge [sflag:s6], $0x80  }
0x125: {  	[sflag:s6] =	ssyncset.done $0x0  }
0x126: {  	[sflag:s6] =	ssyncadd.s32 $0xFFFFFF80  }
0x127: {  	_ =	swait.ge [sflag:s7], $0x80  }
0x128: {  	[sflag:s7] =	ssyncset.done $0x0  }
0x129: {  	[sflag:s7] =	ssyncadd.s32 $0xFFFFFF80  }
0x12a: {  	_ =	swait.ge [sflag:s6], $0x80  }
0x12b: {  	[sflag:s6] =	ssyncset.done $0x0  }
0x12c: {  	[sflag:s6] =	ssyncadd.s32 $0xFFFFFF80  }
0x12d: {  	_ =	swait.ge [sflag:s7], $0x80  }
0x12e: {  	[sflag:s7] =	ssyncset.done $0x0  }
0x12f: {  	[sflag:s7] =	ssyncadd.s32 $0xFFFFFF80  }
0x130: {  	_ =	swait.ge [sflag:s6], $0x80  }
0x131: {  	[sflag:s6] =	ssyncset.done $0x0  }
0x132: {  	[sflag:s6] =	ssyncadd.s32 $0xFFFFFF80  }
0x133: {  	_ =	swait.ge [sflag:s7], $0x80  }
0x134: {  	[sflag:s7] =	ssyncset.done $0x0  }
0x135: {  	[sflag:s7] =	ssyncadd.s32 $0xFFFFFF80  }
0x136: {  	_ =	swait.ge [sflag:s6], $0x80  }
0x137: {  	[sflag:s6] =	ssyncset.done $0x0  }
0x138: {  	[sflag:s6] =	ssyncadd.s32 $0xFFFFFF80  }
0x139: {  	_ =	swait.ge [sflag:s7], $0x80  }
0x13a: {  	[sflag:s7] =	ssyncset.done $0x0  }
0x13b: {  	[sflag:s7] =	ssyncadd.s32 $0xFFFFFF80  }
0x13c: {  	_ =	swait.ge [sflag:s6], $0x80  }
0x13d: {  	[sflag:s6] =	ssyncset.done $0x0  }
0x13e: {  	[sflag:s6] =	ssyncadd.s32 $0xFFFFFF80  }
0x13f: {  	_ =	swait.ge [sflag:s7], $0x80  }
0x140: {  	[sflag:s7] =	ssyncset.done $0x0  }
0x141: {  	[sflag:s7] =	ssyncadd.s32 $0xFFFFFF80  }
0x142: {  	_ =	swait.ge [sflag:s6], $0x80  }
0x143: {  	[sflag:s6] =	ssyncset.done $0x0  }
0x144: {  	[sflag:s6] =	ssyncadd.s32 $0xFFFFFF80  }
0x145: {  	_ =	swait.ge [sflag:s7], $0x80  }
0x146: {  	[sflag:s7] =	ssyncset.done $0x0  }
0x147: {  	[sflag:s7] =	ssyncadd.s32 $0xFFFFFF80  }
0x148: {  	_ =	swait.ge [sflag:s6], $0x80  }
0x149: {  	[sflag:s6] =	ssyncset.done $0x0  }
0x14a: {  	[sflag:s6] =	ssyncadd.s32 $0xFFFFFF80  }
0x14b: {  	_ =	swait.ge [sflag:s7], $0x80  }
0x14c: {  	[sflag:s7] =	ssyncset.done $0x0  }
0x14d: {  	[sflag:s7] =	ssyncadd.s32 $0xFFFFFF80  }
0x14e: {  	_ =	swait.ge [sflag:s6], $0x80  }
0x14f: {  	[sflag:s6] =	ssyncset.done $0x0  }
0x150: {  	[sflag:s6] =	ssyncadd.s32 $0xFFFFFF80  }
0x151: {  	_ =	swait.ge [sflag:s7], $0x80  }
0x152: {  	[sflag:s7] =	ssyncset.done $0x0  }
0x153: {  	[sflag:s7] =	ssyncadd.s32 $0xFFFFFF80  }
0x154: {  	_ =	swait.ge [sflag:s6], $0x80  }
0x155: {  	[sflag:s6] =	ssyncset.done $0x0  }
0x156: {  	[sflag:s6] =	ssyncadd.s32 $0xFFFFFF80  }
0x157: {  	_ =	swait.ge [sflag:s7], $0x80  }
0x158: {  	[sflag:s7] =	ssyncset.done $0x0  }
0x159: {  	[sflag:s7] =	ssyncadd.s32 $0xFFFFFF80  }
0x15a: {  	_ =	swait.ge [sflag:s6], $0x80  }
0x15b: {  	[sflag:s6] =	ssyncset.done $0x0  }
0x15c: {  	[sflag:s6] =	ssyncadd.s32 $0xFFFFFF80  }
0x15d: {  	_ =	swait.ge [sflag:s7], $0x80  }
0x15e: {  	[sflag:s7] =	ssyncset.done $0x0  }
0x15f: {  	[sflag:s7] =	ssyncadd.s32 $0xFFFFFF80  }
0x160: {  	_ =	swait.ge [sflag:s6], $0x80  }
0x161: {  	[sflag:s6] =	ssyncset.done $0x0  }
0x162: {  	[sflag:s6] =	ssyncadd.s32 $0xFFFFFF80  }
0x163: {  	_ =	swait.ge [sflag:s7], $0x80  }
0x164: {  	[sflag:s7] =	ssyncset.done $0x0  }
0x165: {  	[sflag:s7] =	ssyncadd.s32 $0xFFFFFF80  }
0x166: {  	_ =	swait.ge [sflag:s6], $0x80  }
0x167: {  	[sflag:s6] =	ssyncset.done $0x0  }
0x168: {  	[sflag:s6] =	ssyncadd.s32 $0xFFFFFF80  }
0x169: {  	_ =	swait.ge [sflag:s7], $0x80  }
0x16a: {  	[sflag:s7] =	ssyncset.done $0x0  }
0x16b: {  	[sflag:s7] =	ssyncadd.s32 $0xFFFFFF80  }
0x16c: {  	_ =	swait.ge [sflag:s6], $0x80  }
0x16d: {  	[sflag:s6] =	ssyncset.done $0x0  }
0x16e: {  	[sflag:s6] =	ssyncadd.s32 $0xFFFFFF80  }
0x16f: {  	_ =	swait.ge [sflag:s7], $0x80  }
0x170: {  	[sflag:s7] =	ssyncset.done $0x0  }
0x171: {  	[sflag:s7] =	ssyncadd.s32 $0xFFFFFF80  }
0x172: {  	_ =	swait.ge [sflag:s6], $0x80  }
0x173: {  	[sflag:s6] =	ssyncset.done $0x0  }
0x174: {  	[sflag:s6] =	ssyncadd.s32 $0xFFFFFF80  }
0x175: {  	_ =	swait.ge [sflag:s7], $0x80  }
0x176: {  	[sflag:s7] =	ssyncset.done $0x0  }
0x177: {  	[sflag:s7] =	ssyncadd.s32 $0xFFFFFF80  }
0x178: {  	_ =	swait.ge [sflag:s6], $0x80  }
0x179: {  	[sflag:s6] =	ssyncset.done $0x0  }
0x17a: {  	[sflag:s6] =	ssyncadd.s32 $0xFFFFFF80  }
0x17b: {  	_ =	swait.ge [sflag:s7], $0x80  }
0x17c: {  	[sflag:s7] =	ssyncset.done $0x0  }
0x17d: {  	[sflag:s7] =	ssyncadd.s32 $0xFFFFFF80  }
0x17e: {  	_ =	swait.ge [sflag:s6], $0x80  }
0x17f: {  	[sflag:s6] =	ssyncset.done $0x0  }
0x180: {  	[sflag:s6] =	ssyncadd.s32 $0xFFFFFF80  }
0x181: {  	_ =	swait.ge [sflag:s7], $0x80  }
0x182: {  	[sflag:s7] =	ssyncset.done $0x0  }
0x183: {  	[sflag:s7] =	ssyncadd.s32 $0xFFFFFF80  }
0x184: {  	_ =	swait.ge [sflag:s6], $0x80  }
0x185: {  	[sflag:s6] =	ssyncset.done $0x0  }
0x186: {  	[sflag:s6] =	ssyncadd.s32 $0xFFFFFF80  }
0x187: {  	_ =	swait.ge [sflag:s7], $0x80  }
0x188: {  	[sflag:s7] =	ssyncset.done $0x0  }
0x189: {  	[sflag:s7] =	ssyncadd.s32 $0xFFFFFF80  }
0x18a: {  	_ =	swait.ge [sflag:s6], $0x80  }
0x18b: {  	[sflag:s6] =	ssyncset.done $0x0  }
0x18c: {  	[sflag:s6] =	ssyncadd.s32 $0xFFFFFF80  }
0x18d: {  	_ =	swait.ge [sflag:s7], $0x80  }
0x18e: {  	[sflag:s7] =	ssyncset.done $0x0  }
0x18f: {  	[sflag:s7] =	ssyncadd.s32 $0xFFFFFF80  }
0x190: {  	_ =	swait.ge [sflag:s6], $0x80  }
0x191: {  	[sflag:s6] =	ssyncset.done $0x0  }
0x192: {  	[sflag:s6] =	ssyncadd.s32 $0xFFFFFF80  }
0x193: {  	_ =	swait.ge [sflag:s7], $0x80  }
0x194: {  	[sflag:s7] =	ssyncset.done $0x0  }
0x195: {  	[sflag:s7] =	ssyncadd.s32 $0xFFFFFF80  }
0x196: {  	_ =	swait.ge [sflag:s6], $0x80  }
0x197: {  	[sflag:s6] =	ssyncset.done $0x0  }
0x198: {  	[sflag:s6] =	ssyncadd.s32 $0xFFFFFF80  }
0x199: {  	_ =	swait.ge [sflag:s7], $0x80  }
0x19a: {  	[sflag:s7] =	ssyncset.done $0x0  }
0x19b: {  	[sflag:s7] =	ssyncadd.s32 $0xFFFFFF80  }
0x19c: {  	_ =	swait.ge [sflag:s6], $0x80  }
0x19d: {  	[sflag:s6] =	ssyncset.done $0x0  }
0x19e: {  	s30 =	rddreg [dreg:$0x6];
	[sflag:s6] =	ssyncadd.s32 $0xFFFFFF80  }
0x19f: {  	[hbm4b:s30+s2] =	stream.linear.scatter [tilespmem:s5], [sflag:$0x3], $0x1000, $0x38;
	[tilespmem:$0x2080] =	vst v63  }
0x1a0: {  	p1 =	sne.s32 s10, $0x1;
	_ =	swait.ge [sflag:s3], $0x1000  }
.Ltmp1:
0x1a1: {  	[sflag:s3] =	ssyncset.done $0x0;
	(pc) =	sbr.rel @!p1 .LBB2_3-.Ltmp1, $4  }
0x1a2: {  	s31 =	rddreg [dreg:$0x7];
	[sflag:s3] =	ssyncadd.s32 $0xFFFFF000  }
0x1a3: {  	[hbm4b:s31+s2] =	stream.linear.scatter [tilespmem:s4], [sflag:$0x3], $0x1000, $0x38;
	[tilespmem:$0x2080] =	vst v63  }
0x1a4: {  	s10 =	sadd.s32 $0xFFFFFFFF, s10;
	_ =	swait.ge [sflag:s3], $0x1000  }
0x1a5: {  	p0 =	por $0x1, $0x1;
	s11 =	rddreg [dreg:$0x5];
	[sflag:s3] =	ssyncset.done $0x0  }
.LBB2_2:
0x1a6: {  	[sflag:s3] =	ssyncadd.s32 $0xFFFFF000  }
0x1a7: {  	[tilespmem:s2], [sflag:$0x3] =	stream.linear.gather [hbm4b:s11+s2], $0x20, $0x38;
	[tilespmem:$0x2080] =	vst v63  }
0x1a8: {  	_ =	swait.ge [sflag:s3], $0x20  }
0x1a9: {  	[sflag:s3] =	ssyncset.done $0x0  }
0x1aa: {  	[sflag:s3] =	ssyncadd.s32 $0xFFFFFFE0  }
0x1ab: {  	v0 =	vld [tilespmem:$0x0];
	_ =	sdelay $0x4  }
0x1ac: {  	v0 =	vshll.u32 v0, $0x4  }
0x1ad: {  	(v2sf) =	vpush v0, $0x0;
	_ =	sdelay $0x1  }
0x1ae: {  	(v2sf) =	vpush v0, $0x1;
	_ =	sdelay $0x1  }
0x1af: {  	(v2sf) =	vpush v0, $0x2;
	_ =	sdelay $0x1  }
0x1b0: {  	(v2sf) =	vpush v0, $0x3;
	_ =	sdelay $0x1  }
0x1b1: {  	(v2sf) =	vpush v0, $0x4;
	_ =	sdelay $0x1  }
0x1b2: {  	(v2sf) =	vpush v0, $0x5  }
0x1b3: {  	s11 =	rddreg [dreg:$0xf]  }
0x1b4: {  	s12 =	rddreg [dreg:$0xe];
	(v2sf) =	vpush v0, $0x6  }
0x1b5: {  	s13 =	rddreg [dreg:$0xd]  }
0x1b6: {  	s14 =	rddreg [dreg:$0xc];
	(v2sf) =	vpush v0, $0x7  }
0x1b7: {  	s15 =	rddreg [dreg:$0xb];
	s18 =	spop (v2sf)  }
0x1b8: {  	s16 =	rddreg [dreg:$0xa];
	(v2sf) =	vpush v0, $0x8;
	s18 =	sand.u32 $0x1FFFFFF0, s18  }
0x1b9: {  	s17 =	rddreg [dreg:$0x9];
	s20 =	spop (v2sf);
	s21 =	sadd.s32 s8, s18  }
0x1ba: {  	[tilespmem:s5], [sflag:$0x1] =	stream.linear.gather [hbm4b:s21+s2], $0x80, $0x38;
	[tilespmem:$0x2080] =	vst v63  }
0x1bb: {  	s20 =	sand.u32 $0x1FFFFFF0, s20;
	s22 =	spop (v2sf);
	s18 =	sadd.s32 s9, s18  }
0x1bc: {  	[tilespmem:s4], [sflag:$0x2] =	stream.linear.gather [hbm4b:s18+s2], $0x80, $0x38;
	[tilespmem:$0x2080] =	vst v63  }
0x1bd: {  	s19 =	rddreg [dreg:$0x8];
	s25 =	spop (v2sf);
	s26 =	sadd.s32 s8, s20  }
0x1be: {  	(v2sf) =	vpush v0, $0x9;
	[tilespmem:s19], [sflag:$0x1] =	stream.linear.gather [hbm4b:s26+s2], $0x80, $0x38;
	[tilespmem:$0x2080] =	vst v63  }
0x1bf: {  	s24 =	sand.u32 $0x1FFFFFF0, s22;
	s28 =	sadd.s32 s9, s20;
	s23 =	spop (v2sf)  }
0x1c0: {  	(v2sf) =	vpush v0, $0xA;
	[tilespmem:s17], [sflag:$0x2] =	stream.linear.gather [hbm4b:s28+s2], $0x80, $0x38;
	[tilespmem:$0x2080] =	vst v63  }
0x1c1: {  	s22 =	sand.u32 $0x1FFFFFF0, s25;
	s30 =	sadd.s32 s8, s24;
	s29 =	spop (v2sf)  }
0x1c2: {  	[tilespmem:s16], [sflag:$0x1] =	stream.linear.gather [hbm4b:s30+s2], $0x80, $0x38;
	[tilespmem:$0x2080] =	vst v63  }
0x1c3: {  	s31 =	spop (v2sf);
	s19 =	sand.u32 $0x1FFFFFF0, s23;
	s23 =	sadd.s32 s9, s24  }
0x1c4: {  	(v2sf) =	vpush v0, $0xB;
	[tilespmem:s15], [sflag:$0x2] =	stream.linear.gather [hbm4b:s23+s2], $0x80, $0x38;
	[tilespmem:$0x2080] =	vst v63  }
0x1c5: {  	s25 =	sadd.s32 s8, s22;
	s18 =	sand.u32 $0x1FFFFFF0, s29;
	s24 =	spop (v2sf)  }
0x1c6: {  	[tilespmem:s14], [sflag:$0x1] =	stream.linear.gather [hbm4b:s25+s2], $0x80, $0x38;
	[tilespmem:$0x2080] =	vst v63  }
0x1c7: {  	s26 =	spop (v2sf);
	s21 =	sadd.s32 s9, s19;
	s28 =	sadd.s32 s9, s22  }
0x1c8: {  	(v2sf) =	vpush v0, $0xC;
	[tilespmem:s13], [sflag:$0x2] =	stream.linear.gather [hbm4b:s28+s2], $0x80, $0x38;
	[tilespmem:$0x2080] =	vst v63  }
0x1c9: {  	s17 =	sand.u32 $0x1FFFFFF0, s31;
	s22 =	rddreg [dreg:$0x10];
	s30 =	sadd.s32 s8, s19  }
0x1ca: {  	(v2sf) =	vpush v0, $0xD;
	[tilespmem:s12], [sflag:$0x1] =	stream.linear.gather [hbm4b:s30+s2], $0x80, $0x38;
	[tilespmem:$0x2080] =	vst v63  }
0x1cb: {  	s20 =	sand.u32 $0x1FFFFFF0, s26;
	s26 =	rddreg [dreg:$0x12];
	s16 =	sand.u32 $0x1FFFFFF0, s24  }
0x1cc: {  	[tilespmem:s11], [sflag:$0x2] =	stream.linear.gather [hbm4b:s21+s2], $0x80, $0x38;
	[tilespmem:$0x2080] =	vst v63  }
0x1cd: {  	s24 =	rddreg [dreg:$0x11];
	s23 =	sadd.s32 s8, s18;
	s29 =	spop (v2sf)  }
0x1ce: {  	[tilespmem:s22], [sflag:$0x1] =	stream.linear.gather [hbm4b:s23+s2], $0x80, $0x38;
	[tilespmem:$0x2080] =	vst v63  }
0x1cf: {  	s18 =	sadd.s32 s9, s18;
	s13 =	sand.u32 $0x1FFFFFF0, s29;
	s31 =	spop (v2sf)  }
0x1d0: {  	[tilespmem:s24], [sflag:$0x2] =	stream.linear.gather [hbm4b:s18+s2], $0x80, $0x38;
	[tilespmem:$0x2080] =	vst v63  }
0x1d1: {  	s28 =	sadd.s32 s8, s17;
	s29 =	rddreg [dreg:$0x13];
	s17 =	sadd.s32 s9, s17  }
0x1d2: {  	[tilespmem:s26], [sflag:$0x1] =	stream.linear.gather [hbm4b:s28+s2], $0x80, $0x38;
	[tilespmem:$0x2080] =	vst v63  }
0x1d3: {  	s12 =	sand.u32 $0x1FFFFFF0, s31;
	s25 =	spop (v2sf);
	s31 =	rddreg [dreg:$0x14]  }
0x1d4: {  	(v2sf) =	vpush v0, $0xE;
	[tilespmem:s29], [sflag:$0x2] =	stream.linear.gather [hbm4b:s17+s2], $0x80, $0x38;
	[tilespmem:$0x2080] =	vst v63  }
0x1d5: {  	s11 =	sand.u32 $0x1FFFFFF0, s25;
	s21 =	rddreg [dreg:$0x15];
	s18 =	sadd.s32 s8, s16  }
0x1d6: {  	[tilespmem:s31], [sflag:$0x1] =	stream.linear.gather [hbm4b:s18+s2], $0x80, $0x38;
	[tilespmem:$0x2080] =	vst v63  }
0x1d7: {  	s30 =	spop (v2sf);
	s25 =	rddreg [dreg:$0x17];
	s16 =	sadd.s32 s9, s16  }
0x1d8: {  	[tilespmem:s21], [sflag:$0x2] =	stream.linear.gather [hbm4b:s16+s2], $0x80, $0x38;
	[tilespmem:$0x2080] =	vst v63  }
0x1d9: {  	s22 =	spop (v2sf);
	s23 =	rddreg [dreg:$0x16];
	s24 =	sadd.s32 s8, s20  }
0x1da: {  	[tilespmem:s23], [sflag:$0x1] =	stream.linear.gather [hbm4b:s24+s2], $0x80, $0x38;
	[tilespmem:$0x2080] =	vst v63  }
0x1db: {  	s15 =	sand.u32 $0x1FFFFFF0, s22;
	s22 =	rddreg [dreg:$0x1a];
	s28 =	sadd.s32 s9, s20  }
0x1dc: {  	[tilespmem:s25], [sflag:$0x2] =	stream.linear.gather [hbm4b:s28+s2], $0x80, $0x38;
	[tilespmem:$0x2080] =	vst v63  }
0x1dd: {  	s14 =	sand.u32 $0x1FFFFFF0, s30;
	s30 =	sadd.s32 s8, s13;
	s29 =	rddreg [dreg:$0x18]  }
0x1de: {  	(v2sf) =	vpush v0, $0xF;
	[tilespmem:s29], [sflag:$0x1] =	stream.linear.gather [hbm4b:s30+s2], $0x80, $0x38;
	[tilespmem:$0x2080] =	vst v63  }
0x1df: {  	s13 =	sadd.s32 s9, s13;
	s31 =	rddreg [dreg:$0x19]  }
0x1e0: {  	[tilespmem:s31], [sflag:$0x2] =	stream.linear.gather [hbm4b:s13+s2], $0x80, $0x38;
	[tilespmem:$0x2080] =	vst v63  }
0x1e1: {  	s16 =	sld [smem:$0x7D8];
	s23 =	sadd.s32 s8, s12  }
0x1e2: {  	[tilespmem:s22], [sflag:$0x1] =	stream.linear.gather [hbm4b:s23+s2], $0x80, $0x38;
	[tilespmem:$0x2080] =	vst v63  }
0x1e3: {  	s26 =	spop (v2sf);
	s24 =	rddreg [dreg:$0x1b];
	s12 =	sadd.s32 s9, s12  }
0x1e4: {  	[tilespmem:s24], [sflag:$0x2] =	stream.linear.gather [hbm4b:s12+s2], $0x80, $0x38;
	[tilespmem:$0x2080] =	vst v63  }
0x1e5: {  	s18 =	sand.u32 $0x1FFFFFF0, s26;
	s26 =	sadd.s32 s8, s11;
	s25 =	rddreg [dreg:$0x1c]  }
0x1e6: {  	[tilespmem:s25], [sflag:$0x1] =	stream.linear.gather [hbm4b:s26+s2], $0x80, $0x38;
	[tilespmem:$0x2080] =	vst v63  }
0x1e7: {  	s11 =	sadd.s32 s9, s11;
	s28 =	rddreg [dreg:$0x1d]  }
0x1e8: {  	[tilespmem:s28], [sflag:$0x2] =	stream.linear.gather [hbm4b:s11+s2], $0x80, $0x38;
	[tilespmem:$0x2080] =	vst v63  }
0x1e9: {  	s29 =	rddreg [dreg:$0x1e];
	s30 =	sadd.s32 s8, s14  }
0x1ea: {  	[tilespmem:s29], [sflag:$0x1] =	stream.linear.gather [hbm4b:s30+s2], $0x80, $0x38;
	[tilespmem:$0x2080] =	vst v63  }
0x1eb: {  	s14 =	sadd.s32 s9, s14;
	s31 =	rddreg [dreg:$0x1f]  }
0x1ec: {  	[tilespmem:s31], [sflag:$0x2] =	stream.linear.gather [hbm4b:s14+s2], $0x80, $0x38;
	[tilespmem:$0x2080] =	vst v63  }
0x1ed: {  	s20 =	sld [smem:$0x7D9];
	s17 =	sadd.s32 s8, s15;
	s21 =	spop (v2sf)  }
0x1ee: {  	[tilespmem:s16], [sflag:$0x1] =	stream.linear.gather [hbm4b:s17+s2], $0x80, $0x38;
	[tilespmem:$0x2080] =	vst v63  }
0x1ef: {  	s19 =	sand.u32 $0x1FFFFFF0, s21;
	s21 =	sadd.s32 s9, s15;
	s22 =	sld [smem:$0x7DA]  }
0x1f0: {  	[tilespmem:s20], [sflag:$0x2] =	stream.linear.gather [hbm4b:s21+s2], $0x80, $0x38;
	[tilespmem:$0x2080] =	vst v63  }
0x1f1: {  	s23 =	sadd.s32 s8, s18;
	s24 =	sld [smem:$0x7DB]  }
0x1f2: {  	[tilespmem:s22], [sflag:$0x1] =	stream.linear.gather [hbm4b:s23+s2], $0x80, $0x38;
	[tilespmem:$0x2080] =	vst v63  }
0x1f3: {  	s25 =	sadd.s32 s9, s18;
	s26 =	sld [smem:$0x7DC]  }
0x1f4: {  	[tilespmem:s24], [sflag:$0x2] =	stream.linear.gather [hbm4b:s25+s2], $0x80, $0x38;
	[tilespmem:$0x2080] =	vst v63  }
0x1f5: {  	s28 =	sadd.s32 s8, s19;
	s29 =	sld [smem:$0x7DD]  }
0x1f6: {  	[tilespmem:s26], [sflag:$0x1] =	stream.linear.gather [hbm4b:s28+s2], $0x80, $0x38;
	[tilespmem:$0x2080] =	vst v63  }
0x1f7: {  	s30 =	sadd.s32 s9, s19  }
0x1f8: {  	[tilespmem:s29], [sflag:$0x2] =	stream.linear.gather [hbm4b:s30+s2], $0x80, $0x38;
	[tilespmem:$0x2080] =	vst v63  }
0x1f9: {  	v63 =	vld [tilespmem:$0x10];
	_ =	sdelay $0x4  }
0x1fa: {  	v0 =	vshll.u32 v63, $0x4  }
0x1fb: {  	(v2sf) =	vpush v0, $0x0;
	_ =	sdelay $0x1  }
0x1fc: {  	(v2sf) =	vpush v0, $0x1;
	_ =	sdelay $0x1  }
0x1fd: {  	s15 =	sld [smem:$0x7E8];
	(v2sf) =	vpush v0, $0x2  }
0x1fe: {  	s13 =	sld [smem:$0x7EA]  }
0x1ff: {  	s12 =	sld [smem:$0x7EB];
	(v2sf) =	vpush v0, $0x3  }
0x200: {  	s18 =	sld [smem:$0x7E5]  }
0x201: {  	s11 =	sld [smem:$0x7EC];
	(v2sf) =	vpush v0, $0x4  }
0x202: {  	s19 =	sld [smem:$0x7E4]  }
0x203: {  	s14 =	sld [smem:$0x7E9];
	(v2sf) =	vpush v0, $0x5  }
0x204: {  	s16 =	sld [smem:$0x7E7]  }
0x205: {  	s20 =	sld [smem:$0x7E3];
	(v2sf) =	vpush v0, $0x6  }
0x206: {  	s21 =	sld [smem:$0x7E2]  }
0x207: {  	s22 =	sld [smem:$0x7E1];
	(v2sf) =	vpush v0, $0x7  }
0x208: {  	s24 =	sld [smem:$0x7DE];
	s25 =	spop (v2sf)  }
0x209: {  	s23 =	sld [smem:$0x7E0];
	(v2sf) =	vpush v0, $0x8;
	s25 =	sand.u32 $0x1FFFFFF0, s25  }
0x20a: {  	s26 =	sld [smem:$0x7DF];
	s28 =	spop (v2sf);
	s29 =	sadd.s32 s8, s25  }
0x20b: {  	(v2sf) =	vpush v0, $0x9;
	[tilespmem:s24], [sflag:$0x1] =	stream.linear.gather [hbm4b:s29+s2], $0x80, $0x38;
	[tilespmem:$0x2080] =	vst v63  }
0x20c: {  	s28 =	sand.u32 $0x1FFFFFF0, s28;
	s30 =	spop (v2sf);
	s31 =	sadd.s32 s9, s25  }
0x20d: {  	(v2sf) =	vpush v0, $0xA;
	[tilespmem:s26], [sflag:$0x2] =	stream.linear.gather [hbm4b:s31+s2], $0x80, $0x38;
	[tilespmem:$0x2080] =	vst v63  }
0x20e: {  	s25 =	sand.u32 $0x1FFFFFF0, s30;
	s30 =	spop (v2sf);
	s31 =	sadd.s32 s8, s28  }
0x20f: {  	(v2sf) =	vpush v0, $0xB;
	[tilespmem:s23], [sflag:$0x1] =	stream.linear.gather [hbm4b:s31+s2], $0x80, $0x38;
	[tilespmem:$0x2080] =	vst v63  }
0x210: {  	s26 =	sand.u32 $0x1FFFFFF0, s30;
	s30 =	spop (v2sf);
	s31 =	sadd.s32 s9, s28  }
0x211: {  	(v2sf) =	vpush v0, $0xC;
	[tilespmem:s22], [sflag:$0x2] =	stream.linear.gather [hbm4b:s31+s2], $0x80, $0x38;
	[tilespmem:$0x2080] =	vst v63  }
0x212: {  	s24 =	sand.u32 $0x1FFFFFF0, s30;
	s29 =	spop (v2sf);
	s30 =	sadd.s32 s8, s25  }
0x213: {  	(v2sf) =	vpush v0, $0xD;
	[tilespmem:s21], [sflag:$0x1] =	stream.linear.gather [hbm4b:s30+s2], $0x80, $0x38;
	[tilespmem:$0x2080] =	vst v63  }
0x214: {  	s23 =	sand.u32 $0x1FFFFFF0, s29;
	s29 =	sadd.s32 s9, s25;
	s31 =	spop (v2sf)  }
0x215: {  	[tilespmem:s20], [sflag:$0x2] =	stream.linear.gather [hbm4b:s29+s2], $0x80, $0x38;
	[tilespmem:$0x2080] =	vst v63  }
0x216: {  	s22 =	sand.u32 $0x1FFFFFF0, s31;
	s31 =	sadd.s32 s8, s26;
	s30 =	spop (v2sf)  }
0x217: {  	(v2sf) =	vpush v0, $0xE;
	[tilespmem:s19], [sflag:$0x1] =	stream.linear.gather [hbm4b:s31+s2], $0x80, $0x38;
	[tilespmem:$0x2080] =	vst v63  }
0x218: {  	s17 =	sld [smem:$0x7E6];
	s28 =	spop (v2sf);
	s29 =	sadd.s32 s9, s26  }
0x219: {  	(v2sf) =	vpush v0, $0xF;
	[tilespmem:s18], [sflag:$0x2] =	stream.linear.gather [hbm4b:s29+s2], $0x80, $0x38;
	[tilespmem:$0x2080] =	vst v63  }
0x21a: {  	s21 =	sand.u32 $0x1FFFFFF0, s30;
	s31 =	sadd.s32 s8, s24;
	s30 =	spop (v2sf)  }
0x21b: {  	[tilespmem:s17], [sflag:$0x1] =	stream.linear.gather [hbm4b:s31+s2], $0x80, $0x38;
	[tilespmem:$0x2080] =	vst v63  }
0x21c: {  	s20 =	sand.u32 $0x1FFFFFF0, s28;
	s28 =	sadd.s32 s9, s24;
	s26 =	spop (v2sf)  }
0x21d: {  	[tilespmem:s16], [sflag:$0x2] =	stream.linear.gather [hbm4b:s28+s2], $0x80, $0x38;
	[tilespmem:$0x2080] =	vst v63  }
0x21e: {  	s19 =	sand.u32 $0x1FFFFFF0, s30;
	s30 =	sadd.s32 s8, s23;
	s29 =	spop (v2sf)  }
0x21f: {  	[tilespmem:s15], [sflag:$0x1] =	stream.linear.gather [hbm4b:s30+s2], $0x80, $0x38;
	[tilespmem:$0x2080] =	vst v63  }
0x220: {  	s25 =	sadd.s32 s8, s22;
	s23 =	sadd.s32 s9, s23;
	s31 =	spop (v2sf)  }
0x221: {  	[tilespmem:s14], [sflag:$0x2] =	stream.linear.gather [hbm4b:s23+s2], $0x80, $0x38;
	[tilespmem:$0x2080] =	vst v63  }
0x222: {  	s17 =	sand.u32 $0x1FFFFFF0, s26;
	s16 =	sand.u32 $0x1FFFFFF0, s29;
	s24 =	spop (v2sf)  }
0x223: {  	[tilespmem:s13], [sflag:$0x1] =	stream.linear.gather [hbm4b:s25+s2], $0x80, $0x38;
	[tilespmem:$0x2080] =	vst v63  }
0x224: {  	s28 =	sadd.s32 s9, s22;
	s22 =	sadd.s32 s9, s21;
	s15 =	sand.u32 $0x1FFFFFF0, s31  }
0x225: {  	[tilespmem:s12], [sflag:$0x2] =	stream.linear.gather [hbm4b:s28+s2], $0x80, $0x38;
	[tilespmem:$0x2080] =	vst v63  }
0x226: {  	s30 =	sadd.s32 s8, s21;
	s31 =	sld [smem:$0x7ED];
	s26 =	spop (v2sf)  }
0x227: {  	[tilespmem:s11], [sflag:$0x1] =	stream.linear.gather [hbm4b:s30+s2], $0x80, $0x38;
	[tilespmem:$0x2080] =	vst v63  }
0x228: {  	s14 =	sand.u32 $0x1FFFFFF0, s24;
	s24 =	sld [smem:$0x7EE];
	s29 =	spop (v2sf)  }
0x229: {  	[tilespmem:s31], [sflag:$0x2] =	stream.linear.gather [hbm4b:s22+s2], $0x80, $0x38;
	[tilespmem:$0x2080] =	vst v63  }
0x22a: {  	s13 =	sand.u32 $0x1FFFFFF0, s26;
	s25 =	sadd.s32 s8, s20;
	s26 =	sld [smem:$0x7EF]  }
0x22b: {  	[tilespmem:s24], [sflag:$0x1] =	stream.linear.gather [hbm4b:s25+s2], $0x80, $0x38;
	[tilespmem:$0x2080] =	vst v63  }
0x22c: {  	s12 =	sand.u32 $0x1FFFFFF0, s29;
	s28 =	sadd.s32 s9, s20;
	s29 =	sld [smem:$0x7F0]  }
0x22d: {  	[tilespmem:s26], [sflag:$0x2] =	stream.linear.gather [hbm4b:s28+s2], $0x80, $0x38;
	[tilespmem:$0x2080] =	vst v63  }
0x22e: {  	s30 =	sadd.s32 s8, s19;
	s31 =	sld [smem:$0x7F1]  }
0x22f: {  	[tilespmem:s29], [sflag:$0x1] =	stream.linear.gather [hbm4b:s30+s2], $0x80, $0x38;
	[tilespmem:$0x2080] =	vst v63  }
0x230: {  	s18 =	sadd.s32 s9, s19;
	s19 =	sld [smem:$0x7F2]  }
0x231: {  	[tilespmem:s31], [sflag:$0x2] =	stream.linear.gather [hbm4b:s18+s2], $0x80, $0x38;
	[tilespmem:$0x2080] =	vst v63  }
0x232: {  	s21 =	sadd.s32 s8, s17;
	s22 =	sld [smem:$0x7F3]  }
0x233: {  	[tilespmem:s19], [sflag:$0x1] =	stream.linear.gather [hbm4b:s21+s2], $0x80, $0x38;
	[tilespmem:$0x2080] =	vst v63  }
0x234: {  	s23 =	sadd.s32 s9, s17;
	s24 =	sld [smem:$0x7F4]  }
0x235: {  	[tilespmem:s22], [sflag:$0x2] =	stream.linear.gather [hbm4b:s23+s2], $0x80, $0x38;
	[tilespmem:$0x2080] =	vst v63  }
0x236: {  	s25 =	sadd.s32 s8, s16;
	s26 =	sld [smem:$0x7F5]  }
0x237: {  	[tilespmem:s24], [sflag:$0x1] =	stream.linear.gather [hbm4b:s25+s2], $0x80, $0x38;
	[tilespmem:$0x2080] =	vst v63  }
0x238: {  	s28 =	sadd.s32 s9, s16;
	s29 =	sld [smem:$0x7F6]  }
0x239: {  	[tilespmem:s26], [sflag:$0x2] =	stream.linear.gather [hbm4b:s28+s2], $0x80, $0x38;
	[tilespmem:$0x2080] =	vst v63  }
0x23a: {  	s30 =	sadd.s32 s8, s15;
	s31 =	sld [smem:$0x7F7]  }
0x23b: {  	[tilespmem:s29], [sflag:$0x1] =	stream.linear.gather [hbm4b:s30+s2], $0x80, $0x38;
	[tilespmem:$0x2080] =	vst v63  }
0x23c: {  	s16 =	sld [smem:$0x7F8];
	s15 =	sadd.s32 s9, s15  }
0x23d: {  	[tilespmem:s31], [sflag:$0x2] =	stream.linear.gather [hbm4b:s15+s2], $0x80, $0x38;
	[tilespmem:$0x2080] =	vst v63  }
0x23e: {  	s18 =	sadd.s32 s8, s14;
	s19 =	sld [smem:$0x7F9]  }
0x23f: {  	[tilespmem:s16], [sflag:$0x1] =	stream.linear.gather [hbm4b:s18+s2], $0x80, $0x38;
	[tilespmem:$0x2080] =	vst v63  }
0x240: {  	s20 =	sadd.s32 s9, s14;
	s21 =	sld [smem:$0x7FA]  }
0x241: {  	[tilespmem:s19], [sflag:$0x2] =	stream.linear.gather [hbm4b:s20+s2], $0x80, $0x38;
	[tilespmem:$0x2080] =	vst v63  }
0x242: {  	s22 =	sadd.s32 s8, s13;
	s23 =	sld [smem:$0x7FB]  }
0x243: {  	[tilespmem:s21], [sflag:$0x1] =	stream.linear.gather [hbm4b:s22+s2], $0x80, $0x38;
	[tilespmem:$0x2080] =	vst v63  }
0x244: {  	s24 =	sadd.s32 s9, s13;
	s25 =	sld [smem:$0x7FC]  }
0x245: {  	[tilespmem:s23], [sflag:$0x2] =	stream.linear.gather [hbm4b:s24+s2], $0x80, $0x38;
	[tilespmem:$0x2080] =	vst v63  }
0x246: {  	s26 =	sadd.s32 s8, s12;
	s28 =	sld [smem:$0x7FD]  }
0x247: {  	[tilespmem:s25], [sflag:$0x1] =	stream.linear.gather [hbm4b:s26+s2], $0x80, $0x38;
	[tilespmem:$0x2080] =	vst v63  }
0x248: {  	s29 =	sadd.s32 s9, s12  }
0x249: {  	[tilespmem:s28], [sflag:$0x2] =	stream.linear.gather [hbm4b:s29+s2], $0x80, $0x38;
	[tilespmem:$0x2080] =	vst v63  }
0x24a: {  	_ =	swait.ge [sflag:s7], $0x80  }
0x24b: {  	[sflag:s7] =	ssyncset.done $0x0  }
0x24c: {  	[sflag:s7] =	ssyncadd.s32 $0xFFFFFF80  }
0x24d: {  	_ =	swait.ge [sflag:s6], $0x80  }
0x24e: {  	[sflag:s6] =	ssyncset.done $0x0  }
0x24f: {  	[sflag:s6] =	ssyncadd.s32 $0xFFFFFF80  }
0x250: {  	_ =	swait.ge [sflag:s7], $0x80  }
0x251: {  	[sflag:s7] =	ssyncset.done $0x0  }
0x252: {  	[sflag:s7] =	ssyncadd.s32 $0xFFFFFF80  }
0x253: {  	_ =	swait.ge [sflag:s6], $0x80  }
0x254: {  	[sflag:s6] =	ssyncset.done $0x0  }
0x255: {  	[sflag:s6] =	ssyncadd.s32 $0xFFFFFF80  }
0x256: {  	_ =	swait.ge [sflag:s7], $0x80  }
0x257: {  	[sflag:s7] =	ssyncset.done $0x0  }
0x258: {  	[sflag:s7] =	ssyncadd.s32 $0xFFFFFF80  }
0x259: {  	_ =	swait.ge [sflag:s6], $0x80  }
0x25a: {  	[sflag:s6] =	ssyncset.done $0x0  }
0x25b: {  	[sflag:s6] =	ssyncadd.s32 $0xFFFFFF80  }
0x25c: {  	_ =	swait.ge [sflag:s7], $0x80  }
0x25d: {  	[sflag:s7] =	ssyncset.done $0x0  }
0x25e: {  	[sflag:s7] =	ssyncadd.s32 $0xFFFFFF80  }
0x25f: {  	_ =	swait.ge [sflag:s6], $0x80  }
0x260: {  	[sflag:s6] =	ssyncset.done $0x0  }
0x261: {  	[sflag:s6] =	ssyncadd.s32 $0xFFFFFF80  }
0x262: {  	_ =	swait.ge [sflag:s7], $0x80  }
0x263: {  	[sflag:s7] =	ssyncset.done $0x0  }
0x264: {  	[sflag:s7] =	ssyncadd.s32 $0xFFFFFF80  }
0x265: {  	_ =	swait.ge [sflag:s6], $0x80  }
0x266: {  	[sflag:s6] =	ssyncset.done $0x0  }
0x267: {  	[sflag:s6] =	ssyncadd.s32 $0xFFFFFF80  }
0x268: {  	_ =	swait.ge [sflag:s7], $0x80  }
0x269: {  	[sflag:s7] =	ssyncset.done $0x0  }
0x26a: {  	[sflag:s7] =	ssyncadd.s32 $0xFFFFFF80  }
0x26b: {  	_ =	swait.ge [sflag:s6], $0x80  }
0x26c: {  	[sflag:s6] =	ssyncset.done $0x0  }
0x26d: {  	[sflag:s6] =	ssyncadd.s32 $0xFFFFFF80  }
0x26e: {  	_ =	swait.ge [sflag:s7], $0x80  }
0x26f: {  	[sflag:s7] =	ssyncset.done $0x0  }
0x270: {  	[sflag:s7] =	ssyncadd.s32 $0xFFFFFF80  }
0x271: {  	_ =	swait.ge [sflag:s6], $0x80  }
0x272: {  	[sflag:s6] =	ssyncset.done $0x0  }
0x273: {  	[sflag:s6] =	ssyncadd.s32 $0xFFFFFF80  }
0x274: {  	_ =	swait.ge [sflag:s7], $0x80  }
0x275: {  	[sflag:s7] =	ssyncset.done $0x0  }
0x276: {  	[sflag:s7] =	ssyncadd.s32 $0xFFFFFF80  }
0x277: {  	_ =	swait.ge [sflag:s6], $0x80  }
0x278: {  	[sflag:s6] =	ssyncset.done $0x0  }
0x279: {  	[sflag:s6] =	ssyncadd.s32 $0xFFFFFF80  }
0x27a: {  	_ =	swait.ge [sflag:s7], $0x80  }
0x27b: {  	[sflag:s7] =	ssyncset.done $0x0  }
0x27c: {  	[sflag:s7] =	ssyncadd.s32 $0xFFFFFF80  }
0x27d: {  	_ =	swait.ge [sflag:s6], $0x80  }
0x27e: {  	[sflag:s6] =	ssyncset.done $0x0  }
0x27f: {  	[sflag:s6] =	ssyncadd.s32 $0xFFFFFF80  }
0x280: {  	_ =	swait.ge [sflag:s7], $0x80  }
0x281: {  	[sflag:s7] =	ssyncset.done $0x0  }
0x282: {  	[sflag:s7] =	ssyncadd.s32 $0xFFFFFF80  }
0x283: {  	_ =	swait.ge [sflag:s6], $0x80  }
0x284: {  	[sflag:s6] =	ssyncset.done $0x0  }
0x285: {  	[sflag:s6] =	ssyncadd.s32 $0xFFFFFF80  }
0x286: {  	_ =	swait.ge [sflag:s7], $0x80  }
0x287: {  	[sflag:s7] =	ssyncset.done $0x0  }
0x288: {  	[sflag:s7] =	ssyncadd.s32 $0xFFFFFF80  }
0x289: {  	_ =	swait.ge [sflag:s6], $0x80  }
0x28a: {  	[sflag:s6] =	ssyncset.done $0x0  }
0x28b: {  	[sflag:s6] =	ssyncadd.s32 $0xFFFFFF80  }
0x28c: {  	_ =	swait.ge [sflag:s7], $0x80  }
0x28d: {  	[sflag:s7] =	ssyncset.done $0x0  }
0x28e: {  	[sflag:s7] =	ssyncadd.s32 $0xFFFFFF80  }
0x28f: {  	_ =	swait.ge [sflag:s6], $0x80  }
0x290: {  	[sflag:s6] =	ssyncset.done $0x0  }
0x291: {  	[sflag:s6] =	ssyncadd.s32 $0xFFFFFF80  }
0x292: {  	_ =	swait.ge [sflag:s7], $0x80  }
0x293: {  	[sflag:s7] =	ssyncset.done $0x0  }
0x294: {  	[sflag:s7] =	ssyncadd.s32 $0xFFFFFF80  }
0x295: {  	_ =	swait.ge [sflag:s6], $0x80  }
0x296: {  	[sflag:s6] =	ssyncset.done $0x0  }
0x297: {  	[sflag:s6] =	ssyncadd.s32 $0xFFFFFF80  }
0x298: {  	_ =	swait.ge [sflag:s7], $0x80  }
0x299: {  	[sflag:s7] =	ssyncset.done $0x0  }
0x29a: {  	[sflag:s7] =	ssyncadd.s32 $0xFFFFFF80  }
0x29b: {  	_ =	swait.ge [sflag:s6], $0x80  }
0x29c: {  	[sflag:s6] =	ssyncset.done $0x0  }
0x29d: {  	[sflag:s6] =	ssyncadd.s32 $0xFFFFFF80  }
0x29e: {  	_ =	swait.ge [sflag:s7], $0x80  }
0x29f: {  	[sflag:s7] =	ssyncset.done $0x0  }
0x2a0: {  	[sflag:s7] =	ssyncadd.s32 $0xFFFFFF80  }
0x2a1: {  	_ =	swait.ge [sflag:s6], $0x80  }
0x2a2: {  	[sflag:s6] =	ssyncset.done $0x0  }
0x2a3: {  	[sflag:s6] =	ssyncadd.s32 $0xFFFFFF80  }
0x2a4: {  	_ =	swait.ge [sflag:s7], $0x80  }
0x2a5: {  	[sflag:s7] =	ssyncset.done $0x0  }
0x2a6: {  	[sflag:s7] =	ssyncadd.s32 $0xFFFFFF80  }
0x2a7: {  	_ =	swait.ge [sflag:s6], $0x80  }
0x2a8: {  	[sflag:s6] =	ssyncset.done $0x0  }
0x2a9: {  	[sflag:s6] =	ssyncadd.s32 $0xFFFFFF80  }
0x2aa: {  	_ =	swait.ge [sflag:s7], $0x80  }
0x2ab: {  	[sflag:s7] =	ssyncset.done $0x0  }
0x2ac: {  	[sflag:s7] =	ssyncadd.s32 $0xFFFFFF80  }
0x2ad: {  	_ =	swait.ge [sflag:s6], $0x80  }
0x2ae: {  	[sflag:s6] =	ssyncset.done $0x0  }
0x2af: {  	[sflag:s6] =	ssyncadd.s32 $0xFFFFFF80  }
0x2b0: {  	_ =	swait.ge [sflag:s7], $0x80  }
0x2b1: {  	[sflag:s7] =	ssyncset.done $0x0  }
0x2b2: {  	[sflag:s7] =	ssyncadd.s32 $0xFFFFFF80  }
0x2b3: {  	_ =	swait.ge [sflag:s6], $0x80  }
0x2b4: {  	[sflag:s6] =	ssyncset.done $0x0  }
0x2b5: {  	[sflag:s6] =	ssyncadd.s32 $0xFFFFFF80  }
0x2b6: {  	_ =	swait.ge [sflag:s7], $0x80  }
0x2b7: {  	[sflag:s7] =	ssyncset.done $0x0  }
0x2b8: {  	[sflag:s7] =	ssyncadd.s32 $0xFFFFFF80  }
0x2b9: {  	_ =	swait.ge [sflag:s6], $0x80  }
0x2ba: {  	[sflag:s6] =	ssyncset.done $0x0  }
0x2bb: {  	[sflag:s6] =	ssyncadd.s32 $0xFFFFFF80  }
0x2bc: {  	_ =	swait.ge [sflag:s7], $0x80  }
0x2bd: {  	[sflag:s7] =	ssyncset.done $0x0  }
0x2be: {  	[sflag:s7] =	ssyncadd.s32 $0xFFFFFF80  }
0x2bf: {  	_ =	swait.ge [sflag:s6], $0x80  }
0x2c0: {  	[sflag:s6] =	ssyncset.done $0x0  }
0x2c1: {  	[sflag:s6] =	ssyncadd.s32 $0xFFFFFF80  }
0x2c2: {  	_ =	swait.ge [sflag:s7], $0x80  }
0x2c3: {  	[sflag:s7] =	ssyncset.done $0x0  }
0x2c4: {  	[sflag:s7] =	ssyncadd.s32 $0xFFFFFF80  }
0x2c5: {  	_ =	swait.ge [sflag:s6], $0x80  }
0x2c6: {  	[sflag:s6] =	ssyncset.done $0x0  }
0x2c7: {  	[sflag:s6] =	ssyncadd.s32 $0xFFFFFF80  }
0x2c8: {  	_ =	swait.ge [sflag:s7], $0x80  }
0x2c9: {  	[sflag:s7] =	ssyncset.done $0x0  }
0x2ca: {  	[sflag:s7] =	ssyncadd.s32 $0xFFFFFF80  }
0x2cb: {  	_ =	swait.ge [sflag:s6], $0x80  }
0x2cc: {  	[sflag:s6] =	ssyncset.done $0x0  }
0x2cd: {  	[sflag:s6] =	ssyncadd.s32 $0xFFFFFF80  }
0x2ce: {  	_ =	swait.ge [sflag:s7], $0x80  }
0x2cf: {  	[sflag:s7] =	ssyncset.done $0x0  }
0x2d0: {  	[sflag:s7] =	ssyncadd.s32 $0xFFFFFF80  }
0x2d1: {  	_ =	swait.ge [sflag:s6], $0x80  }
0x2d2: {  	[sflag:s6] =	ssyncset.done $0x0  }
0x2d3: {  	[sflag:s6] =	ssyncadd.s32 $0xFFFFFF80  }
0x2d4: {  	_ =	swait.ge [sflag:s7], $0x80  }
0x2d5: {  	[sflag:s7] =	ssyncset.done $0x0  }
0x2d6: {  	[sflag:s7] =	ssyncadd.s32 $0xFFFFFF80  }
0x2d7: {  	_ =	swait.ge [sflag:s6], $0x80  }
0x2d8: {  	[sflag:s6] =	ssyncset.done $0x0  }
0x2d9: {  	[sflag:s6] =	ssyncadd.s32 $0xFFFFFF80  }
0x2da: {  	_ =	swait.ge [sflag:s7], $0x80  }
0x2db: {  	[sflag:s7] =	ssyncset.done $0x0  }
0x2dc: {  	[sflag:s7] =	ssyncadd.s32 $0xFFFFFF80  }
0x2dd: {  	_ =	swait.ge [sflag:s6], $0x80  }
0x2de: {  	[sflag:s6] =	ssyncset.done $0x0  }
0x2df: {  	[sflag:s6] =	ssyncadd.s32 $0xFFFFFF80  }
0x2e0: {  	_ =	swait.ge [sflag:s7], $0x80  }
0x2e1: {  	[sflag:s7] =	ssyncset.done $0x0  }
0x2e2: {  	[sflag:s7] =	ssyncadd.s32 $0xFFFFFF80  }
0x2e3: {  	_ =	swait.ge [sflag:s6], $0x80  }
0x2e4: {  	[sflag:s6] =	ssyncset.done $0x0  }
0x2e5: {  	[sflag:s6] =	ssyncadd.s32 $0xFFFFFF80  }
0x2e6: {  	_ =	swait.ge [sflag:s7], $0x80  }
0x2e7: {  	[sflag:s7] =	ssyncset.done $0x0  }
0x2e8: {  	[sflag:s7] =	ssyncadd.s32 $0xFFFFFF80  }
0x2e9: {  	_ =	swait.ge [sflag:s6], $0x80  }
0x2ea: {  	[sflag:s6] =	ssyncset.done $0x0  }
0x2eb: {  	[sflag:s6] =	ssyncadd.s32 $0xFFFFFF80  }
0x2ec: {  	_ =	swait.ge [sflag:s7], $0x80  }
0x2ed: {  	[sflag:s7] =	ssyncset.done $0x0  }
0x2ee: {  	[sflag:s7] =	ssyncadd.s32 $0xFFFFFF80  }
0x2ef: {  	_ =	swait.ge [sflag:s6], $0x80  }
0x2f0: {  	[sflag:s6] =	ssyncset.done $0x0  }
0x2f1: {  	[sflag:s6] =	ssyncadd.s32 $0xFFFFFF80  }
0x2f2: {  	_ =	swait.ge [sflag:s7], $0x80  }
0x2f3: {  	[sflag:s7] =	ssyncset.done $0x0  }
0x2f4: {  	[sflag:s7] =	ssyncadd.s32 $0xFFFFFF80  }
0x2f5: {  	_ =	swait.ge [sflag:s6], $0x80  }
0x2f6: {  	[sflag:s6] =	ssyncset.done $0x0  }
0x2f7: {  	[sflag:s6] =	ssyncadd.s32 $0xFFFFFF80  }
0x2f8: {  	_ =	swait.ge [sflag:s7], $0x80  }
0x2f9: {  	[sflag:s7] =	ssyncset.done $0x0  }
0x2fa: {  	[sflag:s7] =	ssyncadd.s32 $0xFFFFFF80  }
0x2fb: {  	_ =	swait.ge [sflag:s6], $0x80  }
0x2fc: {  	[sflag:s6] =	ssyncset.done $0x0  }
0x2fd: {  	[sflag:s6] =	ssyncadd.s32 $0xFFFFFF80  }
0x2fe: {  	_ =	swait.ge [sflag:s7], $0x80  }
0x2ff: {  	[sflag:s7] =	ssyncset.done $0x0  }
0x300: {  	[sflag:s7] =	ssyncadd.s32 $0xFFFFFF80  }
0x301: {  	_ =	swait.ge [sflag:s6], $0x80  }
0x302: {  	[sflag:s6] =	ssyncset.done $0x0  }
0x303: {  	[sflag:s6] =	ssyncadd.s32 $0xFFFFFF80  }
0x304: {  	_ =	swait.ge [sflag:s7], $0x80  }
0x305: {  	[sflag:s7] =	ssyncset.done $0x0  }
0x306: {  	[sflag:s7] =	ssyncadd.s32 $0xFFFFFF80  }
0x307: {  	_ =	swait.ge [sflag:s6], $0x80  }
0x308: {  	[sflag:s6] =	ssyncset.done $0x0  }
0x309: {  	s30 =	rddreg [dreg:$0x6];
	[sflag:s6] =	ssyncadd.s32 $0xFFFFFF80  }
0x30a: {  	[hbm4b:s30+s2] =	stream.linear.scatter [tilespmem:s5], [sflag:$0x3], $0x1000, $0x38;
	[tilespmem:$0x2080] =	vst v63  }
0x30b: {  	p1 =	sne.s32 s10, $0x1;
	_ =	swait.ge [sflag:s3], $0x1000  }
.Ltmp2:
0x30c: {  	[sflag:s3] =	ssyncset.done $0x0;
	(pc) =	sbr.rel @p1 .LBB2_2-.Ltmp2, $4  }
0x30d: {  	s31 =	rddreg [dreg:$0x7];
	[sflag:s3] =	ssyncadd.s32 $0xFFFFF000  }
0x30e: {  	[hbm4b:s31+s2] =	stream.linear.scatter [tilespmem:s4], [sflag:$0x3], $0x1000, $0x38;
	[tilespmem:$0x2080] =	vst v63  }
0x30f: {  	_ =	swait.ge [sflag:s3], $0x1000  }
0x310: {  	s10 =	sadd.s32 $0xFFFFFFFF, s10;
	s11 =	rddreg [dreg:$0x5];
	[sflag:s3] =	ssyncset.done $0x0  }
.LBB2_3:
0x311: {  	[sflag:s3] =	ssyncadd.s32 @p0 $0xFFFFF000  }
0x312: {  	[tilespmem:s2], [sflag:$0x3] =	stream.linear.gather [hbm4b:s11+s2], $0x20, $0x38;
	[tilespmem:$0x2080] =	vst v63  }
0x313: {  	_ =	swait.ge [sflag:s3], $0x20  }
0x314: {  	[sflag:s3] =	ssyncset.done $0x0  }
0x315: {  	[sflag:s3] =	ssyncadd.s32 $0xFFFFFFE0  }
0x316: {  	v0 =	vld [tilespmem:$0x0];
	_ =	sdelay $0x4  }
0x317: {  	v0 =	vshll.u32 v0, $0x4  }
0x318: {  	(v2sf) =	vpush v0, $0x0;
	_ =	sdelay $0x1  }
0x319: {  	(v2sf) =	vpush v0, $0x1;
	_ =	sdelay $0x5  }
0x31a: {  	(v2sf) =	vpush v0, $0x2;
	_ =	sdelay $0x2  }
0x31b: {  	(v2sf) =	vpush v0, $0x3;
	_ =	sdelay $0x3  }
0x31c: {  	s10 =	spop (v2sf)  }
0x31d: {  	s10 =	sand.u32 $0x1FFFFFF0, s10  }
0x31e: {  	(v2sf) =	vpush v0, $0x4;
	s29 =	spop (v2sf);
	s12 =	sadd.s32 s8, s10  }
0x31f: {  	[tilespmem:s5], [sflag:$0x1] =	stream.linear.gather [hbm4b:s12+s2], $0x80, $0x38;
	[tilespmem:$0x2080] =	vst v63  }
0x320: {  	s11 =	sand.u32 $0x1FFFFFF0, s29;
	s10 =	sadd.s32 s9, s10  }
0x321: {  	(v2sf) =	vpush v0, $0x5;
	[tilespmem:s4], [sflag:$0x2] =	stream.linear.gather [hbm4b:s10+s2], $0x80, $0x38;
	[tilespmem:$0x2080] =	vst v63  }
0x322: {  	s30 =	rddreg [dreg:$0x8];
	s13 =	sadd.s32 s8, s11  }
0x323: {  	[tilespmem:s30], [sflag:$0x1] =	stream.linear.gather [hbm4b:s13+s2], $0x80, $0x38;
	[tilespmem:$0x2080] =	vst v63  }
0x324: {  	s13 =	spop (v2sf)  }
0x325: {  	s31 =	rddreg [dreg:$0x9];
	s11 =	sadd.s32 s9, s11;
	(v2sf) =	vpush v0, $0x6;
	s12 =	sand.u32 $0x1FFFFFF0, s13  }
0x326: {  	[tilespmem:s31], [sflag:$0x2] =	stream.linear.gather [hbm4b:s11+s2], $0x80, $0x38;
	[tilespmem:$0x2080] =	vst v63  }
0x327: {  	s14 =	rddreg [dreg:$0xa];
	s17 =	spop (v2sf);
	s16 =	sadd.s32 s8, s12  }
0x328: {  	[tilespmem:s14], [sflag:$0x1] =	stream.linear.gather [hbm4b:s16+s2], $0x80, $0x38;
	[tilespmem:$0x2080] =	vst v63  }
0x329: {  	s15 =	rddreg [dreg:$0xb];
	(v2sf) =	vpush v0, $0x7;
	s11 =	sand.u32 $0x1FFFFFF0, s17;
	s12 =	sadd.s32 s9, s12  }
0x32a: {  	[tilespmem:s15], [sflag:$0x2] =	stream.linear.gather [hbm4b:s12+s2], $0x80, $0x38;
	[tilespmem:$0x2080] =	vst v63  }
0x32b: {  	s18 =	rddreg [dreg:$0xc];
	s20 =	sadd.s32 s8, s11  }
0x32c: {  	[tilespmem:s18], [sflag:$0x1] =	stream.linear.gather [hbm4b:s20+s2], $0x80, $0x38;
	[tilespmem:$0x2080] =	vst v63  }
0x32d: {  	s19 =	rddreg [dreg:$0xd];
	s21 =	spop (v2sf);
	(v2sf) =	vpush v0, $0x8  }
0x32e: {  	s22 =	rddreg [dreg:$0xe];
	s11 =	sadd.s32 s9, s11;
	s12 =	sand.u32 $0x1FFFFFF0, s21  }
0x32f: {  	[tilespmem:s19], [sflag:$0x2] =	stream.linear.gather [hbm4b:s11+s2], $0x80, $0x38;
	[tilespmem:$0x2080] =	vst v63  }
0x330: {  	s23 =	rddreg [dreg:$0xf];
	s25 =	spop (v2sf);
	s24 =	sadd.s32 s8, s12  }
0x331: {  	(v2sf) =	vpush v0, $0x9;
	[tilespmem:s22], [sflag:$0x1] =	stream.linear.gather [hbm4b:s24+s2], $0x80, $0x38;
	[tilespmem:$0x2080] =	vst v63  }
0x332: {  	s26 =	rddreg [dreg:$0x10];
	s11 =	sand.u32 $0x1FFFFFF0, s25;
	s12 =	sadd.s32 s9, s12  }
0x333: {  	[tilespmem:s23], [sflag:$0x2] =	stream.linear.gather [hbm4b:s12+s2], $0x80, $0x38;
	[tilespmem:$0x2080] =	vst v63  }
0x334: {  	s29 =	rddreg [dreg:$0x11];
	s28 =	sadd.s32 s8, s11;
	s30 =	spop (v2sf)  }
0x335: {  	(v2sf) =	vpush v0, $0xA;
	[tilespmem:s26], [sflag:$0x1] =	stream.linear.gather [hbm4b:s28+s2], $0x80, $0x38;
	[tilespmem:$0x2080] =	vst v63  }
0x336: {  	s31 =	rddreg [dreg:$0x12];
	s11 =	sadd.s32 s9, s11;
	s10 =	sand.u32 $0x1FFFFFF0, s30  }
0x337: {  	[tilespmem:s29], [sflag:$0x2] =	stream.linear.gather [hbm4b:s11+s2], $0x80, $0x38;
	[tilespmem:$0x2080] =	vst v63  }
0x338: {  	s14 =	rddreg [dreg:$0x13];
	s15 =	spop (v2sf);
	s12 =	sadd.s32 s8, s10  }
0x339: {  	(v2sf) =	vpush v0, $0xB;
	[tilespmem:s31], [sflag:$0x1] =	stream.linear.gather [hbm4b:s12+s2], $0x80, $0x38;
	[tilespmem:$0x2080] =	vst v63  }
0x33a: {  	s16 =	rddreg [dreg:$0x14];
	s10 =	sadd.s32 s9, s10;
	s11 =	sand.u32 $0x1FFFFFF0, s15  }
0x33b: {  	[tilespmem:s14], [sflag:$0x2] =	stream.linear.gather [hbm4b:s10+s2], $0x80, $0x38;
	[tilespmem:$0x2080] =	vst v63  }
0x33c: {  	s18 =	rddreg [dreg:$0x15];
	s17 =	sadd.s32 s8, s11;
	s19 =	spop (v2sf)  }
0x33d: {  	(v2sf) =	vpush v0, $0xC;
	[tilespmem:s16], [sflag:$0x1] =	stream.linear.gather [hbm4b:s17+s2], $0x80, $0x38;
	[tilespmem:$0x2080] =	vst v63  }
0x33e: {  	s20 =	rddreg [dreg:$0x16];
	s11 =	sadd.s32 s9, s11;
	s10 =	sand.u32 $0x1FFFFFF0, s19  }
0x33f: {  	[tilespmem:s18], [sflag:$0x2] =	stream.linear.gather [hbm4b:s11+s2], $0x80, $0x38;
	[tilespmem:$0x2080] =	vst v63  }
0x340: {  	s22 =	rddreg [dreg:$0x17];
	s23 =	spop (v2sf);
	s21 =	sadd.s32 s8, s10  }
0x341: {  	(v2sf) =	vpush v0, $0xD;
	[tilespmem:s20], [sflag:$0x1] =	stream.linear.gather [hbm4b:s21+s2], $0x80, $0x38;
	[tilespmem:$0x2080] =	vst v63  }
0x342: {  	s24 =	rddreg [dreg:$0x18];
	s10 =	sadd.s32 s9, s10;
	s11 =	sand.u32 $0x1FFFFFF0, s23  }
0x343: {  	[tilespmem:s22], [sflag:$0x2] =	stream.linear.gather [hbm4b:s10+s2], $0x80, $0x38;
	[tilespmem:$0x2080] =	vst v63  }
0x344: {  	s26 =	rddreg [dreg:$0x19];
	s25 =	sadd.s32 s8, s11;
	s28 =	spop (v2sf)  }
0x345: {  	(v2sf) =	vpush v0, $0xE;
	[tilespmem:s24], [sflag:$0x1] =	stream.linear.gather [hbm4b:s25+s2], $0x80, $0x38;
	[tilespmem:$0x2080] =	vst v63  }
0x346: {  	s29 =	rddreg [dreg:$0x1a];
	s11 =	sadd.s32 s9, s11;
	s10 =	sand.u32 $0x1FFFFFF0, s28  }
0x347: {  	[tilespmem:s26], [sflag:$0x2] =	stream.linear.gather [hbm4b:s11+s2], $0x80, $0x38;
	[tilespmem:$0x2080] =	vst v63  }
0x348: {  	s31 =	rddreg [dreg:$0x1b];
	s13 =	spop (v2sf);
	s30 =	sadd.s32 s8, s10  }
0x349: {  	(v2sf) =	vpush v0, $0xF;
	[tilespmem:s29], [sflag:$0x1] =	stream.linear.gather [hbm4b:s30+s2], $0x80, $0x38;
	[tilespmem:$0x2080] =	vst v63  }
0x34a: {  	s14 =	rddreg [dreg:$0x1c];
	s10 =	sadd.s32 s9, s10;
	s11 =	sand.u32 $0x1FFFFFF0, s13  }
0x34b: {  	[tilespmem:s31], [sflag:$0x2] =	stream.linear.gather [hbm4b:s10+s2], $0x80, $0x38;
	[tilespmem:$0x2080] =	vst v63  }
0x34c: {  	s16 =	rddreg [dreg:$0x1d];
	s15 =	sadd.s32 s8, s11;
	s17 =	spop (v2sf)  }
0x34d: {  	[tilespmem:s14], [sflag:$0x1] =	stream.linear.gather [hbm4b:s15+s2], $0x80, $0x38;
	[tilespmem:$0x2080] =	vst v63  }
0x34e: {  	s18 =	rddreg [dreg:$0x1e];
	s11 =	sadd.s32 s9, s11;
	s10 =	sand.u32 $0x1FFFFFF0, s17  }
0x34f: {  	[tilespmem:s16], [sflag:$0x2] =	stream.linear.gather [hbm4b:s11+s2], $0x80, $0x38;
	[tilespmem:$0x2080] =	vst v63  }
0x350: {  	s20 =	rddreg [dreg:$0x1f];
	s21 =	spop (v2sf);
	s19 =	sadd.s32 s8, s10  }
0x351: {  	[tilespmem:s18], [sflag:$0x1] =	stream.linear.gather [hbm4b:s19+s2], $0x80, $0x38;
	[tilespmem:$0x2080] =	vst v63  }
0x352: {  	s22 =	sld [smem:$0x7D8];
	s10 =	sadd.s32 s9, s10;
	s11 =	sand.u32 $0x1FFFFFF0, s21  }
0x353: {  	[tilespmem:s20], [sflag:$0x2] =	stream.linear.gather [hbm4b:s10+s2], $0x80, $0x38;
	[tilespmem:$0x2080] =	vst v63  }
0x354: {  	s24 =	sld [smem:$0x7D9];
	s23 =	sadd.s32 s8, s11;
	s25 =	spop (v2sf)  }
0x355: {  	[tilespmem:s22], [sflag:$0x1] =	stream.linear.gather [hbm4b:s23+s2], $0x80, $0x38;
	[tilespmem:$0x2080] =	vst v63  }
0x356: {  	s26 =	sld [smem:$0x7DA];
	s11 =	sadd.s32 s9, s11;
	s10 =	sand.u32 $0x1FFFFFF0, s25  }
0x357: {  	[tilespmem:s24], [sflag:$0x2] =	stream.linear.gather [hbm4b:s11+s2], $0x80, $0x38;
	[tilespmem:$0x2080] =	vst v63  }
0x358: {  	s29 =	sld [smem:$0x7DB];
	s30 =	spop (v2sf);
	s28 =	sadd.s32 s8, s10  }
0x359: {  	[tilespmem:s26], [sflag:$0x1] =	stream.linear.gather [hbm4b:s28+s2], $0x80, $0x38;
	[tilespmem:$0x2080] =	vst v63  }
0x35a: {  	s31 =	sld [smem:$0x7DC];
	s10 =	sadd.s32 s9, s10;
	s11 =	sand.u32 $0x1FFFFFF0, s30  }
0x35b: {  	[tilespmem:s29], [sflag:$0x2] =	stream.linear.gather [hbm4b:s10+s2], $0x80, $0x38;
	[tilespmem:$0x2080] =	vst v63  }
0x35c: {  	s14 =	sld [smem:$0x7DD];
	s12 =	sadd.s32 s8, s11  }
0x35d: {  	[tilespmem:s31], [sflag:$0x1] =	stream.linear.gather [hbm4b:s12+s2], $0x80, $0x38;
	[tilespmem:$0x2080] =	vst v63  }
0x35e: {  	s15 =	sadd.s32 s9, s11  }
0x35f: {  	[tilespmem:s14], [sflag:$0x2] =	stream.linear.gather [hbm4b:s15+s2], $0x80, $0x38;
	[tilespmem:$0x2080] =	vst v63  }
0x360: {  	v63 =	vld [tilespmem:$0x10];
	_ =	sdelay $0x4  }
0x361: {  	v0 =	vshll.u32 v63, $0x4  }
0x362: {  	(v2sf) =	vpush v0, $0x0;
	_ =	sdelay $0x1  }
0x363: {  	(v2sf) =	vpush v0, $0x1;
	_ =	sdelay $0x3  }
0x364: {  	(v2sf) =	vpush v0, $0x2;
	_ =	sdelay $0x3  }
0x365: {  	(v2sf) =	vpush v0, $0x3;
	_ =	sdelay $0x4  }
0x366: {  	s16 =	sld [smem:$0x7DE];
	s17 =	spop (v2sf)  }
0x367: {  	(v2sf) =	vpush v0, $0x4;
	s11 =	sand.u32 $0x1FFFFFF0, s17  }
0x368: {  	s18 =	sld [smem:$0x7DF];
	s20 =	spop (v2sf);
	s19 =	sadd.s32 s8, s11  }
0x369: {  	[tilespmem:s16], [sflag:$0x1] =	stream.linear.gather [hbm4b:s19+s2], $0x80, $0x38;
	[tilespmem:$0x2080] =	vst v63  }
0x36a: {  	s21 =	sld [smem:$0x7E0];
	(v2sf) =	vpush v0, $0x5;
	s10 =	sand.u32 $0x1FFFFFF0, s20;
	s11 =	sadd.s32 s9, s11  }
0x36b: {  	[tilespmem:s18], [sflag:$0x2] =	stream.linear.gather [hbm4b:s11+s2], $0x80, $0x38;
	[tilespmem:$0x2080] =	vst v63  }
0x36c: {  	s22 =	sld [smem:$0x7E1];
	s24 =	spop (v2sf);
	s23 =	sadd.s32 s8, s10  }
0x36d: {  	[tilespmem:s21], [sflag:$0x1] =	stream.linear.gather [hbm4b:s23+s2], $0x80, $0x38;
	[tilespmem:$0x2080] =	vst v63  }
0x36e: {  	s25 =	sld [smem:$0x7E2];
	(v2sf) =	vpush v0, $0x6;
	s12 =	sand.u32 $0x1FFFFFF0, s24;
	s10 =	sadd.s32 s9, s10  }
0x36f: {  	[tilespmem:s22], [sflag:$0x2] =	stream.linear.gather [hbm4b:s10+s2], $0x80, $0x38;
	[tilespmem:$0x2080] =	vst v63  }
0x370: {  	s26 =	sld [smem:$0x7E3];
	s29 =	spop (v2sf);
	s28 =	sadd.s32 s8, s12  }
0x371: {  	[tilespmem:s25], [sflag:$0x1] =	stream.linear.gather [hbm4b:s28+s2], $0x80, $0x38;
	[tilespmem:$0x2080] =	vst v63  }
0x372: {  	s30 =	sld [smem:$0x7E4];
	(v2sf) =	vpush v0, $0x7;
	s12 =	sadd.s32 s9, s12;
	s11 =	sand.u32 $0x1FFFFFF0, s29  }
0x373: {  	[tilespmem:s26], [sflag:$0x2] =	stream.linear.gather [hbm4b:s12+s2], $0x80, $0x38;
	[tilespmem:$0x2080] =	vst v63  }
0x374: {  	s31 =	sld [smem:$0x7E5];
	s14 =	sadd.s32 s8, s11  }
0x375: {  	[tilespmem:s30], [sflag:$0x1] =	stream.linear.gather [hbm4b:s14+s2], $0x80, $0x38;
	[tilespmem:$0x2080] =	vst v63  }
0x376: {  	s15 =	spop (v2sf);
	(v2sf) =	vpush v0, $0x8  }
0x377: {  	s16 =	sld [smem:$0x7E6];
	s11 =	sadd.s32 s9, s11;
	s12 =	sand.u32 $0x1FFFFFF0, s15  }
0x378: {  	[tilespmem:s31], [sflag:$0x2] =	stream.linear.gather [hbm4b:s11+s2], $0x80, $0x38;
	[tilespmem:$0x2080] =	vst v63  }
0x379: {  	s17 =	sld [smem:$0x7E7];
	s19 =	spop (v2sf);
	s18 =	sadd.s32 s8, s12  }
0x37a: {  	(v2sf) =	vpush v0, $0x9;
	[tilespmem:s16], [sflag:$0x1] =	stream.linear.gather [hbm4b:s18+s2], $0x80, $0x38;
	[tilespmem:$0x2080] =	vst v63  }
0x37b: {  	s20 =	sld [smem:$0x7E8];
	s11 =	sand.u32 $0x1FFFFFF0, s19;
	s12 =	sadd.s32 s9, s12  }
0x37c: {  	[tilespmem:s17], [sflag:$0x2] =	stream.linear.gather [hbm4b:s12+s2], $0x80, $0x38;
	[tilespmem:$0x2080] =	vst v63  }
0x37d: {  	s21 =	sld [smem:$0x7E9];
	s23 =	spop (v2sf);
	s22 =	sadd.s32 s8, s11  }
0x37e: {  	(v2sf) =	vpush v0, $0xA;
	[tilespmem:s20], [sflag:$0x1] =	stream.linear.gather [hbm4b:s22+s2], $0x80, $0x38;
	[tilespmem:$0x2080] =	vst v63  }
0x37f: {  	s24 =	sld [smem:$0x7EA];
	s11 =	sadd.s32 s9, s11;
	s12 =	sand.u32 $0x1FFFFFF0, s23  }
0x380: {  	[tilespmem:s21], [sflag:$0x2] =	stream.linear.gather [hbm4b:s11+s2], $0x80, $0x38;
	[tilespmem:$0x2080] =	vst v63  }
0x381: {  	s25 =	sld [smem:$0x7EB];
	s28 =	spop (v2sf);
	s26 =	sadd.s32 s8, s12  }
0x382: {  	[tilespmem:s24], [sflag:$0x1] =	stream.linear.gather [hbm4b:s26+s2], $0x80, $0x38;
	[tilespmem:$0x2080] =	vst v63  }
0x383: {  	s29 =	sld [smem:$0x7EC];
	s12 =	sadd.s32 s9, s12;
	s11 =	sand.u32 $0x1FFFFFF0, s28  }
0x384: {  	(v2sf) =	vpush v0, $0xB;
	[tilespmem:s25], [sflag:$0x2] =	stream.linear.gather [hbm4b:s12+s2], $0x80, $0x38;
	[tilespmem:$0x2080] =	vst v63  }
0x385: {  	s31 =	sld [smem:$0x7ED];
	s30 =	sadd.s32 s8, s11;
	s13 =	spop (v2sf)  }
0x386: {  	(v2sf) =	vpush v0, $0xC;
	[tilespmem:s29], [sflag:$0x1] =	stream.linear.gather [hbm4b:s30+s2], $0x80, $0x38;
	[tilespmem:$0x2080] =	vst v63  }
0x387: {  	s14 =	sld [smem:$0x7EE];
	s11 =	sadd.s32 s9, s11;
	s10 =	sand.u32 $0x1FFFFFF0, s13  }
0x388: {  	[tilespmem:s31], [sflag:$0x2] =	stream.linear.gather [hbm4b:s11+s2], $0x80, $0x38;
	[tilespmem:$0x2080] =	vst v63  }
0x389: {  	s16 =	sld [smem:$0x7EF];
	s17 =	spop (v2sf);
	s15 =	sadd.s32 s8, s10  }
0x38a: {  	[tilespmem:s14], [sflag:$0x1] =	stream.linear.gather [hbm4b:s15+s2], $0x80, $0x38;
	[tilespmem:$0x2080] =	vst v63  }
0x38b: {  	s18 =	sld [smem:$0x7F0];
	(v2sf) =	vpush v0, $0xD;
	s10 =	sadd.s32 s9, s10;
	s11 =	sand.u32 $0x1FFFFFF0, s17  }
0x38c: {  	[tilespmem:s16], [sflag:$0x2] =	stream.linear.gather [hbm4b:s10+s2], $0x80, $0x38;
	[tilespmem:$0x2080] =	vst v63  }
0x38d: {  	s20 =	sld [smem:$0x7F1];
	s21 =	spop (v2sf);
	s19 =	sadd.s32 s8, s11  }
0x38e: {  	[tilespmem:s18], [sflag:$0x1] =	stream.linear.gather [hbm4b:s19+s2], $0x80, $0x38;
	[tilespmem:$0x2080] =	vst v63  }
0x38f: {  	s22 =	sld [smem:$0x7F2];
	(v2sf) =	vpush v0, $0xE;
	s11 =	sadd.s32 s9, s11;
	s10 =	sand.u32 $0x1FFFFFF0, s21  }
0x390: {  	[tilespmem:s20], [sflag:$0x2] =	stream.linear.gather [hbm4b:s11+s2], $0x80, $0x38;
	[tilespmem:$0x2080] =	vst v63  }
0x391: {  	s24 =	sld [smem:$0x7F3];
	s23 =	sadd.s32 s8, s10  }
0x392: {  	[tilespmem:s22], [sflag:$0x1] =	stream.linear.gather [hbm4b:s23+s2], $0x80, $0x38;
	[tilespmem:$0x2080] =	vst v63  }
0x393: {  	s26 =	sld [smem:$0x7F4];
	s25 =	spop (v2sf);
	s10 =	sadd.s32 s9, s10  }
0x394: {  	[tilespmem:s24], [sflag:$0x2] =	stream.linear.gather [hbm4b:s10+s2], $0x80, $0x38;
	[tilespmem:$0x2080] =	vst v63  }
0x395: {  	s11 =	sand.u32 $0x1FFFFFF0, s25;
	s30 =	spop (v2sf);
	(v2sf) =	vpush v0, $0xF  }
0x396: {  	s29 =	sld [smem:$0x7F5];
	s28 =	sadd.s32 s8, s11  }
0x397: {  	[tilespmem:s26], [sflag:$0x1] =	stream.linear.gather [hbm4b:s28+s2], $0x80, $0x38;
	[tilespmem:$0x2080] =	vst v63  }
0x398: {  	s31 =	sld [smem:$0x7F6];
	s11 =	sadd.s32 s9, s11;
	s10 =	sand.u32 $0x1FFFFFF0, s30  }
0x399: {  	[tilespmem:s29], [sflag:$0x2] =	stream.linear.gather [hbm4b:s11+s2], $0x80, $0x38;
	[tilespmem:$0x2080] =	vst v63  }
0x39a: {  	s15 =	sld [smem:$0x7F7];
	s16 =	spop (v2sf);
	s14 =	sadd.s32 s8, s10  }
0x39b: {  	[tilespmem:s31], [sflag:$0x1] =	stream.linear.gather [hbm4b:s14+s2], $0x80, $0x38;
	[tilespmem:$0x2080] =	vst v63  }
0x39c: {  	s17 =	sld [smem:$0x7F8];
	s10 =	sadd.s32 s9, s10;
	s11 =	sand.u32 $0x1FFFFFF0, s16  }
0x39d: {  	[tilespmem:s15], [sflag:$0x2] =	stream.linear.gather [hbm4b:s10+s2], $0x80, $0x38;
	[tilespmem:$0x2080] =	vst v63  }
0x39e: {  	s19 =	sld [smem:$0x7F9];
	s20 =	spop (v2sf);
	s18 =	sadd.s32 s8, s11  }
0x39f: {  	[tilespmem:s17], [sflag:$0x1] =	stream.linear.gather [hbm4b:s18+s2], $0x80, $0x38;
	[tilespmem:$0x2080] =	vst v63  }
0x3a0: {  	s21 =	sld [smem:$0x7FA];
	s11 =	sadd.s32 s9, s11;
	s10 =	sand.u32 $0x1FFFFFF0, s20  }
0x3a1: {  	[tilespmem:s19], [sflag:$0x2] =	stream.linear.gather [hbm4b:s11+s2], $0x80, $0x38;
	[tilespmem:$0x2080] =	vst v63  }
0x3a2: {  	s23 =	sld [smem:$0x7FB];
	s22 =	sadd.s32 s8, s10  }
0x3a3: {  	[tilespmem:s21], [sflag:$0x1] =	stream.linear.gather [hbm4b:s22+s2], $0x80, $0x38;
	[tilespmem:$0x2080] =	vst v63  }
0x3a4: {  	s25 =	sld [smem:$0x7FC];
	s10 =	sadd.s32 s9, s10;
	s24 =	spop (v2sf)  }
0x3a5: {  	[tilespmem:s23], [sflag:$0x2] =	stream.linear.gather [hbm4b:s10+s2], $0x80, $0x38;
	[tilespmem:$0x2080] =	vst v63  }
0x3a6: {  	s10 =	sand.u32 $0x1FFFFFF0, s24  }
0x3a7: {  	s28 =	sld [smem:$0x7FD];
	s26 =	sadd.s32 s8, s10  }
0x3a8: {  	[tilespmem:s25], [sflag:$0x1] =	stream.linear.gather [hbm4b:s26+s2], $0x80, $0x38;
	[tilespmem:$0x2080] =	vst v63  }
0x3a9: {  	s29 =	sadd.s32 s9, s10  }
0x3aa: {  	[tilespmem:s28], [sflag:$0x2] =	stream.linear.gather [hbm4b:s29+s2], $0x80, $0x38;
	[tilespmem:$0x2080] =	vst v63  }
0x3ab: {  	_ =	swait.ge [sflag:s7], $0x80  }
0x3ac: {  	[sflag:s7] =	ssyncset.done $0x0  }
0x3ad: {  	[sflag:s7] =	ssyncadd.s32 $0xFFFFFF80  }
0x3ae: {  	_ =	swait.ge [sflag:s6], $0x80  }
0x3af: {  	[sflag:s6] =	ssyncset.done $0x0  }
0x3b0: {  	[sflag:s6] =	ssyncadd.s32 $0xFFFFFF80  }
0x3b1: {  	_ =	swait.ge [sflag:s7], $0x80  }
0x3b2: {  	[sflag:s7] =	ssyncset.done $0x0  }
0x3b3: {  	[sflag:s7] =	ssyncadd.s32 $0xFFFFFF80  }
0x3b4: {  	_ =	swait.ge [sflag:s6], $0x80  }
0x3b5: {  	[sflag:s6] =	ssyncset.done $0x0  }
0x3b6: {  	[sflag:s6] =	ssyncadd.s32 $0xFFFFFF80  }
0x3b7: {  	_ =	swait.ge [sflag:s7], $0x80  }
0x3b8: {  	[sflag:s7] =	ssyncset.done $0x0  }
0x3b9: {  	[sflag:s7] =	ssyncadd.s32 $0xFFFFFF80  }
0x3ba: {  	_ =	swait.ge [sflag:s6], $0x80  }
0x3bb: {  	[sflag:s6] =	ssyncset.done $0x0  }
0x3bc: {  	[sflag:s6] =	ssyncadd.s32 $0xFFFFFF80  }
0x3bd: {  	_ =	swait.ge [sflag:s7], $0x80  }
0x3be: {  	[sflag:s7] =	ssyncset.done $0x0  }
0x3bf: {  	[sflag:s7] =	ssyncadd.s32 $0xFFFFFF80  }
0x3c0: {  	_ =	swait.ge [sflag:s6], $0x80  }
0x3c1: {  	[sflag:s6] =	ssyncset.done $0x0  }
0x3c2: {  	[sflag:s6] =	ssyncadd.s32 $0xFFFFFF80  }
0x3c3: {  	_ =	swait.ge [sflag:s7], $0x80  }
0x3c4: {  	[sflag:s7] =	ssyncset.done $0x0  }
0x3c5: {  	[sflag:s7] =	ssyncadd.s32 $0xFFFFFF80  }
0x3c6: {  	_ =	swait.ge [sflag:s6], $0x80  }
0x3c7: {  	[sflag:s6] =	ssyncset.done $0x0  }
0x3c8: {  	[sflag:s6] =	ssyncadd.s32 $0xFFFFFF80  }
0x3c9: {  	_ =	swait.ge [sflag:s7], $0x80  }
0x3ca: {  	[sflag:s7] =	ssyncset.done $0x0  }
0x3cb: {  	[sflag:s7] =	ssyncadd.s32 $0xFFFFFF80  }
0x3cc: {  	_ =	swait.ge [sflag:s6], $0x80  }
0x3cd: {  	[sflag:s6] =	ssyncset.done $0x0  }
0x3ce: {  	[sflag:s6] =	ssyncadd.s32 $0xFFFFFF80  }
0x3cf: {  	_ =	swait.ge [sflag:s7], $0x80  }
0x3d0: {  	[sflag:s7] =	ssyncset.done $0x0  }
0x3d1: {  	[sflag:s7] =	ssyncadd.s32 $0xFFFFFF80  }
0x3d2: {  	_ =	swait.ge [sflag:s6], $0x80  }
0x3d3: {  	[sflag:s6] =	ssyncset.done $0x0  }
0x3d4: {  	[sflag:s6] =	ssyncadd.s32 $0xFFFFFF80  }
0x3d5: {  	_ =	swait.ge [sflag:s7], $0x80  }
0x3d6: {  	[sflag:s7] =	ssyncset.done $0x0  }
0x3d7: {  	[sflag:s7] =	ssyncadd.s32 $0xFFFFFF80  }
0x3d8: {  	_ =	swait.ge [sflag:s6], $0x80  }
0x3d9: {  	[sflag:s6] =	ssyncset.done $0x0  }
0x3da: {  	[sflag:s6] =	ssyncadd.s32 $0xFFFFFF80  }
0x3db: {  	_ =	swait.ge [sflag:s7], $0x80  }
0x3dc: {  	[sflag:s7] =	ssyncset.done $0x0  }
0x3dd: {  	[sflag:s7] =	ssyncadd.s32 $0xFFFFFF80  }
0x3de: {  	_ =	swait.ge [sflag:s6], $0x80  }
0x3df: {  	[sflag:s6] =	ssyncset.done $0x0  }
0x3e0: {  	[sflag:s6] =	ssyncadd.s32 $0xFFFFFF80  }
0x3e1: {  	_ =	swait.ge [sflag:s7], $0x80  }
0x3e2: {  	[sflag:s7] =	ssyncset.done $0x0  }
0x3e3: {  	[sflag:s7] =	ssyncadd.s32 $0xFFFFFF80  }
0x3e4: {  	_ =	swait.ge [sflag:s6], $0x80  }
0x3e5: {  	[sflag:s6] =	ssyncset.done $0x0  }
0x3e6: {  	[sflag:s6] =	ssyncadd.s32 $0xFFFFFF80  }
0x3e7: {  	_ =	swait.ge [sflag:s7], $0x80  }
0x3e8: {  	[sflag:s7] =	ssyncset.done $0x0  }
0x3e9: {  	[sflag:s7] =	ssyncadd.s32 $0xFFFFFF80  }
0x3ea: {  	_ =	swait.ge [sflag:s6], $0x80  }
0x3eb: {  	[sflag:s6] =	ssyncset.done $0x0  }
0x3ec: {  	[sflag:s6] =	ssyncadd.s32 $0xFFFFFF80  }
0x3ed: {  	_ =	swait.ge [sflag:s7], $0x80  }
0x3ee: {  	[sflag:s7] =	ssyncset.done $0x0  }
0x3ef: {  	[sflag:s7] =	ssyncadd.s32 $0xFFFFFF80  }
0x3f0: {  	_ =	swait.ge [sflag:s6], $0x80  }
0x3f1: {  	[sflag:s6] =	ssyncset.done $0x0  }
0x3f2: {  	[sflag:s6] =	ssyncadd.s32 $0xFFFFFF80  }
0x3f3: {  	_ =	swait.ge [sflag:s7], $0x80  }
0x3f4: {  	[sflag:s7] =	ssyncset.done $0x0  }
0x3f5: {  	[sflag:s7] =	ssyncadd.s32 $0xFFFFFF80  }
0x3f6: {  	_ =	swait.ge [sflag:s6], $0x80  }
0x3f7: {  	[sflag:s6] =	ssyncset.done $0x0  }
0x3f8: {  	[sflag:s6] =	ssyncadd.s32 $0xFFFFFF80  }
0x3f9: {  	_ =	swait.ge [sflag:s7], $0x80  }
0x3fa: {  	[sflag:s7] =	ssyncset.done $0x0  }
0x3fb: {  	[sflag:s7] =	ssyncadd.s32 $0xFFFFFF80  }
0x3fc: {  	_ =	swait.ge [sflag:s6], $0x80  }
0x3fd: {  	[sflag:s6] =	ssyncset.done $0x0  }
0x3fe: {  	[sflag:s6] =	ssyncadd.s32 $0xFFFFFF80  }
0x3ff: {  	_ =	swait.ge [sflag:s7], $0x80  }
0x400: {  	[sflag:s7] =	ssyncset.done $0x0  }
0x401: {  	[sflag:s7] =	ssyncadd.s32 $0xFFFFFF80  }
0x402: {  	_ =	swait.ge [sflag:s6], $0x80  }
0x403: {  	[sflag:s6] =	ssyncset.done $0x0  }
0x404: {  	[sflag:s6] =	ssyncadd.s32 $0xFFFFFF80  }
0x405: {  	_ =	swait.ge [sflag:s7], $0x80  }
0x406: {  	[sflag:s7] =	ssyncset.done $0x0  }
0x407: {  	[sflag:s7] =	ssyncadd.s32 $0xFFFFFF80  }
0x408: {  	_ =	swait.ge [sflag:s6], $0x80  }
0x409: {  	[sflag:s6] =	ssyncset.done $0x0  }
0x40a: {  	[sflag:s6] =	ssyncadd.s32 $0xFFFFFF80  }
0x40b: {  	_ =	swait.ge [sflag:s7], $0x80  }
0x40c: {  	[sflag:s7] =	ssyncset.done $0x0  }
0x40d: {  	[sflag:s7] =	ssyncadd.s32 $0xFFFFFF80  }
0x40e: {  	_ =	swait.ge [sflag:s6], $0x80  }
0x40f: {  	[sflag:s6] =	ssyncset.done $0x0  }
0x410: {  	[sflag:s6] =	ssyncadd.s32 $0xFFFFFF80  }
0x411: {  	_ =	swait.ge [sflag:s7], $0x80  }
0x412: {  	[sflag:s7] =	ssyncset.done $0x0  }
0x413: {  	[sflag:s7] =	ssyncadd.s32 $0xFFFFFF80  }
0x414: {  	_ =	swait.ge [sflag:s6], $0x80  }
0x415: {  	[sflag:s6] =	ssyncset.done $0x0  }
0x416: {  	[sflag:s6] =	ssyncadd.s32 $0xFFFFFF80  }
0x417: {  	_ =	swait.ge [sflag:s7], $0x80  }
0x418: {  	[sflag:s7] =	ssyncset.done $0x0  }
0x419: {  	[sflag:s7] =	ssyncadd.s32 $0xFFFFFF80  }
0x41a: {  	_ =	swait.ge [sflag:s6], $0x80  }
0x41b: {  	[sflag:s6] =	ssyncset.done $0x0  }
0x41c: {  	[sflag:s6] =	ssyncadd.s32 $0xFFFFFF80  }
0x41d: {  	_ =	swait.ge [sflag:s7], $0x80  }
0x41e: {  	[sflag:s7] =	ssyncset.done $0x0  }
0x41f: {  	[sflag:s7] =	ssyncadd.s32 $0xFFFFFF80  }
0x420: {  	_ =	swait.ge [sflag:s6], $0x80  }
0x421: {  	[sflag:s6] =	ssyncset.done $0x0  }
0x422: {  	[sflag:s6] =	ssyncadd.s32 $0xFFFFFF80  }
0x423: {  	_ =	swait.ge [sflag:s7], $0x80  }
0x424: {  	[sflag:s7] =	ssyncset.done $0x0  }
0x425: {  	[sflag:s7] =	ssyncadd.s32 $0xFFFFFF80  }
0x426: {  	_ =	swait.ge [sflag:s6], $0x80  }
0x427: {  	[sflag:s6] =	ssyncset.done $0x0  }
0x428: {  	[sflag:s6] =	ssyncadd.s32 $0xFFFFFF80  }
0x429: {  	_ =	swait.ge [sflag:s7], $0x80  }
0x42a: {  	[sflag:s7] =	ssyncset.done $0x0  }
0x42b: {  	[sflag:s7] =	ssyncadd.s32 $0xFFFFFF80  }
0x42c: {  	_ =	swait.ge [sflag:s6], $0x80  }
0x42d: {  	[sflag:s6] =	ssyncset.done $0x0  }
0x42e: {  	[sflag:s6] =	ssyncadd.s32 $0xFFFFFF80  }
0x42f: {  	_ =	swait.ge [sflag:s7], $0x80  }
0x430: {  	[sflag:s7] =	ssyncset.done $0x0  }
0x431: {  	[sflag:s7] =	ssyncadd.s32 $0xFFFFFF80  }
0x432: {  	_ =	swait.ge [sflag:s6], $0x80  }
0x433: {  	[sflag:s6] =	ssyncset.done $0x0  }
0x434: {  	[sflag:s6] =	ssyncadd.s32 $0xFFFFFF80  }
0x435: {  	_ =	swait.ge [sflag:s7], $0x80  }
0x436: {  	[sflag:s7] =	ssyncset.done $0x0  }
0x437: {  	[sflag:s7] =	ssyncadd.s32 $0xFFFFFF80  }
0x438: {  	_ =	swait.ge [sflag:s6], $0x80  }
0x439: {  	[sflag:s6] =	ssyncset.done $0x0  }
0x43a: {  	[sflag:s6] =	ssyncadd.s32 $0xFFFFFF80  }
0x43b: {  	_ =	swait.ge [sflag:s7], $0x80  }
0x43c: {  	[sflag:s7] =	ssyncset.done $0x0  }
0x43d: {  	[sflag:s7] =	ssyncadd.s32 $0xFFFFFF80  }
0x43e: {  	_ =	swait.ge [sflag:s6], $0x80  }
0x43f: {  	[sflag:s6] =	ssyncset.done $0x0  }
0x440: {  	[sflag:s6] =	ssyncadd.s32 $0xFFFFFF80  }
0x441: {  	_ =	swait.ge [sflag:s7], $0x80  }
0x442: {  	[sflag:s7] =	ssyncset.done $0x0  }
0x443: {  	[sflag:s7] =	ssyncadd.s32 $0xFFFFFF80  }
0x444: {  	_ =	swait.ge [sflag:s6], $0x80  }
0x445: {  	[sflag:s6] =	ssyncset.done $0x0  }
0x446: {  	[sflag:s6] =	ssyncadd.s32 $0xFFFFFF80  }
0x447: {  	_ =	swait.ge [sflag:s7], $0x80  }
0x448: {  	[sflag:s7] =	ssyncset.done $0x0  }
0x449: {  	[sflag:s7] =	ssyncadd.s32 $0xFFFFFF80  }
0x44a: {  	_ =	swait.ge [sflag:s6], $0x80  }
0x44b: {  	[sflag:s6] =	ssyncset.done $0x0  }
0x44c: {  	[sflag:s6] =	ssyncadd.s32 $0xFFFFFF80  }
0x44d: {  	_ =	swait.ge [sflag:s7], $0x80  }
0x44e: {  	[sflag:s7] =	ssyncset.done $0x0  }
0x44f: {  	[sflag:s7] =	ssyncadd.s32 $0xFFFFFF80  }
0x450: {  	_ =	swait.ge [sflag:s6], $0x80  }
0x451: {  	[sflag:s6] =	ssyncset.done $0x0  }
0x452: {  	[sflag:s6] =	ssyncadd.s32 $0xFFFFFF80  }
0x453: {  	_ =	swait.ge [sflag:s7], $0x80  }
0x454: {  	[sflag:s7] =	ssyncset.done $0x0  }
0x455: {  	[sflag:s7] =	ssyncadd.s32 $0xFFFFFF80  }
0x456: {  	_ =	swait.ge [sflag:s6], $0x80  }
0x457: {  	[sflag:s6] =	ssyncset.done $0x0  }
0x458: {  	[sflag:s6] =	ssyncadd.s32 $0xFFFFFF80  }
0x459: {  	_ =	swait.ge [sflag:s7], $0x80  }
0x45a: {  	[sflag:s7] =	ssyncset.done $0x0  }
0x45b: {  	[sflag:s7] =	ssyncadd.s32 $0xFFFFFF80  }
0x45c: {  	_ =	swait.ge [sflag:s6], $0x80  }
0x45d: {  	[sflag:s6] =	ssyncset.done $0x0  }
0x45e: {  	[sflag:s6] =	ssyncadd.s32 $0xFFFFFF80  }
0x45f: {  	_ =	swait.ge [sflag:s7], $0x80  }
0x460: {  	[sflag:s7] =	ssyncset.done $0x0  }
0x461: {  	[sflag:s7] =	ssyncadd.s32 $0xFFFFFF80  }
0x462: {  	_ =	swait.ge [sflag:s6], $0x80  }
0x463: {  	[sflag:s6] =	ssyncset.done $0x0  }
0x464: {  	[sflag:s6] =	ssyncadd.s32 $0xFFFFFF80  }
0x465: {  	_ =	swait.ge [sflag:s7], $0x80  }
0x466: {  	[sflag:s7] =	ssyncset.done $0x0  }
0x467: {  	[sflag:s7] =	ssyncadd.s32 $0xFFFFFF80  }
0x468: {  	_ =	swait.ge [sflag:s6], $0x80  }
0x469: {  	[sflag:s6] =	ssyncset.done $0x0  }
0x46a: {  	s30 =	rddreg [dreg:$0x6];
	[sflag:s6] =	ssyncadd.s32 $0xFFFFFF80  }
0x46b: {  	[hbm4b:s30+s2] =	stream.linear.scatter [tilespmem:s5], [sflag:$0x3], $0x1000, $0x38;
	[tilespmem:$0x2080] =	vst v63  }
0x46c: {  	_ =	swait.ge [sflag:s3], $0x1000  }
0x46d: {  	[sflag:s3] =	ssyncset.done $0x0  }
0x46e: {  	s31 =	rddreg [dreg:$0x7];
	[sflag:s3] =	ssyncadd.s32 $0xFFFFF000  }
0x46f: {  	[hbm4b:s31+s2] =	stream.linear.scatter [tilespmem:s4], [sflag:$0x3], $0x1000, $0x38;
	[tilespmem:$0x2080] =	vst v63  }
0x470: {  	_ =	swait.ge [sflag:s3], $0x1000  }
0x471: {  	[sflag:s3] =	ssyncset.done $0x0  }
0x472: {  	[sflag:s3] =	ssyncadd.s32 $0xFFFFF000  }
0x473: {  	_ =	sfence.sel $0x180000  }
0x474: {  	[bflag:$0x0] =	sbarrier.arrive $0xFFFF  }
0x475: {  	p0 =	sne.s32 s0, $0x0;
	_ =	strace $0x90000047  }
0x476: {  	s0 =	sadd.s32 @!p0 $0x100000, s1;
	[bflag:$0x2] =	sbarrier.arrive $0xFFFF  }
0x477: {  	[sflag:s0] =	ssyncadd.tile.s32 @!p0 $0x1;
	_ =	shalt  }
.Lfunc_end2:
_tile_overlayer_lowered:
.L_overlay_start_2:
0x478: {  	(tag) =	ssettag $0x2  }
0x479: {  	s0 =	rddreg [dreg:$0x0];
	s2 =	stileid.u32  }
0x47a: {  	s1 =	rddreg [dreg:$0x1];
	p0 =	sne.s32 s2, $0x0  }
0x47b: {  	s3 =	rddreg [dreg:$0x2];
	[bflag:$0x3] =	sbarrier.arrive $0xFFFF;
	s2 =	simm.s32 @!p0 $0x1C03  }
0x47c: {  	[timem:s3], [sflag:s2] =	dma.local @!p0 [hbm:s0], s1  }
0x47d: {  	s0 =	simm.s32 @!p0 $0x3  }
0x47e: {  	_ =	swait.ge @!p0 [sflag:s0], s1  }
0x47f: {  	s1 =	ssub.s32 @!p0 $0x0, s1;
	[sflag:s0] =	ssyncset.done @!p0 $0x0  }
0x480: {  	[sflag:s0] =	ssyncadd.s32 @!p0 s1  }
0x481: {  	[bflag:$0x3] =	sbarrier.arrive $0xFFFF  }
0x482: {  	_ =	shalt  }

</sc_bundles>
